<compile_context>
chip_gen: v7x
topology: tpu7x:2x2x1
jax: 0.10.2.dev20260603
libtpu: 0.0.44.dev20260713+nightly
codegen_flags: <defaults>
</compile_context>

<pallas_src>
import functools

import jax
import jax.numpy as jnp
from jax import lax
from jax.experimental import pallas as pl
from jax.experimental.pallas import tpu as pltpu
from jax.experimental.pallas import tpu_sc as plsc

N_NODES = 10000
ACC_ROWS = 10008
D_FEAT = 128
HIDDEN = 256
N_CLASSES = 40
N_EDGES = 320000

NC = 2
NS = 16
NW = NC * NS
LANES = 16

E_PER_W = N_EDGES // NW
CHUNK = 128
SUB = 8
SUP_A = 10
SUP_B = 20
HALF = HIDDEN // 2
OWN = 624


@functools.partial(
    pl.kernel,
    out_type=jax.ShapeDtypeStruct((NW, N_NODES), jnp.float32),
    mesh=plsc.VectorSubcoreMesh(core_axis_name="c", subcore_axis_name="s"),
    scratch_types=[
        pltpu.VMEM((E_PER_W,), jnp.int32),
        pltpu.VMEM((N_NODES,), jnp.float32),
    ],
    compiler_params=pltpu.CompilerParams(needs_layout_passes=False),
)
def _deg_kernel(dst_hbm, out_hbm, idx_v, deg_v):
    c = lax.axis_index("c")
    s = lax.axis_index("s")
    wid = s * NC + c
    pltpu.sync_copy(dst_hbm.at[pl.ds(wid * E_PER_W, E_PER_W)], idx_v)

    zeros = jnp.zeros((LANES,), jnp.float32)

    @pl.loop(0, N_NODES // LANES)
    def _(i):
        deg_v[pl.ds(i * LANES, LANES)] = zeros

    ones = jnp.ones((LANES,), jnp.float32)

    @pl.loop(0, E_PER_W // LANES)
    def _(i):
        idx = idx_v[pl.ds(i * LANES, LANES)]
        plsc.addupdate_scatter(deg_v, [idx], ones)

    pltpu.sync_copy(deg_v, out_hbm.at[wid])


def _make_scatter_kernel(sup, shared_table=False):

    @functools.partial(
        pl.kernel,
        out_type=jax.ShapeDtypeStruct((NC, N_NODES, HALF), jnp.float32),
        mesh=plsc.VectorSubcoreMesh(core_axis_name="c", subcore_axis_name="s"),
        scratch_types=[
            pltpu.VMEM((SUB, CHUNK), jnp.int32),
            pltpu.VMEM((SUB, CHUNK), jnp.int32),
            pltpu.VMEM((SUB, CHUNK), jnp.int32),
            pltpu.VMEM((SUB, CHUNK), jnp.int32),
            pltpu.VMEM((CHUNK, HALF), jnp.float32),
            pltpu.VMEM((CHUNK, HALF), jnp.float32),
            pltpu.VMEM_SHARED((ACC_ROWS, HALF), jnp.float32),
            pltpu.SemaphoreType.DMA,
            pltpu.SemaphoreType.DMA,
            pltpu.SemaphoreType.DMA,
            pltpu.SemaphoreType.DMA,
            pltpu.SemaphoreType.DMA,
        ],
    )
    def _scatter_kernel(g_hbm, src_hbm, dst_hbm, out_hbm,
                        isrc_a, isrc_b, idst_a, idst_b, buf_a, buf_b, acc,
                        sem_ga, sem_gb, sem_sa, sem_sb, sem_i):
        c = lax.axis_index("c")
        s = lax.axis_index("s")
        isrc = (isrc_a, isrc_b)
        idst = (idst_a, idst_b)
        bufs = (buf_a, buf_b)
        gsems = (sem_ga, sem_gb)
        ssems = (sem_sa, sem_sb)

        pltpu.sync_copy(src_hbm.at[c, s, pl.ds(0, SUB)], isrc_a)
        pltpu.sync_copy(dst_hbm.at[c, s, pl.ds(0, SUB)], idst_a)

        zeros = jnp.zeros((LANES,), jnp.float32)

        @pl.loop(0, CHUNK)
        def _(i):
            @pl.loop(0, HALF // LANES)
            def _(k):
                buf_a[i, pl.ds(k * LANES, LANES)] = zeros

        zrows = 104
        zbase = pl.multiple_of(s * OWN, 8)

        @pl.loop(0, OWN // zrows)
        def _(i):
            pltpu.sync_copy(buf_a.at[pl.ds(0, zrows)],
                            acc.at[pl.ds(zbase + i * zrows, zrows)])

        @pl.when(s == NS - 1)
        def _():
            pltpu.sync_copy(buf_a.at[pl.ds(0, 16)],
                            acc.at[pl.ds(NS * OWN, 16)])

        plsc.subcore_barrier()

        g_c = g_hbm if shared_table else g_hbm.at[c]
        pltpu.async_copy(g_c.at[isrc_a.at[0]], buf_a, sem_ga)

        def super_step(m, sel):
            isrc_cur, idst_cur = isrc[sel], idst[sel]
            isrc_nxt, idst_nxt = isrc[1 - sel], idst[1 - sel]

            @pl.when(m < sup - 1)
            def _():
                nxt = pl.ds((m + 1) * SUB, SUB)
                pltpu.async_copy(src_hbm.at[c, s, nxt], isrc_nxt, sem_i)
                pltpu.async_copy(dst_hbm.at[c, s, nxt], idst_nxt, sem_i)

            for k in range(SUB):
                x = k % 2
                buf, other = bufs[x], bufs[1 - x]
                pltpu.make_async_copy(g_c.at[isrc_cur.at[k]], buf,
                                      gsems[x]).wait()
                pltpu.async_copy(buf, acc.at[idst_cur.at[k]], ssems[x],
                                 add=True)

                def wait_prev_scatter():
                    pltpu.make_async_copy(other, acc.at[idst_cur.at[k]],
                                          ssems[1 - x]).wait()

                if k > 0:
                    wait_prev_scatter()
                else:
                    @pl.when(m > 0)
                    def _():
                        wait_prev_scatter()

                if k < SUB - 1:
                    pltpu.async_copy(g_c.at[isrc_cur.at[k + 1]], other,
                                     gsems[1 - x])
                else:
                    @pl.when(m < sup - 1)
                    def _():
                        nxt = pl.ds((m + 1) * SUB, SUB)
                        pltpu.make_async_copy(
                            src_hbm.at[c, s, nxt], isrc_nxt, sem_i).wait()
                        pltpu.make_async_copy(
                            dst_hbm.at[c, s, nxt], idst_nxt, sem_i).wait()
                        pltpu.async_copy(g_c.at[isrc_nxt.at[0]], other,
                                         gsems[1 - x])

        @pl.loop(0, sup // 2)
        def _(mm):
            super_step(mm * 2, 0)
            super_step(mm * 2 + 1, 1)

        pltpu.make_async_copy(bufs[1], acc.at[idst_b.at[SUB - 1]],
                              ssems[1]).wait()

        plsc.subcore_barrier()
        wbase = pl.multiple_of(s * OWN, 8)
        pltpu.sync_copy(acc.at[pl.ds(wbase, OWN)],
                        out_hbm.at[c, pl.ds(wbase, OWN)])

        @pl.when(s == NS - 1)
        def _():
            pltpu.sync_copy(acc.at[pl.ds(NS * OWN, 16)],
                            out_hbm.at[c, pl.ds(NS * OWN, 16)])

    return _scatter_kernel


_scatter_a = _make_scatter_kernel(SUP_A)
_scatter_b = _make_scatter_kernel(SUP_B)


_RB = 2000
_GRID = N_NODES // _RB


def _tc1_body(x_ref, dp_ref, y_ref, dinv_ref):
    deg = jnp.sum(dp_ref[...], axis=1, keepdims=True) + 1.0
    dinv = lax.rsqrt(deg)
    y_ref[...] = x_ref[...] * dinv
    dinv_ref[...] = dinv


def _tc1(x, dp):
    return pl.pallas_call(
        _tc1_body,
        grid=(_GRID,),
        in_specs=[
            pl.BlockSpec((_RB, D_FEAT), lambda i: (i, 0)),
            pl.BlockSpec((_RB, NW), lambda i: (i, 0)),
        ],
        out_specs=[
            pl.BlockSpec((_RB, D_FEAT), lambda i: (i, 0)),
            pl.BlockSpec((_RB, 1), lambda i: (i, 0)),
        ],
        out_shape=[
            jax.ShapeDtypeStruct((N_NODES, D_FEAT), jnp.float32),
            jax.ShapeDtypeStruct((N_NODES, 1), jnp.float32),
        ],
    )(x, dp)


def _tc2_body(s_ref, y_ref, dinv_ref, b_ref, w_ref, y2_ref):
    dinv = dinv_ref[...]
    z = s_ref[0] + s_ref[1] + y_ref[...]
    h = jnp.maximum(
        dinv * jnp.dot(z, w_ref[...], preferred_element_type=jnp.float32)
        + b_ref[...], 0.0)
    y2 = h * dinv
    y2_ref[0] = y2[:, :HALF]
    y2_ref[1] = y2[:, HALF:]


def _tc2(Sy1, y1, dinv, b1, W1):
    return pl.pallas_call(
        _tc2_body,
        grid=(_GRID,),
        in_specs=[
            pl.BlockSpec((NC, _RB, D_FEAT), lambda i: (0, i, 0)),
            pl.BlockSpec((_RB, D_FEAT), lambda i: (i, 0)),
            pl.BlockSpec((_RB, 1), lambda i: (i, 0)),
            pl.BlockSpec((1, HIDDEN), lambda i: (0, 0)),
            pl.BlockSpec((D_FEAT, HIDDEN), lambda i: (0, 0)),
        ],
        out_specs=pl.BlockSpec((NC, _RB, HALF), lambda i: (0, i, 0)),
        out_shape=jax.ShapeDtypeStruct((NC, N_NODES, HALF), jnp.float32),
    )(Sy1, y1, dinv, b1, W1)


def _tc3_body(s_ref, y2_ref, dinv_ref, b_ref, w_ref, wo_ref, bo_ref,
              out_ref):
    dinv = dinv_ref[...]
    w = w_ref[...]
    z0 = s_ref[0] + y2_ref[0]
    z1 = s_ref[1] + y2_ref[1]
    h = jnp.maximum(
        dinv * (jnp.dot(z0, w[:HALF], preferred_element_type=jnp.float32)
                + jnp.dot(z1, w[HALF:], preferred_element_type=jnp.float32))
        + b_ref[...], 0.0)
    logits = (jnp.dot(h, wo_ref[...], preferred_element_type=jnp.float32)
              + bo_ref[...])
    m = jnp.max(logits, axis=1, keepdims=True)
    e = jnp.exp(logits - m)
    out_ref[...] = e / jnp.sum(e, axis=1, keepdims=True)


def _tc3(S2, y2, dinv, b2, W2, Wout, bout):
    return pl.pallas_call(
        _tc3_body,
        grid=(_GRID,),
        in_specs=[
            pl.BlockSpec((NC, _RB, HALF), lambda i: (0, i, 0)),
            pl.BlockSpec((NC, _RB, HALF), lambda i: (0, i, 0)),
            pl.BlockSpec((_RB, 1), lambda i: (i, 0)),
            pl.BlockSpec((1, HIDDEN), lambda i: (0, 0)),
            pl.BlockSpec((HIDDEN, HIDDEN), lambda i: (0, 0)),
            pl.BlockSpec((HIDDEN, N_CLASSES), lambda i: (0, 0)),
            pl.BlockSpec((1, N_CLASSES), lambda i: (0, 0)),
        ],
        out_specs=pl.BlockSpec((_RB, N_CLASSES), lambda i: (i, 0)),
        out_shape=jax.ShapeDtypeStruct((N_NODES, N_CLASSES), jnp.float32),
    )(S2, y2, dinv, b2, W2, Wout, bout)


def _pad_edges_split(idx, fill):
    n_real = N_EDGES // (NC * NS)
    n_pad = SUP_A * SUB * CHUNK
    idx3 = idx.reshape(NC, NS, n_real)
    pad = jnp.full((NC, NS, n_pad - n_real), fill, jnp.int32)
    return jnp.concatenate([idx3, pad], axis=2).reshape(
        NC, NS, SUP_A * SUB, CHUNK)


def _pad_edges_full(idx, fill):
    n_real = N_EDGES // NS
    n_pad = SUP_B * SUB * CHUNK
    idx2 = idx.reshape(NS, n_real)
    pad = jnp.full((NS, n_pad - n_real), fill, jnp.int32)
    arr = jnp.concatenate([idx2, pad], axis=1).reshape(
        NS, SUP_B * SUB, CHUNK)
    return jnp.broadcast_to(arr[None], (NC,) + arr.shape)


@jax.jit
def kernel(x, edge_index, W1, b1, W2, b2, Wout, bout):
    src = edge_index[0].astype(jnp.int32)
    dst = edge_index[1].astype(jnp.int32)

    deg_parts = _deg_kernel(dst)
    dp = deg_parts.T

    srcA = _pad_edges_split(src, 0)
    dstA = _pad_edges_split(dst, N_NODES)
    srcB = _pad_edges_full(src, 0)
    dstB = _pad_edges_full(dst, N_NODES)

    y1, dinv = _tc1(x, dp)
    y1c = jnp.broadcast_to(y1[None], (NC, N_NODES, D_FEAT))
    Sy1 = _scatter_a(y1c, srcA, dstA)
    y2 = _tc2(Sy1, y1, dinv, b1.reshape(1, HIDDEN), W1)
    S2 = _scatter_b(y2, srcB, dstB)
    return _tc3(S2, y2, dinv, b2.reshape(1, HIDDEN), W2, Wout,
                bout.reshape(1, N_CLASSES))

# --- scband reference (transcript-rebuilt; emitter-appended) ---
"""Pipeline reference for scband-gcn-18545668784373 (READ-ONLY COPY).

The authoritative reference and input builder live on the scoring server;
editing this copy changes nothing except your own understanding.
"""

import jax, jax.numpy as jnp
import numpy as np

N_NODES = 10000
D_FEAT = 128
HIDDEN = 256
N_CLASSES = 40
N_EDGES = 320000


def gcn_conv(x, edge_index, W, b, n_nodes):
    # PyG GCNConv (default): add self-loops, symmetric normalization,
    # linear transform (no bias in lin), scatter-add aggregation, then bias.
    src = edge_index[0]
    dst = edge_index[1]
    loop = jnp.arange(n_nodes, dtype=edge_index.dtype)
    src = jnp.concatenate([src, loop])
    dst = jnp.concatenate([dst, loop])
    # degree computed on destination with unit edge weights
    deg = jnp.zeros((n_nodes,), dtype=x.dtype).at[dst].add(1.0)
    deg_inv_sqrt = jnp.where(deg > 0, jax.lax.rsqrt(deg), 0.0)
    norm = deg_inv_sqrt[src] * deg_inv_sqrt[dst]
    h = x @ W  # [n_nodes, out_ch]
    msg = h[src] * norm[:, None]  # gather + scale
    out = jnp.zeros((n_nodes, W.shape[1]), dtype=x.dtype).at[dst].add(msg)
    return out + b


def setup_inputs(seed: int = 0) -> dict:
    key = jax.random.key(seed)
    k_x, k_e, k_w1, k_b1, k_w2, k_b2, k_wo, k_bo = jax.random.split(key, 8)
    x = jax.random.normal(k_x, (N_NODES, D_FEAT), dtype=jnp.float32)
    edge_index = jax.random.randint(k_e, (2, N_EDGES), 0, N_NODES, dtype=jnp.int64)
    s1 = 1.0 / np.sqrt(D_FEAT)
    s2 = 1.0 / np.sqrt(HIDDEN)
    W1 = jax.random.uniform(k_w1, (D_FEAT, HIDDEN), jnp.float32, -s1, s1)
    b1 = jnp.zeros((HIDDEN,), jnp.float32)
    W2 = jax.random.uniform(k_w2, (HIDDEN, HIDDEN), jnp.float32, -s2, s2)
    b2 = jnp.zeros((HIDDEN,), jnp.float32)
    Wout = jax.random.uniform(k_wo, (HIDDEN, N_CLASSES), jnp.float32, -s2, s2)
    bout = jax.random.uniform(k_bo, (N_CLASSES,), jnp.float32, -s2, s2)
    return {"x": x, "edge_index": edge_index, "W1": W1, "b1": b1,
            "W2": W2, "b2": b2, "Wout": Wout, "bout": bout}


def reference(x, edge_index, W1, b1, W2, b2, Wout, bout):
    n = x.shape[0]
    h = gcn_conv(x, edge_index, W1, b1, n)
    h = jax.nn.relu(h)
    # dropout is identity in eval mode
    h = gcn_conv(h, edge_index, W2, b2, n)
    h = jax.nn.relu(h)
    logits = h @ Wout + bout
    return jax.nn.softmax(logits, axis=1)

if __name__ == "__main__":
    import jax
    _d = setup_inputs()
    print(jax.jit(kernel)(*tuple(_d.values())))

</pallas_src>

<mosaic_0001>
#map = affine_map<(d0, d1) -> (0, 0, 0)>
#map1 = affine_map<(d0, d1) -> (0, 0, 0, 0)>
module attributes {stable_mosaic.version = 14 : i64} {
  func.func @_scatter_kernel(%arg0: i32, %arg1: i32, %arg2: memref<2x10000x128xf32, #tpu.memory_space<hbm>>, %arg3: memref<2x16x80x128xi32, #tpu.memory_space<hbm>>, %arg4: memref<2x16x80x128xi32, #tpu.memory_space<hbm>>, %arg5: memref<2x10000x128xf32, #tpu.memory_space<hbm>>, %arg6: memref<8x128xi32, #tpu.memory_space<vmem>>, %arg7: memref<8x128xi32, #tpu.memory_space<vmem>>, %arg8: memref<8x128xi32, #tpu.memory_space<vmem>>, %arg9: memref<8x128xi32, #tpu.memory_space<vmem>>, %arg10: memref<128x128xf32, #tpu.memory_space<vmem>>, %arg11: memref<128x128xf32, #tpu.memory_space<vmem>>, %arg12: memref<10008x128xf32, #tpu.memory_space<vmem_shared>>, %arg13: memref<!tpu.dma_semaphore, #tpu.memory_space<semaphore_mem>>, %arg14: memref<!tpu.dma_semaphore, #tpu.memory_space<semaphore_mem>>, %arg15: memref<!tpu.dma_semaphore, #tpu.memory_space<semaphore_mem>>, %arg16: memref<!tpu.dma_semaphore, #tpu.memory_space<semaphore_mem>>, %arg17: memref<!tpu.dma_semaphore, #tpu.memory_space<semaphore_mem>>) attributes {dimension_semantics = [#tpu.dimension_semantics<core_parallel>, #tpu.dimension_semantics<subcore_parallel>], iteration_bounds = array<i64: 2, 16>, scalar_prefetch = 0 : i64, scratch_operands = 12 : i64, tpu.core_type = #tpu.core_type<sc_vector_subcore>, window_params = [{transform_indices = #map}, {transform_indices = #map1}, {transform_indices = #map1}, {transform_indices = #map}]} {
    "tpu.region"() ({
      %run_scoped3A = tpu.sem_alloc : memref<!tpu.dma_semaphore, #tpu.memory_space<semaphore_mem>>
      %dma_start3A_43 = arith.constant 0 : i32
      %dma_start3A_44 = arith.constant 0 : i32
      %dma_start3A_45 = tpu.memref_slice %arg3[%arg0, %arg1, %dma_start3A_43, %dma_start3A_44] : memref<2x16x80x128xi32, #tpu.memory_space<hbm>> -> memref<1x1x8x128xi32, #tpu.memory_space<hbm>>
      %dma_start3A_46 = tpu.memref_squeeze %dma_start3A_45 : memref<1x1x8x128xi32, #tpu.memory_space<hbm>> -> memref<8x128xi32, #tpu.memory_space<hbm>>
      %dma_start3A_47 = arith.constant 0 : i32
      %dma_start3A_48 = arith.constant 0 : i32
      %dma_start3A_49 = tpu.memref_slice %arg3[%arg0, %arg1, %dma_start3A_47, %dma_start3A_48] : memref<2x16x80x128xi32, #tpu.memory_space<hbm>> -> memref<1x1x8x128xi32, #tpu.memory_space<hbm>>
      %dma_start3A_50 = tpu.memref_squeeze %dma_start3A_49 : memref<1x1x8x128xi32, #tpu.memory_space<hbm>> -> memref<8x128xi32, #tpu.memory_space<hbm>>
      tpu.enqueue_dma source(%dma_start3A_50 : memref<8x128xi32, #tpu.memory_space<hbm>>) target(%arg6 : memref<8x128xi32, #tpu.memory_space<vmem>>) target_semaphore(%run_scoped3A : memref<!tpu.dma_semaphore, #tpu.memory_space<semaphore_mem>>)
      %dma_wait3A_51 = arith.constant 0 : i32
      %dma_wait3A_52 = arith.constant 0 : i32
      %dma_wait3A_53 = tpu.memref_slice %arg3[%arg0, %arg1, %dma_wait3A_51, %dma_wait3A_52] : memref<2x16x80x128xi32, #tpu.memory_space<hbm>> -> memref<1x1x8x128xi32, #tpu.memory_space<hbm>>
      %dma_wait3A_54 = tpu.memref_squeeze %dma_wait3A_53 : memref<1x1x8x128xi32, #tpu.memory_space<hbm>> -> memref<8x128xi32, #tpu.memory_space<hbm>>
      %dma_wait3A_55 = arith.constant 0 : i32
      %dma_wait3A_56 = arith.constant 0 : i32
      %dma_wait3A_57 = tpu.memref_slice %arg3[%arg0, %arg1, %dma_wait3A_55, %dma_wait3A_56] : memref<2x16x80x128xi32, #tpu.memory_space<hbm>> -> memref<1x1x8x128xi32, #tpu.memory_space<hbm>>
      %dma_wait3A_58 = tpu.memref_squeeze %dma_wait3A_57 : memref<1x1x8x128xi32, #tpu.memory_space<hbm>> -> memref<8x128xi32, #tpu.memory_space<hbm>>
      tpu.wait_dma2 semaphore(%run_scoped3A : memref<!tpu.dma_semaphore, #tpu.memory_space<semaphore_mem>>) src(%dma_wait3A_58 : memref<8x128xi32, #tpu.memory_space<hbm>>) dst(%arg6 : memref<8x128xi32, #tpu.memory_space<vmem>>)
      tpu.yield
    }) : () -> ()
    "tpu.region"() ({
      %run_scoped3A = tpu.sem_alloc : memref<!tpu.dma_semaphore, #tpu.memory_space<semaphore_mem>>
      %dma_start3A_43 = arith.constant 0 : i32
      %dma_start3A_44 = arith.constant 0 : i32
      %dma_start3A_45 = tpu.memref_slice %arg4[%arg0, %arg1, %dma_start3A_43, %dma_start3A_44] : memref<2x16x80x128xi32, #tpu.memory_space<hbm>> -> memref<1x1x8x128xi32, #tpu.memory_space<hbm>>
      %dma_start3A_46 = tpu.memref_squeeze %dma_start3A_45 : memref<1x1x8x128xi32, #tpu.memory_space<hbm>> -> memref<8x128xi32, #tpu.memory_space<hbm>>
      %dma_start3A_47 = arith.constant 0 : i32
      %dma_start3A_48 = arith.constant 0 : i32
      %dma_start3A_49 = tpu.memref_slice %arg4[%arg0, %arg1, %dma_start3A_47, %dma_start3A_48] : memref<2x16x80x128xi32, #tpu.memory_space<hbm>> -> memref<1x1x8x128xi32, #tpu.memory_space<hbm>>
      %dma_start3A_50 = tpu.memref_squeeze %dma_start3A_49 : memref<1x1x8x128xi32, #tpu.memory_space<hbm>> -> memref<8x128xi32, #tpu.memory_space<hbm>>
      tpu.enqueue_dma source(%dma_start3A_50 : memref<8x128xi32, #tpu.memory_space<hbm>>) target(%arg8 : memref<8x128xi32, #tpu.memory_space<vmem>>) target_semaphore(%run_scoped3A : memref<!tpu.dma_semaphore, #tpu.memory_space<semaphore_mem>>)
      %dma_wait3A_51 = arith.constant 0 : i32
      %dma_wait3A_52 = arith.constant 0 : i32
      %dma_wait3A_53 = tpu.memref_slice %arg4[%arg0, %arg1, %dma_wait3A_51, %dma_wait3A_52] : memref<2x16x80x128xi32, #tpu.memory_space<hbm>> -> memref<1x1x8x128xi32, #tpu.memory_space<hbm>>
      %dma_wait3A_54 = tpu.memref_squeeze %dma_wait3A_53 : memref<1x1x8x128xi32, #tpu.memory_space<hbm>> -> memref<8x128xi32, #tpu.memory_space<hbm>>
      %dma_wait3A_55 = arith.constant 0 : i32
      %dma_wait3A_56 = arith.constant 0 : i32
      %dma_wait3A_57 = tpu.memref_slice %arg4[%arg0, %arg1, %dma_wait3A_55, %dma_wait3A_56] : memref<2x16x80x128xi32, #tpu.memory_space<hbm>> -> memref<1x1x8x128xi32, #tpu.memory_space<hbm>>
      %dma_wait3A_58 = tpu.memref_squeeze %dma_wait3A_57 : memref<1x1x8x128xi32, #tpu.memory_space<hbm>> -> memref<8x128xi32, #tpu.memory_space<hbm>>
      tpu.wait_dma2 semaphore(%run_scoped3A : memref<!tpu.dma_semaphore, #tpu.memory_space<semaphore_mem>>) src(%dma_wait3A_58 : memref<8x128xi32, #tpu.memory_space<hbm>>) dst(%arg8 : memref<8x128xi32, #tpu.memory_space<vmem>>)
      tpu.yield
    }) : () -> ()
    %broadcast_in_dim3A = arith.constant 0.000000e+00 : f32
    %broadcast_in_dim3A_0 = vector.broadcast %broadcast_in_dim3A : f32 to vector<16xf32>
    %scan3A = arith.constant 0 : i32
    %scan3A_1 = arith.constant 128 : i32
    %scan3A_2 = arith.addi %scan3A, %scan3A_1 : i32
    %scan3A_3 = arith.constant 1 : i32
    scf.for %scan3A_43 = %scan3A to %scan3A_2 step %scan3A_3  : i32 {
      %mul3A_44 = arith.constant 1 : i32
      %mul3A_45 = arith.muli %scan3A_43, %mul3A_44 : i32
      %add3A = arith.constant 0 : i32
      %add3A_46 = arith.addi %add3A, %mul3A_45 : i32
      %scan3A_47 = arith.constant 0 : i32
      %scan3A_48 = arith.constant 8 : i32
      %scan3A_49 = arith.addi %scan3A_47, %scan3A_48 : i32
      %scan3A_50 = arith.constant 1 : i32
      scf.for %scan3A_52 = %scan3A_47 to %scan3A_49 step %scan3A_50  : i32 {
        %mul3A_53 = arith.constant 1 : i32
        %mul3A_54 = arith.muli %scan3A_52, %mul3A_53 : i32
        %add3A_55 = arith.constant 0 : i32
        %add3A_56 = arith.addi %add3A_55, %mul3A_54 : i32
        %mul3A_57 = arith.constant 16 : i32
        %mul3A_58 = arith.muli %add3A_56, %mul3A_57 : i32
        %swap3A = arith.index_cast %add3A_46 : i32 to index
        %swap3A_59 = arith.index_cast %mul3A_58 : i32 to index
        %swap3A_60 = tpu.vector_load %arg10[%swap3A, %swap3A_59] {strides = array<i32>} : memref<128x128xf32, #tpu.memory_space<vmem>>, vector<1x16xf32>,
        %swap3A_61 = vector.shape_cast %swap3A_60 : vector<1x16xf32> to vector<16xf32>
        %swap3A_62 = vector.shape_cast %broadcast_in_dim3A_0 : vector<16xf32> to vector<1x16xf32>
        tpu.vector_store %arg10[%swap3A, %swap3A_59], %swap3A_62 {strides = array<i32>} : memref<128x128xf32, #tpu.memory_space<vmem>>, vector<1x16xf32>,
      }
      %scan3A_51 = arith.constant 8 : i32
    }
    %scan3A_4 = arith.constant 128 : i32
    %mul3A = arith.constant 624 : i32
    %mul3A_5 = arith.muli %arg1, %mul3A : i32
    %multiple_of3A = tpu.assume_multiple %mul3A_5, 8 : i32
    %scan3A_6 = arith.constant 0 : i32
    %scan3A_7 = arith.constant 6 : i32
    %scan3A_8 = arith.addi %scan3A_6, %scan3A_7 : i32
    %scan3A_9 = arith.constant 1 : i32
    scf.for %scan3A_43 = %scan3A_6 to %scan3A_8 step %scan3A_9  : i32 {
      %mul3A_44 = arith.constant 1 : i32
      %mul3A_45 = arith.muli %scan3A_43, %mul3A_44 : i32
      %add3A = arith.constant 0 : i32
      %add3A_46 = arith.addi %add3A, %mul3A_45 : i32
      %mul3A_47 = arith.constant 104 : i32
      %mul3A_48 = arith.muli %add3A_46, %mul3A_47 : i32
      %add3A_49 = arith.addi %multiple_of3A, %mul3A_48 : i32
      "tpu.region"() ({
        %run_scoped3A = tpu.sem_alloc : memref<!tpu.dma_semaphore, #tpu.memory_space<semaphore_mem>>
        %dma_start3A_50 = arith.constant 0 : i32
        %dma_start3A_51 = arith.constant 0 : i32
        %dma_start3A_52 = tpu.memref_slice %arg10[%dma_start3A_50, %dma_start3A_51] : memref<128x128xf32, #tpu.memory_space<vmem>> -> memref<104x128xf32, #tpu.memory_space<vmem>>
        %dma_start3A_53 = arith.constant 0 : i32
        %dma_start3A_54 = tpu.memref_slice %arg12[%add3A_49, %dma_start3A_53] : memref<10008x128xf32, #tpu.memory_space<vmem_shared>> -> memref<104x128xf32, #tpu.memory_space<vmem_shared>>
        %dma_start3A_55 = arith.constant 0 : i32
        %dma_start3A_56 = tpu.memref_slice %arg12[%add3A_49, %dma_start3A_55] : memref<10008x128xf32, #tpu.memory_space<vmem_shared>> -> memref<104x128xf32, #tpu.memory_space<vmem_shared>>
        %dma_start3A_57 = arith.constant 0 : i32
        %dma_start3A_58 = arith.constant 0 : i32
        %dma_start3A_59 = tpu.memref_slice %arg10[%dma_start3A_57, %dma_start3A_58] : memref<128x128xf32, #tpu.memory_space<vmem>> -> memref<104x128xf32, #tpu.memory_space<vmem>>
        tpu.enqueue_dma source(%dma_start3A_59 : memref<104x128xf32, #tpu.memory_space<vmem>>) target(%dma_start3A_56 : memref<104x128xf32, #tpu.memory_space<vmem_shared>>) target_semaphore(%run_scoped3A : memref<!tpu.dma_semaphore, #tpu.memory_space<semaphore_mem>>)
        %dma_wait3A_60 = arith.constant 0 : i32
        %dma_wait3A_61 = arith.constant 0 : i32
        %dma_wait3A_62 = tpu.memref_slice %arg10[%dma_wait3A_60, %dma_wait3A_61] : memref<128x128xf32, #tpu.memory_space<vmem>> -> memref<104x128xf32, #tpu.memory_space<vmem>>
        %dma_wait3A_63 = arith.constant 0 : i32
        %dma_wait3A_64 = tpu.memref_slice %arg12[%add3A_49, %dma_wait3A_63] : memref<10008x128xf32, #tpu.memory_space<vmem_shared>> -> memref<104x128xf32, #tpu.memory_space<vmem_shared>>
        %dma_wait3A_65 = arith.constant 0 : i32
        %dma_wait3A_66 = tpu.memref_slice %arg12[%add3A_49, %dma_wait3A_65] : memref<10008x128xf32, #tpu.memory_space<vmem_shared>> -> memref<104x128xf32, #tpu.memory_space<vmem_shared>>
        %dma_wait3A_67 = arith.constant 0 : i32
        %dma_wait3A_68 = arith.constant 0 : i32
        %dma_wait3A_69 = tpu.memref_slice %arg10[%dma_wait3A_67, %dma_wait3A_68] : memref<128x128xf32, #tpu.memory_space<vmem>> -> memref<104x128xf32, #tpu.memory_space<vmem>>
        tpu.wait_dma2 semaphore(%run_scoped3A : memref<!tpu.dma_semaphore, #tpu.memory_space<semaphore_mem>>) src(%dma_wait3A_69 : memref<104x128xf32, #tpu.memory_space<vmem>>) dst(%dma_wait3A_66 : memref<104x128xf32, #tpu.memory_space<vmem_shared>>)
        tpu.yield
      }) : () -> ()
    }
    %scan3A_10 = arith.constant 6 : i32
    %eq3A = arith.constant 15 : i32
    %eq3A_11 = arith.cmpi eq, %arg1, %eq3A : i32
    %convert_element_type3A = arith.extui %eq3A_11 : i1 to i32
    %cond3A = arith.constant 0 : i32
    %cond3A_12 = arith.cmpi ne, %convert_element_type3A, %cond3A : i32
    scf.if %cond3A_12 {
      "tpu.region"() ({
        %run_scoped3A = tpu.sem_alloc : memref<!tpu.dma_semaphore, #tpu.memory_space<semaphore_mem>>
        %dma_start3A_43 = arith.constant 0 : i32
        %dma_start3A_44 = arith.constant 0 : i32
        %dma_start3A_45 = tpu.memref_slice %arg10[%dma_start3A_43, %dma_start3A_44] : memref<128x128xf32, #tpu.memory_space<vmem>> -> memref<16x128xf32, #tpu.memory_space<vmem>>
        %dma_start3A_46 = arith.constant 9984 : i32
        %dma_start3A_47 = arith.constant 0 : i32
        %dma_start3A_48 = tpu.memref_slice %arg12[%dma_start3A_46, %dma_start3A_47] : memref<10008x128xf32, #tpu.memory_space<vmem_shared>> -> memref<16x128xf32, #tpu.memory_space<vmem_shared>>
        %dma_start3A_49 = arith.constant 9984 : i32
        %dma_start3A_50 = arith.constant 0 : i32
        %dma_start3A_51 = tpu.memref_slice %arg12[%dma_start3A_49, %dma_start3A_50] : memref<10008x128xf32, #tpu.memory_space<vmem_shared>> -> memref<16x128xf32, #tpu.memory_space<vmem_shared>>
        %dma_start3A_52 = arith.constant 0 : i32
        %dma_start3A_53 = arith.constant 0 : i32
        %dma_start3A_54 = tpu.memref_slice %arg10[%dma_start3A_52, %dma_start3A_53] : memref<128x128xf32, #tpu.memory_space<vmem>> -> memref<16x128xf32, #tpu.memory_space<vmem>>
        tpu.enqueue_dma source(%dma_start3A_54 : memref<16x128xf32, #tpu.memory_space<vmem>>) target(%dma_start3A_51 : memref<16x128xf32, #tpu.memory_space<vmem_shared>>) target_semaphore(%run_scoped3A : memref<!tpu.dma_semaphore, #tpu.memory_space<semaphore_mem>>)
        %dma_wait3A_55 = arith.constant 0 : i32
        %dma_wait3A_56 = arith.constant 0 : i32
        %dma_wait3A_57 = tpu.memref_slice %arg10[%dma_wait3A_55, %dma_wait3A_56] : memref<128x128xf32, #tpu.memory_space<vmem>> -> memref<16x128xf32, #tpu.memory_space<vmem>>
        %dma_wait3A_58 = arith.constant 9984 : i32
        %dma_wait3A_59 = arith.constant 0 : i32
        %dma_wait3A_60 = tpu.memref_slice %arg12[%dma_wait3A_58, %dma_wait3A_59] : memref<10008x128xf32, #tpu.memory_space<vmem_shared>> -> memref<16x128xf32, #tpu.memory_space<vmem_shared>>
        %dma_wait3A_61 = arith.constant 9984 : i32
        %dma_wait3A_62 = arith.constant 0 : i32
        %dma_wait3A_63 = tpu.memref_slice %arg12[%dma_wait3A_61, %dma_wait3A_62] : memref<10008x128xf32, #tpu.memory_space<vmem_shared>> -> memref<16x128xf32, #tpu.memory_space<vmem_shared>>
        %dma_wait3A_64 = arith.constant 0 : i32
        %dma_wait3A_65 = arith.constant 0 : i32
        %dma_wait3A_66 = tpu.memref_slice %arg10[%dma_wait3A_64, %dma_wait3A_65] : memref<128x128xf32, #tpu.memory_space<vmem>> -> memref<16x128xf32, #tpu.memory_space<vmem>>
        tpu.wait_dma2 semaphore(%run_scoped3A : memref<!tpu.dma_semaphore, #tpu.memory_space<semaphore_mem>>) src(%dma_wait3A_66 : memref<16x128xf32, #tpu.memory_space<vmem>>) dst(%dma_wait3A_63 : memref<16x128xf32, #tpu.memory_space<vmem_shared>>)
        tpu.yield
      }) : () -> ()
    } else {
    }
    %barrier3A = arith.constant 0 : index
    tpu.barrier barrier_id(%barrier3A)
    %dma_start3A = arith.constant 0 : i32
    %dma_start3A_13 = arith.constant 0 : i32
    %dma_start3A_14 = tpu.memref_slice %arg6[%dma_start3A, %dma_start3A_13] : memref<8x128xi32, #tpu.memory_space<vmem>> -> memref<1x128xi32, #tpu.memory_space<vmem>>
    %dma_start3A_15 = tpu.memref_squeeze %dma_start3A_14 : memref<1x128xi32, #tpu.memory_space<vmem>> -> memref<128xi32, #tpu.memory_space<vmem>>
    %dma_start3A_16 = arith.constant 0 : i32
    %dma_start3A_17 = arith.constant 0 : i32
    %dma_start3A_18 = tpu.memref_slice %arg2[%arg0, %dma_start3A_16, %dma_start3A_17] : memref<2x10000x128xf32, #tpu.memory_space<hbm>> -> memref<1x10000x128xf32, #tpu.memory_space<hbm>>
    %dma_start3A_19 = tpu.memref_squeeze %dma_start3A_18 : memref<1x10000x128xf32, #tpu.memory_space<hbm>> -> memref<10000x128xf32, #tpu.memory_space<hbm>>
    %dma_start3A_20 = arith.constant 0 : i32
    %dma_start3A_21 = arith.constant 0 : i32
    %dma_start3A_22 = tpu.memref_slice %dma_start3A_19[%dma_start3A_20, %dma_start3A_21] : memref<10000x128xf32, #tpu.memory_space<hbm>> -> memref<10000x128xf32, #tpu.memory_space<hbm>>
    tpu.enqueue_indirect_dma source(%dma_start3A_22 : memref<10000x128xf32, #tpu.memory_space<hbm>>) target(%arg10 : memref<128x128xf32, #tpu.memory_space<vmem>>) offsets(%dma_start3A_15 : memref<128xi32, #tpu.memory_space<vmem>>) semaphore(%arg13 : memref<!tpu.dma_semaphore, #tpu.memory_space<semaphore_mem>>)
    %scan3A_23 = arith.constant 0 : i32
    %scan3A_24 = arith.constant 5 : i32
    %scan3A_25 = arith.addi %scan3A_23, %scan3A_24 : i32
    %scan3A_26 = arith.constant 1 : i32
    scf.for %scan3A_43 = %scan3A_23 to %scan3A_25 step %scan3A_26  : i32 {
      %mul3A_44 = arith.constant 1 : i32
      %mul3A_45 = arith.muli %scan3A_43, %mul3A_44 : i32
      %add3A = arith.constant 0 : i32
      %add3A_46 = arith.addi %add3A, %mul3A_45 : i32
      %mul3A_47 = arith.constant 2 : i32
      %mul3A_48 = arith.muli %add3A_46, %mul3A_47 : i32
      %lt3A = arith.constant 9 : i32
      %lt3A_49 = arith.cmpi slt, %mul3A_48, %lt3A : i32
      %convert_element_type3A_50 = arith.extui %lt3A_49 : i1 to i32
      %cond3A_51 = arith.constant 0 : i32
      %cond3A_52 = arith.cmpi ne, %convert_element_type3A_50, %cond3A_51 : i32
      scf.if %cond3A_52 {
        %add3A_621 = arith.constant 1 : i32
        %add3A_622 = arith.addi %mul3A_48, %add3A_621 : i32
        %mul3A_623 = arith.constant 8 : i32
        %mul3A_624 = arith.muli %add3A_622, %mul3A_623 : i32
        %dma_start3A_625 = arith.constant 0 : i32
        %dma_start3A_626 = tpu.memref_slice %arg3[%arg0, %arg1, %mul3A_624, %dma_start3A_625] : memref<2x16x80x128xi32, #tpu.memory_space<hbm>> -> memref<1x1x8x128xi32, #tpu.memory_space<hbm>>
        %dma_start3A_627 = tpu.memref_squeeze %dma_start3A_626 : memref<1x1x8x128xi32, #tpu.memory_space<hbm>> -> memref<8x128xi32, #tpu.memory_space<hbm>>
        %dma_start3A_628 = arith.constant 0 : i32
        %dma_start3A_629 = tpu.memref_slice %arg3[%arg0, %arg1, %mul3A_624, %dma_start3A_628] : memref<2x16x80x128xi32, #tpu.memory_space<hbm>> -> memref<1x1x8x128xi32, #tpu.memory_space<hbm>>
        %dma_start3A_630 = tpu.memref_squeeze %dma_start3A_629 : memref<1x1x8x128xi32, #tpu.memory_space<hbm>> -> memref<8x128xi32, #tpu.memory_space<hbm>>
        tpu.enqueue_dma source(%dma_start3A_630 : memref<8x128xi32, #tpu.memory_space<hbm>>) target(%arg7 : memref<8x128xi32, #tpu.memory_space<vmem>>) target_semaphore(%arg17 : memref<!tpu.dma_semaphore, #tpu.memory_space<semaphore_mem>>)
        %dma_start3A_631 = arith.constant 0 : i32
        %dma_start3A_632 = tpu.memref_slice %arg4[%arg0, %arg1, %mul3A_624, %dma_start3A_631] : memref<2x16x80x128xi32, #tpu.memory_space<hbm>> -> memref<1x1x8x128xi32, #tpu.memory_space<hbm>>
        %dma_start3A_633 = tpu.memref_squeeze %dma_start3A_632 : memref<1x1x8x128xi32, #tpu.memory_space<hbm>> -> memref<8x128xi32, #tpu.memory_space<hbm>>
        %dma_start3A_634 = arith.constant 0 : i32
        %dma_start3A_635 = tpu.memref_slice %arg4[%arg0, %arg1, %mul3A_624, %dma_start3A_634] : memref<2x16x80x128xi32, #tpu.memory_space<hbm>> -> memref<1x1x8x128xi32, #tpu.memory_space<hbm>>
        %dma_start3A_636 = tpu.memref_squeeze %dma_start3A_635 : memref<1x1x8x128xi32, #tpu.memory_space<hbm>> -> memref<8x128xi32, #tpu.memory_space<hbm>>
        tpu.enqueue_dma source(%dma_start3A_636 : memref<8x128xi32, #tpu.memory_space<hbm>>) target(%arg9 : memref<8x128xi32, #tpu.memory_space<vmem>>) target_semaphore(%arg17 : memref<!tpu.dma_semaphore, #tpu.memory_space<semaphore_mem>>)
      } else {
      }
      %dma_wait3A_53 = arith.constant 0 : i32
      %dma_wait3A_54 = arith.constant 0 : i32
      %dma_wait3A_55 = tpu.memref_slice %arg6[%dma_wait3A_53, %dma_wait3A_54] : memref<8x128xi32, #tpu.memory_space<vmem>> -> memref<1x128xi32, #tpu.memory_space<vmem>>
      %dma_wait3A_56 = tpu.memref_squeeze %dma_wait3A_55 : memref<1x128xi32, #tpu.memory_space<vmem>> -> memref<128xi32, #tpu.memory_space<vmem>>
      %dma_wait3A_57 = arith.constant 0 : i32
      %dma_wait3A_58 = arith.constant 0 : i32
      %dma_wait3A_59 = tpu.memref_slice %arg2[%arg0, %dma_wait3A_57, %dma_wait3A_58] : memref<2x10000x128xf32, #tpu.memory_space<hbm>> -> memref<1x10000x128xf32, #tpu.memory_space<hbm>>
      %dma_wait3A_60 = tpu.memref_squeeze %dma_wait3A_59 : memref<1x10000x128xf32, #tpu.memory_space<hbm>> -> memref<10000x128xf32, #tpu.memory_space<hbm>>
      %dma_wait3A_61 = arith.constant 0 : i32
      %dma_wait3A_62 = arith.constant 0 : i32
      %dma_wait3A_63 = tpu.memref_slice %dma_wait3A_60[%dma_wait3A_61, %dma_wait3A_62] : memref<10000x128xf32, #tpu.memory_space<hbm>> -> memref<10000x128xf32, #tpu.memory_space<hbm>>
      tpu.wait_indirect_dma semaphore(%arg13 : memref<!tpu.dma_semaphore, #tpu.memory_space<semaphore_mem>>) src(%dma_wait3A_63 : memref<10000x128xf32, #tpu.memory_space<hbm>>) dst(%arg10 : memref<128x128xf32, #tpu.memory_space<vmem>>)
      %dma_start3A_64 = arith.constant 0 : i32
      %dma_start3A_65 = arith.constant 0 : i32
      %dma_start3A_66 = tpu.memref_slice %arg8[%dma_start3A_64, %dma_start3A_65] : memref<8x128xi32, #tpu.memory_space<vmem>> -> memref<1x128xi32, #tpu.memory_space<vmem>>
      %dma_start3A_67 = tpu.memref_squeeze %dma_start3A_66 : memref<1x128xi32, #tpu.memory_space<vmem>> -> memref<128xi32, #tpu.memory_space<vmem>>
      %dma_start3A_68 = arith.constant 0 : i32
      %dma_start3A_69 = arith.constant 0 : i32
      %dma_start3A_70 = tpu.memref_slice %arg12[%dma_start3A_68, %dma_start3A_69] : memref<10008x128xf32, #tpu.memory_space<vmem_shared>> -> memref<10008x128xf32, #tpu.memory_space<vmem_shared>>
      tpu.enqueue_indirect_dma source(%arg10 : memref<128x128xf32, #tpu.memory_space<vmem>>) target(%dma_start3A_70 : memref<10008x128xf32, #tpu.memory_space<vmem_shared>>) offsets(%dma_start3A_67 : memref<128xi32, #tpu.memory_space<vmem>>) semaphore(%arg15 : memref<!tpu.dma_semaphore, #tpu.memory_space<semaphore_mem>>) {add = true}
      %gt3A = arith.constant 0 : i32
      %gt3A_71 = arith.cmpi sgt, %mul3A_48, %gt3A : i32
      %convert_element_type3A_72 = arith.extui %gt3A_71 : i1 to i32
      %cond3A_73 = arith.constant 0 : i32
      %cond3A_74 = arith.cmpi ne, %convert_element_type3A_72, %cond3A_73 : i32
      scf.if %cond3A_74 {
        %dma_wait3A_621 = arith.constant 0 : i32
        %dma_wait3A_622 = arith.constant 0 : i32
        %dma_wait3A_623 = tpu.memref_slice %arg8[%dma_wait3A_621, %dma_wait3A_622] : memref<8x128xi32, #tpu.memory_space<vmem>> -> memref<1x128xi32, #tpu.memory_space<vmem>>
        %dma_wait3A_624 = tpu.memref_squeeze %dma_wait3A_623 : memref<1x128xi32, #tpu.memory_space<vmem>> -> memref<128xi32, #tpu.memory_space<vmem>>
        %dma_wait3A_625 = arith.constant 0 : i32
        %dma_wait3A_626 = arith.constant 0 : i32
        %dma_wait3A_627 = tpu.memref_slice %arg12[%dma_wait3A_625, %dma_wait3A_626] : memref<10008x128xf32, #tpu.memory_space<vmem_shared>> -> memref<10008x128xf32, #tpu.memory_space<vmem_shared>>
        tpu.wait_indirect_dma semaphore(%arg16 : memref<!tpu.dma_semaphore, #tpu.memory_space<semaphore_mem>>) src(%arg11 : memref<128x128xf32, #tpu.memory_space<vmem>>) dst(%dma_wait3A_627 : memref<10008x128xf32, #tpu.memory_space<vmem_shared>>)
      } else {
      }
      %dma_start3A_75 = arith.constant 1 : i32
      %dma_start3A_76 = arith.constant 0 : i32
      %dma_start3A_77 = tpu.memref_slice %arg6[%dma_start3A_75, %dma_start3A_76] : memref<8x128xi32, #tpu.memory_space<vmem>> -> memref<1x128xi32, #tpu.memory_space<vmem>>
      %dma_start3A_78 = tpu.memref_squeeze %dma_start3A_77 : memref<1x128xi32, #tpu.memory_space<vmem>> -> memref<128xi32, #tpu.memory_space<vmem>>
      %dma_start3A_79 = arith.constant 0 : i32
      %dma_start3A_80 = arith.constant 0 : i32
      %dma_start3A_81 = tpu.memref_slice %arg2[%arg0, %dma_start3A_79, %dma_start3A_80] : memref<2x10000x128xf32, #tpu.memory_space<hbm>> -> memref<1x10000x128xf32, #tpu.memory_space<hbm>>
      %dma_start3A_82 = tpu.memref_squeeze %dma_start3A_81 : memref<1x10000x128xf32, #tpu.memory_space<hbm>> -> memref<10000x128xf32, #tpu.memory_space<hbm>>
      %dma_start3A_83 = arith.constant 0 : i32
      %dma_start3A_84 = arith.constant 0 : i32
      %dma_start3A_85 = tpu.memref_slice %dma_start3A_82[%dma_start3A_83, %dma_start3A_84] : memref<10000x128xf32, #tpu.memory_space<hbm>> -> memref<10000x128xf32, #tpu.memory_space<hbm>>
      tpu.enqueue_indirect_dma source(%dma_start3A_85 : memref<10000x128xf32, #tpu.memory_space<hbm>>) target(%arg11 : memref<128x128xf32, #tpu.memory_space<vmem>>) offsets(%dma_start3A_78 : memref<128xi32, #tpu.memory_space<vmem>>) semaphore(%arg14 : memref<!tpu.dma_semaphore, #tpu.memory_space<semaphore_mem>>)
      %dma_wait3A_86 = arith.constant 1 : i32
      %dma_wait3A_87 = arith.constant 0 : i32
      %dma_wait3A_88 = tpu.memref_slice %arg6[%dma_wait3A_86, %dma_wait3A_87] : memref<8x128xi32, #tpu.memory_space<vmem>> -> memref<1x128xi32, #tpu.memory_space<vmem>>
      %dma_wait3A_89 = tpu.memref_squeeze %dma_wait3A_88 : memref<1x128xi32, #tpu.memory_space<vmem>> -> memref<128xi32, #tpu.memory_space<vmem>>
      %dma_wait3A_90 = arith.constant 0 : i32
      %dma_wait3A_91 = arith.constant 0 : i32
      %dma_wait3A_92 = tpu.memref_slice %arg2[%arg0, %dma_wait3A_90, %dma_wait3A_91] : memref<2x10000x128xf32, #tpu.memory_space<hbm>> -> memref<1x10000x128xf32, #tpu.memory_space<hbm>>
      %dma_wait3A_93 = tpu.memref_squeeze %dma_wait3A_92 : memref<1x10000x128xf32, #tpu.memory_space<hbm>> -> memref<10000x128xf32, #tpu.memory_space<hbm>>
      %dma_wait3A_94 = arith.constant 0 : i32
      %dma_wait3A_95 = arith.constant 0 : i32
      %dma_wait3A_96 = tpu.memref_slice %dma_wait3A_93[%dma_wait3A_94, %dma_wait3A_95] : memref<10000x128xf32, #tpu.memory_space<hbm>> -> memref<10000x128xf32, #tpu.memory_space<hbm>>
      tpu.wait_indirect_dma semaphore(%arg14 : memref<!tpu.dma_semaphore, #tpu.memory_space<semaphore_mem>>) src(%dma_wait3A_96 : memref<10000x128xf32, #tpu.memory_space<hbm>>) dst(%arg11 : memref<128x128xf32, #tpu.memory_space<vmem>>)
      %dma_start3A_97 = arith.constant 1 : i32
      %dma_start3A_98 = arith.constant 0 : i32
      %dma_start3A_99 = tpu.memref_slice %arg8[%dma_start3A_97, %dma_start3A_98] : memref<8x128xi32, #tpu.memory_space<vmem>> -> memref<1x128xi32, #tpu.memory_space<vmem>>
      %dma_start3A_100 = tpu.memref_squeeze %dma_start3A_99 : memref<1x128xi32, #tpu.memory_space<vmem>> -> memref<128xi32, #tpu.memory_space<vmem>>
      %dma_start3A_101 = arith.constant 0 : i32
      %dma_start3A_102 = arith.constant 0 : i32
      %dma_start3A_103 = tpu.memref_slice %arg12[%dma_start3A_101, %dma_start3A_102] : memref<10008x128xf32, #tpu.memory_space<vmem_shared>> -> memref<10008x128xf32, #tpu.memory_space<vmem_shared>>
      tpu.enqueue_indirect_dma source(%arg11 : memref<128x128xf32, #tpu.memory_space<vmem>>) target(%dma_start3A_103 : memref<10008x128xf32, #tpu.memory_space<vmem_shared>>) offsets(%dma_start3A_100 : memref<128xi32, #tpu.memory_space<vmem>>) semaphore(%arg16 : memref<!tpu.dma_semaphore, #tpu.memory_space<semaphore_mem>>) {add = true}
      %dma_wait3A_104 = arith.constant 1 : i32
      %dma_wait3A_105 = arith.constant 0 : i32
      %dma_wait3A_106 = tpu.memref_slice %arg8[%dma_wait3A_104, %dma_wait3A_105] : memref<8x128xi32, #tpu.memory_space<vmem>> -> memref<1x128xi32, #tpu.memory_space<vmem>>
      %dma_wait3A_107 = tpu.memref_squeeze %dma_wait3A_106 : memref<1x128xi32, #tpu.memory_space<vmem>> -> memref<128xi32, #tpu.memory_space<vmem>>
      %dma_wait3A_108 = arith.constant 0 : i32
      %dma_wait3A_109 = arith.constant 0 : i32
      %dma_wait3A_110 = tpu.memref_slice %arg12[%dma_wait3A_108, %dma_wait3A_109] : memref<10008x128xf32, #tpu.memory_space<vmem_shared>> -> memref<10008x128xf32, #tpu.memory_space<vmem_shared>>
      tpu.wait_indirect_dma semaphore(%arg15 : memref<!tpu.dma_semaphore, #tpu.memory_space<semaphore_mem>>) src(%arg10 : memref<128x128xf32, #tpu.memory_space<vmem>>) dst(%dma_wait3A_110 : memref<10008x128xf32, #tpu.memory_space<vmem_shared>>)
      %dma_start3A_111 = arith.constant 2 : i32
      %dma_start3A_112 = arith.constant 0 : i32
      %dma_start3A_113 = tpu.memref_slice %arg6[%dma_start3A_111, %dma_start3A_112] : memref<8x128xi32, #tpu.memory_space<vmem>> -> memref<1x128xi32, #tpu.memory_space<vmem>>
      %dma_start3A_114 = tpu.memref_squeeze %dma_start3A_113 : memref<1x128xi32, #tpu.memory_space<vmem>> -> memref<128xi32, #tpu.memory_space<vmem>>
      %dma_start3A_115 = arith.constant 0 : i32
      %dma_start3A_116 = arith.constant 0 : i32
      %dma_start3A_117 = tpu.memref_slice %arg2[%arg0, %dma_start3A_115, %dma_start3A_116] : memref<2x10000x128xf32, #tpu.memory_space<hbm>> -> memref<1x10000x128xf32, #tpu.memory_space<hbm>>
      %dma_start3A_118 = tpu.memref_squeeze %dma_start3A_117 : memref<1x10000x128xf32, #tpu.memory_space<hbm>> -> memref<10000x128xf32, #tpu.memory_space<hbm>>
      %dma_start3A_119 = arith.constant 0 : i32
      %dma_start3A_120 = arith.constant 0 : i32
      %dma_start3A_121 = tpu.memref_slice %dma_start3A_118[%dma_start3A_119, %dma_start3A_120] : memref<10000x128xf32, #tpu.memory_space<hbm>> -> memref<10000x128xf32, #tpu.memory_space<hbm>>
      tpu.enqueue_indirect_dma source(%dma_start3A_121 : memref<10000x128xf32, #tpu.memory_space<hbm>>) target(%arg10 : memref<128x128xf32, #tpu.memory_space<vmem>>) offsets(%dma_start3A_114 : memref<128xi32, #tpu.memory_space<vmem>>) semaphore(%arg13 : memref<!tpu.dma_semaphore, #tpu.memory_space<semaphore_mem>>)
      %dma_wait3A_122 = arith.constant 2 : i32
      %dma_wait3A_123 = arith.constant 0 : i32
      %dma_wait3A_124 = tpu.memref_slice %arg6[%dma_wait3A_122, %dma_wait3A_123] : memref<8x128xi32, #tpu.memory_space<vmem>> -> memref<1x128xi32, #tpu.memory_space<vmem>>
      %dma_wait3A_125 = tpu.memref_squeeze %dma_wait3A_124 : memref<1x128xi32, #tpu.memory_space<vmem>> -> memref<128xi32, #tpu.memory_space<vmem>>
      %dma_wait3A_126 = arith.constant 0 : i32
      %dma_wait3A_127 = arith.constant 0 : i32
      %dma_wait3A_128 = tpu.memref_slice %arg2[%arg0, %dma_wait3A_126, %dma_wait3A_127] : memref<2x10000x128xf32, #tpu.memory_space<hbm>> -> memref<1x10000x128xf32, #tpu.memory_space<hbm>>
      %dma_wait3A_129 = tpu.memref_squeeze %dma_wait3A_128 : memref<1x10000x128xf32, #tpu.memory_space<hbm>> -> memref<10000x128xf32, #tpu.memory_space<hbm>>
      %dma_wait3A_130 = arith.constant 0 : i32
      %dma_wait3A_131 = arith.constant 0 : i32
      %dma_wait3A_132 = tpu.memref_slice %dma_wait3A_129[%dma_wait3A_130, %dma_wait3A_131] : memref<10000x128xf32, #tpu.memory_space<hbm>> -> memref<10000x128xf32, #tpu.memory_space<hbm>>
      tpu.wait_indirect_dma semaphore(%arg13 : memref<!tpu.dma_semaphore, #tpu.memory_space<semaphore_mem>>) src(%dma_wait3A_132 : memref<10000x128xf32, #tpu.memory_space<hbm>>) dst(%arg10 : memref<128x128xf32, #tpu.memory_space<vmem>>)
      %dma_start3A_133 = arith.constant 2 : i32
      %dma_start3A_134 = arith.constant 0 : i32
      %dma_start3A_135 = tpu.memref_slice %arg8[%dma_start3A_133, %dma_start3A_134] : memref<8x128xi32, #tpu.memory_space<vmem>> -> memref<1x128xi32, #tpu.memory_space<vmem>>
      %dma_start3A_136 = tpu.memref_squeeze %dma_start3A_135 : memref<1x128xi32, #tpu.memory_space<vmem>> -> memref<128xi32, #tpu.memory_space<vmem>>
      %dma_start3A_137 = arith.constant 0 : i32
      %dma_start3A_138 = arith.constant 0 : i32
      %dma_start3A_139 = tpu.memref_slice %arg12[%dma_start3A_137, %dma_start3A_138] : memref<10008x128xf32, #tpu.memory_space<vmem_shared>> -> memref<10008x128xf32, #tpu.memory_space<vmem_shared>>
      tpu.enqueue_indirect_dma source(%arg10 : memref<128x128xf32, #tpu.memory_space<vmem>>) target(%dma_start3A_139 : memref<10008x128xf32, #tpu.memory_space<vmem_shared>>) offsets(%dma_start3A_136 : memref<128xi32, #tpu.memory_space<vmem>>) semaphore(%arg15 : memref<!tpu.dma_semaphore, #tpu.memory_space<semaphore_mem>>) {add = true}
      %dma_wait3A_140 = arith.constant 2 : i32
      %dma_wait3A_141 = arith.constant 0 : i32
      %dma_wait3A_142 = tpu.memref_slice %arg8[%dma_wait3A_140, %dma_wait3A_141] : memref<8x128xi32, #tpu.memory_space<vmem>> -> memref<1x128xi32, #tpu.memory_space<vmem>>
      %dma_wait3A_143 = tpu.memref_squeeze %dma_wait3A_142 : memref<1x128xi32, #tpu.memory_space<vmem>> -> memref<128xi32, #tpu.memory_space<vmem>>
      %dma_wait3A_144 = arith.constant 0 : i32
      %dma_wait3A_145 = arith.constant 0 : i32
      %dma_wait3A_146 = tpu.memref_slice %arg12[%dma_wait3A_144, %dma_wait3A_145] : memref<10008x128xf32, #tpu.memory_space<vmem_shared>> -> memref<10008x128xf32, #tpu.memory_space<vmem_shared>>
      tpu.wait_indirect_dma semaphore(%arg16 : memref<!tpu.dma_semaphore, #tpu.memory_space<semaphore_mem>>) src(%arg11 : memref<128x128xf32, #tpu.memory_space<vmem>>) dst(%dma_wait3A_146 : memref<10008x128xf32, #tpu.memory_space<vmem_shared>>)
      %dma_start3A_147 = arith.constant 3 : i32
      %dma_start3A_148 = arith.constant 0 : i32
      %dma_start3A_149 = tpu.memref_slice %arg6[%dma_start3A_147, %dma_start3A_148] : memref<8x128xi32, #tpu.memory_space<vmem>> -> memref<1x128xi32, #tpu.memory_space<vmem>>
      %dma_start3A_150 = tpu.memref_squeeze %dma_start3A_149 : memref<1x128xi32, #tpu.memory_space<vmem>> -> memref<128xi32, #tpu.memory_space<vmem>>
      %dma_start3A_151 = arith.constant 0 : i32
      %dma_start3A_152 = arith.constant 0 : i32
      %dma_start3A_153 = tpu.memref_slice %arg2[%arg0, %dma_start3A_151, %dma_start3A_152] : memref<2x10000x128xf32, #tpu.memory_space<hbm>> -> memref<1x10000x128xf32, #tpu.memory_space<hbm>>
      %dma_start3A_154 = tpu.memref_squeeze %dma_start3A_153 : memref<1x10000x128xf32, #tpu.memory_space<hbm>> -> memref<10000x128xf32, #tpu.memory_space<hbm>>
      %dma_start3A_155 = arith.constant 0 : i32
      %dma_start3A_156 = arith.constant 0 : i32
      %dma_start3A_157 = tpu.memref_slice %dma_start3A_154[%dma_start3A_155, %dma_start3A_156] : memref<10000x128xf32, #tpu.memory_space<hbm>> -> memref<10000x128xf32, #tpu.memory_space<hbm>>
      tpu.enqueue_indirect_dma source(%dma_start3A_157 : memref<10000x128xf32, #tpu.memory_space<hbm>>) target(%arg11 : memref<128x128xf32, #tpu.memory_space<vmem>>) offsets(%dma_start3A_150 : memref<128xi32, #tpu.memory_space<vmem>>) semaphore(%arg14 : memref<!tpu.dma_semaphore, #tpu.memory_space<semaphore_mem>>)
      %dma_wait3A_158 = arith.constant 3 : i32
      %dma_wait3A_159 = arith.constant 0 : i32
      %dma_wait3A_160 = tpu.memref_slice %arg6[%dma_wait3A_158, %dma_wait3A_159] : memref<8x128xi32, #tpu.memory_space<vmem>> -> memref<1x128xi32, #tpu.memory_space<vmem>>
      %dma_wait3A_161 = tpu.memref_squeeze %dma_wait3A_160 : memref<1x128xi32, #tpu.memory_space<vmem>> -> memref<128xi32, #tpu.memory_space<vmem>>
      %dma_wait3A_162 = arith.constant 0 : i32
      %dma_wait3A_163 = arith.constant 0 : i32
      %dma_wait3A_164 = tpu.memref_slice %arg2[%arg0, %dma_wait3A_162, %dma_wait3A_163] : memref<2x10000x128xf32, #tpu.memory_space<hbm>> -> memref<1x10000x128xf32, #tpu.memory_space<hbm>>
      %dma_wait3A_165 = tpu.memref_squeeze %dma_wait3A_164 : memref<1x10000x128xf32, #tpu.memory_space<hbm>> -> memref<10000x128xf32, #tpu.memory_space<hbm>>
      %dma_wait3A_166 = arith.constant 0 : i32
      %dma_wait3A_167 = arith.constant 0 : i32
      %dma_wait3A_168 = tpu.memref_slice %dma_wait3A_165[%dma_wait3A_166, %dma_wait3A_167] : memref<10000x128xf32, #tpu.memory_space<hbm>> -> memref<10000x128xf32, #tpu.memory_space<hbm>>
      tpu.wait_indirect_dma semaphore(%arg14 : memref<!tpu.dma_semaphore, #tpu.memory_space<semaphore_mem>>) src(%dma_wait3A_168 : memref<10000x128xf32, #tpu.memory_space<hbm>>) dst(%arg11 : memref<128x128xf32, #tpu.memory_space<vmem>>)
      %dma_start3A_169 = arith.constant 3 : i32
      %dma_start3A_170 = arith.constant 0 : i32
      %dma_start3A_171 = tpu.memref_slice %arg8[%dma_start3A_169, %dma_start3A_170] : memref<8x128xi32, #tpu.memory_space<vmem>> -> memref<1x128xi32, #tpu.memory_space<vmem>>
      %dma_start3A_172 = tpu.memref_squeeze %dma_start3A_171 : memref<1x128xi32, #tpu.memory_space<vmem>> -> memref<128xi32, #tpu.memory_space<vmem>>
      %dma_start3A_173 = arith.constant 0 : i32
      %dma_start3A_174 = arith.constant 0 : i32
      %dma_start3A_175 = tpu.memref_slice %arg12[%dma_start3A_173, %dma_start3A_174] : memref<10008x128xf32, #tpu.memory_space<vmem_shared>> -> memref<10008x128xf32, #tpu.memory_space<vmem_shared>>
      tpu.enqueue_indirect_dma source(%arg11 : memref<128x128xf32, #tpu.memory_space<vmem>>) target(%dma_start3A_175 : memref<10008x128xf32, #tpu.memory_space<vmem_shared>>) offsets(%dma_start3A_172 : memref<128xi32, #tpu.memory_space<vmem>>) semaphore(%arg16 : memref<!tpu.dma_semaphore, #tpu.memory_space<semaphore_mem>>) {add = true}
      %dma_wait3A_176 = arith.constant 3 : i32
      %dma_wait3A_177 = arith.constant 0 : i32
      %dma_wait3A_178 = tpu.memref_slice %arg8[%dma_wait3A_176, %dma_wait3A_177] : memref<8x128xi32, #tpu.memory_space<vmem>> -> memref<1x128xi32, #tpu.memory_space<vmem>>
      %dma_wait3A_179 = tpu.memref_squeeze %dma_wait3A_178 : memref<1x128xi32, #tpu.memory_space<vmem>> -> memref<128xi32, #tpu.memory_space<vmem>>
      %dma_wait3A_180 = arith.constant 0 : i32
      %dma_wait3A_181 = arith.constant 0 : i32
      %dma_wait3A_182 = tpu.memref_slice %arg12[%dma_wait3A_180, %dma_wait3A_181] : memref<10008x128xf32, #tpu.memory_space<vmem_shared>> -> memref<10008x128xf32, #tpu.memory_space<vmem_shared>>
      tpu.wait_indirect_dma semaphore(%arg15 : memref<!tpu.dma_semaphore, #tpu.memory_space<semaphore_mem>>) src(%arg10 : memref<128x128xf32, #tpu.memory_space<vmem>>) dst(%dma_wait3A_182 : memref<10008x128xf32, #tpu.memory_space<vmem_shared>>)
      %dma_start3A_183 = arith.constant 4 : i32
      %dma_start3A_184 = arith.constant 0 : i32
      %dma_start3A_185 = tpu.memref_slice %arg6[%dma_start3A_183, %dma_start3A_184] : memref<8x128xi32, #tpu.memory_space<vmem>> -> memref<1x128xi32, #tpu.memory_space<vmem>>
      %dma_start3A_186 = tpu.memref_squeeze %dma_start3A_185 : memref<1x128xi32, #tpu.memory_space<vmem>> -> memref<128xi32, #tpu.memory_space<vmem>>
      %dma_start3A_187 = arith.constant 0 : i32
      %dma_start3A_188 = arith.constant 0 : i32
      %dma_start3A_189 = tpu.memref_slice %arg2[%arg0, %dma_start3A_187, %dma_start3A_188] : memref<2x10000x128xf32, #tpu.memory_space<hbm>> -> memref<1x10000x128xf32, #tpu.memory_space<hbm>>
      %dma_start3A_190 = tpu.memref_squeeze %dma_start3A_189 : memref<1x10000x128xf32, #tpu.memory_space<hbm>> -> memref<10000x128xf32, #tpu.memory_space<hbm>>
      %dma_start3A_191 = arith.constant 0 : i32
      %dma_start3A_192 = arith.constant 0 : i32
      %dma_start3A_193 = tpu.memref_slice %dma_start3A_190[%dma_start3A_191, %dma_start3A_192] : memref<10000x128xf32, #tpu.memory_space<hbm>> -> memref<10000x128xf32, #tpu.memory_space<hbm>>
      tpu.enqueue_indirect_dma source(%dma_start3A_193 : memref<10000x128xf32, #tpu.memory_space<hbm>>) target(%arg10 : memref<128x128xf32, #tpu.memory_space<vmem>>) offsets(%dma_start3A_186 : memref<128xi32, #tpu.memory_space<vmem>>) semaphore(%arg13 : memref<!tpu.dma_semaphore, #tpu.memory_space<semaphore_mem>>)
      %dma_wait3A_194 = arith.constant 4 : i32
      %dma_wait3A_195 = arith.constant 0 : i32
      %dma_wait3A_196 = tpu.memref_slice %arg6[%dma_wait3A_194, %dma_wait3A_195] : memref<8x128xi32, #tpu.memory_space<vmem>> -> memref<1x128xi32, #tpu.memory_space<vmem>>
      %dma_wait3A_197 = tpu.memref_squeeze %dma_wait3A_196 : memref<1x128xi32, #tpu.memory_space<vmem>> -> memref<128xi32, #tpu.memory_space<vmem>>
      %dma_wait3A_198 = arith.constant 0 : i32
      %dma_wait3A_199 = arith.constant 0 : i32
      %dma_wait3A_200 = tpu.memref_slice %arg2[%arg0, %dma_wait3A_198, %dma_wait3A_199] : memref<2x10000x128xf32, #tpu.memory_space<hbm>> -> memref<1x10000x128xf32, #tpu.memory_space<hbm>>
      %dma_wait3A_201 = tpu.memref_squeeze %dma_wait3A_200 : memref<1x10000x128xf32, #tpu.memory_space<hbm>> -> memref<10000x128xf32, #tpu.memory_space<hbm>>
      %dma_wait3A_202 = arith.constant 0 : i32
      %dma_wait3A_203 = arith.constant 0 : i32
      %dma_wait3A_204 = tpu.memref_slice %dma_wait3A_201[%dma_wait3A_202, %dma_wait3A_203] : memref<10000x128xf32, #tpu.memory_space<hbm>> -> memref<10000x128xf32, #tpu.memory_space<hbm>>
      tpu.wait_indirect_dma semaphore(%arg13 : memref<!tpu.dma_semaphore, #tpu.memory_space<semaphore_mem>>) src(%dma_wait3A_204 : memref<10000x128xf32, #tpu.memory_space<hbm>>) dst(%arg10 : memref<128x128xf32, #tpu.memory_space<vmem>>)
      %dma_start3A_205 = arith.constant 4 : i32
      %dma_start3A_206 = arith.constant 0 : i32
      %dma_start3A_207 = tpu.memref_slice %arg8[%dma_start3A_205, %dma_start3A_206] : memref<8x128xi32, #tpu.memory_space<vmem>> -> memref<1x128xi32, #tpu.memory_space<vmem>>
      %dma_start3A_208 = tpu.memref_squeeze %dma_start3A_207 : memref<1x128xi32, #tpu.memory_space<vmem>> -> memref<128xi32, #tpu.memory_space<vmem>>
      %dma_start3A_209 = arith.constant 0 : i32
      %dma_start3A_210 = arith.constant 0 : i32
      %dma_start3A_211 = tpu.memref_slice %arg12[%dma_start3A_209, %dma_start3A_210] : memref<10008x128xf32, #tpu.memory_space<vmem_shared>> -> memref<10008x128xf32, #tpu.memory_space<vmem_shared>>
      tpu.enqueue_indirect_dma source(%arg10 : memref<128x128xf32, #tpu.memory_space<vmem>>) target(%dma_start3A_211 : memref<10008x128xf32, #tpu.memory_space<vmem_shared>>) offsets(%dma_start3A_208 : memref<128xi32, #tpu.memory_space<vmem>>) semaphore(%arg15 : memref<!tpu.dma_semaphore, #tpu.memory_space<semaphore_mem>>) {add = true}
      %dma_wait3A_212 = arith.constant 4 : i32
      %dma_wait3A_213 = arith.constant 0 : i32
      %dma_wait3A_214 = tpu.memref_slice %arg8[%dma_wait3A_212, %dma_wait3A_213] : memref<8x128xi32, #tpu.memory_space<vmem>> -> memref<1x128xi32, #tpu.memory_space<vmem>>
      %dma_wait3A_215 = tpu.memref_squeeze %dma_wait3A_214 : memref<1x128xi32, #tpu.memory_space<vmem>> -> memref<128xi32, #tpu.memory_space<vmem>>
      %dma_wait3A_216 = arith.constant 0 : i32
      %dma_wait3A_217 = arith.constant 0 : i32
      %dma_wait3A_218 = tpu.memref_slice %arg12[%dma_wait3A_216, %dma_wait3A_217] : memref<10008x128xf32, #tpu.memory_space<vmem_shared>> -> memref<10008x128xf32, #tpu.memory_space<vmem_shared>>
      tpu.wait_indirect_dma semaphore(%arg16 : memref<!tpu.dma_semaphore, #tpu.memory_space<semaphore_mem>>) src(%arg11 : memref<128x128xf32, #tpu.memory_space<vmem>>) dst(%dma_wait3A_218 : memref<10008x128xf32, #tpu.memory_space<vmem_shared>>)
      %dma_start3A_219 = arith.constant 5 : i32
      %dma_start3A_220 = arith.constant 0 : i32
      %dma_start3A_221 = tpu.memref_slice %arg6[%dma_start3A_219, %dma_start3A_220] : memref<8x128xi32, #tpu.memory_space<vmem>> -> memref<1x128xi32, #tpu.memory_space<vmem>>
      %dma_start3A_222 = tpu.memref_squeeze %dma_start3A_221 : memref<1x128xi32, #tpu.memory_space<vmem>> -> memref<128xi32, #tpu.memory_space<vmem>>
      %dma_start3A_223 = arith.constant 0 : i32
      %dma_start3A_224 = arith.constant 0 : i32
      %dma_start3A_225 = tpu.memref_slice %arg2[%arg0, %dma_start3A_223, %dma_start3A_224] : memref<2x10000x128xf32, #tpu.memory_space<hbm>> -> memref<1x10000x128xf32, #tpu.memory_space<hbm>>
      %dma_start3A_226 = tpu.memref_squeeze %dma_start3A_225 : memref<1x10000x128xf32, #tpu.memory_space<hbm>> -> memref<10000x128xf32, #tpu.memory_space<hbm>>
      %dma_start3A_227 = arith.constant 0 : i32
      %dma_start3A_228 = arith.constant 0 : i32
      %dma_start3A_229 = tpu.memref_slice %dma_start3A_226[%dma_start3A_227, %dma_start3A_228] : memref<10000x128xf32, #tpu.memory_space<hbm>> -> memref<10000x128xf32, #tpu.memory_space<hbm>>
      tpu.enqueue_indirect_dma source(%dma_start3A_229 : memref<10000x128xf32, #tpu.memory_space<hbm>>) target(%arg11 : memref<128x128xf32, #tpu.memory_space<vmem>>) offsets(%dma_start3A_222 : memref<128xi32, #tpu.memory_space<vmem>>) semaphore(%arg14 : memref<!tpu.dma_semaphore, #tpu.memory_space<semaphore_mem>>)
      %dma_wait3A_230 = arith.constant 5 : i32
      %dma_wait3A_231 = arith.constant 0 : i32
      %dma_wait3A_232 = tpu.memref_slice %arg6[%dma_wait3A_230, %dma_wait3A_231] : memref<8x128xi32, #tpu.memory_space<vmem>> -> memref<1x128xi32, #tpu.memory_space<vmem>>
      %dma_wait3A_233 = tpu.memref_squeeze %dma_wait3A_232 : memref<1x128xi32, #tpu.memory_space<vmem>> -> memref<128xi32, #tpu.memory_space<vmem>>
      %dma_wait3A_234 = arith.constant 0 : i32
      %dma_wait3A_235 = arith.constant 0 : i32
      %dma_wait3A_236 = tpu.memref_slice %arg2[%arg0, %dma_wait3A_234, %dma_wait3A_235] : memref<2x10000x128xf32, #tpu.memory_space<hbm>> -> memref<1x10000x128xf32, #tpu.memory_space<hbm>>
      %dma_wait3A_237 = tpu.memref_squeeze %dma_wait3A_236 : memref<1x10000x128xf32, #tpu.memory_space<hbm>> -> memref<10000x128xf32, #tpu.memory_space<hbm>>
      %dma_wait3A_238 = arith.constant 0 : i32
      %dma_wait3A_239 = arith.constant 0 : i32
      %dma_wait3A_240 = tpu.memref_slice %dma_wait3A_237[%dma_wait3A_238, %dma_wait3A_239] : memref<10000x128xf32, #tpu.memory_space<hbm>> -> memref<10000x128xf32, #tpu.memory_space<hbm>>
      tpu.wait_indirect_dma semaphore(%arg14 : memref<!tpu.dma_semaphore, #tpu.memory_space<semaphore_mem>>) src(%dma_wait3A_240 : memref<10000x128xf32, #tpu.memory_space<hbm>>) dst(%arg11 : memref<128x128xf32, #tpu.memory_space<vmem>>)
      %dma_start3A_241 = arith.constant 5 : i32
      %dma_start3A_242 = arith.constant 0 : i32
      %dma_start3A_243 = tpu.memref_slice %arg8[%dma_start3A_241, %dma_start3A_242] : memref<8x128xi32, #tpu.memory_space<vmem>> -> memref<1x128xi32, #tpu.memory_space<vmem>>
      %dma_start3A_244 = tpu.memref_squeeze %dma_start3A_243 : memref<1x128xi32, #tpu.memory_space<vmem>> -> memref<128xi32, #tpu.memory_space<vmem>>
      %dma_start3A_245 = arith.constant 0 : i32
      %dma_start3A_246 = arith.constant 0 : i32
      %dma_start3A_247 = tpu.memref_slice %arg12[%dma_start3A_245, %dma_start3A_246] : memref<10008x128xf32, #tpu.memory_space<vmem_shared>> -> memref<10008x128xf32, #tpu.memory_space<vmem_shared>>
      tpu.enqueue_indirect_dma source(%arg11 : memref<128x128xf32, #tpu.memory_space<vmem>>) target(%dma_start3A_247 : memref<10008x128xf32, #tpu.memory_space<vmem_shared>>) offsets(%dma_start3A_244 : memref<128xi32, #tpu.memory_space<vmem>>) semaphore(%arg16 : memref<!tpu.dma_semaphore, #tpu.memory_space<semaphore_mem>>) {add = true}
      %dma_wait3A_248 = arith.constant 5 : i32
      %dma_wait3A_249 = arith.constant 0 : i32
      %dma_wait3A_250 = tpu.memref_slice %arg8[%dma_wait3A_248, %dma_wait3A_249] : memref<8x128xi32, #tpu.memory_space<vmem>> -> memref<1x128xi32, #tpu.memory_space<vmem>>
      %dma_wait3A_251 = tpu.memref_squeeze %dma_wait3A_250 : memref<1x128xi32, #tpu.memory_space<vmem>> -> memref<128xi32, #tpu.memory_space<vmem>>
      %dma_wait3A_252 = arith.constant 0 : i32
      %dma_wait3A_253 = arith.constant 0 : i32
      %dma_wait3A_254 = tpu.memref_slice %arg12[%dma_wait3A_252, %dma_wait3A_253] : memref<10008x128xf32, #tpu.memory_space<vmem_shared>> -> memref<10008x128xf32, #tpu.memory_space<vmem_shared>>
      tpu.wait_indirect_dma semaphore(%arg15 : memref<!tpu.dma_semaphore, #tpu.memory_space<semaphore_mem>>) src(%arg10 : memref<128x128xf32, #tpu.memory_space<vmem>>) dst(%dma_wait3A_254 : memref<10008x128xf32, #tpu.memory_space<vmem_shared>>)
      %dma_start3A_255 = arith.constant 6 : i32
      %dma_start3A_256 = arith.constant 0 : i32
      %dma_start3A_257 = tpu.memref_slice %arg6[%dma_start3A_255, %dma_start3A_256] : memref<8x128xi32, #tpu.memory_space<vmem>> -> memref<1x128xi32, #tpu.memory_space<vmem>>
      %dma_start3A_258 = tpu.memref_squeeze %dma_start3A_257 : memref<1x128xi32, #tpu.memory_space<vmem>> -> memref<128xi32, #tpu.memory_space<vmem>>
      %dma_start3A_259 = arith.constant 0 : i32
      %dma_start3A_260 = arith.constant 0 : i32
      %dma_start3A_261 = tpu.memref_slice %arg2[%arg0, %dma_start3A_259, %dma_start3A_260] : memref<2x10000x128xf32, #tpu.memory_space<hbm>> -> memref<1x10000x128xf32, #tpu.memory_space<hbm>>
      %dma_start3A_262 = tpu.memref_squeeze %dma_start3A_261 : memref<1x10000x128xf32, #tpu.memory_space<hbm>> -> memref<10000x128xf32, #tpu.memory_space<hbm>>
      %dma_start3A_263 = arith.constant 0 : i32
      %dma_start3A_264 = arith.constant 0 : i32
      %dma_start3A_265 = tpu.memref_slice %dma_start3A_262[%dma_start3A_263, %dma_start3A_264] : memref<10000x128xf32, #tpu.memory_space<hbm>> -> memref<10000x128xf32, #tpu.memory_space<hbm>>
      tpu.enqueue_indirect_dma source(%dma_start3A_265 : memref<10000x128xf32, #tpu.memory_space<hbm>>) target(%arg10 : memref<128x128xf32, #tpu.memory_space<vmem>>) offsets(%dma_start3A_258 : memref<128xi32, #tpu.memory_space<vmem>>) semaphore(%arg13 : memref<!tpu.dma_semaphore, #tpu.memory_space<semaphore_mem>>)
      %dma_wait3A_266 = arith.constant 6 : i32
      %dma_wait3A_267 = arith.constant 0 : i32
      %dma_wait3A_268 = tpu.memref_slice %arg6[%dma_wait3A_266, %dma_wait3A_267] : memref<8x128xi32, #tpu.memory_space<vmem>> -> memref<1x128xi32, #tpu.memory_space<vmem>>
      %dma_wait3A_269 = tpu.memref_squeeze %dma_wait3A_268 : memref<1x128xi32, #tpu.memory_space<vmem>> -> memref<128xi32, #tpu.memory_space<vmem>>
      %dma_wait3A_270 = arith.constant 0 : i32
      %dma_wait3A_271 = arith.constant 0 : i32
      %dma_wait3A_272 = tpu.memref_slice %arg2[%arg0, %dma_wait3A_270, %dma_wait3A_271] : memref<2x10000x128xf32, #tpu.memory_space<hbm>> -> memref<1x10000x128xf32, #tpu.memory_space<hbm>>
      %dma_wait3A_273 = tpu.memref_squeeze %dma_wait3A_272 : memref<1x10000x128xf32, #tpu.memory_space<hbm>> -> memref<10000x128xf32, #tpu.memory_space<hbm>>
      %dma_wait3A_274 = arith.constant 0 : i32
      %dma_wait3A_275 = arith.constant 0 : i32
      %dma_wait3A_276 = tpu.memref_slice %dma_wait3A_273[%dma_wait3A_274, %dma_wait3A_275] : memref<10000x128xf32, #tpu.memory_space<hbm>> -> memref<10000x128xf32, #tpu.memory_space<hbm>>
      tpu.wait_indirect_dma semaphore(%arg13 : memref<!tpu.dma_semaphore, #tpu.memory_space<semaphore_mem>>) src(%dma_wait3A_276 : memref<10000x128xf32, #tpu.memory_space<hbm>>) dst(%arg10 : memref<128x128xf32, #tpu.memory_space<vmem>>)
      %dma_start3A_277 = arith.constant 6 : i32
      %dma_start3A_278 = arith.constant 0 : i32
      %dma_start3A_279 = tpu.memref_slice %arg8[%dma_start3A_277, %dma_start3A_278] : memref<8x128xi32, #tpu.memory_space<vmem>> -> memref<1x128xi32, #tpu.memory_space<vmem>>
      %dma_start3A_280 = tpu.memref_squeeze %dma_start3A_279 : memref<1x128xi32, #tpu.memory_space<vmem>> -> memref<128xi32, #tpu.memory_space<vmem>>
      %dma_start3A_281 = arith.constant 0 : i32
      %dma_start3A_282 = arith.constant 0 : i32
      %dma_start3A_283 = tpu.memref_slice %arg12[%dma_start3A_281, %dma_start3A_282] : memref<10008x128xf32, #tpu.memory_space<vmem_shared>> -> memref<10008x128xf32, #tpu.memory_space<vmem_shared>>
      tpu.enqueue_indirect_dma source(%arg10 : memref<128x128xf32, #tpu.memory_space<vmem>>) target(%dma_start3A_283 : memref<10008x128xf32, #tpu.memory_space<vmem_shared>>) offsets(%dma_start3A_280 : memref<128xi32, #tpu.memory_space<vmem>>) semaphore(%arg15 : memref<!tpu.dma_semaphore, #tpu.memory_space<semaphore_mem>>) {add = true}
      %dma_wait3A_284 = arith.constant 6 : i32
      %dma_wait3A_285 = arith.constant 0 : i32
      %dma_wait3A_286 = tpu.memref_slice %arg8[%dma_wait3A_284, %dma_wait3A_285] : memref<8x128xi32, #tpu.memory_space<vmem>> -> memref<1x128xi32, #tpu.memory_space<vmem>>
      %dma_wait3A_287 = tpu.memref_squeeze %dma_wait3A_286 : memref<1x128xi32, #tpu.memory_space<vmem>> -> memref<128xi32, #tpu.memory_space<vmem>>
      %dma_wait3A_288 = arith.constant 0 : i32
      %dma_wait3A_289 = arith.constant 0 : i32
      %dma_wait3A_290 = tpu.memref_slice %arg12[%dma_wait3A_288, %dma_wait3A_289] : memref<10008x128xf32, #tpu.memory_space<vmem_shared>> -> memref<10008x128xf32, #tpu.memory_space<vmem_shared>>
      tpu.wait_indirect_dma semaphore(%arg16 : memref<!tpu.dma_semaphore, #tpu.memory_space<semaphore_mem>>) src(%arg11 : memref<128x128xf32, #tpu.memory_space<vmem>>) dst(%dma_wait3A_290 : memref<10008x128xf32, #tpu.memory_space<vmem_shared>>)
      %dma_start3A_291 = arith.constant 7 : i32
      %dma_start3A_292 = arith.constant 0 : i32
      %dma_start3A_293 = tpu.memref_slice %arg6[%dma_start3A_291, %dma_start3A_292] : memref<8x128xi32, #tpu.memory_space<vmem>> -> memref<1x128xi32, #tpu.memory_space<vmem>>
      %dma_start3A_294 = tpu.memref_squeeze %dma_start3A_293 : memref<1x128xi32, #tpu.memory_space<vmem>> -> memref<128xi32, #tpu.memory_space<vmem>>
      %dma_start3A_295 = arith.constant 0 : i32
      %dma_start3A_296 = arith.constant 0 : i32
      %dma_start3A_297 = tpu.memref_slice %arg2[%arg0, %dma_start3A_295, %dma_start3A_296] : memref<2x10000x128xf32, #tpu.memory_space<hbm>> -> memref<1x10000x128xf32, #tpu.memory_space<hbm>>
      %dma_start3A_298 = tpu.memref_squeeze %dma_start3A_297 : memref<1x10000x128xf32, #tpu.memory_space<hbm>> -> memref<10000x128xf32, #tpu.memory_space<hbm>>
      %dma_start3A_299 = arith.constant 0 : i32
      %dma_start3A_300 = arith.constant 0 : i32
      %dma_start3A_301 = tpu.memref_slice %dma_start3A_298[%dma_start3A_299, %dma_start3A_300] : memref<10000x128xf32, #tpu.memory_space<hbm>> -> memref<10000x128xf32, #tpu.memory_space<hbm>>
      tpu.enqueue_indirect_dma source(%dma_start3A_301 : memref<10000x128xf32, #tpu.memory_space<hbm>>) target(%arg11 : memref<128x128xf32, #tpu.memory_space<vmem>>) offsets(%dma_start3A_294 : memref<128xi32, #tpu.memory_space<vmem>>) semaphore(%arg14 : memref<!tpu.dma_semaphore, #tpu.memory_space<semaphore_mem>>)
      %dma_wait3A_302 = arith.constant 7 : i32
      %dma_wait3A_303 = arith.constant 0 : i32
      %dma_wait3A_304 = tpu.memref_slice %arg6[%dma_wait3A_302, %dma_wait3A_303] : memref<8x128xi32, #tpu.memory_space<vmem>> -> memref<1x128xi32, #tpu.memory_space<vmem>>
      %dma_wait3A_305 = tpu.memref_squeeze %dma_wait3A_304 : memref<1x128xi32, #tpu.memory_space<vmem>> -> memref<128xi32, #tpu.memory_space<vmem>>
      %dma_wait3A_306 = arith.constant 0 : i32
      %dma_wait3A_307 = arith.constant 0 : i32
      %dma_wait3A_308 = tpu.memref_slice %arg2[%arg0, %dma_wait3A_306, %dma_wait3A_307] : memref<2x10000x128xf32, #tpu.memory_space<hbm>> -> memref<1x10000x128xf32, #tpu.memory_space<hbm>>
      %dma_wait3A_309 = tpu.memref_squeeze %dma_wait3A_308 : memref<1x10000x128xf32, #tpu.memory_space<hbm>> -> memref<10000x128xf32, #tpu.memory_space<hbm>>
      %dma_wait3A_310 = arith.constant 0 : i32
      %dma_wait3A_311 = arith.constant 0 : i32
      %dma_wait3A_312 = tpu.memref_slice %dma_wait3A_309[%dma_wait3A_310, %dma_wait3A_311] : memref<10000x128xf32, #tpu.memory_space<hbm>> -> memref<10000x128xf32, #tpu.memory_space<hbm>>
      tpu.wait_indirect_dma semaphore(%arg14 : memref<!tpu.dma_semaphore, #tpu.memory_space<semaphore_mem>>) src(%dma_wait3A_312 : memref<10000x128xf32, #tpu.memory_space<hbm>>) dst(%arg11 : memref<128x128xf32, #tpu.memory_space<vmem>>)
      %dma_start3A_313 = arith.constant 7 : i32
      %dma_start3A_314 = arith.constant 0 : i32
      %dma_start3A_315 = tpu.memref_slice %arg8[%dma_start3A_313, %dma_start3A_314] : memref<8x128xi32, #tpu.memory_space<vmem>> -> memref<1x128xi32, #tpu.memory_space<vmem>>
      %dma_start3A_316 = tpu.memref_squeeze %dma_start3A_315 : memref<1x128xi32, #tpu.memory_space<vmem>> -> memref<128xi32, #tpu.memory_space<vmem>>
      %dma_start3A_317 = arith.constant 0 : i32
      %dma_start3A_318 = arith.constant 0 : i32
      %dma_start3A_319 = tpu.memref_slice %arg12[%dma_start3A_317, %dma_start3A_318] : memref<10008x128xf32, #tpu.memory_space<vmem_shared>> -> memref<10008x128xf32, #tpu.memory_space<vmem_shared>>
      tpu.enqueue_indirect_dma source(%arg11 : memref<128x128xf32, #tpu.memory_space<vmem>>) target(%dma_start3A_319 : memref<10008x128xf32, #tpu.memory_space<vmem_shared>>) offsets(%dma_start3A_316 : memref<128xi32, #tpu.memory_space<vmem>>) semaphore(%arg16 : memref<!tpu.dma_semaphore, #tpu.memory_space<semaphore_mem>>) {add = true}
      %dma_wait3A_320 = arith.constant 7 : i32
      %dma_wait3A_321 = arith.constant 0 : i32
      %dma_wait3A_322 = tpu.memref_slice %arg8[%dma_wait3A_320, %dma_wait3A_321] : memref<8x128xi32, #tpu.memory_space<vmem>> -> memref<1x128xi32, #tpu.memory_space<vmem>>
      %dma_wait3A_323 = tpu.memref_squeeze %dma_wait3A_322 : memref<1x128xi32, #tpu.memory_space<vmem>> -> memref<128xi32, #tpu.memory_space<vmem>>
      %dma_wait3A_324 = arith.constant 0 : i32
      %dma_wait3A_325 = arith.constant 0 : i32
      %dma_wait3A_326 = tpu.memref_slice %arg12[%dma_wait3A_324, %dma_wait3A_325] : memref<10008x128xf32, #tpu.memory_space<vmem_shared>> -> memref<10008x128xf32, #tpu.memory_space<vmem_shared>>
      tpu.wait_indirect_dma semaphore(%arg15 : memref<!tpu.dma_semaphore, #tpu.memory_space<semaphore_mem>>) src(%arg10 : memref<128x128xf32, #tpu.memory_space<vmem>>) dst(%dma_wait3A_326 : memref<10008x128xf32, #tpu.memory_space<vmem_shared>>)
      %lt3A_327 = arith.constant 9 : i32
      %lt3A_328 = arith.cmpi slt, %mul3A_48, %lt3A_327 : i32
      %convert_element_type3A_329 = arith.extui %lt3A_328 : i1 to i32
      %cond3A_330 = arith.constant 0 : i32
      %cond3A_331 = arith.cmpi ne, %convert_element_type3A_329, %cond3A_330 : i32
      scf.if %cond3A_331 {
        %add3A_621 = arith.constant 1 : i32
        %add3A_622 = arith.addi %mul3A_48, %add3A_621 : i32
        %mul3A_623 = arith.constant 8 : i32
        %mul3A_624 = arith.muli %add3A_622, %mul3A_623 : i32
        %dma_wait3A_625 = arith.constant 0 : i32
        %dma_wait3A_626 = tpu.memref_slice %arg3[%arg0, %arg1, %mul3A_624, %dma_wait3A_625] : memref<2x16x80x128xi32, #tpu.memory_space<hbm>> -> memref<1x1x8x128xi32, #tpu.memory_space<hbm>>
        %dma_wait3A_627 = tpu.memref_squeeze %dma_wait3A_626 : memref<1x1x8x128xi32, #tpu.memory_space<hbm>> -> memref<8x128xi32, #tpu.memory_space<hbm>>
        %dma_wait3A_628 = arith.constant 0 : i32
        %dma_wait3A_629 = tpu.memref_slice %arg3[%arg0, %arg1, %mul3A_624, %dma_wait3A_628] : memref<2x16x80x128xi32, #tpu.memory_space<hbm>> -> memref<1x1x8x128xi32, #tpu.memory_space<hbm>>
        %dma_wait3A_630 = tpu.memref_squeeze %dma_wait3A_629 : memref<1x1x8x128xi32, #tpu.memory_space<hbm>> -> memref<8x128xi32, #tpu.memory_space<hbm>>
        tpu.wait_dma2 semaphore(%arg17 : memref<!tpu.dma_semaphore, #tpu.memory_space<semaphore_mem>>) src(%dma_wait3A_630 : memref<8x128xi32, #tpu.memory_space<hbm>>) dst(%arg7 : memref<8x128xi32, #tpu.memory_space<vmem>>)
        %dma_wait3A_631 = arith.constant 0 : i32
        %dma_wait3A_632 = tpu.memref_slice %arg4[%arg0, %arg1, %mul3A_624, %dma_wait3A_631] : memref<2x16x80x128xi32, #tpu.memory_space<hbm>> -> memref<1x1x8x128xi32, #tpu.memory_space<hbm>>
        %dma_wait3A_633 = tpu.memref_squeeze %dma_wait3A_632 : memref<1x1x8x128xi32, #tpu.memory_space<hbm>> -> memref<8x128xi32, #tpu.memory_space<hbm>>
        %dma_wait3A_634 = arith.constant 0 : i32
        %dma_wait3A_635 = tpu.memref_slice %arg4[%arg0, %arg1, %mul3A_624, %dma_wait3A_634] : memref<2x16x80x128xi32, #tpu.memory_space<hbm>> -> memref<1x1x8x128xi32, #tpu.memory_space<hbm>>
        %dma_wait3A_636 = tpu.memref_squeeze %dma_wait3A_635 : memref<1x1x8x128xi32, #tpu.memory_space<hbm>> -> memref<8x128xi32, #tpu.memory_space<hbm>>
        tpu.wait_dma2 semaphore(%arg17 : memref<!tpu.dma_semaphore, #tpu.memory_space<semaphore_mem>>) src(%dma_wait3A_636 : memref<8x128xi32, #tpu.memory_space<hbm>>) dst(%arg9 : memref<8x128xi32, #tpu.memory_space<vmem>>)
        %dma_start3A_637 = arith.constant 0 : i32
        %dma_start3A_638 = arith.constant 0 : i32
        %dma_start3A_639 = tpu.memref_slice %arg7[%dma_start3A_637, %dma_start3A_638] : memref<8x128xi32, #tpu.memory_space<vmem>> -> memref<1x128xi32, #tpu.memory_space<vmem>>
        %dma_start3A_640 = tpu.memref_squeeze %dma_start3A_639 : memref<1x128xi32, #tpu.memory_space<vmem>> -> memref<128xi32, #tpu.memory_space<vmem>>
        %dma_start3A_641 = arith.constant 0 : i32
        %dma_start3A_642 = arith.constant 0 : i32
        %dma_start3A_643 = tpu.memref_slice %arg2[%arg0, %dma_start3A_641, %dma_start3A_642] : memref<2x10000x128xf32, #tpu.memory_space<hbm>> -> memref<1x10000x128xf32, #tpu.memory_space<hbm>>
        %dma_start3A_644 = tpu.memref_squeeze %dma_start3A_643 : memref<1x10000x128xf32, #tpu.memory_space<hbm>> -> memref<10000x128xf32, #tpu.memory_space<hbm>>
        %dma_start3A_645 = arith.constant 0 : i32
        %dma_start3A_646 = arith.constant 0 : i32
        %dma_start3A_647 = tpu.memref_slice %dma_start3A_644[%dma_start3A_645, %dma_start3A_646] : memref<10000x128xf32, #tpu.memory_space<hbm>> -> memref<10000x128xf32, #tpu.memory_space<hbm>>
        tpu.enqueue_indirect_dma source(%dma_start3A_647 : memref<10000x128xf32, #tpu.memory_space<hbm>>) target(%arg10 : memref<128x128xf32, #tpu.memory_space<vmem>>) offsets(%dma_start3A_640 : memref<128xi32, #tpu.memory_space<vmem>>) semaphore(%arg13 : memref<!tpu.dma_semaphore, #tpu.memory_space<semaphore_mem>>)
      } else {
      }
      %mul3A_332 = arith.constant 2 : i32
      %mul3A_333 = arith.muli %add3A_46, %mul3A_332 : i32
      %add3A_334 = arith.constant 1 : i32
      %add3A_335 = arith.addi %mul3A_333, %add3A_334 : i32
      %lt3A_336 = arith.constant 9 : i32
      %lt3A_337 = arith.cmpi slt, %add3A_335, %lt3A_336 : i32
      %convert_element_type3A_338 = arith.extui %lt3A_337 : i1 to i32
      %cond3A_339 = arith.constant 0 : i32
      %cond3A_340 = arith.cmpi ne, %convert_element_type3A_338, %cond3A_339 : i32
      scf.if %cond3A_340 {
        %add3A_621 = arith.constant 1 : i32
        %add3A_622 = arith.addi %add3A_335, %add3A_621 : i32
        %mul3A_623 = arith.constant 8 : i32
        %mul3A_624 = arith.muli %add3A_622, %mul3A_623 : i32
        %dma_start3A_625 = arith.constant 0 : i32
        %dma_start3A_626 = tpu.memref_slice %arg3[%arg0, %arg1, %mul3A_624, %dma_start3A_625] : memref<2x16x80x128xi32, #tpu.memory_space<hbm>> -> memref<1x1x8x128xi32, #tpu.memory_space<hbm>>
        %dma_start3A_627 = tpu.memref_squeeze %dma_start3A_626 : memref<1x1x8x128xi32, #tpu.memory_space<hbm>> -> memref<8x128xi32, #tpu.memory_space<hbm>>
        %dma_start3A_628 = arith.constant 0 : i32
        %dma_start3A_629 = tpu.memref_slice %arg3[%arg0, %arg1, %mul3A_624, %dma_start3A_628] : memref<2x16x80x128xi32, #tpu.memory_space<hbm>> -> memref<1x1x8x128xi32, #tpu.memory_space<hbm>>
        %dma_start3A_630 = tpu.memref_squeeze %dma_start3A_629 : memref<1x1x8x128xi32, #tpu.memory_space<hbm>> -> memref<8x128xi32, #tpu.memory_space<hbm>>
        tpu.enqueue_dma source(%dma_start3A_630 : memref<8x128xi32, #tpu.memory_space<hbm>>) target(%arg6 : memref<8x128xi32, #tpu.memory_space<vmem>>) target_semaphore(%arg17 : memref<!tpu.dma_semaphore, #tpu.memory_space<semaphore_mem>>)
        %dma_start3A_631 = arith.constant 0 : i32
        %dma_start3A_632 = tpu.memref_slice %arg4[%arg0, %arg1, %mul3A_624, %dma_start3A_631] : memref<2x16x80x128xi32, #tpu.memory_space<hbm>> -> memref<1x1x8x128xi32, #tpu.memory_space<hbm>>
        %dma_start3A_633 = tpu.memref_squeeze %dma_start3A_632 : memref<1x1x8x128xi32, #tpu.memory_space<hbm>> -> memref<8x128xi32, #tpu.memory_space<hbm>>
        %dma_start3A_634 = arith.constant 0 : i32
        %dma_start3A_635 = tpu.memref_slice %arg4[%arg0, %arg1, %mul3A_624, %dma_start3A_634] : memref<2x16x80x128xi32, #tpu.memory_space<hbm>> -> memref<1x1x8x128xi32, #tpu.memory_space<hbm>>
        %dma_start3A_636 = tpu.memref_squeeze %dma_start3A_635 : memref<1x1x8x128xi32, #tpu.memory_space<hbm>> -> memref<8x128xi32, #tpu.memory_space<hbm>>
        tpu.enqueue_dma source(%dma_start3A_636 : memref<8x128xi32, #tpu.memory_space<hbm>>) target(%arg8 : memref<8x128xi32, #tpu.memory_space<vmem>>) target_semaphore(%arg17 : memref<!tpu.dma_semaphore, #tpu.memory_space<semaphore_mem>>)
      } else {
      }
      %dma_wait3A_341 = arith.constant 0 : i32
      %dma_wait3A_342 = arith.constant 0 : i32
      %dma_wait3A_343 = tpu.memref_slice %arg7[%dma_wait3A_341, %dma_wait3A_342] : memref<8x128xi32, #tpu.memory_space<vmem>> -> memref<1x128xi32, #tpu.memory_space<vmem>>
      %dma_wait3A_344 = tpu.memref_squeeze %dma_wait3A_343 : memref<1x128xi32, #tpu.memory_space<vmem>> -> memref<128xi32, #tpu.memory_space<vmem>>
      %dma_wait3A_345 = arith.constant 0 : i32
      %dma_wait3A_346 = arith.constant 0 : i32
      %dma_wait3A_347 = tpu.memref_slice %arg2[%arg0, %dma_wait3A_345, %dma_wait3A_346] : memref<2x10000x128xf32, #tpu.memory_space<hbm>> -> memref<1x10000x128xf32, #tpu.memory_space<hbm>>
      %dma_wait3A_348 = tpu.memref_squeeze %dma_wait3A_347 : memref<1x10000x128xf32, #tpu.memory_space<hbm>> -> memref<10000x128xf32, #tpu.memory_space<hbm>>
      %dma_wait3A_349 = arith.constant 0 : i32
      %dma_wait3A_350 = arith.constant 0 : i32
      %dma_wait3A_351 = tpu.memref_slice %dma_wait3A_348[%dma_wait3A_349, %dma_wait3A_350] : memref<10000x128xf32, #tpu.memory_space<hbm>> -> memref<10000x128xf32, #tpu.memory_space<hbm>>
      tpu.wait_indirect_dma semaphore(%arg13 : memref<!tpu.dma_semaphore, #tpu.memory_space<semaphore_mem>>) src(%dma_wait3A_351 : memref<10000x128xf32, #tpu.memory_space<hbm>>) dst(%arg10 : memref<128x128xf32, #tpu.memory_space<vmem>>)
      %dma_start3A_352 = arith.constant 0 : i32
      %dma_start3A_353 = arith.constant 0 : i32
      %dma_start3A_354 = tpu.memref_slice %arg9[%dma_start3A_352, %dma_start3A_353] : memref<8x128xi32, #tpu.memory_space<vmem>> -> memref<1x128xi32, #tpu.memory_space<vmem>>
      %dma_start3A_355 = tpu.memref_squeeze %dma_start3A_354 : memref<1x128xi32, #tpu.memory_space<vmem>> -> memref<128xi32, #tpu.memory_space<vmem>>
      %dma_start3A_356 = arith.constant 0 : i32
      %dma_start3A_357 = arith.constant 0 : i32
      %dma_start3A_358 = tpu.memref_slice %arg12[%dma_start3A_356, %dma_start3A_357] : memref<10008x128xf32, #tpu.memory_space<vmem_shared>> -> memref<10008x128xf32, #tpu.memory_space<vmem_shared>>
      tpu.enqueue_indirect_dma source(%arg10 : memref<128x128xf32, #tpu.memory_space<vmem>>) target(%dma_start3A_358 : memref<10008x128xf32, #tpu.memory_space<vmem_shared>>) offsets(%dma_start3A_355 : memref<128xi32, #tpu.memory_space<vmem>>) semaphore(%arg15 : memref<!tpu.dma_semaphore, #tpu.memory_space<semaphore_mem>>) {add = true}
      %gt3A_359 = arith.constant 0 : i32
      %gt3A_360 = arith.cmpi sgt, %add3A_335, %gt3A_359 : i32
      %convert_element_type3A_361 = arith.extui %gt3A_360 : i1 to i32
      %cond3A_362 = arith.constant 0 : i32
      %cond3A_363 = arith.cmpi ne, %convert_element_type3A_361, %cond3A_362 : i32
      scf.if %cond3A_363 {
        %dma_wait3A_621 = arith.constant 0 : i32
        %dma_wait3A_622 = arith.constant 0 : i32
        %dma_wait3A_623 = tpu.memref_slice %arg9[%dma_wait3A_621, %dma_wait3A_622] : memref<8x128xi32, #tpu.memory_space<vmem>> -> memref<1x128xi32, #tpu.memory_space<vmem>>
        %dma_wait3A_624 = tpu.memref_squeeze %dma_wait3A_623 : memref<1x128xi32, #tpu.memory_space<vmem>> -> memref<128xi32, #tpu.memory_space<vmem>>
        %dma_wait3A_625 = arith.constant 0 : i32
        %dma_wait3A_626 = arith.constant 0 : i32
        %dma_wait3A_627 = tpu.memref_slice %arg12[%dma_wait3A_625, %dma_wait3A_626] : memref<10008x128xf32, #tpu.memory_space<vmem_shared>> -> memref<10008x128xf32, #tpu.memory_space<vmem_shared>>
        tpu.wait_indirect_dma semaphore(%arg16 : memref<!tpu.dma_semaphore, #tpu.memory_space<semaphore_mem>>) src(%arg11 : memref<128x128xf32, #tpu.memory_space<vmem>>) dst(%dma_wait3A_627 : memref<10008x128xf32, #tpu.memory_space<vmem_shared>>)
      } else {
      }
      %dma_start3A_364 = arith.constant 1 : i32
      %dma_start3A_365 = arith.constant 0 : i32
      %dma_start3A_366 = tpu.memref_slice %arg7[%dma_start3A_364, %dma_start3A_365] : memref<8x128xi32, #tpu.memory_space<vmem>> -> memref<1x128xi32, #tpu.memory_space<vmem>>
      %dma_start3A_367 = tpu.memref_squeeze %dma_start3A_366 : memref<1x128xi32, #tpu.memory_space<vmem>> -> memref<128xi32, #tpu.memory_space<vmem>>
      %dma_start3A_368 = arith.constant 0 : i32
      %dma_start3A_369 = arith.constant 0 : i32
      %dma_start3A_370 = tpu.memref_slice %arg2[%arg0, %dma_start3A_368, %dma_start3A_369] : memref<2x10000x128xf32, #tpu.memory_space<hbm>> -> memref<1x10000x128xf32, #tpu.memory_space<hbm>>
      %dma_start3A_371 = tpu.memref_squeeze %dma_start3A_370 : memref<1x10000x128xf32, #tpu.memory_space<hbm>> -> memref<10000x128xf32, #tpu.memory_space<hbm>>
      %dma_start3A_372 = arith.constant 0 : i32
      %dma_start3A_373 = arith.constant 0 : i32
      %dma_start3A_374 = tpu.memref_slice %dma_start3A_371[%dma_start3A_372, %dma_start3A_373] : memref<10000x128xf32, #tpu.memory_space<hbm>> -> memref<10000x128xf32, #tpu.memory_space<hbm>>
      tpu.enqueue_indirect_dma source(%dma_start3A_374 : memref<10000x128xf32, #tpu.memory_space<hbm>>) target(%arg11 : memref<128x128xf32, #tpu.memory_space<vmem>>) offsets(%dma_start3A_367 : memref<128xi32, #tpu.memory_space<vmem>>) semaphore(%arg14 : memref<!tpu.dma_semaphore, #tpu.memory_space<semaphore_mem>>)
      %dma_wait3A_375 = arith.constant 1 : i32
      %dma_wait3A_376 = arith.constant 0 : i32
      %dma_wait3A_377 = tpu.memref_slice %arg7[%dma_wait3A_375, %dma_wait3A_376] : memref<8x128xi32, #tpu.memory_space<vmem>> -> memref<1x128xi32, #tpu.memory_space<vmem>>
      %dma_wait3A_378 = tpu.memref_squeeze %dma_wait3A_377 : memref<1x128xi32, #tpu.memory_space<vmem>> -> memref<128xi32, #tpu.memory_space<vmem>>
      %dma_wait3A_379 = arith.constant 0 : i32
      %dma_wait3A_380 = arith.constant 0 : i32
      %dma_wait3A_381 = tpu.memref_slice %arg2[%arg0, %dma_wait3A_379, %dma_wait3A_380] : memref<2x10000x128xf32, #tpu.memory_space<hbm>> -> memref<1x10000x128xf32, #tpu.memory_space<hbm>>
      %dma_wait3A_382 = tpu.memref_squeeze %dma_wait3A_381 : memref<1x10000x128xf32, #tpu.memory_space<hbm>> -> memref<10000x128xf32, #tpu.memory_space<hbm>>
      %dma_wait3A_383 = arith.constant 0 : i32
      %dma_wait3A_384 = arith.constant 0 : i32
      %dma_wait3A_385 = tpu.memref_slice %dma_wait3A_382[%dma_wait3A_383, %dma_wait3A_384] : memref<10000x128xf32, #tpu.memory_space<hbm>> -> memref<10000x128xf32, #tpu.memory_space<hbm>>
      tpu.wait_indirect_dma semaphore(%arg14 : memref<!tpu.dma_semaphore, #tpu.memory_space<semaphore_mem>>) src(%dma_wait3A_385 : memref<10000x128xf32, #tpu.memory_space<hbm>>) dst(%arg11 : memref<128x128xf32, #tpu.memory_space<vmem>>)
      %dma_start3A_386 = arith.constant 1 : i32
      %dma_start3A_387 = arith.constant 0 : i32
      %dma_start3A_388 = tpu.memref_slice %arg9[%dma_start3A_386, %dma_start3A_387] : memref<8x128xi32, #tpu.memory_space<vmem>> -> memref<1x128xi32, #tpu.memory_space<vmem>>
      %dma_start3A_389 = tpu.memref_squeeze %dma_start3A_388 : memref<1x128xi32, #tpu.memory_space<vmem>> -> memref<128xi32, #tpu.memory_space<vmem>>
      %dma_start3A_390 = arith.constant 0 : i32
      %dma_start3A_391 = arith.constant 0 : i32
      %dma_start3A_392 = tpu.memref_slice %arg12[%dma_start3A_390, %dma_start3A_391] : memref<10008x128xf32, #tpu.memory_space<vmem_shared>> -> memref<10008x128xf32, #tpu.memory_space<vmem_shared>>
      tpu.enqueue_indirect_dma source(%arg11 : memref<128x128xf32, #tpu.memory_space<vmem>>) target(%dma_start3A_392 : memref<10008x128xf32, #tpu.memory_space<vmem_shared>>) offsets(%dma_start3A_389 : memref<128xi32, #tpu.memory_space<vmem>>) semaphore(%arg16 : memref<!tpu.dma_semaphore, #tpu.memory_space<semaphore_mem>>) {add = true}
      %dma_wait3A_393 = arith.constant 1 : i32
      %dma_wait3A_394 = arith.constant 0 : i32
      %dma_wait3A_395 = tpu.memref_slice %arg9[%dma_wait3A_393, %dma_wait3A_394] : memref<8x128xi32, #tpu.memory_space<vmem>> -> memref<1x128xi32, #tpu.memory_space<vmem>>
      %dma_wait3A_396 = tpu.memref_squeeze %dma_wait3A_395 : memref<1x128xi32, #tpu.memory_space<vmem>> -> memref<128xi32, #tpu.memory_space<vmem>>
      %dma_wait3A_397 = arith.constant 0 : i32
      %dma_wait3A_398 = arith.constant 0 : i32
      %dma_wait3A_399 = tpu.memref_slice %arg12[%dma_wait3A_397, %dma_wait3A_398] : memref<10008x128xf32, #tpu.memory_space<vmem_shared>> -> memref<10008x128xf32, #tpu.memory_space<vmem_shared>>
      tpu.wait_indirect_dma semaphore(%arg15 : memref<!tpu.dma_semaphore, #tpu.memory_space<semaphore_mem>>) src(%arg10 : memref<128x128xf32, #tpu.memory_space<vmem>>) dst(%dma_wait3A_399 : memref<10008x128xf32, #tpu.memory_space<vmem_shared>>)
      %dma_start3A_400 = arith.constant 2 : i32
      %dma_start3A_401 = arith.constant 0 : i32
      %dma_start3A_402 = tpu.memref_slice %arg7[%dma_start3A_400, %dma_start3A_401] : memref<8x128xi32, #tpu.memory_space<vmem>> -> memref<1x128xi32, #tpu.memory_space<vmem>>
      %dma_start3A_403 = tpu.memref_squeeze %dma_start3A_402 : memref<1x128xi32, #tpu.memory_space<vmem>> -> memref<128xi32, #tpu.memory_space<vmem>>
      %dma_start3A_404 = arith.constant 0 : i32
      %dma_start3A_405 = arith.constant 0 : i32
      %dma_start3A_406 = tpu.memref_slice %arg2[%arg0, %dma_start3A_404, %dma_start3A_405] : memref<2x10000x128xf32, #tpu.memory_space<hbm>> -> memref<1x10000x128xf32, #tpu.memory_space<hbm>>
      %dma_start3A_407 = tpu.memref_squeeze %dma_start3A_406 : memref<1x10000x128xf32, #tpu.memory_space<hbm>> -> memref<10000x128xf32, #tpu.memory_space<hbm>>
      %dma_start3A_408 = arith.constant 0 : i32
      %dma_start3A_409 = arith.constant 0 : i32
      %dma_start3A_410 = tpu.memref_slice %dma_start3A_407[%dma_start3A_408, %dma_start3A_409] : memref<10000x128xf32, #tpu.memory_space<hbm>> -> memref<10000x128xf32, #tpu.memory_space<hbm>>
      tpu.enqueue_indirect_dma source(%dma_start3A_410 : memref<10000x128xf32, #tpu.memory_space<hbm>>) target(%arg10 : memref<128x128xf32, #tpu.memory_space<vmem>>) offsets(%dma_start3A_403 : memref<128xi32, #tpu.memory_space<vmem>>) semaphore(%arg13 : memref<!tpu.dma_semaphore, #tpu.memory_space<semaphore_mem>>)
      %dma_wait3A_411 = arith.constant 2 : i32
      %dma_wait3A_412 = arith.constant 0 : i32
      %dma_wait3A_413 = tpu.memref_slice %arg7[%dma_wait3A_411, %dma_wait3A_412] : memref<8x128xi32, #tpu.memory_space<vmem>> -> memref<1x128xi32, #tpu.memory_space<vmem>>
      %dma_wait3A_414 = tpu.memref_squeeze %dma_wait3A_413 : memref<1x128xi32, #tpu.memory_space<vmem>> -> memref<128xi32, #tpu.memory_space<vmem>>
      %dma_wait3A_415 = arith.constant 0 : i32
      %dma_wait3A_416 = arith.constant 0 : i32
      %dma_wait3A_417 = tpu.memref_slice %arg2[%arg0, %dma_wait3A_415, %dma_wait3A_416] : memref<2x10000x128xf32, #tpu.memory_space<hbm>> -> memref<1x10000x128xf32, #tpu.memory_space<hbm>>
      %dma_wait3A_418 = tpu.memref_squeeze %dma_wait3A_417 : memref<1x10000x128xf32, #tpu.memory_space<hbm>> -> memref<10000x128xf32, #tpu.memory_space<hbm>>
      %dma_wait3A_419 = arith.constant 0 : i32
      %dma_wait3A_420 = arith.constant 0 : i32
      %dma_wait3A_421 = tpu.memref_slice %dma_wait3A_418[%dma_wait3A_419, %dma_wait3A_420] : memref<10000x128xf32, #tpu.memory_space<hbm>> -> memref<10000x128xf32, #tpu.memory_space<hbm>>
      tpu.wait_indirect_dma semaphore(%arg13 : memref<!tpu.dma_semaphore, #tpu.memory_space<semaphore_mem>>) src(%dma_wait3A_421 : memref<10000x128xf32, #tpu.memory_space<hbm>>) dst(%arg10 : memref<128x128xf32, #tpu.memory_space<vmem>>)
      %dma_start3A_422 = arith.constant 2 : i32
      %dma_start3A_423 = arith.constant 0 : i32
      %dma_start3A_424 = tpu.memref_slice %arg9[%dma_start3A_422, %dma_start3A_423] : memref<8x128xi32, #tpu.memory_space<vmem>> -> memref<1x128xi32, #tpu.memory_space<vmem>>
      %dma_start3A_425 = tpu.memref_squeeze %dma_start3A_424 : memref<1x128xi32, #tpu.memory_space<vmem>> -> memref<128xi32, #tpu.memory_space<vmem>>
      %dma_start3A_426 = arith.constant 0 : i32
      %dma_start3A_427 = arith.constant 0 : i32
      %dma_start3A_428 = tpu.memref_slice %arg12[%dma_start3A_426, %dma_start3A_427] : memref<10008x128xf32, #tpu.memory_space<vmem_shared>> -> memref<10008x128xf32, #tpu.memory_space<vmem_shared>>
      tpu.enqueue_indirect_dma source(%arg10 : memref<128x128xf32, #tpu.memory_space<vmem>>) target(%dma_start3A_428 : memref<10008x128xf32, #tpu.memory_space<vmem_shared>>) offsets(%dma_start3A_425 : memref<128xi32, #tpu.memory_space<vmem>>) semaphore(%arg15 : memref<!tpu.dma_semaphore, #tpu.memory_space<semaphore_mem>>) {add = true}
      %dma_wait3A_429 = arith.constant 2 : i32
      %dma_wait3A_430 = arith.constant 0 : i32
      %dma_wait3A_431 = tpu.memref_slice %arg9[%dma_wait3A_429, %dma_wait3A_430] : memref<8x128xi32, #tpu.memory_space<vmem>> -> memref<1x128xi32, #tpu.memory_space<vmem>>
      %dma_wait3A_432 = tpu.memref_squeeze %dma_wait3A_431 : memref<1x128xi32, #tpu.memory_space<vmem>> -> memref<128xi32, #tpu.memory_space<vmem>>
      %dma_wait3A_433 = arith.constant 0 : i32
      %dma_wait3A_434 = arith.constant 0 : i32
      %dma_wait3A_435 = tpu.memref_slice %arg12[%dma_wait3A_433, %dma_wait3A_434] : memref<10008x128xf32, #tpu.memory_space<vmem_shared>> -> memref<10008x128xf32, #tpu.memory_space<vmem_shared>>
      tpu.wait_indirect_dma semaphore(%arg16 : memref<!tpu.dma_semaphore, #tpu.memory_space<semaphore_mem>>) src(%arg11 : memref<128x128xf32, #tpu.memory_space<vmem>>) dst(%dma_wait3A_435 : memref<10008x128xf32, #tpu.memory_space<vmem_shared>>)
      %dma_start3A_436 = arith.constant 3 : i32
      %dma_start3A_437 = arith.constant 0 : i32
      %dma_start3A_438 = tpu.memref_slice %arg7[%dma_start3A_436, %dma_start3A_437] : memref<8x128xi32, #tpu.memory_space<vmem>> -> memref<1x128xi32, #tpu.memory_space<vmem>>
      %dma_start3A_439 = tpu.memref_squeeze %dma_start3A_438 : memref<1x128xi32, #tpu.memory_space<vmem>> -> memref<128xi32, #tpu.memory_space<vmem>>
      %dma_start3A_440 = arith.constant 0 : i32
      %dma_start3A_441 = arith.constant 0 : i32
      %dma_start3A_442 = tpu.memref_slice %arg2[%arg0, %dma_start3A_440, %dma_start3A_441] : memref<2x10000x128xf32, #tpu.memory_space<hbm>> -> memref<1x10000x128xf32, #tpu.memory_space<hbm>>
      %dma_start3A_443 = tpu.memref_squeeze %dma_start3A_442 : memref<1x10000x128xf32, #tpu.memory_space<hbm>> -> memref<10000x128xf32, #tpu.memory_space<hbm>>
      %dma_start3A_444 = arith.constant 0 : i32
      %dma_start3A_445 = arith.constant 0 : i32
      %dma_start3A_446 = tpu.memref_slice %dma_start3A_443[%dma_start3A_444, %dma_start3A_445] : memref<10000x128xf32, #tpu.memory_space<hbm>> -> memref<10000x128xf32, #tpu.memory_space<hbm>>
      tpu.enqueue_indirect_dma source(%dma_start3A_446 : memref<10000x128xf32, #tpu.memory_space<hbm>>) target(%arg11 : memref<128x128xf32, #tpu.memory_space<vmem>>) offsets(%dma_start3A_439 : memref<128xi32, #tpu.memory_space<vmem>>) semaphore(%arg14 : memref<!tpu.dma_semaphore, #tpu.memory_space<semaphore_mem>>)
      %dma_wait3A_447 = arith.constant 3 : i32
      %dma_wait3A_448 = arith.constant 0 : i32
      %dma_wait3A_449 = tpu.memref_slice %arg7[%dma_wait3A_447, %dma_wait3A_448] : memref<8x128xi32, #tpu.memory_space<vmem>> -> memref<1x128xi32, #tpu.memory_space<vmem>>
      %dma_wait3A_450 = tpu.memref_squeeze %dma_wait3A_449 : memref<1x128xi32, #tpu.memory_space<vmem>> -> memref<128xi32, #tpu.memory_space<vmem>>
      %dma_wait3A_451 = arith.constant 0 : i32
      %dma_wait3A_452 = arith.constant 0 : i32
      %dma_wait3A_453 = tpu.memref_slice %arg2[%arg0, %dma_wait3A_451, %dma_wait3A_452] : memref<2x10000x128xf32, #tpu.memory_space<hbm>> -> memref<1x10000x128xf32, #tpu.memory_space<hbm>>
      %dma_wait3A_454 = tpu.memref_squeeze %dma_wait3A_453 : memref<1x10000x128xf32, #tpu.memory_space<hbm>> -> memref<10000x128xf32, #tpu.memory_space<hbm>>
      %dma_wait3A_455 = arith.constant 0 : i32
      %dma_wait3A_456 = arith.constant 0 : i32
      %dma_wait3A_457 = tpu.memref_slice %dma_wait3A_454[%dma_wait3A_455, %dma_wait3A_456] : memref<10000x128xf32, #tpu.memory_space<hbm>> -> memref<10000x128xf32, #tpu.memory_space<hbm>>
      tpu.wait_indirect_dma semaphore(%arg14 : memref<!tpu.dma_semaphore, #tpu.memory_space<semaphore_mem>>) src(%dma_wait3A_457 : memref<10000x128xf32, #tpu.memory_space<hbm>>) dst(%arg11 : memref<128x128xf32, #tpu.memory_space<vmem>>)
      %dma_start3A_458 = arith.constant 3 : i32
      %dma_start3A_459 = arith.constant 0 : i32
      %dma_start3A_460 = tpu.memref_slice %arg9[%dma_start3A_458, %dma_start3A_459] : memref<8x128xi32, #tpu.memory_space<vmem>> -> memref<1x128xi32, #tpu.memory_space<vmem>>
      %dma_start3A_461 = tpu.memref_squeeze %dma_start3A_460 : memref<1x128xi32, #tpu.memory_space<vmem>> -> memref<128xi32, #tpu.memory_space<vmem>>
      %dma_start3A_462 = arith.constant 0 : i32
      %dma_start3A_463 = arith.constant 0 : i32
      %dma_start3A_464 = tpu.memref_slice %arg12[%dma_start3A_462, %dma_start3A_463] : memref<10008x128xf32, #tpu.memory_space<vmem_shared>> -> memref<10008x128xf32, #tpu.memory_space<vmem_shared>>
      tpu.enqueue_indirect_dma source(%arg11 : memref<128x128xf32, #tpu.memory_space<vmem>>) target(%dma_start3A_464 : memref<10008x128xf32, #tpu.memory_space<vmem_shared>>) offsets(%dma_start3A_461 : memref<128xi32, #tpu.memory_space<vmem>>) semaphore(%arg16 : memref<!tpu.dma_semaphore, #tpu.memory_space<semaphore_mem>>) {add = true}
      %dma_wait3A_465 = arith.constant 3 : i32
      %dma_wait3A_466 = arith.constant 0 : i32
      %dma_wait3A_467 = tpu.memref_slice %arg9[%dma_wait3A_465, %dma_wait3A_466] : memref<8x128xi32, #tpu.memory_space<vmem>> -> memref<1x128xi32, #tpu.memory_space<vmem>>
      %dma_wait3A_468 = tpu.memref_squeeze %dma_wait3A_467 : memref<1x128xi32, #tpu.memory_space<vmem>> -> memref<128xi32, #tpu.memory_space<vmem>>
      %dma_wait3A_469 = arith.constant 0 : i32
      %dma_wait3A_470 = arith.constant 0 : i32
      %dma_wait3A_471 = tpu.memref_slice %arg12[%dma_wait3A_469, %dma_wait3A_470] : memref<10008x128xf32, #tpu.memory_space<vmem_shared>> -> memref<10008x128xf32, #tpu.memory_space<vmem_shared>>
      tpu.wait_indirect_dma semaphore(%arg15 : memref<!tpu.dma_semaphore, #tpu.memory_space<semaphore_mem>>) src(%arg10 : memref<128x128xf32, #tpu.memory_space<vmem>>) dst(%dma_wait3A_471 : memref<10008x128xf32, #tpu.memory_space<vmem_shared>>)
      %dma_start3A_472 = arith.constant 4 : i32
      %dma_start3A_473 = arith.constant 0 : i32
      %dma_start3A_474 = tpu.memref_slice %arg7[%dma_start3A_472, %dma_start3A_473] : memref<8x128xi32, #tpu.memory_space<vmem>> -> memref<1x128xi32, #tpu.memory_space<vmem>>
      %dma_start3A_475 = tpu.memref_squeeze %dma_start3A_474 : memref<1x128xi32, #tpu.memory_space<vmem>> -> memref<128xi32, #tpu.memory_space<vmem>>
      %dma_start3A_476 = arith.constant 0 : i32
      %dma_start3A_477 = arith.constant 0 : i32
      %dma_start3A_478 = tpu.memref_slice %arg2[%arg0, %dma_start3A_476, %dma_start3A_477] : memref<2x10000x128xf32, #tpu.memory_space<hbm>> -> memref<1x10000x128xf32, #tpu.memory_space<hbm>>
      %dma_start3A_479 = tpu.memref_squeeze %dma_start3A_478 : memref<1x10000x128xf32, #tpu.memory_space<hbm>> -> memref<10000x128xf32, #tpu.memory_space<hbm>>
      %dma_start3A_480 = arith.constant 0 : i32
      %dma_start3A_481 = arith.constant 0 : i32
      %dma_start3A_482 = tpu.memref_slice %dma_start3A_479[%dma_start3A_480, %dma_start3A_481] : memref<10000x128xf32, #tpu.memory_space<hbm>> -> memref<10000x128xf32, #tpu.memory_space<hbm>>
      tpu.enqueue_indirect_dma source(%dma_start3A_482 : memref<10000x128xf32, #tpu.memory_space<hbm>>) target(%arg10 : memref<128x128xf32, #tpu.memory_space<vmem>>) offsets(%dma_start3A_475 : memref<128xi32, #tpu.memory_space<vmem>>) semaphore(%arg13 : memref<!tpu.dma_semaphore, #tpu.memory_space<semaphore_mem>>)
      %dma_wait3A_483 = arith.constant 4 : i32
      %dma_wait3A_484 = arith.constant 0 : i32
      %dma_wait3A_485 = tpu.memref_slice %arg7[%dma_wait3A_483, %dma_wait3A_484] : memref<8x128xi32, #tpu.memory_space<vmem>> -> memref<1x128xi32, #tpu.memory_space<vmem>>
      %dma_wait3A_486 = tpu.memref_squeeze %dma_wait3A_485 : memref<1x128xi32, #tpu.memory_space<vmem>> -> memref<128xi32, #tpu.memory_space<vmem>>
      %dma_wait3A_487 = arith.constant 0 : i32
      %dma_wait3A_488 = arith.constant 0 : i32
      %dma_wait3A_489 = tpu.memref_slice %arg2[%arg0, %dma_wait3A_487, %dma_wait3A_488] : memref<2x10000x128xf32, #tpu.memory_space<hbm>> -> memref<1x10000x128xf32, #tpu.memory_space<hbm>>
      %dma_wait3A_490 = tpu.memref_squeeze %dma_wait3A_489 : memref<1x10000x128xf32, #tpu.memory_space<hbm>> -> memref<10000x128xf32, #tpu.memory_space<hbm>>
      %dma_wait3A_491 = arith.constant 0 : i32
      %dma_wait3A_492 = arith.constant 0 : i32
      %dma_wait3A_493 = tpu.memref_slice %dma_wait3A_490[%dma_wait3A_491, %dma_wait3A_492] : memref<10000x128xf32, #tpu.memory_space<hbm>> -> memref<10000x128xf32, #tpu.memory_space<hbm>>
      tpu.wait_indirect_dma semaphore(%arg13 : memref<!tpu.dma_semaphore, #tpu.memory_space<semaphore_mem>>) src(%dma_wait3A_493 : memref<10000x128xf32, #tpu.memory_space<hbm>>) dst(%arg10 : memref<128x128xf32, #tpu.memory_space<vmem>>)
      %dma_start3A_494 = arith.constant 4 : i32
      %dma_start3A_495 = arith.constant 0 : i32
      %dma_start3A_496 = tpu.memref_slice %arg9[%dma_start3A_494, %dma_start3A_495] : memref<8x128xi32, #tpu.memory_space<vmem>> -> memref<1x128xi32, #tpu.memory_space<vmem>>
      %dma_start3A_497 = tpu.memref_squeeze %dma_start3A_496 : memref<1x128xi32, #tpu.memory_space<vmem>> -> memref<128xi32, #tpu.memory_space<vmem>>
      %dma_start3A_498 = arith.constant 0 : i32
      %dma_start3A_499 = arith.constant 0 : i32
      %dma_start3A_500 = tpu.memref_slice %arg12[%dma_start3A_498, %dma_start3A_499] : memref<10008x128xf32, #tpu.memory_space<vmem_shared>> -> memref<10008x128xf32, #tpu.memory_space<vmem_shared>>
      tpu.enqueue_indirect_dma source(%arg10 : memref<128x128xf32, #tpu.memory_space<vmem>>) target(%dma_start3A_500 : memref<10008x128xf32, #tpu.memory_space<vmem_shared>>) offsets(%dma_start3A_497 : memref<128xi32, #tpu.memory_space<vmem>>) semaphore(%arg15 : memref<!tpu.dma_semaphore, #tpu.memory_space<semaphore_mem>>) {add = true}
      %dma_wait3A_501 = arith.constant 4 : i32
      %dma_wait3A_502 = arith.constant 0 : i32
      %dma_wait3A_503 = tpu.memref_slice %arg9[%dma_wait3A_501, %dma_wait3A_502] : memref<8x128xi32, #tpu.memory_space<vmem>> -> memref<1x128xi32, #tpu.memory_space<vmem>>
      %dma_wait3A_504 = tpu.memref_squeeze %dma_wait3A_503 : memref<1x128xi32, #tpu.memory_space<vmem>> -> memref<128xi32, #tpu.memory_space<vmem>>
      %dma_wait3A_505 = arith.constant 0 : i32
      %dma_wait3A_506 = arith.constant 0 : i32
      %dma_wait3A_507 = tpu.memref_slice %arg12[%dma_wait3A_505, %dma_wait3A_506] : memref<10008x128xf32, #tpu.memory_space<vmem_shared>> -> memref<10008x128xf32, #tpu.memory_space<vmem_shared>>
      tpu.wait_indirect_dma semaphore(%arg16 : memref<!tpu.dma_semaphore, #tpu.memory_space<semaphore_mem>>) src(%arg11 : memref<128x128xf32, #tpu.memory_space<vmem>>) dst(%dma_wait3A_507 : memref<10008x128xf32, #tpu.memory_space<vmem_shared>>)
      %dma_start3A_508 = arith.constant 5 : i32
      %dma_start3A_509 = arith.constant 0 : i32
      %dma_start3A_510 = tpu.memref_slice %arg7[%dma_start3A_508, %dma_start3A_509] : memref<8x128xi32, #tpu.memory_space<vmem>> -> memref<1x128xi32, #tpu.memory_space<vmem>>
      %dma_start3A_511 = tpu.memref_squeeze %dma_start3A_510 : memref<1x128xi32, #tpu.memory_space<vmem>> -> memref<128xi32, #tpu.memory_space<vmem>>
      %dma_start3A_512 = arith.constant 0 : i32
      %dma_start3A_513 = arith.constant 0 : i32
      %dma_start3A_514 = tpu.memref_slice %arg2[%arg0, %dma_start3A_512, %dma_start3A_513] : memref<2x10000x128xf32, #tpu.memory_space<hbm>> -> memref<1x10000x128xf32, #tpu.memory_space<hbm>>
      %dma_start3A_515 = tpu.memref_squeeze %dma_start3A_514 : memref<1x10000x128xf32, #tpu.memory_space<hbm>> -> memref<10000x128xf32, #tpu.memory_space<hbm>>
      %dma_start3A_516 = arith.constant 0 : i32
      %dma_start3A_517 = arith.constant 0 : i32
      %dma_start3A_518 = tpu.memref_slice %dma_start3A_515[%dma_start3A_516, %dma_start3A_517] : memref<10000x128xf32, #tpu.memory_space<hbm>> -> memref<10000x128xf32, #tpu.memory_space<hbm>>
      tpu.enqueue_indirect_dma source(%dma_start3A_518 : memref<10000x128xf32, #tpu.memory_space<hbm>>) target(%arg11 : memref<128x128xf32, #tpu.memory_space<vmem>>) offsets(%dma_start3A_511 : memref<128xi32, #tpu.memory_space<vmem>>) semaphore(%arg14 : memref<!tpu.dma_semaphore, #tpu.memory_space<semaphore_mem>>)
      %dma_wait3A_519 = arith.constant 5 : i32
      %dma_wait3A_520 = arith.constant 0 : i32
      %dma_wait3A_521 = tpu.memref_slice %arg7[%dma_wait3A_519, %dma_wait3A_520] : memref<8x128xi32, #tpu.memory_space<vmem>> -> memref<1x128xi32, #tpu.memory_space<vmem>>
      %dma_wait3A_522 = tpu.memref_squeeze %dma_wait3A_521 : memref<1x128xi32, #tpu.memory_space<vmem>> -> memref<128xi32, #tpu.memory_space<vmem>>
      %dma_wait3A_523 = arith.constant 0 : i32
      %dma_wait3A_524 = arith.constant 0 : i32
      %dma_wait3A_525 = tpu.memref_slice %arg2[%arg0, %dma_wait3A_523, %dma_wait3A_524] : memref<2x10000x128xf32, #tpu.memory_space<hbm>> -> memref<1x10000x128xf32, #tpu.memory_space<hbm>>
      %dma_wait3A_526 = tpu.memref_squeeze %dma_wait3A_525 : memref<1x10000x128xf32, #tpu.memory_space<hbm>> -> memref<10000x128xf32, #tpu.memory_space<hbm>>
      %dma_wait3A_527 = arith.constant 0 : i32
      %dma_wait3A_528 = arith.constant 0 : i32
      %dma_wait3A_529 = tpu.memref_slice %dma_wait3A_526[%dma_wait3A_527, %dma_wait3A_528] : memref<10000x128xf32, #tpu.memory_space<hbm>> -> memref<10000x128xf32, #tpu.memory_space<hbm>>
      tpu.wait_indirect_dma semaphore(%arg14 : memref<!tpu.dma_semaphore, #tpu.memory_space<semaphore_mem>>) src(%dma_wait3A_529 : memref<10000x128xf32, #tpu.memory_space<hbm>>) dst(%arg11 : memref<128x128xf32, #tpu.memory_space<vmem>>)
      %dma_start3A_530 = arith.constant 5 : i32
      %dma_start3A_531 = arith.constant 0 : i32
      %dma_start3A_532 = tpu.memref_slice %arg9[%dma_start3A_530, %dma_start3A_531] : memref<8x128xi32, #tpu.memory_space<vmem>> -> memref<1x128xi32, #tpu.memory_space<vmem>>
      %dma_start3A_533 = tpu.memref_squeeze %dma_start3A_532 : memref<1x128xi32, #tpu.memory_space<vmem>> -> memref<128xi32, #tpu.memory_space<vmem>>
      %dma_start3A_534 = arith.constant 0 : i32
      %dma_start3A_535 = arith.constant 0 : i32
      %dma_start3A_536 = tpu.memref_slice %arg12[%dma_start3A_534, %dma_start3A_535] : memref<10008x128xf32, #tpu.memory_space<vmem_shared>> -> memref<10008x128xf32, #tpu.memory_space<vmem_shared>>
      tpu.enqueue_indirect_dma source(%arg11 : memref<128x128xf32, #tpu.memory_space<vmem>>) target(%dma_start3A_536 : memref<10008x128xf32, #tpu.memory_space<vmem_shared>>) offsets(%dma_start3A_533 : memref<128xi32, #tpu.memory_space<vmem>>) semaphore(%arg16 : memref<!tpu.dma_semaphore, #tpu.memory_space<semaphore_mem>>) {add = true}
      %dma_wait3A_537 = arith.constant 5 : i32
      %dma_wait3A_538 = arith.constant 0 : i32
      %dma_wait3A_539 = tpu.memref_slice %arg9[%dma_wait3A_537, %dma_wait3A_538] : memref<8x128xi32, #tpu.memory_space<vmem>> -> memref<1x128xi32, #tpu.memory_space<vmem>>
      %dma_wait3A_540 = tpu.memref_squeeze %dma_wait3A_539 : memref<1x128xi32, #tpu.memory_space<vmem>> -> memref<128xi32, #tpu.memory_space<vmem>>
      %dma_wait3A_541 = arith.constant 0 : i32
      %dma_wait3A_542 = arith.constant 0 : i32
      %dma_wait3A_543 = tpu.memref_slice %arg12[%dma_wait3A_541, %dma_wait3A_542] : memref<10008x128xf32, #tpu.memory_space<vmem_shared>> -> memref<10008x128xf32, #tpu.memory_space<vmem_shared>>
      tpu.wait_indirect_dma semaphore(%arg15 : memref<!tpu.dma_semaphore, #tpu.memory_space<semaphore_mem>>) src(%arg10 : memref<128x128xf32, #tpu.memory_space<vmem>>) dst(%dma_wait3A_543 : memref<10008x128xf32, #tpu.memory_space<vmem_shared>>)
      %dma_start3A_544 = arith.constant 6 : i32
      %dma_start3A_545 = arith.constant 0 : i32
      %dma_start3A_546 = tpu.memref_slice %arg7[%dma_start3A_544, %dma_start3A_545] : memref<8x128xi32, #tpu.memory_space<vmem>> -> memref<1x128xi32, #tpu.memory_space<vmem>>
      %dma_start3A_547 = tpu.memref_squeeze %dma_start3A_546 : memref<1x128xi32, #tpu.memory_space<vmem>> -> memref<128xi32, #tpu.memory_space<vmem>>
      %dma_start3A_548 = arith.constant 0 : i32
      %dma_start3A_549 = arith.constant 0 : i32
      %dma_start3A_550 = tpu.memref_slice %arg2[%arg0, %dma_start3A_548, %dma_start3A_549] : memref<2x10000x128xf32, #tpu.memory_space<hbm>> -> memref<1x10000x128xf32, #tpu.memory_space<hbm>>
      %dma_start3A_551 = tpu.memref_squeeze %dma_start3A_550 : memref<1x10000x128xf32, #tpu.memory_space<hbm>> -> memref<10000x128xf32, #tpu.memory_space<hbm>>
      %dma_start3A_552 = arith.constant 0 : i32
      %dma_start3A_553 = arith.constant 0 : i32
      %dma_start3A_554 = tpu.memref_slice %dma_start3A_551[%dma_start3A_552, %dma_start3A_553] : memref<10000x128xf32, #tpu.memory_space<hbm>> -> memref<10000x128xf32, #tpu.memory_space<hbm>>
      tpu.enqueue_indirect_dma source(%dma_start3A_554 : memref<10000x128xf32, #tpu.memory_space<hbm>>) target(%arg10 : memref<128x128xf32, #tpu.memory_space<vmem>>) offsets(%dma_start3A_547 : memref<128xi32, #tpu.memory_space<vmem>>) semaphore(%arg13 : memref<!tpu.dma_semaphore, #tpu.memory_space<semaphore_mem>>)
      %dma_wait3A_555 = arith.constant 6 : i32
      %dma_wait3A_556 = arith.constant 0 : i32
      %dma_wait3A_557 = tpu.memref_slice %arg7[%dma_wait3A_555, %dma_wait3A_556] : memref<8x128xi32, #tpu.memory_space<vmem>> -> memref<1x128xi32, #tpu.memory_space<vmem>>
      %dma_wait3A_558 = tpu.memref_squeeze %dma_wait3A_557 : memref<1x128xi32, #tpu.memory_space<vmem>> -> memref<128xi32, #tpu.memory_space<vmem>>
      %dma_wait3A_559 = arith.constant 0 : i32
      %dma_wait3A_560 = arith.constant 0 : i32
      %dma_wait3A_561 = tpu.memref_slice %arg2[%arg0, %dma_wait3A_559, %dma_wait3A_560] : memref<2x10000x128xf32, #tpu.memory_space<hbm>> -> memref<1x10000x128xf32, #tpu.memory_space<hbm>>
      %dma_wait3A_562 = tpu.memref_squeeze %dma_wait3A_561 : memref<1x10000x128xf32, #tpu.memory_space<hbm>> -> memref<10000x128xf32, #tpu.memory_space<hbm>>
      %dma_wait3A_563 = arith.constant 0 : i32
      %dma_wait3A_564 = arith.constant 0 : i32
      %dma_wait3A_565 = tpu.memref_slice %dma_wait3A_562[%dma_wait3A_563, %dma_wait3A_564] : memref<10000x128xf32, #tpu.memory_space<hbm>> -> memref<10000x128xf32, #tpu.memory_space<hbm>>
      tpu.wait_indirect_dma semaphore(%arg13 : memref<!tpu.dma_semaphore, #tpu.memory_space<semaphore_mem>>) src(%dma_wait3A_565 : memref<10000x128xf32, #tpu.memory_space<hbm>>) dst(%arg10 : memref<128x128xf32, #tpu.memory_space<vmem>>)
      %dma_start3A_566 = arith.constant 6 : i32
      %dma_start3A_567 = arith.constant 0 : i32
      %dma_start3A_568 = tpu.memref_slice %arg9[%dma_start3A_566, %dma_start3A_567] : memref<8x128xi32, #tpu.memory_space<vmem>> -> memref<1x128xi32, #tpu.memory_space<vmem>>
      %dma_start3A_569 = tpu.memref_squeeze %dma_start3A_568 : memref<1x128xi32, #tpu.memory_space<vmem>> -> memref<128xi32, #tpu.memory_space<vmem>>
      %dma_start3A_570 = arith.constant 0 : i32
      %dma_start3A_571 = arith.constant 0 : i32
      %dma_start3A_572 = tpu.memref_slice %arg12[%dma_start3A_570, %dma_start3A_571] : memref<10008x128xf32, #tpu.memory_space<vmem_shared>> -> memref<10008x128xf32, #tpu.memory_space<vmem_shared>>
      tpu.enqueue_indirect_dma source(%arg10 : memref<128x128xf32, #tpu.memory_space<vmem>>) target(%dma_start3A_572 : memref<10008x128xf32, #tpu.memory_space<vmem_shared>>) offsets(%dma_start3A_569 : memref<128xi32, #tpu.memory_space<vmem>>) semaphore(%arg15 : memref<!tpu.dma_semaphore, #tpu.memory_space<semaphore_mem>>) {add = true}
      %dma_wait3A_573 = arith.constant 6 : i32
      %dma_wait3A_574 = arith.constant 0 : i32
      %dma_wait3A_575 = tpu.memref_slice %arg9[%dma_wait3A_573, %dma_wait3A_574] : memref<8x128xi32, #tpu.memory_space<vmem>> -> memref<1x128xi32, #tpu.memory_space<vmem>>
      %dma_wait3A_576 = tpu.memref_squeeze %dma_wait3A_575 : memref<1x128xi32, #tpu.memory_space<vmem>> -> memref<128xi32, #tpu.memory_space<vmem>>
      %dma_wait3A_577 = arith.constant 0 : i32
      %dma_wait3A_578 = arith.constant 0 : i32
      %dma_wait3A_579 = tpu.memref_slice %arg12[%dma_wait3A_577, %dma_wait3A_578] : memref<10008x128xf32, #tpu.memory_space<vmem_shared>> -> memref<10008x128xf32, #tpu.memory_space<vmem_shared>>
      tpu.wait_indirect_dma semaphore(%arg16 : memref<!tpu.dma_semaphore, #tpu.memory_space<semaphore_mem>>) src(%arg11 : memref<128x128xf32, #tpu.memory_space<vmem>>) dst(%dma_wait3A_579 : memref<10008x128xf32, #tpu.memory_space<vmem_shared>>)
      %dma_start3A_580 = arith.constant 7 : i32
      %dma_start3A_581 = arith.constant 0 : i32
      %dma_start3A_582 = tpu.memref_slice %arg7[%dma_start3A_580, %dma_start3A_581] : memref<8x128xi32, #tpu.memory_space<vmem>> -> memref<1x128xi32, #tpu.memory_space<vmem>>
      %dma_start3A_583 = tpu.memref_squeeze %dma_start3A_582 : memref<1x128xi32, #tpu.memory_space<vmem>> -> memref<128xi32, #tpu.memory_space<vmem>>
      %dma_start3A_584 = arith.constant 0 : i32
      %dma_start3A_585 = arith.constant 0 : i32
      %dma_start3A_586 = tpu.memref_slice %arg2[%arg0, %dma_start3A_584, %dma_start3A_585] : memref<2x10000x128xf32, #tpu.memory_space<hbm>> -> memref<1x10000x128xf32, #tpu.memory_space<hbm>>
      %dma_start3A_587 = tpu.memref_squeeze %dma_start3A_586 : memref<1x10000x128xf32, #tpu.memory_space<hbm>> -> memref<10000x128xf32, #tpu.memory_space<hbm>>
      %dma_start3A_588 = arith.constant 0 : i32
      %dma_start3A_589 = arith.constant 0 : i32
      %dma_start3A_590 = tpu.memref_slice %dma_start3A_587[%dma_start3A_588, %dma_start3A_589] : memref<10000x128xf32, #tpu.memory_space<hbm>> -> memref<10000x128xf32, #tpu.memory_space<hbm>>
      tpu.enqueue_indirect_dma source(%dma_start3A_590 : memref<10000x128xf32, #tpu.memory_space<hbm>>) target(%arg11 : memref<128x128xf32, #tpu.memory_space<vmem>>) offsets(%dma_start3A_583 : memref<128xi32, #tpu.memory_space<vmem>>) semaphore(%arg14 : memref<!tpu.dma_semaphore, #tpu.memory_space<semaphore_mem>>)
      %dma_wait3A_591 = arith.constant 7 : i32
      %dma_wait3A_592 = arith.constant 0 : i32
      %dma_wait3A_593 = tpu.memref_slice %arg7[%dma_wait3A_591, %dma_wait3A_592] : memref<8x128xi32, #tpu.memory_space<vmem>> -> memref<1x128xi32, #tpu.memory_space<vmem>>
      %dma_wait3A_594 = tpu.memref_squeeze %dma_wait3A_593 : memref<1x128xi32, #tpu.memory_space<vmem>> -> memref<128xi32, #tpu.memory_space<vmem>>
      %dma_wait3A_595 = arith.constant 0 : i32
      %dma_wait3A_596 = arith.constant 0 : i32
      %dma_wait3A_597 = tpu.memref_slice %arg2[%arg0, %dma_wait3A_595, %dma_wait3A_596] : memref<2x10000x128xf32, #tpu.memory_space<hbm>> -> memref<1x10000x128xf32, #tpu.memory_space<hbm>>
      %dma_wait3A_598 = tpu.memref_squeeze %dma_wait3A_597 : memref<1x10000x128xf32, #tpu.memory_space<hbm>> -> memref<10000x128xf32, #tpu.memory_space<hbm>>
      %dma_wait3A_599 = arith.constant 0 : i32
      %dma_wait3A_600 = arith.constant 0 : i32
      %dma_wait3A_601 = tpu.memref_slice %dma_wait3A_598[%dma_wait3A_599, %dma_wait3A_600] : memref<10000x128xf32, #tpu.memory_space<hbm>> -> memref<10000x128xf32, #tpu.memory_space<hbm>>
      tpu.wait_indirect_dma semaphore(%arg14 : memref<!tpu.dma_semaphore, #tpu.memory_space<semaphore_mem>>) src(%dma_wait3A_601 : memref<10000x128xf32, #tpu.memory_space<hbm>>) dst(%arg11 : memref<128x128xf32, #tpu.memory_space<vmem>>)
      %dma_start3A_602 = arith.constant 7 : i32
      %dma_start3A_603 = arith.constant 0 : i32
      %dma_start3A_604 = tpu.memref_slice %arg9[%dma_start3A_602, %dma_start3A_603] : memref<8x128xi32, #tpu.memory_space<vmem>> -> memref<1x128xi32, #tpu.memory_space<vmem>>
      %dma_start3A_605 = tpu.memref_squeeze %dma_start3A_604 : memref<1x128xi32, #tpu.memory_space<vmem>> -> memref<128xi32, #tpu.memory_space<vmem>>
      %dma_start3A_606 = arith.constant 0 : i32
      %dma_start3A_607 = arith.constant 0 : i32
      %dma_start3A_608 = tpu.memref_slice %arg12[%dma_start3A_606, %dma_start3A_607] : memref<10008x128xf32, #tpu.memory_space<vmem_shared>> -> memref<10008x128xf32, #tpu.memory_space<vmem_shared>>
      tpu.enqueue_indirect_dma source(%arg11 : memref<128x128xf32, #tpu.memory_space<vmem>>) target(%dma_start3A_608 : memref<10008x128xf32, #tpu.memory_space<vmem_shared>>) offsets(%dma_start3A_605 : memref<128xi32, #tpu.memory_space<vmem>>) semaphore(%arg16 : memref<!tpu.dma_semaphore, #tpu.memory_space<semaphore_mem>>) {add = true}
      %dma_wait3A_609 = arith.constant 7 : i32
      %dma_wait3A_610 = arith.constant 0 : i32
      %dma_wait3A_611 = tpu.memref_slice %arg9[%dma_wait3A_609, %dma_wait3A_610] : memref<8x128xi32, #tpu.memory_space<vmem>> -> memref<1x128xi32, #tpu.memory_space<vmem>>
      %dma_wait3A_612 = tpu.memref_squeeze %dma_wait3A_611 : memref<1x128xi32, #tpu.memory_space<vmem>> -> memref<128xi32, #tpu.memory_space<vmem>>
      %dma_wait3A_613 = arith.constant 0 : i32
      %dma_wait3A_614 = arith.constant 0 : i32
      %dma_wait3A_615 = tpu.memref_slice %arg12[%dma_wait3A_613, %dma_wait3A_614] : memref<10008x128xf32, #tpu.memory_space<vmem_shared>> -> memref<10008x128xf32, #tpu.memory_space<vmem_shared>>
      tpu.wait_indirect_dma semaphore(%arg15 : memref<!tpu.dma_semaphore, #tpu.memory_space<semaphore_mem>>) src(%arg10 : memref<128x128xf32, #tpu.memory_space<vmem>>) dst(%dma_wait3A_615 : memref<10008x128xf32, #tpu.memory_space<vmem_shared>>)
      %lt3A_616 = arith.constant 9 : i32
      %lt3A_617 = arith.cmpi slt, %add3A_335, %lt3A_616 : i32
      %convert_element_type3A_618 = arith.extui %lt3A_617 : i1 to i32
      %cond3A_619 = arith.constant 0 : i32
      %cond3A_620 = arith.cmpi ne, %convert_element_type3A_618, %cond3A_619 : i32
      scf.if %cond3A_620 {
        %add3A_621 = arith.constant 1 : i32
        %add3A_622 = arith.addi %add3A_335, %add3A_621 : i32
        %mul3A_623 = arith.constant 8 : i32
        %mul3A_624 = arith.muli %add3A_622, %mul3A_623 : i32
        %dma_wait3A_625 = arith.constant 0 : i32
        %dma_wait3A_626 = tpu.memref_slice %arg3[%arg0, %arg1, %mul3A_624, %dma_wait3A_625] : memref<2x16x80x128xi32, #tpu.memory_space<hbm>> -> memref<1x1x8x128xi32, #tpu.memory_space<hbm>>
        %dma_wait3A_627 = tpu.memref_squeeze %dma_wait3A_626 : memref<1x1x8x128xi32, #tpu.memory_space<hbm>> -> memref<8x128xi32, #tpu.memory_space<hbm>>
        %dma_wait3A_628 = arith.constant 0 : i32
        %dma_wait3A_629 = tpu.memref_slice %arg3[%arg0, %arg1, %mul3A_624, %dma_wait3A_628] : memref<2x16x80x128xi32, #tpu.memory_space<hbm>> -> memref<1x1x8x128xi32, #tpu.memory_space<hbm>>
        %dma_wait3A_630 = tpu.memref_squeeze %dma_wait3A_629 : memref<1x1x8x128xi32, #tpu.memory_space<hbm>> -> memref<8x128xi32, #tpu.memory_space<hbm>>
        tpu.wait_dma2 semaphore(%arg17 : memref<!tpu.dma_semaphore, #tpu.memory_space<semaphore_mem>>) src(%dma_wait3A_630 : memref<8x128xi32, #tpu.memory_space<hbm>>) dst(%arg6 : memref<8x128xi32, #tpu.memory_space<vmem>>)
        %dma_wait3A_631 = arith.constant 0 : i32
        %dma_wait3A_632 = tpu.memref_slice %arg4[%arg0, %arg1, %mul3A_624, %dma_wait3A_631] : memref<2x16x80x128xi32, #tpu.memory_space<hbm>> -> memref<1x1x8x128xi32, #tpu.memory_space<hbm>>
        %dma_wait3A_633 = tpu.memref_squeeze %dma_wait3A_632 : memref<1x1x8x128xi32, #tpu.memory_space<hbm>> -> memref<8x128xi32, #tpu.memory_space<hbm>>
        %dma_wait3A_634 = arith.constant 0 : i32
        %dma_wait3A_635 = tpu.memref_slice %arg4[%arg0, %arg1, %mul3A_624, %dma_wait3A_634] : memref<2x16x80x128xi32, #tpu.memory_space<hbm>> -> memref<1x1x8x128xi32, #tpu.memory_space<hbm>>
        %dma_wait3A_636 = tpu.memref_squeeze %dma_wait3A_635 : memref<1x1x8x128xi32, #tpu.memory_space<hbm>> -> memref<8x128xi32, #tpu.memory_space<hbm>>
        tpu.wait_dma2 semaphore(%arg17 : memref<!tpu.dma_semaphore, #tpu.memory_space<semaphore_mem>>) src(%dma_wait3A_636 : memref<8x128xi32, #tpu.memory_space<hbm>>) dst(%arg8 : memref<8x128xi32, #tpu.memory_space<vmem>>)
        %dma_start3A_637 = arith.constant 0 : i32
        %dma_start3A_638 = arith.constant 0 : i32
        %dma_start3A_639 = tpu.memref_slice %arg6[%dma_start3A_637, %dma_start3A_638] : memref<8x128xi32, #tpu.memory_space<vmem>> -> memref<1x128xi32, #tpu.memory_space<vmem>>
        %dma_start3A_640 = tpu.memref_squeeze %dma_start3A_639 : memref<1x128xi32, #tpu.memory_space<vmem>> -> memref<128xi32, #tpu.memory_space<vmem>>
        %dma_start3A_641 = arith.constant 0 : i32
        %dma_start3A_642 = arith.constant 0 : i32
        %dma_start3A_643 = tpu.memref_slice %arg2[%arg0, %dma_start3A_641, %dma_start3A_642] : memref<2x10000x128xf32, #tpu.memory_space<hbm>> -> memref<1x10000x128xf32, #tpu.memory_space<hbm>>
        %dma_start3A_644 = tpu.memref_squeeze %dma_start3A_643 : memref<1x10000x128xf32, #tpu.memory_space<hbm>> -> memref<10000x128xf32, #tpu.memory_space<hbm>>
        %dma_start3A_645 = arith.constant 0 : i32
        %dma_start3A_646 = arith.constant 0 : i32
        %dma_start3A_647 = tpu.memref_slice %dma_start3A_644[%dma_start3A_645, %dma_start3A_646] : memref<10000x128xf32, #tpu.memory_space<hbm>> -> memref<10000x128xf32, #tpu.memory_space<hbm>>
        tpu.enqueue_indirect_dma source(%dma_start3A_647 : memref<10000x128xf32, #tpu.memory_space<hbm>>) target(%arg10 : memref<128x128xf32, #tpu.memory_space<vmem>>) offsets(%dma_start3A_640 : memref<128xi32, #tpu.memory_space<vmem>>) semaphore(%arg13 : memref<!tpu.dma_semaphore, #tpu.memory_space<semaphore_mem>>)
      } else {
      }
    }
    %scan3A_27 = arith.constant 5 : i32
    %dma_wait3A = arith.constant 7 : i32
    %dma_wait3A_28 = arith.constant 0 : i32
    %dma_wait3A_29 = tpu.memref_slice %arg9[%dma_wait3A, %dma_wait3A_28] : memref<8x128xi32, #tpu.memory_space<vmem>> -> memref<1x128xi32, #tpu.memory_space<vmem>>
    %dma_wait3A_30 = tpu.memref_squeeze %dma_wait3A_29 : memref<1x128xi32, #tpu.memory_space<vmem>> -> memref<128xi32, #tpu.memory_space<vmem>>
    %dma_wait3A_31 = arith.constant 0 : i32
    %dma_wait3A_32 = arith.constant 0 : i32
    %dma_wait3A_33 = tpu.memref_slice %arg12[%dma_wait3A_31, %dma_wait3A_32] : memref<10008x128xf32, #tpu.memory_space<vmem_shared>> -> memref<10008x128xf32, #tpu.memory_space<vmem_shared>>
    tpu.wait_indirect_dma semaphore(%arg16 : memref<!tpu.dma_semaphore, #tpu.memory_space<semaphore_mem>>) src(%arg11 : memref<128x128xf32, #tpu.memory_space<vmem>>) dst(%dma_wait3A_33 : memref<10008x128xf32, #tpu.memory_space<vmem_shared>>)
    %barrier3A_34 = arith.constant 0 : index
    tpu.barrier barrier_id(%barrier3A_34)
    %mul3A_35 = arith.constant 624 : i32
    %mul3A_36 = arith.muli %arg1, %mul3A_35 : i32
    %multiple_of3A_37 = tpu.assume_multiple %mul3A_36, 8 : i32
    "tpu.region"() ({
      %run_scoped3A = tpu.sem_alloc : memref<!tpu.dma_semaphore, #tpu.memory_space<semaphore_mem>>
      %dma_start3A_43 = arith.constant 0 : i32
      %dma_start3A_44 = tpu.memref_slice %arg5[%arg0, %multiple_of3A_37, %dma_start3A_43] : memref<2x10000x128xf32, #tpu.memory_space<hbm>> -> memref<1x624x128xf32, #tpu.memory_space<hbm>>
      %dma_start3A_45 = tpu.memref_squeeze %dma_start3A_44 : memref<1x624x128xf32, #tpu.memory_space<hbm>> -> memref<624x128xf32, #tpu.memory_space<hbm>>
      %dma_start3A_46 = arith.constant 0 : i32
      %dma_start3A_47 = tpu.memref_slice %arg12[%multiple_of3A_37, %dma_start3A_46] : memref<10008x128xf32, #tpu.memory_space<vmem_shared>> -> memref<624x128xf32, #tpu.memory_space<vmem_shared>>
      tpu.enqueue_dma source(%dma_start3A_47 : memref<624x128xf32, #tpu.memory_space<vmem_shared>>) target(%dma_start3A_45 : memref<624x128xf32, #tpu.memory_space<hbm>>) target_semaphore(%run_scoped3A : memref<!tpu.dma_semaphore, #tpu.memory_space<semaphore_mem>>)
      %dma_wait3A_48 = arith.constant 0 : i32
      %dma_wait3A_49 = tpu.memref_slice %arg5[%arg0, %multiple_of3A_37, %dma_wait3A_48] : memref<2x10000x128xf32, #tpu.memory_space<hbm>> -> memref<1x624x128xf32, #tpu.memory_space<hbm>>
      %dma_wait3A_50 = tpu.memref_squeeze %dma_wait3A_49 : memref<1x624x128xf32, #tpu.memory_space<hbm>> -> memref<624x128xf32, #tpu.memory_space<hbm>>
      %dma_wait3A_51 = arith.constant 0 : i32
      %dma_wait3A_52 = tpu.memref_slice %arg12[%multiple_of3A_37, %dma_wait3A_51] : memref<10008x128xf32, #tpu.memory_space<vmem_shared>> -> memref<624x128xf32, #tpu.memory_space<vmem_shared>>
      tpu.wait_dma2 semaphore(%run_scoped3A : memref<!tpu.dma_semaphore, #tpu.memory_space<semaphore_mem>>) src(%dma_wait3A_52 : memref<624x128xf32, #tpu.memory_space<vmem_shared>>) dst(%dma_wait3A_50 : memref<624x128xf32, #tpu.memory_space<hbm>>)
      tpu.yield
    }) : () -> ()
    %eq3A_38 = arith.constant 15 : i32
    %eq3A_39 = arith.cmpi eq, %arg1, %eq3A_38 : i32
    %convert_element_type3A_40 = arith.extui %eq3A_39 : i1 to i32
    %cond3A_41 = arith.constant 0 : i32
    %cond3A_42 = arith.cmpi ne, %convert_element_type3A_40, %cond3A_41 : i32
    scf.if %cond3A_42 {
      "tpu.region"() ({
        %run_scoped3A = tpu.sem_alloc : memref<!tpu.dma_semaphore, #tpu.memory_space<semaphore_mem>>
        %dma_start3A_43 = arith.constant 9984 : i32
        %dma_start3A_44 = arith.constant 0 : i32
        %dma_start3A_45 = tpu.memref_slice %arg5[%arg0, %dma_start3A_43, %dma_start3A_44] : memref<2x10000x128xf32, #tpu.memory_space<hbm>> -> memref<1x16x128xf32, #tpu.memory_space<hbm>>
        %dma_start3A_46 = tpu.memref_squeeze %dma_start3A_45 : memref<1x16x128xf32, #tpu.memory_space<hbm>> -> memref<16x128xf32, #tpu.memory_space<hbm>>
        %dma_start3A_47 = arith.constant 9984 : i32
        %dma_start3A_48 = arith.constant 0 : i32
        %dma_start3A_49 = tpu.memref_slice %arg12[%dma_start3A_47, %dma_start3A_48] : memref<10008x128xf32, #tpu.memory_space<vmem_shared>> -> memref<16x128xf32, #tpu.memory_space<vmem_shared>>
        tpu.enqueue_dma source(%dma_start3A_49 : memref<16x128xf32, #tpu.memory_space<vmem_shared>>) target(%dma_start3A_46 : memref<16x128xf32, #tpu.memory_space<hbm>>) target_semaphore(%run_scoped3A : memref<!tpu.dma_semaphore, #tpu.memory_space<semaphore_mem>>)
        %dma_wait3A_50 = arith.constant 9984 : i32
        %dma_wait3A_51 = arith.constant 0 : i32
        %dma_wait3A_52 = tpu.memref_slice %arg5[%arg0, %dma_wait3A_50, %dma_wait3A_51] : memref<2x10000x128xf32, #tpu.memory_space<hbm>> -> memref<1x16x128xf32, #tpu.memory_space<hbm>>
        %dma_wait3A_53 = tpu.memref_squeeze %dma_wait3A_52 : memref<1x16x128xf32, #tpu.memory_space<hbm>> -> memref<16x128xf32, #tpu.memory_space<hbm>>
        %dma_wait3A_54 = arith.constant 9984 : i32
        %dma_wait3A_55 = arith.constant 0 : i32
        %dma_wait3A_56 = tpu.memref_slice %arg12[%dma_wait3A_54, %dma_wait3A_55] : memref<10008x128xf32, #tpu.memory_space<vmem_shared>> -> memref<16x128xf32, #tpu.memory_space<vmem_shared>>
        tpu.wait_dma2 semaphore(%run_scoped3A : memref<!tpu.dma_semaphore, #tpu.memory_space<semaphore_mem>>) src(%dma_wait3A_56 : memref<16x128xf32, #tpu.memory_space<vmem_shared>>) dst(%dma_wait3A_53 : memref<16x128xf32, #tpu.memory_space<hbm>>)
        tpu.yield
      }) : () -> ()
    } else {
    }
    return
  }
}

#map = affine_map<(d0, d1) -> (0)>
#map1 = affine_map<(d0, d1) -> (0, 0)>
module attributes {stable_mosaic.version = 14 : i64} {
  func.func @_deg_kernel(%arg0: i32, %arg1: i32, %arg2: memref<320000xi32, #tpu.memory_space<hbm>>, %arg3: memref<32x10000xf32, #tpu.memory_space<hbm>>, %arg4: memref<10000xi32, #tpu.memory_space<vmem>>, %arg5: memref<10000xf32, #tpu.memory_space<vmem>>) attributes {dimension_semantics = [#tpu.dimension_semantics<core_parallel>, #tpu.dimension_semantics<subcore_parallel>], iteration_bounds = array<i64: 2, 16>, scalar_prefetch = 0 : i64, scratch_operands = 2 : i64, tpu.core_type = #tpu.core_type<sc_vector_subcore>, window_params = [{transform_indices = #map}, {transform_indices = #map1}]} {
    %mul3A = arith.constant 2 : i32
    %mul3A_0 = arith.muli %arg1, %mul3A : i32
    %add3A = arith.addi %mul3A_0, %arg0 : i32
    %mul3A_1 = arith.constant 10000 : i32
    %mul3A_2 = arith.muli %add3A, %mul3A_1 : i32
    "tpu.region"() ({
      %run_scoped3A = tpu.sem_alloc : memref<!tpu.dma_semaphore, #tpu.memory_space<semaphore_mem>>
      %dma_start3A = tpu.memref_slice %arg2[%mul3A_2] : memref<320000xi32, #tpu.memory_space<hbm>> -> memref<10000xi32, #tpu.memory_space<hbm>>
      %dma_start3A_15 = tpu.memref_slice %arg2[%mul3A_2] : memref<320000xi32, #tpu.memory_space<hbm>> -> memref<10000xi32, #tpu.memory_space<hbm>>
      tpu.enqueue_dma source(%dma_start3A_15 : memref<10000xi32, #tpu.memory_space<hbm>>) target(%arg4 : memref<10000xi32, #tpu.memory_space<vmem>>) target_semaphore(%run_scoped3A : memref<!tpu.dma_semaphore, #tpu.memory_space<semaphore_mem>>)
      %dma_wait3A = tpu.memref_slice %arg2[%mul3A_2] : memref<320000xi32, #tpu.memory_space<hbm>> -> memref<10000xi32, #tpu.memory_space<hbm>>
      %dma_wait3A_16 = tpu.memref_slice %arg2[%mul3A_2] : memref<320000xi32, #tpu.memory_space<hbm>> -> memref<10000xi32, #tpu.memory_space<hbm>>
      tpu.wait_dma2 semaphore(%run_scoped3A : memref<!tpu.dma_semaphore, #tpu.memory_space<semaphore_mem>>) src(%dma_wait3A_16 : memref<10000xi32, #tpu.memory_space<hbm>>) dst(%arg4 : memref<10000xi32, #tpu.memory_space<vmem>>)
      tpu.yield
    }) : () -> ()
    %broadcast_in_dim3A = arith.constant 0.000000e+00 : f32
    %broadcast_in_dim3A_3 = vector.broadcast %broadcast_in_dim3A : f32 to vector<16xf32>
    %scan3A = arith.constant 0 : i32
    %scan3A_4 = arith.constant 625 : i32
    %scan3A_5 = arith.addi %scan3A, %scan3A_4 : i32
    %scan3A_6 = arith.constant 1 : i32
    scf.for %scan3A_15 = %scan3A to %scan3A_5 step %scan3A_6  : i32 {
      %mul3A_16 = arith.constant 1 : i32
      %mul3A_17 = arith.muli %scan3A_15, %mul3A_16 : i32
      %add3A_18 = arith.constant 0 : i32
      %add3A_19 = arith.addi %add3A_18, %mul3A_17 : i32
      %mul3A_20 = arith.constant 16 : i32
      %mul3A_21 = arith.muli %add3A_19, %mul3A_20 : i32
      %swap3A = arith.index_cast %mul3A_21 : i32 to index
      %swap3A_22 = tpu.vector_load %arg5[%swap3A] {strides = array<i32>} : memref<10000xf32, #tpu.memory_space<vmem>>, vector<16xf32>,
      tpu.vector_store %arg5[%swap3A], %broadcast_in_dim3A_3 {strides = array<i32>} : memref<10000xf32, #tpu.memory_space<vmem>>, vector<16xf32>,
    }
    %scan3A_7 = arith.constant 625 : i32
    %broadcast_in_dim3A_8 = arith.constant 1.000000e+00 : f32
    %broadcast_in_dim3A_9 = vector.broadcast %broadcast_in_dim3A_8 : f32 to vector<16xf32>
    %scan3A_10 = arith.constant 0 : i32
    %scan3A_11 = arith.constant 625 : i32
    %scan3A_12 = arith.addi %scan3A_10, %scan3A_11 : i32
    %scan3A_13 = arith.constant 1 : i32
    scf.for %scan3A_15 = %scan3A_10 to %scan3A_12 step %scan3A_13  : i32 {
      %mul3A_16 = arith.constant 1 : i32
      %mul3A_17 = arith.muli %scan3A_15, %mul3A_16 : i32
      %add3A_18 = arith.constant 0 : i32
      %add3A_19 = arith.addi %add3A_18, %mul3A_17 : i32
      %mul3A_20 = arith.constant 16 : i32
      %mul3A_21 = arith.muli %add3A_19, %mul3A_20 : i32
      %get3A = arith.index_cast %mul3A_21 : i32 to index
      %get3A_22 = tpu.vector_load %arg4[%get3A] {strides = array<i32>} : memref<10000xi32, #tpu.memory_space<vmem>>, vector<16xi32>,
      tpu.vector_store_idx %arg5[%get3A_22], %broadcast_in_dim3A_9 {add = true} : memref<10000xf32, #tpu.memory_space<vmem>>[vector<16xi32>], vector<16xf32>,
    }
    %scan3A_14 = arith.constant 625 : i32
    "tpu.region"() ({
      %run_scoped3A = tpu.sem_alloc : memref<!tpu.dma_semaphore, #tpu.memory_space<semaphore_mem>>
      %dma_start3A = arith.constant 0 : i32
      %dma_start3A_15 = tpu.memref_slice %arg3[%add3A, %dma_start3A] : memref<32x10000xf32, #tpu.memory_space<hbm>> -> memref<1x10000xf32, #tpu.memory_space<hbm>>
      %dma_start3A_16 = tpu.memref_squeeze %dma_start3A_15 : memref<1x10000xf32, #tpu.memory_space<hbm>> -> memref<10000xf32, #tpu.memory_space<hbm>>
      %dma_start3A_17 = arith.constant 0 : i32
      %dma_start3A_18 = tpu.memref_slice %arg3[%add3A, %dma_start3A_17] : memref<32x10000xf32, #tpu.memory_space<hbm>> -> memref<1x10000xf32, #tpu.memory_space<hbm>>
      %dma_start3A_19 = tpu.memref_squeeze %dma_start3A_18 : memref<1x10000xf32, #tpu.memory_space<hbm>> -> memref<10000xf32, #tpu.memory_space<hbm>>
      tpu.enqueue_dma source(%arg5 : memref<10000xf32, #tpu.memory_space<vmem>>) target(%dma_start3A_19 : memref<10000xf32, #tpu.memory_space<hbm>>) target_semaphore(%run_scoped3A : memref<!tpu.dma_semaphore, #tpu.memory_space<semaphore_mem>>)
      %dma_wait3A = arith.constant 0 : i32
      %dma_wait3A_20 = tpu.memref_slice %arg3[%add3A, %dma_wait3A] : memref<32x10000xf32, #tpu.memory_space<hbm>> -> memref<1x10000xf32, #tpu.memory_space<hbm>>
      %dma_wait3A_21 = tpu.memref_squeeze %dma_wait3A_20 : memref<1x10000xf32, #tpu.memory_space<hbm>> -> memref<10000xf32, #tpu.memory_space<hbm>>
      %dma_wait3A_22 = arith.constant 0 : i32
      %dma_wait3A_23 = tpu.memref_slice %arg3[%add3A, %dma_wait3A_22] : memref<32x10000xf32, #tpu.memory_space<hbm>> -> memref<1x10000xf32, #tpu.memory_space<hbm>>
      %dma_wait3A_24 = tpu.memref_squeeze %dma_wait3A_23 : memref<1x10000xf32, #tpu.memory_space<hbm>> -> memref<10000xf32, #tpu.memory_space<hbm>>
      tpu.wait_dma2 semaphore(%run_scoped3A : memref<!tpu.dma_semaphore, #tpu.memory_space<semaphore_mem>>) src(%arg5 : memref<10000xf32, #tpu.memory_space<vmem>>) dst(%dma_wait3A_24 : memref<10000xf32, #tpu.memory_space<hbm>>)
      tpu.yield
    }) : () -> ()
    return
  }
}

#map = affine_map<(d0, d1) -> (0, 0, 0)>
#map1 = affine_map<(d0, d1) -> (0, 0, 0, 0)>
module attributes {stable_mosaic.version = 14 : i64} {
  func.func @_scatter_kernel(%arg0: i32, %arg1: i32, %arg2: memref<2x10000x128xf32, #tpu.memory_space<hbm>>, %arg3: memref<2x16x160x128xi32, #tpu.memory_space<hbm>>, %arg4: memref<2x16x160x128xi32, #tpu.memory_space<hbm>>, %arg5: memref<2x10000x128xf32, #tpu.memory_space<hbm>>, %arg6: memref<8x128xi32, #tpu.memory_space<vmem>>, %arg7: memref<8x128xi32, #tpu.memory_space<vmem>>, %arg8: memref<8x128xi32, #tpu.memory_space<vmem>>, %arg9: memref<8x128xi32, #tpu.memory_space<vmem>>, %arg10: memref<128x128xf32, #tpu.memory_space<vmem>>, %arg11: memref<128x128xf32, #tpu.memory_space<vmem>>, %arg12: memref<10008x128xf32, #tpu.memory_space<vmem_shared>>, %arg13: memref<!tpu.dma_semaphore, #tpu.memory_space<semaphore_mem>>, %arg14: memref<!tpu.dma_semaphore, #tpu.memory_space<semaphore_mem>>, %arg15: memref<!tpu.dma_semaphore, #tpu.memory_space<semaphore_mem>>, %arg16: memref<!tpu.dma_semaphore, #tpu.memory_space<semaphore_mem>>, %arg17: memref<!tpu.dma_semaphore, #tpu.memory_space<semaphore_mem>>) attributes {dimension_semantics = [#tpu.dimension_semantics<core_parallel>, #tpu.dimension_semantics<subcore_parallel>], iteration_bounds = array<i64: 2, 16>, scalar_prefetch = 0 : i64, scratch_operands = 12 : i64, tpu.core_type = #tpu.core_type<sc_vector_subcore>, window_params = [{transform_indices = #map}, {transform_indices = #map1}, {transform_indices = #map1}, {transform_indices = #map}]} {
    "tpu.region"() ({
      %run_scoped3A = tpu.sem_alloc : memref<!tpu.dma_semaphore, #tpu.memory_space<semaphore_mem>>
      %dma_start3A_43 = arith.constant 0 : i32
      %dma_start3A_44 = arith.constant 0 : i32
      %dma_start3A_45 = tpu.memref_slice %arg3[%arg0, %arg1, %dma_start3A_43, %dma_start3A_44] : memref<2x16x160x128xi32, #tpu.memory_space<hbm>> -> memref<1x1x8x128xi32, #tpu.memory_space<hbm>>
      %dma_start3A_46 = tpu.memref_squeeze %dma_start3A_45 : memref<1x1x8x128xi32, #tpu.memory_space<hbm>> -> memref<8x128xi32, #tpu.memory_space<hbm>>
      %dma_start3A_47 = arith.constant 0 : i32
      %dma_start3A_48 = arith.constant 0 : i32
      %dma_start3A_49 = tpu.memref_slice %arg3[%arg0, %arg1, %dma_start3A_47, %dma_start3A_48] : memref<2x16x160x128xi32, #tpu.memory_space<hbm>> -> memref<1x1x8x128xi32, #tpu.memory_space<hbm>>
      %dma_start3A_50 = tpu.memref_squeeze %dma_start3A_49 : memref<1x1x8x128xi32, #tpu.memory_space<hbm>> -> memref<8x128xi32, #tpu.memory_space<hbm>>
      tpu.enqueue_dma source(%dma_start3A_50 : memref<8x128xi32, #tpu.memory_space<hbm>>) target(%arg6 : memref<8x128xi32, #tpu.memory_space<vmem>>) target_semaphore(%run_scoped3A : memref<!tpu.dma_semaphore, #tpu.memory_space<semaphore_mem>>)
      %dma_wait3A_51 = arith.constant 0 : i32
      %dma_wait3A_52 = arith.constant 0 : i32
      %dma_wait3A_53 = tpu.memref_slice %arg3[%arg0, %arg1, %dma_wait3A_51, %dma_wait3A_52] : memref<2x16x160x128xi32, #tpu.memory_space<hbm>> -> memref<1x1x8x128xi32, #tpu.memory_space<hbm>>
      %dma_wait3A_54 = tpu.memref_squeeze %dma_wait3A_53 : memref<1x1x8x128xi32, #tpu.memory_space<hbm>> -> memref<8x128xi32, #tpu.memory_space<hbm>>
      %dma_wait3A_55 = arith.constant 0 : i32
      %dma_wait3A_56 = arith.constant 0 : i32
      %dma_wait3A_57 = tpu.memref_slice %arg3[%arg0, %arg1, %dma_wait3A_55, %dma_wait3A_56] : memref<2x16x160x128xi32, #tpu.memory_space<hbm>> -> memref<1x1x8x128xi32, #tpu.memory_space<hbm>>
      %dma_wait3A_58 = tpu.memref_squeeze %dma_wait3A_57 : memref<1x1x8x128xi32, #tpu.memory_space<hbm>> -> memref<8x128xi32, #tpu.memory_space<hbm>>
      tpu.wait_dma2 semaphore(%run_scoped3A : memref<!tpu.dma_semaphore, #tpu.memory_space<semaphore_mem>>) src(%dma_wait3A_58 : memref<8x128xi32, #tpu.memory_space<hbm>>) dst(%arg6 : memref<8x128xi32, #tpu.memory_space<vmem>>)
      tpu.yield
    }) : () -> ()
    "tpu.region"() ({
      %run_scoped3A = tpu.sem_alloc : memref<!tpu.dma_semaphore, #tpu.memory_space<semaphore_mem>>
      %dma_start3A_43 = arith.constant 0 : i32
      %dma_start3A_44 = arith.constant 0 : i32
      %dma_start3A_45 = tpu.memref_slice %arg4[%arg0, %arg1, %dma_start3A_43, %dma_start3A_44] : memref<2x16x160x128xi32, #tpu.memory_space<hbm>> -> memref<1x1x8x128xi32, #tpu.memory_space<hbm>>
      %dma_start3A_46 = tpu.memref_squeeze %dma_start3A_45 : memref<1x1x8x128xi32, #tpu.memory_space<hbm>> -> memref<8x128xi32, #tpu.memory_space<hbm>>
      %dma_start3A_47 = arith.constant 0 : i32
      %dma_start3A_48 = arith.constant 0 : i32
      %dma_start3A_49 = tpu.memref_slice %arg4[%arg0, %arg1, %dma_start3A_47, %dma_start3A_48] : memref<2x16x160x128xi32, #tpu.memory_space<hbm>> -> memref<1x1x8x128xi32, #tpu.memory_space<hbm>>
      %dma_start3A_50 = tpu.memref_squeeze %dma_start3A_49 : memref<1x1x8x128xi32, #tpu.memory_space<hbm>> -> memref<8x128xi32, #tpu.memory_space<hbm>>
      tpu.enqueue_dma source(%dma_start3A_50 : memref<8x128xi32, #tpu.memory_space<hbm>>) target(%arg8 : memref<8x128xi32, #tpu.memory_space<vmem>>) target_semaphore(%run_scoped3A : memref<!tpu.dma_semaphore, #tpu.memory_space<semaphore_mem>>)
      %dma_wait3A_51 = arith.constant 0 : i32
      %dma_wait3A_52 = arith.constant 0 : i32
      %dma_wait3A_53 = tpu.memref_slice %arg4[%arg0, %arg1, %dma_wait3A_51, %dma_wait3A_52] : memref<2x16x160x128xi32, #tpu.memory_space<hbm>> -> memref<1x1x8x128xi32, #tpu.memory_space<hbm>>
      %dma_wait3A_54 = tpu.memref_squeeze %dma_wait3A_53 : memref<1x1x8x128xi32, #tpu.memory_space<hbm>> -> memref<8x128xi32, #tpu.memory_space<hbm>>
      %dma_wait3A_55 = arith.constant 0 : i32
      %dma_wait3A_56 = arith.constant 0 : i32
      %dma_wait3A_57 = tpu.memref_slice %arg4[%arg0, %arg1, %dma_wait3A_55, %dma_wait3A_56] : memref<2x16x160x128xi32, #tpu.memory_space<hbm>> -> memref<1x1x8x128xi32, #tpu.memory_space<hbm>>
      %dma_wait3A_58 = tpu.memref_squeeze %dma_wait3A_57 : memref<1x1x8x128xi32, #tpu.memory_space<hbm>> -> memref<8x128xi32, #tpu.memory_space<hbm>>
      tpu.wait_dma2 semaphore(%run_scoped3A : memref<!tpu.dma_semaphore, #tpu.memory_space<semaphore_mem>>) src(%dma_wait3A_58 : memref<8x128xi32, #tpu.memory_space<hbm>>) dst(%arg8 : memref<8x128xi32, #tpu.memory_space<vmem>>)
      tpu.yield
    }) : () -> ()
    %broadcast_in_dim3A = arith.constant 0.000000e+00 : f32
    %broadcast_in_dim3A_0 = vector.broadcast %broadcast_in_dim3A : f32 to vector<16xf32>
    %scan3A = arith.constant 0 : i32
    %scan3A_1 = arith.constant 128 : i32
    %scan3A_2 = arith.addi %scan3A, %scan3A_1 : i32
    %scan3A_3 = arith.constant 1 : i32
    scf.for %scan3A_43 = %scan3A to %scan3A_2 step %scan3A_3  : i32 {
      %mul3A_44 = arith.constant 1 : i32
      %mul3A_45 = arith.muli %scan3A_43, %mul3A_44 : i32
      %add3A = arith.constant 0 : i32
      %add3A_46 = arith.addi %add3A, %mul3A_45 : i32
      %scan3A_47 = arith.constant 0 : i32
      %scan3A_48 = arith.constant 8 : i32
      %scan3A_49 = arith.addi %scan3A_47, %scan3A_48 : i32
      %scan3A_50 = arith.constant 1 : i32
      scf.for %scan3A_52 = %scan3A_47 to %scan3A_49 step %scan3A_50  : i32 {
        %mul3A_53 = arith.constant 1 : i32
        %mul3A_54 = arith.muli %scan3A_52, %mul3A_53 : i32
        %add3A_55 = arith.constant 0 : i32
        %add3A_56 = arith.addi %add3A_55, %mul3A_54 : i32
        %mul3A_57 = arith.constant 16 : i32
        %mul3A_58 = arith.muli %add3A_56, %mul3A_57 : i32
        %swap3A = arith.index_cast %add3A_46 : i32 to index
        %swap3A_59 = arith.index_cast %mul3A_58 : i32 to index
        %swap3A_60 = tpu.vector_load %arg10[%swap3A, %swap3A_59] {strides = array<i32>} : memref<128x128xf32, #tpu.memory_space<vmem>>, vector<1x16xf32>,
        %swap3A_61 = vector.shape_cast %swap3A_60 : vector<1x16xf32> to vector<16xf32>
        %swap3A_62 = vector.shape_cast %broadcast_in_dim3A_0 : vector<16xf32> to vector<1x16xf32>
        tpu.vector_store %arg10[%swap3A, %swap3A_59], %swap3A_62 {strides = array<i32>} : memref<128x128xf32, #tpu.memory_space<vmem>>, vector<1x16xf32>,
      }
      %scan3A_51 = arith.constant 8 : i32
    }
    %scan3A_4 = arith.constant 128 : i32
    %mul3A = arith.constant 624 : i32
    %mul3A_5 = arith.muli %arg1, %mul3A : i32
    %multiple_of3A = tpu.assume_multiple %mul3A_5, 8 : i32
    %scan3A_6 = arith.constant 0 : i32
    %scan3A_7 = arith.constant 6 : i32
    %scan3A_8 = arith.addi %scan3A_6, %scan3A_7 : i32
    %scan3A_9 = arith.constant 1 : i32
    scf.for %scan3A_43 = %scan3A_6 to %scan3A_8 step %scan3A_9  : i32 {
      %mul3A_44 = arith.constant 1 : i32
      %mul3A_45 = arith.muli %scan3A_43, %mul3A_44 : i32
      %add3A = arith.constant 0 : i32
      %add3A_46 = arith.addi %add3A, %mul3A_45 : i32
      %mul3A_47 = arith.constant 104 : i32
      %mul3A_48 = arith.muli %add3A_46, %mul3A_47 : i32
      %add3A_49 = arith.addi %multiple_of3A, %mul3A_48 : i32
      "tpu.region"() ({
        %run_scoped3A = tpu.sem_alloc : memref<!tpu.dma_semaphore, #tpu.memory_space<semaphore_mem>>
        %dma_start3A_50 = arith.constant 0 : i32
        %dma_start3A_51 = arith.constant 0 : i32
        %dma_start3A_52 = tpu.memref_slice %arg10[%dma_start3A_50, %dma_start3A_51] : memref<128x128xf32, #tpu.memory_space<vmem>> -> memref<104x128xf32, #tpu.memory_space<vmem>>
        %dma_start3A_53 = arith.constant 0 : i32
        %dma_start3A_54 = tpu.memref_slice %arg12[%add3A_49, %dma_start3A_53] : memref<10008x128xf32, #tpu.memory_space<vmem_shared>> -> memref<104x128xf32, #tpu.memory_space<vmem_shared>>
        %dma_start3A_55 = arith.constant 0 : i32
        %dma_start3A_56 = tpu.memref_slice %arg12[%add3A_49, %dma_start3A_55] : memref<10008x128xf32, #tpu.memory_space<vmem_shared>> -> memref<104x128xf32, #tpu.memory_space<vmem_shared>>
        %dma_start3A_57 = arith.constant 0 : i32
        %dma_start3A_58 = arith.constant 0 : i32
        %dma_start3A_59 = tpu.memref_slice %arg10[%dma_start3A_57, %dma_start3A_58] : memref<128x128xf32, #tpu.memory_space<vmem>> -> memref<104x128xf32, #tpu.memory_space<vmem>>
        tpu.enqueue_dma source(%dma_start3A_59 : memref<104x128xf32, #tpu.memory_space<vmem>>) target(%dma_start3A_56 : memref<104x128xf32, #tpu.memory_space<vmem_shared>>) target_semaphore(%run_scoped3A : memref<!tpu.dma_semaphore, #tpu.memory_space<semaphore_mem>>)
        %dma_wait3A_60 = arith.constant 0 : i32
        %dma_wait3A_61 = arith.constant 0 : i32
        %dma_wait3A_62 = tpu.memref_slice %arg10[%dma_wait3A_60, %dma_wait3A_61] : memref<128x128xf32, #tpu.memory_space<vmem>> -> memref<104x128xf32, #tpu.memory_space<vmem>>
        %dma_wait3A_63 = arith.constant 0 : i32
        %dma_wait3A_64 = tpu.memref_slice %arg12[%add3A_49, %dma_wait3A_63] : memref<10008x128xf32, #tpu.memory_space<vmem_shared>> -> memref<104x128xf32, #tpu.memory_space<vmem_shared>>
        %dma_wait3A_65 = arith.constant 0 : i32
        %dma_wait3A_66 = tpu.memref_slice %arg12[%add3A_49, %dma_wait3A_65] : memref<10008x128xf32, #tpu.memory_space<vmem_shared>> -> memref<104x128xf32, #tpu.memory_space<vmem_shared>>
        %dma_wait3A_67 = arith.constant 0 : i32
        %dma_wait3A_68 = arith.constant 0 : i32
        %dma_wait3A_69 = tpu.memref_slice %arg10[%dma_wait3A_67, %dma_wait3A_68] : memref<128x128xf32, #tpu.memory_space<vmem>> -> memref<104x128xf32, #tpu.memory_space<vmem>>
        tpu.wait_dma2 semaphore(%run_scoped3A : memref<!tpu.dma_semaphore, #tpu.memory_space<semaphore_mem>>) src(%dma_wait3A_69 : memref<104x128xf32, #tpu.memory_space<vmem>>) dst(%dma_wait3A_66 : memref<104x128xf32, #tpu.memory_space<vmem_shared>>)
        tpu.yield
      }) : () -> ()
    }
    %scan3A_10 = arith.constant 6 : i32
    %eq3A = arith.constant 15 : i32
    %eq3A_11 = arith.cmpi eq, %arg1, %eq3A : i32
    %convert_element_type3A = arith.extui %eq3A_11 : i1 to i32
    %cond3A = arith.constant 0 : i32
    %cond3A_12 = arith.cmpi ne, %convert_element_type3A, %cond3A : i32
    scf.if %cond3A_12 {
      "tpu.region"() ({
        %run_scoped3A = tpu.sem_alloc : memref<!tpu.dma_semaphore, #tpu.memory_space<semaphore_mem>>
        %dma_start3A_43 = arith.constant 0 : i32
        %dma_start3A_44 = arith.constant 0 : i32
        %dma_start3A_45 = tpu.memref_slice %arg10[%dma_start3A_43, %dma_start3A_44] : memref<128x128xf32, #tpu.memory_space<vmem>> -> memref<16x128xf32, #tpu.memory_space<vmem>>
        %dma_start3A_46 = arith.constant 9984 : i32
        %dma_start3A_47 = arith.constant 0 : i32
        %dma_start3A_48 = tpu.memref_slice %arg12[%dma_start3A_46, %dma_start3A_47] : memref<10008x128xf32, #tpu.memory_space<vmem_shared>> -> memref<16x128xf32, #tpu.memory_space<vmem_shared>>
        %dma_start3A_49 = arith.constant 9984 : i32
        %dma_start3A_50 = arith.constant 0 : i32
        %dma_start3A_51 = tpu.memref_slice %arg12[%dma_start3A_49, %dma_start3A_50] : memref<10008x128xf32, #tpu.memory_space<vmem_shared>> -> memref<16x128xf32, #tpu.memory_space<vmem_shared>>
        %dma_start3A_52 = arith.constant 0 : i32
        %dma_start3A_53 = arith.constant 0 : i32
        %dma_start3A_54 = tpu.memref_slice %arg10[%dma_start3A_52, %dma_start3A_53] : memref<128x128xf32, #tpu.memory_space<vmem>> -> memref<16x128xf32, #tpu.memory_space<vmem>>
        tpu.enqueue_dma source(%dma_start3A_54 : memref<16x128xf32, #tpu.memory_space<vmem>>) target(%dma_start3A_51 : memref<16x128xf32, #tpu.memory_space<vmem_shared>>) target_semaphore(%run_scoped3A : memref<!tpu.dma_semaphore, #tpu.memory_space<semaphore_mem>>)
        %dma_wait3A_55 = arith.constant 0 : i32
        %dma_wait3A_56 = arith.constant 0 : i32
        %dma_wait3A_57 = tpu.memref_slice %arg10[%dma_wait3A_55, %dma_wait3A_56] : memref<128x128xf32, #tpu.memory_space<vmem>> -> memref<16x128xf32, #tpu.memory_space<vmem>>
        %dma_wait3A_58 = arith.constant 9984 : i32
        %dma_wait3A_59 = arith.constant 0 : i32
        %dma_wait3A_60 = tpu.memref_slice %arg12[%dma_wait3A_58, %dma_wait3A_59] : memref<10008x128xf32, #tpu.memory_space<vmem_shared>> -> memref<16x128xf32, #tpu.memory_space<vmem_shared>>
        %dma_wait3A_61 = arith.constant 9984 : i32
        %dma_wait3A_62 = arith.constant 0 : i32
        %dma_wait3A_63 = tpu.memref_slice %arg12[%dma_wait3A_61, %dma_wait3A_62] : memref<10008x128xf32, #tpu.memory_space<vmem_shared>> -> memref<16x128xf32, #tpu.memory_space<vmem_shared>>
        %dma_wait3A_64 = arith.constant 0 : i32
        %dma_wait3A_65 = arith.constant 0 : i32
        %dma_wait3A_66 = tpu.memref_slice %arg10[%dma_wait3A_64, %dma_wait3A_65] : memref<128x128xf32, #tpu.memory_space<vmem>> -> memref<16x128xf32, #tpu.memory_space<vmem>>
        tpu.wait_dma2 semaphore(%run_scoped3A : memref<!tpu.dma_semaphore, #tpu.memory_space<semaphore_mem>>) src(%dma_wait3A_66 : memref<16x128xf32, #tpu.memory_space<vmem>>) dst(%dma_wait3A_63 : memref<16x128xf32, #tpu.memory_space<vmem_shared>>)
        tpu.yield
      }) : () -> ()
    } else {
    }
    %barrier3A = arith.constant 0 : index
    tpu.barrier barrier_id(%barrier3A)
    %dma_start3A = arith.constant 0 : i32
    %dma_start3A_13 = arith.constant 0 : i32
    %dma_start3A_14 = tpu.memref_slice %arg6[%dma_start3A, %dma_start3A_13] : memref<8x128xi32, #tpu.memory_space<vmem>> -> memref<1x128xi32, #tpu.memory_space<vmem>>
    %dma_start3A_15 = tpu.memref_squeeze %dma_start3A_14 : memref<1x128xi32, #tpu.memory_space<vmem>> -> memref<128xi32, #tpu.memory_space<vmem>>
    %dma_start3A_16 = arith.constant 0 : i32
    %dma_start3A_17 = arith.constant 0 : i32
    %dma_start3A_18 = tpu.memref_slice %arg2[%arg0, %dma_start3A_16, %dma_start3A_17] : memref<2x10000x128xf32, #tpu.memory_space<hbm>> -> memref<1x10000x128xf32, #tpu.memory_space<hbm>>
    %dma_start3A_19 = tpu.memref_squeeze %dma_start3A_18 : memref<1x10000x128xf32, #tpu.memory_space<hbm>> -> memref<10000x128xf32, #tpu.memory_space<hbm>>
    %dma_start3A_20 = arith.constant 0 : i32
    %dma_start3A_21 = arith.constant 0 : i32
    %dma_start3A_22 = tpu.memref_slice %dma_start3A_19[%dma_start3A_20, %dma_start3A_21] : memref<10000x128xf32, #tpu.memory_space<hbm>> -> memref<10000x128xf32, #tpu.memory_space<hbm>>
    tpu.enqueue_indirect_dma source(%dma_start3A_22 : memref<10000x128xf32, #tpu.memory_space<hbm>>) target(%arg10 : memref<128x128xf32, #tpu.memory_space<vmem>>) offsets(%dma_start3A_15 : memref<128xi32, #tpu.memory_space<vmem>>) semaphore(%arg13 : memref<!tpu.dma_semaphore, #tpu.memory_space<semaphore_mem>>)
    %scan3A_23 = arith.constant 0 : i32
    %scan3A_24 = arith.constant 10 : i32
    %scan3A_25 = arith.addi %scan3A_23, %scan3A_24 : i32
    %scan3A_26 = arith.constant 1 : i32
    scf.for %scan3A_43 = %scan3A_23 to %scan3A_25 step %scan3A_26  : i32 {
      %mul3A_44 = arith.constant 1 : i32
      %mul3A_45 = arith.muli %scan3A_43, %mul3A_44 : i32
      %add3A = arith.constant 0 : i32
      %add3A_46 = arith.addi %add3A, %mul3A_45 : i32
      %mul3A_47 = arith.constant 2 : i32
      %mul3A_48 = arith.muli %add3A_46, %mul3A_47 : i32
      %lt3A = arith.constant 19 : i32
      %lt3A_49 = arith.cmpi slt, %mul3A_48, %lt3A : i32
      %convert_element_type3A_50 = arith.extui %lt3A_49 : i1 to i32
      %cond3A_51 = arith.constant 0 : i32
      %cond3A_52 = arith.cmpi ne, %convert_element_type3A_50, %cond3A_51 : i32
      scf.if %cond3A_52 {
        %add3A_621 = arith.constant 1 : i32
        %add3A_622 = arith.addi %mul3A_48, %add3A_621 : i32
        %mul3A_623 = arith.constant 8 : i32
        %mul3A_624 = arith.muli %add3A_622, %mul3A_623 : i32
        %dma_start3A_625 = arith.constant 0 : i32
        %dma_start3A_626 = tpu.memref_slice %arg3[%arg0, %arg1, %mul3A_624, %dma_start3A_625] : memref<2x16x160x128xi32, #tpu.memory_space<hbm>> -> memref<1x1x8x128xi32, #tpu.memory_space<hbm>>
        %dma_start3A_627 = tpu.memref_squeeze %dma_start3A_626 : memref<1x1x8x128xi32, #tpu.memory_space<hbm>> -> memref<8x128xi32, #tpu.memory_space<hbm>>
        %dma_start3A_628 = arith.constant 0 : i32
        %dma_start3A_629 = tpu.memref_slice %arg3[%arg0, %arg1, %mul3A_624, %dma_start3A_628] : memref<2x16x160x128xi32, #tpu.memory_space<hbm>> -> memref<1x1x8x128xi32, #tpu.memory_space<hbm>>
        %dma_start3A_630 = tpu.memref_squeeze %dma_start3A_629 : memref<1x1x8x128xi32, #tpu.memory_space<hbm>> -> memref<8x128xi32, #tpu.memory_space<hbm>>
        tpu.enqueue_dma source(%dma_start3A_630 : memref<8x128xi32, #tpu.memory_space<hbm>>) target(%arg7 : memref<8x128xi32, #tpu.memory_space<vmem>>) target_semaphore(%arg17 : memref<!tpu.dma_semaphore, #tpu.memory_space<semaphore_mem>>)
        %dma_start3A_631 = arith.constant 0 : i32
        %dma_start3A_632 = tpu.memref_slice %arg4[%arg0, %arg1, %mul3A_624, %dma_start3A_631] : memref<2x16x160x128xi32, #tpu.memory_space<hbm>> -> memref<1x1x8x128xi32, #tpu.memory_space<hbm>>
        %dma_start3A_633 = tpu.memref_squeeze %dma_start3A_632 : memref<1x1x8x128xi32, #tpu.memory_space<hbm>> -> memref<8x128xi32, #tpu.memory_space<hbm>>
        %dma_start3A_634 = arith.constant 0 : i32
        %dma_start3A_635 = tpu.memref_slice %arg4[%arg0, %arg1, %mul3A_624, %dma_start3A_634] : memref<2x16x160x128xi32, #tpu.memory_space<hbm>> -> memref<1x1x8x128xi32, #tpu.memory_space<hbm>>
        %dma_start3A_636 = tpu.memref_squeeze %dma_start3A_635 : memref<1x1x8x128xi32, #tpu.memory_space<hbm>> -> memref<8x128xi32, #tpu.memory_space<hbm>>
        tpu.enqueue_dma source(%dma_start3A_636 : memref<8x128xi32, #tpu.memory_space<hbm>>) target(%arg9 : memref<8x128xi32, #tpu.memory_space<vmem>>) target_semaphore(%arg17 : memref<!tpu.dma_semaphore, #tpu.memory_space<semaphore_mem>>)
      } else {
      }
      %dma_wait3A_53 = arith.constant 0 : i32
      %dma_wait3A_54 = arith.constant 0 : i32
      %dma_wait3A_55 = tpu.memref_slice %arg6[%dma_wait3A_53, %dma_wait3A_54] : memref<8x128xi32, #tpu.memory_space<vmem>> -> memref<1x128xi32, #tpu.memory_space<vmem>>
      %dma_wait3A_56 = tpu.memref_squeeze %dma_wait3A_55 : memref<1x128xi32, #tpu.memory_space<vmem>> -> memref<128xi32, #tpu.memory_space<vmem>>
      %dma_wait3A_57 = arith.constant 0 : i32
      %dma_wait3A_58 = arith.constant 0 : i32
      %dma_wait3A_59 = tpu.memref_slice %arg2[%arg0, %dma_wait3A_57, %dma_wait3A_58] : memref<2x10000x128xf32, #tpu.memory_space<hbm>> -> memref<1x10000x128xf32, #tpu.memory_space<hbm>>
      %dma_wait3A_60 = tpu.memref_squeeze %dma_wait3A_59 : memref<1x10000x128xf32, #tpu.memory_space<hbm>> -> memref<10000x128xf32, #tpu.memory_space<hbm>>
      %dma_wait3A_61 = arith.constant 0 : i32
      %dma_wait3A_62 = arith.constant 0 : i32
      %dma_wait3A_63 = tpu.memref_slice %dma_wait3A_60[%dma_wait3A_61, %dma_wait3A_62] : memref<10000x128xf32, #tpu.memory_space<hbm>> -> memref<10000x128xf32, #tpu.memory_space<hbm>>
      tpu.wait_indirect_dma semaphore(%arg13 : memref<!tpu.dma_semaphore, #tpu.memory_space<semaphore_mem>>) src(%dma_wait3A_63 : memref<10000x128xf32, #tpu.memory_space<hbm>>) dst(%arg10 : memref<128x128xf32, #tpu.memory_space<vmem>>)
      %dma_start3A_64 = arith.constant 0 : i32
      %dma_start3A_65 = arith.constant 0 : i32
      %dma_start3A_66 = tpu.memref_slice %arg8[%dma_start3A_64, %dma_start3A_65] : memref<8x128xi32, #tpu.memory_space<vmem>> -> memref<1x128xi32, #tpu.memory_space<vmem>>
      %dma_start3A_67 = tpu.memref_squeeze %dma_start3A_66 : memref<1x128xi32, #tpu.memory_space<vmem>> -> memref<128xi32, #tpu.memory_space<vmem>>
      %dma_start3A_68 = arith.constant 0 : i32
      %dma_start3A_69 = arith.constant 0 : i32
      %dma_start3A_70 = tpu.memref_slice %arg12[%dma_start3A_68, %dma_start3A_69] : memref<10008x128xf32, #tpu.memory_space<vmem_shared>> -> memref<10008x128xf32, #tpu.memory_space<vmem_shared>>
      tpu.enqueue_indirect_dma source(%arg10 : memref<128x128xf32, #tpu.memory_space<vmem>>) target(%dma_start3A_70 : memref<10008x128xf32, #tpu.memory_space<vmem_shared>>) offsets(%dma_start3A_67 : memref<128xi32, #tpu.memory_space<vmem>>) semaphore(%arg15 : memref<!tpu.dma_semaphore, #tpu.memory_space<semaphore_mem>>) {add = true}
      %gt3A = arith.constant 0 : i32
      %gt3A_71 = arith.cmpi sgt, %mul3A_48, %gt3A : i32
      %convert_element_type3A_72 = arith.extui %gt3A_71 : i1 to i32
      %cond3A_73 = arith.constant 0 : i32
      %cond3A_74 = arith.cmpi ne, %convert_element_type3A_72, %cond3A_73 : i32
      scf.if %cond3A_74 {
        %dma_wait3A_621 = arith.constant 0 : i32
        %dma_wait3A_622 = arith.constant 0 : i32
        %dma_wait3A_623 = tpu.memref_slice %arg8[%dma_wait3A_621, %dma_wait3A_622] : memref<8x128xi32, #tpu.memory_space<vmem>> -> memref<1x128xi32, #tpu.memory_space<vmem>>
        %dma_wait3A_624 = tpu.memref_squeeze %dma_wait3A_623 : memref<1x128xi32, #tpu.memory_space<vmem>> -> memref<128xi32, #tpu.memory_space<vmem>>
        %dma_wait3A_625 = arith.constant 0 : i32
        %dma_wait3A_626 = arith.constant 0 : i32
        %dma_wait3A_627 = tpu.memref_slice %arg12[%dma_wait3A_625, %dma_wait3A_626] : memref<10008x128xf32, #tpu.memory_space<vmem_shared>> -> memref<10008x128xf32, #tpu.memory_space<vmem_shared>>
        tpu.wait_indirect_dma semaphore(%arg16 : memref<!tpu.dma_semaphore, #tpu.memory_space<semaphore_mem>>) src(%arg11 : memref<128x128xf32, #tpu.memory_space<vmem>>) dst(%dma_wait3A_627 : memref<10008x128xf32, #tpu.memory_space<vmem_shared>>)
      } else {
      }
      %dma_start3A_75 = arith.constant 1 : i32
      %dma_start3A_76 = arith.constant 0 : i32
      %dma_start3A_77 = tpu.memref_slice %arg6[%dma_start3A_75, %dma_start3A_76] : memref<8x128xi32, #tpu.memory_space<vmem>> -> memref<1x128xi32, #tpu.memory_space<vmem>>
      %dma_start3A_78 = tpu.memref_squeeze %dma_start3A_77 : memref<1x128xi32, #tpu.memory_space<vmem>> -> memref<128xi32, #tpu.memory_space<vmem>>
      %dma_start3A_79 = arith.constant 0 : i32
      %dma_start3A_80 = arith.constant 0 : i32
      %dma_start3A_81 = tpu.memref_slice %arg2[%arg0, %dma_start3A_79, %dma_start3A_80] : memref<2x10000x128xf32, #tpu.memory_space<hbm>> -> memref<1x10000x128xf32, #tpu.memory_space<hbm>>
      %dma_start3A_82 = tpu.memref_squeeze %dma_start3A_81 : memref<1x10000x128xf32, #tpu.memory_space<hbm>> -> memref<10000x128xf32, #tpu.memory_space<hbm>>
      %dma_start3A_83 = arith.constant 0 : i32
      %dma_start3A_84 = arith.constant 0 : i32
      %dma_start3A_85 = tpu.memref_slice %dma_start3A_82[%dma_start3A_83, %dma_start3A_84] : memref<10000x128xf32, #tpu.memory_space<hbm>> -> memref<10000x128xf32, #tpu.memory_space<hbm>>
      tpu.enqueue_indirect_dma source(%dma_start3A_85 : memref<10000x128xf32, #tpu.memory_space<hbm>>) target(%arg11 : memref<128x128xf32, #tpu.memory_space<vmem>>) offsets(%dma_start3A_78 : memref<128xi32, #tpu.memory_space<vmem>>) semaphore(%arg14 : memref<!tpu.dma_semaphore, #tpu.memory_space<semaphore_mem>>)
      %dma_wait3A_86 = arith.constant 1 : i32
      %dma_wait3A_87 = arith.constant 0 : i32
      %dma_wait3A_88 = tpu.memref_slice %arg6[%dma_wait3A_86, %dma_wait3A_87] : memref<8x128xi32, #tpu.memory_space<vmem>> -> memref<1x128xi32, #tpu.memory_space<vmem>>
      %dma_wait3A_89 = tpu.memref_squeeze %dma_wait3A_88 : memref<1x128xi32, #tpu.memory_space<vmem>> -> memref<128xi32, #tpu.memory_space<vmem>>
      %dma_wait3A_90 = arith.constant 0 : i32
      %dma_wait3A_91 = arith.constant 0 : i32
      %dma_wait3A_92 = tpu.memref_slice %arg2[%arg0, %dma_wait3A_90, %dma_wait3A_91] : memref<2x10000x128xf32, #tpu.memory_space<hbm>> -> memref<1x10000x128xf32, #tpu.memory_space<hbm>>
      %dma_wait3A_93 = tpu.memref_squeeze %dma_wait3A_92 : memref<1x10000x128xf32, #tpu.memory_space<hbm>> -> memref<10000x128xf32, #tpu.memory_space<hbm>>
      %dma_wait3A_94 = arith.constant 0 : i32
      %dma_wait3A_95 = arith.constant 0 : i32
      %dma_wait3A_96 = tpu.memref_slice %dma_wait3A_93[%dma_wait3A_94, %dma_wait3A_95] : memref<10000x128xf32, #tpu.memory_space<hbm>> -> memref<10000x128xf32, #tpu.memory_space<hbm>>
      tpu.wait_indirect_dma semaphore(%arg14 : memref<!tpu.dma_semaphore, #tpu.memory_space<semaphore_mem>>) src(%dma_wait3A_96 : memref<10000x128xf32, #tpu.memory_space<hbm>>) dst(%arg11 : memref<128x128xf32, #tpu.memory_space<vmem>>)
      %dma_start3A_97 = arith.constant 1 : i32
      %dma_start3A_98 = arith.constant 0 : i32
      %dma_start3A_99 = tpu.memref_slice %arg8[%dma_start3A_97, %dma_start3A_98] : memref<8x128xi32, #tpu.memory_space<vmem>> -> memref<1x128xi32, #tpu.memory_space<vmem>>
      %dma_start3A_100 = tpu.memref_squeeze %dma_start3A_99 : memref<1x128xi32, #tpu.memory_space<vmem>> -> memref<128xi32, #tpu.memory_space<vmem>>
      %dma_start3A_101 = arith.constant 0 : i32
      %dma_start3A_102 = arith.constant 0 : i32
      %dma_start3A_103 = tpu.memref_slice %arg12[%dma_start3A_101, %dma_start3A_102] : memref<10008x128xf32, #tpu.memory_space<vmem_shared>> -> memref<10008x128xf32, #tpu.memory_space<vmem_shared>>
      tpu.enqueue_indirect_dma source(%arg11 : memref<128x128xf32, #tpu.memory_space<vmem>>) target(%dma_start3A_103 : memref<10008x128xf32, #tpu.memory_space<vmem_shared>>) offsets(%dma_start3A_100 : memref<128xi32, #tpu.memory_space<vmem>>) semaphore(%arg16 : memref<!tpu.dma_semaphore, #tpu.memory_space<semaphore_mem>>) {add = true}
      %dma_wait3A_104 = arith.constant 1 : i32
      %dma_wait3A_105 = arith.constant 0 : i32
      %dma_wait3A_106 = tpu.memref_slice %arg8[%dma_wait3A_104, %dma_wait3A_105] : memref<8x128xi32, #tpu.memory_space<vmem>> -> memref<1x128xi32, #tpu.memory_space<vmem>>
      %dma_wait3A_107 = tpu.memref_squeeze %dma_wait3A_106 : memref<1x128xi32, #tpu.memory_space<vmem>> -> memref<128xi32, #tpu.memory_space<vmem>>
      %dma_wait3A_108 = arith.constant 0 : i32
      %dma_wait3A_109 = arith.constant 0 : i32
      %dma_wait3A_110 = tpu.memref_slice %arg12[%dma_wait3A_108, %dma_wait3A_109] : memref<10008x128xf32, #tpu.memory_space<vmem_shared>> -> memref<10008x128xf32, #tpu.memory_space<vmem_shared>>
      tpu.wait_indirect_dma semaphore(%arg15 : memref<!tpu.dma_semaphore, #tpu.memory_space<semaphore_mem>>) src(%arg10 : memref<128x128xf32, #tpu.memory_space<vmem>>) dst(%dma_wait3A_110 : memref<10008x128xf32, #tpu.memory_space<vmem_shared>>)
      %dma_start3A_111 = arith.constant 2 : i32
      %dma_start3A_112 = arith.constant 0 : i32
      %dma_start3A_113 = tpu.memref_slice %arg6[%dma_start3A_111, %dma_start3A_112] : memref<8x128xi32, #tpu.memory_space<vmem>> -> memref<1x128xi32, #tpu.memory_space<vmem>>
      %dma_start3A_114 = tpu.memref_squeeze %dma_start3A_113 : memref<1x128xi32, #tpu.memory_space<vmem>> -> memref<128xi32, #tpu.memory_space<vmem>>
      %dma_start3A_115 = arith.constant 0 : i32
      %dma_start3A_116 = arith.constant 0 : i32
      %dma_start3A_117 = tpu.memref_slice %arg2[%arg0, %dma_start3A_115, %dma_start3A_116] : memref<2x10000x128xf32, #tpu.memory_space<hbm>> -> memref<1x10000x128xf32, #tpu.memory_space<hbm>>
      %dma_start3A_118 = tpu.memref_squeeze %dma_start3A_117 : memref<1x10000x128xf32, #tpu.memory_space<hbm>> -> memref<10000x128xf32, #tpu.memory_space<hbm>>
      %dma_start3A_119 = arith.constant 0 : i32
      %dma_start3A_120 = arith.constant 0 : i32
      %dma_start3A_121 = tpu.memref_slice %dma_start3A_118[%dma_start3A_119, %dma_start3A_120] : memref<10000x128xf32, #tpu.memory_space<hbm>> -> memref<10000x128xf32, #tpu.memory_space<hbm>>
      tpu.enqueue_indirect_dma source(%dma_start3A_121 : memref<10000x128xf32, #tpu.memory_space<hbm>>) target(%arg10 : memref<128x128xf32, #tpu.memory_space<vmem>>) offsets(%dma_start3A_114 : memref<128xi32, #tpu.memory_space<vmem>>) semaphore(%arg13 : memref<!tpu.dma_semaphore, #tpu.memory_space<semaphore_mem>>)
      %dma_wait3A_122 = arith.constant 2 : i32
      %dma_wait3A_123 = arith.constant 0 : i32
      %dma_wait3A_124 = tpu.memref_slice %arg6[%dma_wait3A_122, %dma_wait3A_123] : memref<8x128xi32, #tpu.memory_space<vmem>> -> memref<1x128xi32, #tpu.memory_space<vmem>>
      %dma_wait3A_125 = tpu.memref_squeeze %dma_wait3A_124 : memref<1x128xi32, #tpu.memory_space<vmem>> -> memref<128xi32, #tpu.memory_space<vmem>>
      %dma_wait3A_126 = arith.constant 0 : i32
      %dma_wait3A_127 = arith.constant 0 : i32
      %dma_wait3A_128 = tpu.memref_slice %arg2[%arg0, %dma_wait3A_126, %dma_wait3A_127] : memref<2x10000x128xf32, #tpu.memory_space<hbm>> -> memref<1x10000x128xf32, #tpu.memory_space<hbm>>
      %dma_wait3A_129 = tpu.memref_squeeze %dma_wait3A_128 : memref<1x10000x128xf32, #tpu.memory_space<hbm>> -> memref<10000x128xf32, #tpu.memory_space<hbm>>
      %dma_wait3A_130 = arith.constant 0 : i32
      %dma_wait3A_131 = arith.constant 0 : i32
      %dma_wait3A_132 = tpu.memref_slice %dma_wait3A_129[%dma_wait3A_130, %dma_wait3A_131] : memref<10000x128xf32, #tpu.memory_space<hbm>> -> memref<10000x128xf32, #tpu.memory_space<hbm>>
      tpu.wait_indirect_dma semaphore(%arg13 : memref<!tpu.dma_semaphore, #tpu.memory_space<semaphore_mem>>) src(%dma_wait3A_132 : memref<10000x128xf32, #tpu.memory_space<hbm>>) dst(%arg10 : memref<128x128xf32, #tpu.memory_space<vmem>>)
      %dma_start3A_133 = arith.constant 2 : i32
      %dma_start3A_134 = arith.constant 0 : i32
      %dma_start3A_135 = tpu.memref_slice %arg8[%dma_start3A_133, %dma_start3A_134] : memref<8x128xi32, #tpu.memory_space<vmem>> -> memref<1x128xi32, #tpu.memory_space<vmem>>
      %dma_start3A_136 = tpu.memref_squeeze %dma_start3A_135 : memref<1x128xi32, #tpu.memory_space<vmem>> -> memref<128xi32, #tpu.memory_space<vmem>>
      %dma_start3A_137 = arith.constant 0 : i32
      %dma_start3A_138 = arith.constant 0 : i32
      %dma_start3A_139 = tpu.memref_slice %arg12[%dma_start3A_137, %dma_start3A_138] : memref<10008x128xf32, #tpu.memory_space<vmem_shared>> -> memref<10008x128xf32, #tpu.memory_space<vmem_shared>>
      tpu.enqueue_indirect_dma source(%arg10 : memref<128x128xf32, #tpu.memory_space<vmem>>) target(%dma_start3A_139 : memref<10008x128xf32, #tpu.memory_space<vmem_shared>>) offsets(%dma_start3A_136 : memref<128xi32, #tpu.memory_space<vmem>>) semaphore(%arg15 : memref<!tpu.dma_semaphore, #tpu.memory_space<semaphore_mem>>) {add = true}
      %dma_wait3A_140 = arith.constant 2 : i32
      %dma_wait3A_141 = arith.constant 0 : i32
      %dma_wait3A_142 = tpu.memref_slice %arg8[%dma_wait3A_140, %dma_wait3A_141] : memref<8x128xi32, #tpu.memory_space<vmem>> -> memref<1x128xi32, #tpu.memory_space<vmem>>
      %dma_wait3A_143 = tpu.memref_squeeze %dma_wait3A_142 : memref<1x128xi32, #tpu.memory_space<vmem>> -> memref<128xi32, #tpu.memory_space<vmem>>
      %dma_wait3A_144 = arith.constant 0 : i32
      %dma_wait3A_145 = arith.constant 0 : i32
      %dma_wait3A_146 = tpu.memref_slice %arg12[%dma_wait3A_144, %dma_wait3A_145] : memref<10008x128xf32, #tpu.memory_space<vmem_shared>> -> memref<10008x128xf32, #tpu.memory_space<vmem_shared>>
      tpu.wait_indirect_dma semaphore(%arg16 : memref<!tpu.dma_semaphore, #tpu.memory_space<semaphore_mem>>) src(%arg11 : memref<128x128xf32, #tpu.memory_space<vmem>>) dst(%dma_wait3A_146 : memref<10008x128xf32, #tpu.memory_space<vmem_shared>>)
      %dma_start3A_147 = arith.constant 3 : i32
      %dma_start3A_148 = arith.constant 0 : i32
      %dma_start3A_149 = tpu.memref_slice %arg6[%dma_start3A_147, %dma_start3A_148] : memref<8x128xi32, #tpu.memory_space<vmem>> -> memref<1x128xi32, #tpu.memory_space<vmem>>
      %dma_start3A_150 = tpu.memref_squeeze %dma_start3A_149 : memref<1x128xi32, #tpu.memory_space<vmem>> -> memref<128xi32, #tpu.memory_space<vmem>>
      %dma_start3A_151 = arith.constant 0 : i32
      %dma_start3A_152 = arith.constant 0 : i32
      %dma_start3A_153 = tpu.memref_slice %arg2[%arg0, %dma_start3A_151, %dma_start3A_152] : memref<2x10000x128xf32, #tpu.memory_space<hbm>> -> memref<1x10000x128xf32, #tpu.memory_space<hbm>>
      %dma_start3A_154 = tpu.memref_squeeze %dma_start3A_153 : memref<1x10000x128xf32, #tpu.memory_space<hbm>> -> memref<10000x128xf32, #tpu.memory_space<hbm>>
      %dma_start3A_155 = arith.constant 0 : i32
      %dma_start3A_156 = arith.constant 0 : i32
      %dma_start3A_157 = tpu.memref_slice %dma_start3A_154[%dma_start3A_155, %dma_start3A_156] : memref<10000x128xf32, #tpu.memory_space<hbm>> -> memref<10000x128xf32, #tpu.memory_space<hbm>>
      tpu.enqueue_indirect_dma source(%dma_start3A_157 : memref<10000x128xf32, #tpu.memory_space<hbm>>) target(%arg11 : memref<128x128xf32, #tpu.memory_space<vmem>>) offsets(%dma_start3A_150 : memref<128xi32, #tpu.memory_space<vmem>>) semaphore(%arg14 : memref<!tpu.dma_semaphore, #tpu.memory_space<semaphore_mem>>)
      %dma_wait3A_158 = arith.constant 3 : i32
      %dma_wait3A_159 = arith.constant 0 : i32
      %dma_wait3A_160 = tpu.memref_slice %arg6[%dma_wait3A_158, %dma_wait3A_159] : memref<8x128xi32, #tpu.memory_space<vmem>> -> memref<1x128xi32, #tpu.memory_space<vmem>>
      %dma_wait3A_161 = tpu.memref_squeeze %dma_wait3A_160 : memref<1x128xi32, #tpu.memory_space<vmem>> -> memref<128xi32, #tpu.memory_space<vmem>>
      %dma_wait3A_162 = arith.constant 0 : i32
      %dma_wait3A_163 = arith.constant 0 : i32
      %dma_wait3A_164 = tpu.memref_slice %arg2[%arg0, %dma_wait3A_162, %dma_wait3A_163] : memref<2x10000x128xf32, #tpu.memory_space<hbm>> -> memref<1x10000x128xf32, #tpu.memory_space<hbm>>
      %dma_wait3A_165 = tpu.memref_squeeze %dma_wait3A_164 : memref<1x10000x128xf32, #tpu.memory_space<hbm>> -> memref<10000x128xf32, #tpu.memory_space<hbm>>
      %dma_wait3A_166 = arith.constant 0 : i32
      %dma_wait3A_167 = arith.constant 0 : i32
      %dma_wait3A_168 = tpu.memref_slice %dma_wait3A_165[%dma_wait3A_166, %dma_wait3A_167] : memref<10000x128xf32, #tpu.memory_space<hbm>> -> memref<10000x128xf32, #tpu.memory_space<hbm>>
      tpu.wait_indirect_dma semaphore(%arg14 : memref<!tpu.dma_semaphore, #tpu.memory_space<semaphore_mem>>) src(%dma_wait3A_168 : memref<10000x128xf32, #tpu.memory_space<hbm>>) dst(%arg11 : memref<128x128xf32, #tpu.memory_space<vmem>>)
      %dma_start3A_169 = arith.constant 3 : i32
      %dma_start3A_170 = arith.constant 0 : i32
      %dma_start3A_171 = tpu.memref_slice %arg8[%dma_start3A_169, %dma_start3A_170] : memref<8x128xi32, #tpu.memory_space<vmem>> -> memref<1x128xi32, #tpu.memory_space<vmem>>
      %dma_start3A_172 = tpu.memref_squeeze %dma_start3A_171 : memref<1x128xi32, #tpu.memory_space<vmem>> -> memref<128xi32, #tpu.memory_space<vmem>>
      %dma_start3A_173 = arith.constant 0 : i32
      %dma_start3A_174 = arith.constant 0 : i32
      %dma_start3A_175 = tpu.memref_slice %arg12[%dma_start3A_173, %dma_start3A_174] : memref<10008x128xf32, #tpu.memory_space<vmem_shared>> -> memref<10008x128xf32, #tpu.memory_space<vmem_shared>>
      tpu.enqueue_indirect_dma source(%arg11 : memref<128x128xf32, #tpu.memory_space<vmem>>) target(%dma_start3A_175 : memref<10008x128xf32, #tpu.memory_space<vmem_shared>>) offsets(%dma_start3A_172 : memref<128xi32, #tpu.memory_space<vmem>>) semaphore(%arg16 : memref<!tpu.dma_semaphore, #tpu.memory_space<semaphore_mem>>) {add = true}
      %dma_wait3A_176 = arith.constant 3 : i32
      %dma_wait3A_177 = arith.constant 0 : i32
      %dma_wait3A_178 = tpu.memref_slice %arg8[%dma_wait3A_176, %dma_wait3A_177] : memref<8x128xi32, #tpu.memory_space<vmem>> -> memref<1x128xi32, #tpu.memory_space<vmem>>
      %dma_wait3A_179 = tpu.memref_squeeze %dma_wait3A_178 : memref<1x128xi32, #tpu.memory_space<vmem>> -> memref<128xi32, #tpu.memory_space<vmem>>
      %dma_wait3A_180 = arith.constant 0 : i32
      %dma_wait3A_181 = arith.constant 0 : i32
      %dma_wait3A_182 = tpu.memref_slice %arg12[%dma_wait3A_180, %dma_wait3A_181] : memref<10008x128xf32, #tpu.memory_space<vmem_shared>> -> memref<10008x128xf32, #tpu.memory_space<vmem_shared>>
      tpu.wait_indirect_dma semaphore(%arg15 : memref<!tpu.dma_semaphore, #tpu.memory_space<semaphore_mem>>) src(%arg10 : memref<128x128xf32, #tpu.memory_space<vmem>>) dst(%dma_wait3A_182 : memref<10008x128xf32, #tpu.memory_space<vmem_shared>>)
      %dma_start3A_183 = arith.constant 4 : i32
      %dma_start3A_184 = arith.constant 0 : i32
      %dma_start3A_185 = tpu.memref_slice %arg6[%dma_start3A_183, %dma_start3A_184] : memref<8x128xi32, #tpu.memory_space<vmem>> -> memref<1x128xi32, #tpu.memory_space<vmem>>
      %dma_start3A_186 = tpu.memref_squeeze %dma_start3A_185 : memref<1x128xi32, #tpu.memory_space<vmem>> -> memref<128xi32, #tpu.memory_space<vmem>>
      %dma_start3A_187 = arith.constant 0 : i32
      %dma_start3A_188 = arith.constant 0 : i32
      %dma_start3A_189 = tpu.memref_slice %arg2[%arg0, %dma_start3A_187, %dma_start3A_188] : memref<2x10000x128xf32, #tpu.memory_space<hbm>> -> memref<1x10000x128xf32, #tpu.memory_space<hbm>>
      %dma_start3A_190 = tpu.memref_squeeze %dma_start3A_189 : memref<1x10000x128xf32, #tpu.memory_space<hbm>> -> memref<10000x128xf32, #tpu.memory_space<hbm>>
      %dma_start3A_191 = arith.constant 0 : i32
      %dma_start3A_192 = arith.constant 0 : i32
      %dma_start3A_193 = tpu.memref_slice %dma_start3A_190[%dma_start3A_191, %dma_start3A_192] : memref<10000x128xf32, #tpu.memory_space<hbm>> -> memref<10000x128xf32, #tpu.memory_space<hbm>>
      tpu.enqueue_indirect_dma source(%dma_start3A_193 : memref<10000x128xf32, #tpu.memory_space<hbm>>) target(%arg10 : memref<128x128xf32, #tpu.memory_space<vmem>>) offsets(%dma_start3A_186 : memref<128xi32, #tpu.memory_space<vmem>>) semaphore(%arg13 : memref<!tpu.dma_semaphore, #tpu.memory_space<semaphore_mem>>)
      %dma_wait3A_194 = arith.constant 4 : i32
      %dma_wait3A_195 = arith.constant 0 : i32
      %dma_wait3A_196 = tpu.memref_slice %arg6[%dma_wait3A_194, %dma_wait3A_195] : memref<8x128xi32, #tpu.memory_space<vmem>> -> memref<1x128xi32, #tpu.memory_space<vmem>>
      %dma_wait3A_197 = tpu.memref_squeeze %dma_wait3A_196 : memref<1x128xi32, #tpu.memory_space<vmem>> -> memref<128xi32, #tpu.memory_space<vmem>>
      %dma_wait3A_198 = arith.constant 0 : i32
      %dma_wait3A_199 = arith.constant 0 : i32
      %dma_wait3A_200 = tpu.memref_slice %arg2[%arg0, %dma_wait3A_198, %dma_wait3A_199] : memref<2x10000x128xf32, #tpu.memory_space<hbm>> -> memref<1x10000x128xf32, #tpu.memory_space<hbm>>
      %dma_wait3A_201 = tpu.memref_squeeze %dma_wait3A_200 : memref<1x10000x128xf32, #tpu.memory_space<hbm>> -> memref<10000x128xf32, #tpu.memory_space<hbm>>
      %dma_wait3A_202 = arith.constant 0 : i32
      %dma_wait3A_203 = arith.constant 0 : i32
      %dma_wait3A_204 = tpu.memref_slice %dma_wait3A_201[%dma_wait3A_202, %dma_wait3A_203] : memref<10000x128xf32, #tpu.memory_space<hbm>> -> memref<10000x128xf32, #tpu.memory_space<hbm>>
      tpu.wait_indirect_dma semaphore(%arg13 : memref<!tpu.dma_semaphore, #tpu.memory_space<semaphore_mem>>) src(%dma_wait3A_204 : memref<10000x128xf32, #tpu.memory_space<hbm>>) dst(%arg10 : memref<128x128xf32, #tpu.memory_space<vmem>>)
      %dma_start3A_205 = arith.constant 4 : i32
      %dma_start3A_206 = arith.constant 0 : i32
      %dma_start3A_207 = tpu.memref_slice %arg8[%dma_start3A_205, %dma_start3A_206] : memref<8x128xi32, #tpu.memory_space<vmem>> -> memref<1x128xi32, #tpu.memory_space<vmem>>
      %dma_start3A_208 = tpu.memref_squeeze %dma_start3A_207 : memref<1x128xi32, #tpu.memory_space<vmem>> -> memref<128xi32, #tpu.memory_space<vmem>>
      %dma_start3A_209 = arith.constant 0 : i32
      %dma_start3A_210 = arith.constant 0 : i32
      %dma_start3A_211 = tpu.memref_slice %arg12[%dma_start3A_209, %dma_start3A_210] : memref<10008x128xf32, #tpu.memory_space<vmem_shared>> -> memref<10008x128xf32, #tpu.memory_space<vmem_shared>>
      tpu.enqueue_indirect_dma source(%arg10 : memref<128x128xf32, #tpu.memory_space<vmem>>) target(%dma_start3A_211 : memref<10008x128xf32, #tpu.memory_space<vmem_shared>>) offsets(%dma_start3A_208 : memref<128xi32, #tpu.memory_space<vmem>>) semaphore(%arg15 : memref<!tpu.dma_semaphore, #tpu.memory_space<semaphore_mem>>) {add = true}
      %dma_wait3A_212 = arith.constant 4 : i32
      %dma_wait3A_213 = arith.constant 0 : i32
      %dma_wait3A_214 = tpu.memref_slice %arg8[%dma_wait3A_212, %dma_wait3A_213] : memref<8x128xi32, #tpu.memory_space<vmem>> -> memref<1x128xi32, #tpu.memory_space<vmem>>
      %dma_wait3A_215 = tpu.memref_squeeze %dma_wait3A_214 : memref<1x128xi32, #tpu.memory_space<vmem>> -> memref<128xi32, #tpu.memory_space<vmem>>
      %dma_wait3A_216 = arith.constant 0 : i32
      %dma_wait3A_217 = arith.constant 0 : i32
      %dma_wait3A_218 = tpu.memref_slice %arg12[%dma_wait3A_216, %dma_wait3A_217] : memref<10008x128xf32, #tpu.memory_space<vmem_shared>> -> memref<10008x128xf32, #tpu.memory_space<vmem_shared>>
      tpu.wait_indirect_dma semaphore(%arg16 : memref<!tpu.dma_semaphore, #tpu.memory_space<semaphore_mem>>) src(%arg11 : memref<128x128xf32, #tpu.memory_space<vmem>>) dst(%dma_wait3A_218 : memref<10008x128xf32, #tpu.memory_space<vmem_shared>>)
      %dma_start3A_219 = arith.constant 5 : i32
      %dma_start3A_220 = arith.constant 0 : i32
      %dma_start3A_221 = tpu.memref_slice %arg6[%dma_start3A_219, %dma_start3A_220] : memref<8x128xi32, #tpu.memory_space<vmem>> -> memref<1x128xi32, #tpu.memory_space<vmem>>
      %dma_start3A_222 = tpu.memref_squeeze %dma_start3A_221 : memref<1x128xi32, #tpu.memory_space<vmem>> -> memref<128xi32, #tpu.memory_space<vmem>>
      %dma_start3A_223 = arith.constant 0 : i32
      %dma_start3A_224 = arith.constant 0 : i32
      %dma_start3A_225 = tpu.memref_slice %arg2[%arg0, %dma_start3A_223, %dma_start3A_224] : memref<2x10000x128xf32, #tpu.memory_space<hbm>> -> memref<1x10000x128xf32, #tpu.memory_space<hbm>>
      %dma_start3A_226 = tpu.memref_squeeze %dma_start3A_225 : memref<1x10000x128xf32, #tpu.memory_space<hbm>> -> memref<10000x128xf32, #tpu.memory_space<hbm>>
      %dma_start3A_227 = arith.constant 0 : i32
      %dma_start3A_228 = arith.constant 0 : i32
      %dma_start3A_229 = tpu.memref_slice %dma_start3A_226[%dma_start3A_227, %dma_start3A_228] : memref<10000x128xf32, #tpu.memory_space<hbm>> -> memref<10000x128xf32, #tpu.memory_space<hbm>>
      tpu.enqueue_indirect_dma source(%dma_start3A_229 : memref<10000x128xf32, #tpu.memory_space<hbm>>) target(%arg11 : memref<128x128xf32, #tpu.memory_space<vmem>>) offsets(%dma_start3A_222 : memref<128xi32, #tpu.memory_space<vmem>>) semaphore(%arg14 : memref<!tpu.dma_semaphore, #tpu.memory_space<semaphore_mem>>)
      %dma_wait3A_230 = arith.constant 5 : i32
      %dma_wait3A_231 = arith.constant 0 : i32
      %dma_wait3A_232 = tpu.memref_slice %arg6[%dma_wait3A_230, %dma_wait3A_231] : memref<8x128xi32, #tpu.memory_space<vmem>> -> memref<1x128xi32, #tpu.memory_space<vmem>>
      %dma_wait3A_233 = tpu.memref_squeeze %dma_wait3A_232 : memref<1x128xi32, #tpu.memory_space<vmem>> -> memref<128xi32, #tpu.memory_space<vmem>>
      %dma_wait3A_234 = arith.constant 0 : i32
      %dma_wait3A_235 = arith.constant 0 : i32
      %dma_wait3A_236 = tpu.memref_slice %arg2[%arg0, %dma_wait3A_234, %dma_wait3A_235] : memref<2x10000x128xf32, #tpu.memory_space<hbm>> -> memref<1x10000x128xf32, #tpu.memory_space<hbm>>
      %dma_wait3A_237 = tpu.memref_squeeze %dma_wait3A_236 : memref<1x10000x128xf32, #tpu.memory_space<hbm>> -> memref<10000x128xf32, #tpu.memory_space<hbm>>
      %dma_wait3A_238 = arith.constant 0 : i32
      %dma_wait3A_239 = arith.constant 0 : i32
      %dma_wait3A_240 = tpu.memref_slice %dma_wait3A_237[%dma_wait3A_238, %dma_wait3A_239] : memref<10000x128xf32, #tpu.memory_space<hbm>> -> memref<10000x128xf32, #tpu.memory_space<hbm>>
      tpu.wait_indirect_dma semaphore(%arg14 : memref<!tpu.dma_semaphore, #tpu.memory_space<semaphore_mem>>) src(%dma_wait3A_240 : memref<10000x128xf32, #tpu.memory_space<hbm>>) dst(%arg11 : memref<128x128xf32, #tpu.memory_space<vmem>>)
      %dma_start3A_241 = arith.constant 5 : i32
      %dma_start3A_242 = arith.constant 0 : i32
      %dma_start3A_243 = tpu.memref_slice %arg8[%dma_start3A_241, %dma_start3A_242] : memref<8x128xi32, #tpu.memory_space<vmem>> -> memref<1x128xi32, #tpu.memory_space<vmem>>
      %dma_start3A_244 = tpu.memref_squeeze %dma_start3A_243 : memref<1x128xi32, #tpu.memory_space<vmem>> -> memref<128xi32, #tpu.memory_space<vmem>>
      %dma_start3A_245 = arith.constant 0 : i32
      %dma_start3A_246 = arith.constant 0 : i32
      %dma_start3A_247 = tpu.memref_slice %arg12[%dma_start3A_245, %dma_start3A_246] : memref<10008x128xf32, #tpu.memory_space<vmem_shared>> -> memref<10008x128xf32, #tpu.memory_space<vmem_shared>>
      tpu.enqueue_indirect_dma source(%arg11 : memref<128x128xf32, #tpu.memory_space<vmem>>) target(%dma_start3A_247 : memref<10008x128xf32, #tpu.memory_space<vmem_shared>>) offsets(%dma_start3A_244 : memref<128xi32, #tpu.memory_space<vmem>>) semaphore(%arg16 : memref<!tpu.dma_semaphore, #tpu.memory_space<semaphore_mem>>) {add = true}
      %dma_wait3A_248 = arith.constant 5 : i32
      %dma_wait3A_249 = arith.constant 0 : i32
      %dma_wait3A_250 = tpu.memref_slice %arg8[%dma_wait3A_248, %dma_wait3A_249] : memref<8x128xi32, #tpu.memory_space<vmem>> -> memref<1x128xi32, #tpu.memory_space<vmem>>
      %dma_wait3A_251 = tpu.memref_squeeze %dma_wait3A_250 : memref<1x128xi32, #tpu.memory_space<vmem>> -> memref<128xi32, #tpu.memory_space<vmem>>
      %dma_wait3A_252 = arith.constant 0 : i32
      %dma_wait3A_253 = arith.constant 0 : i32
      %dma_wait3A_254 = tpu.memref_slice %arg12[%dma_wait3A_252, %dma_wait3A_253] : memref<10008x128xf32, #tpu.memory_space<vmem_shared>> -> memref<10008x128xf32, #tpu.memory_space<vmem_shared>>
      tpu.wait_indirect_dma semaphore(%arg15 : memref<!tpu.dma_semaphore, #tpu.memory_space<semaphore_mem>>) src(%arg10 : memref<128x128xf32, #tpu.memory_space<vmem>>) dst(%dma_wait3A_254 : memref<10008x128xf32, #tpu.memory_space<vmem_shared>>)
      %dma_start3A_255 = arith.constant 6 : i32
      %dma_start3A_256 = arith.constant 0 : i32
      %dma_start3A_257 = tpu.memref_slice %arg6[%dma_start3A_255, %dma_start3A_256] : memref<8x128xi32, #tpu.memory_space<vmem>> -> memref<1x128xi32, #tpu.memory_space<vmem>>
      %dma_start3A_258 = tpu.memref_squeeze %dma_start3A_257 : memref<1x128xi32, #tpu.memory_space<vmem>> -> memref<128xi32, #tpu.memory_space<vmem>>
      %dma_start3A_259 = arith.constant 0 : i32
      %dma_start3A_260 = arith.constant 0 : i32
      %dma_start3A_261 = tpu.memref_slice %arg2[%arg0, %dma_start3A_259, %dma_start3A_260] : memref<2x10000x128xf32, #tpu.memory_space<hbm>> -> memref<1x10000x128xf32, #tpu.memory_space<hbm>>
      %dma_start3A_262 = tpu.memref_squeeze %dma_start3A_261 : memref<1x10000x128xf32, #tpu.memory_space<hbm>> -> memref<10000x128xf32, #tpu.memory_space<hbm>>
      %dma_start3A_263 = arith.constant 0 : i32
      %dma_start3A_264 = arith.constant 0 : i32
      %dma_start3A_265 = tpu.memref_slice %dma_start3A_262[%dma_start3A_263, %dma_start3A_264] : memref<10000x128xf32, #tpu.memory_space<hbm>> -> memref<10000x128xf32, #tpu.memory_space<hbm>>
      tpu.enqueue_indirect_dma source(%dma_start3A_265 : memref<10000x128xf32, #tpu.memory_space<hbm>>) target(%arg10 : memref<128x128xf32, #tpu.memory_space<vmem>>) offsets(%dma_start3A_258 : memref<128xi32, #tpu.memory_space<vmem>>) semaphore(%arg13 : memref<!tpu.dma_semaphore, #tpu.memory_space<semaphore_mem>>)
      %dma_wait3A_266 = arith.constant 6 : i32
      %dma_wait3A_267 = arith.constant 0 : i32
      %dma_wait3A_268 = tpu.memref_slice %arg6[%dma_wait3A_266, %dma_wait3A_267] : memref<8x128xi32, #tpu.memory_space<vmem>> -> memref<1x128xi32, #tpu.memory_space<vmem>>
      %dma_wait3A_269 = tpu.memref_squeeze %dma_wait3A_268 : memref<1x128xi32, #tpu.memory_space<vmem>> -> memref<128xi32, #tpu.memory_space<vmem>>
      %dma_wait3A_270 = arith.constant 0 : i32
      %dma_wait3A_271 = arith.constant 0 : i32
      %dma_wait3A_272 = tpu.memref_slice %arg2[%arg0, %dma_wait3A_270, %dma_wait3A_271] : memref<2x10000x128xf32, #tpu.memory_space<hbm>> -> memref<1x10000x128xf32, #tpu.memory_space<hbm>>
      %dma_wait3A_273 = tpu.memref_squeeze %dma_wait3A_272 : memref<1x10000x128xf32, #tpu.memory_space<hbm>> -> memref<10000x128xf32, #tpu.memory_space<hbm>>
      %dma_wait3A_274 = arith.constant 0 : i32
      %dma_wait3A_275 = arith.constant 0 : i32
      %dma_wait3A_276 = tpu.memref_slice %dma_wait3A_273[%dma_wait3A_274, %dma_wait3A_275] : memref<10000x128xf32, #tpu.memory_space<hbm>> -> memref<10000x128xf32, #tpu.memory_space<hbm>>
      tpu.wait_indirect_dma semaphore(%arg13 : memref<!tpu.dma_semaphore, #tpu.memory_space<semaphore_mem>>) src(%dma_wait3A_276 : memref<10000x128xf32, #tpu.memory_space<hbm>>) dst(%arg10 : memref<128x128xf32, #tpu.memory_space<vmem>>)
      %dma_start3A_277 = arith.constant 6 : i32
      %dma_start3A_278 = arith.constant 0 : i32
      %dma_start3A_279 = tpu.memref_slice %arg8[%dma_start3A_277, %dma_start3A_278] : memref<8x128xi32, #tpu.memory_space<vmem>> -> memref<1x128xi32, #tpu.memory_space<vmem>>
      %dma_start3A_280 = tpu.memref_squeeze %dma_start3A_279 : memref<1x128xi32, #tpu.memory_space<vmem>> -> memref<128xi32, #tpu.memory_space<vmem>>
      %dma_start3A_281 = arith.constant 0 : i32
      %dma_start3A_282 = arith.constant 0 : i32
      %dma_start3A_283 = tpu.memref_slice %arg12[%dma_start3A_281, %dma_start3A_282] : memref<10008x128xf32, #tpu.memory_space<vmem_shared>> -> memref<10008x128xf32, #tpu.memory_space<vmem_shared>>
      tpu.enqueue_indirect_dma source(%arg10 : memref<128x128xf32, #tpu.memory_space<vmem>>) target(%dma_start3A_283 : memref<10008x128xf32, #tpu.memory_space<vmem_shared>>) offsets(%dma_start3A_280 : memref<128xi32, #tpu.memory_space<vmem>>) semaphore(%arg15 : memref<!tpu.dma_semaphore, #tpu.memory_space<semaphore_mem>>) {add = true}
      %dma_wait3A_284 = arith.constant 6 : i32
      %dma_wait3A_285 = arith.constant 0 : i32
      %dma_wait3A_286 = tpu.memref_slice %arg8[%dma_wait3A_284, %dma_wait3A_285] : memref<8x128xi32, #tpu.memory_space<vmem>> -> memref<1x128xi32, #tpu.memory_space<vmem>>
      %dma_wait3A_287 = tpu.memref_squeeze %dma_wait3A_286 : memref<1x128xi32, #tpu.memory_space<vmem>> -> memref<128xi32, #tpu.memory_space<vmem>>
      %dma_wait3A_288 = arith.constant 0 : i32
      %dma_wait3A_289 = arith.constant 0 : i32
      %dma_wait3A_290 = tpu.memref_slice %arg12[%dma_wait3A_288, %dma_wait3A_289] : memref<10008x128xf32, #tpu.memory_space<vmem_shared>> -> memref<10008x128xf32, #tpu.memory_space<vmem_shared>>
      tpu.wait_indirect_dma semaphore(%arg16 : memref<!tpu.dma_semaphore, #tpu.memory_space<semaphore_mem>>) src(%arg11 : memref<128x128xf32, #tpu.memory_space<vmem>>) dst(%dma_wait3A_290 : memref<10008x128xf32, #tpu.memory_space<vmem_shared>>)
      %dma_start3A_291 = arith.constant 7 : i32
      %dma_start3A_292 = arith.constant 0 : i32
      %dma_start3A_293 = tpu.memref_slice %arg6[%dma_start3A_291, %dma_start3A_292] : memref<8x128xi32, #tpu.memory_space<vmem>> -> memref<1x128xi32, #tpu.memory_space<vmem>>
      %dma_start3A_294 = tpu.memref_squeeze %dma_start3A_293 : memref<1x128xi32, #tpu.memory_space<vmem>> -> memref<128xi32, #tpu.memory_space<vmem>>
      %dma_start3A_295 = arith.constant 0 : i32
      %dma_start3A_296 = arith.constant 0 : i32
      %dma_start3A_297 = tpu.memref_slice %arg2[%arg0, %dma_start3A_295, %dma_start3A_296] : memref<2x10000x128xf32, #tpu.memory_space<hbm>> -> memref<1x10000x128xf32, #tpu.memory_space<hbm>>
      %dma_start3A_298 = tpu.memref_squeeze %dma_start3A_297 : memref<1x10000x128xf32, #tpu.memory_space<hbm>> -> memref<10000x128xf32, #tpu.memory_space<hbm>>
      %dma_start3A_299 = arith.constant 0 : i32
      %dma_start3A_300 = arith.constant 0 : i32
      %dma_start3A_301 = tpu.memref_slice %dma_start3A_298[%dma_start3A_299, %dma_start3A_300] : memref<10000x128xf32, #tpu.memory_space<hbm>> -> memref<10000x128xf32, #tpu.memory_space<hbm>>
      tpu.enqueue_indirect_dma source(%dma_start3A_301 : memref<10000x128xf32, #tpu.memory_space<hbm>>) target(%arg11 : memref<128x128xf32, #tpu.memory_space<vmem>>) offsets(%dma_start3A_294 : memref<128xi32, #tpu.memory_space<vmem>>) semaphore(%arg14 : memref<!tpu.dma_semaphore, #tpu.memory_space<semaphore_mem>>)
      %dma_wait3A_302 = arith.constant 7 : i32
      %dma_wait3A_303 = arith.constant 0 : i32
      %dma_wait3A_304 = tpu.memref_slice %arg6[%dma_wait3A_302, %dma_wait3A_303] : memref<8x128xi32, #tpu.memory_space<vmem>> -> memref<1x128xi32, #tpu.memory_space<vmem>>
      %dma_wait3A_305 = tpu.memref_squeeze %dma_wait3A_304 : memref<1x128xi32, #tpu.memory_space<vmem>> -> memref<128xi32, #tpu.memory_space<vmem>>
      %dma_wait3A_306 = arith.constant 0 : i32
      %dma_wait3A_307 = arith.constant 0 : i32
      %dma_wait3A_308 = tpu.memref_slice %arg2[%arg0, %dma_wait3A_306, %dma_wait3A_307] : memref<2x10000x128xf32, #tpu.memory_space<hbm>> -> memref<1x10000x128xf32, #tpu.memory_space<hbm>>
      %dma_wait3A_309 = tpu.memref_squeeze %dma_wait3A_308 : memref<1x10000x128xf32, #tpu.memory_space<hbm>> -> memref<10000x128xf32, #tpu.memory_space<hbm>>
      %dma_wait3A_310 = arith.constant 0 : i32
      %dma_wait3A_311 = arith.constant 0 : i32
      %dma_wait3A_312 = tpu.memref_slice %dma_wait3A_309[%dma_wait3A_310, %dma_wait3A_311] : memref<10000x128xf32, #tpu.memory_space<hbm>> -> memref<10000x128xf32, #tpu.memory_space<hbm>>
      tpu.wait_indirect_dma semaphore(%arg14 : memref<!tpu.dma_semaphore, #tpu.memory_space<semaphore_mem>>) src(%dma_wait3A_312 : memref<10000x128xf32, #tpu.memory_space<hbm>>) dst(%arg11 : memref<128x128xf32, #tpu.memory_space<vmem>>)
      %dma_start3A_313 = arith.constant 7 : i32
      %dma_start3A_314 = arith.constant 0 : i32
      %dma_start3A_315 = tpu.memref_slice %arg8[%dma_start3A_313, %dma_start3A_314] : memref<8x128xi32, #tpu.memory_space<vmem>> -> memref<1x128xi32, #tpu.memory_space<vmem>>
      %dma_start3A_316 = tpu.memref_squeeze %dma_start3A_315 : memref<1x128xi32, #tpu.memory_space<vmem>> -> memref<128xi32, #tpu.memory_space<vmem>>
      %dma_start3A_317 = arith.constant 0 : i32
      %dma_start3A_318 = arith.constant 0 : i32
      %dma_start3A_319 = tpu.memref_slice %arg12[%dma_start3A_317, %dma_start3A_318] : memref<10008x128xf32, #tpu.memory_space<vmem_shared>> -> memref<10008x128xf32, #tpu.memory_space<vmem_shared>>
      tpu.enqueue_indirect_dma source(%arg11 : memref<128x128xf32, #tpu.memory_space<vmem>>) target(%dma_start3A_319 : memref<10008x128xf32, #tpu.memory_space<vmem_shared>>) offsets(%dma_start3A_316 : memref<128xi32, #tpu.memory_space<vmem>>) semaphore(%arg16 : memref<!tpu.dma_semaphore, #tpu.memory_space<semaphore_mem>>) {add = true}
      %dma_wait3A_320 = arith.constant 7 : i32
      %dma_wait3A_321 = arith.constant 0 : i32
      %dma_wait3A_322 = tpu.memref_slice %arg8[%dma_wait3A_320, %dma_wait3A_321] : memref<8x128xi32, #tpu.memory_space<vmem>> -> memref<1x128xi32, #tpu.memory_space<vmem>>
      %dma_wait3A_323 = tpu.memref_squeeze %dma_wait3A_322 : memref<1x128xi32, #tpu.memory_space<vmem>> -> memref<128xi32, #tpu.memory_space<vmem>>
      %dma_wait3A_324 = arith.constant 0 : i32
      %dma_wait3A_325 = arith.constant 0 : i32
      %dma_wait3A_326 = tpu.memref_slice %arg12[%dma_wait3A_324, %dma_wait3A_325] : memref<10008x128xf32, #tpu.memory_space<vmem_shared>> -> memref<10008x128xf32, #tpu.memory_space<vmem_shared>>
      tpu.wait_indirect_dma semaphore(%arg15 : memref<!tpu.dma_semaphore, #tpu.memory_space<semaphore_mem>>) src(%arg10 : memref<128x128xf32, #tpu.memory_space<vmem>>) dst(%dma_wait3A_326 : memref<10008x128xf32, #tpu.memory_space<vmem_shared>>)
      %lt3A_327 = arith.constant 19 : i32
      %lt3A_328 = arith.cmpi slt, %mul3A_48, %lt3A_327 : i32
      %convert_element_type3A_329 = arith.extui %lt3A_328 : i1 to i32
      %cond3A_330 = arith.constant 0 : i32
      %cond3A_331 = arith.cmpi ne, %convert_element_type3A_329, %cond3A_330 : i32
      scf.if %cond3A_331 {
        %add3A_621 = arith.constant 1 : i32
        %add3A_622 = arith.addi %mul3A_48, %add3A_621 : i32
        %mul3A_623 = arith.constant 8 : i32
        %mul3A_624 = arith.muli %add3A_622, %mul3A_623 : i32
        %dma_wait3A_625 = arith.constant 0 : i32
        %dma_wait3A_626 = tpu.memref_slice %arg3[%arg0, %arg1, %mul3A_624, %dma_wait3A_625] : memref<2x16x160x128xi32, #tpu.memory_space<hbm>> -> memref<1x1x8x128xi32, #tpu.memory_space<hbm>>
        %dma_wait3A_627 = tpu.memref_squeeze %dma_wait3A_626 : memref<1x1x8x128xi32, #tpu.memory_space<hbm>> -> memref<8x128xi32, #tpu.memory_space<hbm>>
        %dma_wait3A_628 = arith.constant 0 : i32
        %dma_wait3A_629 = tpu.memref_slice %arg3[%arg0, %arg1, %mul3A_624, %dma_wait3A_628] : memref<2x16x160x128xi32, #tpu.memory_space<hbm>> -> memref<1x1x8x128xi32, #tpu.memory_space<hbm>>
        %dma_wait3A_630 = tpu.memref_squeeze %dma_wait3A_629 : memref<1x1x8x128xi32, #tpu.memory_space<hbm>> -> memref<8x128xi32, #tpu.memory_space<hbm>>
        tpu.wait_dma2 semaphore(%arg17 : memref<!tpu.dma_semaphore, #tpu.memory_space<semaphore_mem>>) src(%dma_wait3A_630 : memref<8x128xi32, #tpu.memory_space<hbm>>) dst(%arg7 : memref<8x128xi32, #tpu.memory_space<vmem>>)
        %dma_wait3A_631 = arith.constant 0 : i32
        %dma_wait3A_632 = tpu.memref_slice %arg4[%arg0, %arg1, %mul3A_624, %dma_wait3A_631] : memref<2x16x160x128xi32, #tpu.memory_space<hbm>> -> memref<1x1x8x128xi32, #tpu.memory_space<hbm>>
        %dma_wait3A_633 = tpu.memref_squeeze %dma_wait3A_632 : memref<1x1x8x128xi32, #tpu.memory_space<hbm>> -> memref<8x128xi32, #tpu.memory_space<hbm>>
        %dma_wait3A_634 = arith.constant 0 : i32
        %dma_wait3A_635 = tpu.memref_slice %arg4[%arg0, %arg1, %mul3A_624, %dma_wait3A_634] : memref<2x16x160x128xi32, #tpu.memory_space<hbm>> -> memref<1x1x8x128xi32, #tpu.memory_space<hbm>>
        %dma_wait3A_636 = tpu.memref_squeeze %dma_wait3A_635 : memref<1x1x8x128xi32, #tpu.memory_space<hbm>> -> memref<8x128xi32, #tpu.memory_space<hbm>>
        tpu.wait_dma2 semaphore(%arg17 : memref<!tpu.dma_semaphore, #tpu.memory_space<semaphore_mem>>) src(%dma_wait3A_636 : memref<8x128xi32, #tpu.memory_space<hbm>>) dst(%arg9 : memref<8x128xi32, #tpu.memory_space<vmem>>)
        %dma_start3A_637 = arith.constant 0 : i32
        %dma_start3A_638 = arith.constant 0 : i32
        %dma_start3A_639 = tpu.memref_slice %arg7[%dma_start3A_637, %dma_start3A_638] : memref<8x128xi32, #tpu.memory_space<vmem>> -> memref<1x128xi32, #tpu.memory_space<vmem>>
        %dma_start3A_640 = tpu.memref_squeeze %dma_start3A_639 : memref<1x128xi32, #tpu.memory_space<vmem>> -> memref<128xi32, #tpu.memory_space<vmem>>
        %dma_start3A_641 = arith.constant 0 : i32
        %dma_start3A_642 = arith.constant 0 : i32
        %dma_start3A_643 = tpu.memref_slice %arg2[%arg0, %dma_start3A_641, %dma_start3A_642] : memref<2x10000x128xf32, #tpu.memory_space<hbm>> -> memref<1x10000x128xf32, #tpu.memory_space<hbm>>
        %dma_start3A_644 = tpu.memref_squeeze %dma_start3A_643 : memref<1x10000x128xf32, #tpu.memory_space<hbm>> -> memref<10000x128xf32, #tpu.memory_space<hbm>>
        %dma_start3A_645 = arith.constant 0 : i32
        %dma_start3A_646 = arith.constant 0 : i32
        %dma_start3A_647 = tpu.memref_slice %dma_start3A_644[%dma_start3A_645, %dma_start3A_646] : memref<10000x128xf32, #tpu.memory_space<hbm>> -> memref<10000x128xf32, #tpu.memory_space<hbm>>
        tpu.enqueue_indirect_dma source(%dma_start3A_647 : memref<10000x128xf32, #tpu.memory_space<hbm>>) target(%arg10 : memref<128x128xf32, #tpu.memory_space<vmem>>) offsets(%dma_start3A_640 : memref<128xi32, #tpu.memory_space<vmem>>) semaphore(%arg13 : memref<!tpu.dma_semaphore, #tpu.memory_space<semaphore_mem>>)
      } else {
      }
      %mul3A_332 = arith.constant 2 : i32
      %mul3A_333 = arith.muli %add3A_46, %mul3A_332 : i32
      %add3A_334 = arith.constant 1 : i32
      %add3A_335 = arith.addi %mul3A_333, %add3A_334 : i32
      %lt3A_336 = arith.constant 19 : i32
      %lt3A_337 = arith.cmpi slt, %add3A_335, %lt3A_336 : i32
      %convert_element_type3A_338 = arith.extui %lt3A_337 : i1 to i32
      %cond3A_339 = arith.constant 0 : i32
      %cond3A_340 = arith.cmpi ne, %convert_element_type3A_338, %cond3A_339 : i32
      scf.if %cond3A_340 {
        %add3A_621 = arith.constant 1 : i32
        %add3A_622 = arith.addi %add3A_335, %add3A_621 : i32
        %mul3A_623 = arith.constant 8 : i32
        %mul3A_624 = arith.muli %add3A_622, %mul3A_623 : i32
        %dma_start3A_625 = arith.constant 0 : i32
        %dma_start3A_626 = tpu.memref_slice %arg3[%arg0, %arg1, %mul3A_624, %dma_start3A_625] : memref<2x16x160x128xi32, #tpu.memory_space<hbm>> -> memref<1x1x8x128xi32, #tpu.memory_space<hbm>>
        %dma_start3A_627 = tpu.memref_squeeze %dma_start3A_626 : memref<1x1x8x128xi32, #tpu.memory_space<hbm>> -> memref<8x128xi32, #tpu.memory_space<hbm>>
        %dma_start3A_628 = arith.constant 0 : i32
        %dma_start3A_629 = tpu.memref_slice %arg3[%arg0, %arg1, %mul3A_624, %dma_start3A_628] : memref<2x16x160x128xi32, #tpu.memory_space<hbm>> -> memref<1x1x8x128xi32, #tpu.memory_space<hbm>>
        %dma_start3A_630 = tpu.memref_squeeze %dma_start3A_629 : memref<1x1x8x128xi32, #tpu.memory_space<hbm>> -> memref<8x128xi32, #tpu.memory_space<hbm>>
        tpu.enqueue_dma source(%dma_start3A_630 : memref<8x128xi32, #tpu.memory_space<hbm>>) target(%arg6 : memref<8x128xi32, #tpu.memory_space<vmem>>) target_semaphore(%arg17 : memref<!tpu.dma_semaphore, #tpu.memory_space<semaphore_mem>>)
        %dma_start3A_631 = arith.constant 0 : i32
        %dma_start3A_632 = tpu.memref_slice %arg4[%arg0, %arg1, %mul3A_624, %dma_start3A_631] : memref<2x16x160x128xi32, #tpu.memory_space<hbm>> -> memref<1x1x8x128xi32, #tpu.memory_space<hbm>>
        %dma_start3A_633 = tpu.memref_squeeze %dma_start3A_632 : memref<1x1x8x128xi32, #tpu.memory_space<hbm>> -> memref<8x128xi32, #tpu.memory_space<hbm>>
        %dma_start3A_634 = arith.constant 0 : i32
        %dma_start3A_635 = tpu.memref_slice %arg4[%arg0, %arg1, %mul3A_624, %dma_start3A_634] : memref<2x16x160x128xi32, #tpu.memory_space<hbm>> -> memref<1x1x8x128xi32, #tpu.memory_space<hbm>>
        %dma_start3A_636 = tpu.memref_squeeze %dma_start3A_635 : memref<1x1x8x128xi32, #tpu.memory_space<hbm>> -> memref<8x128xi32, #tpu.memory_space<hbm>>
        tpu.enqueue_dma source(%dma_start3A_636 : memref<8x128xi32, #tpu.memory_space<hbm>>) target(%arg8 : memref<8x128xi32, #tpu.memory_space<vmem>>) target_semaphore(%arg17 : memref<!tpu.dma_semaphore, #tpu.memory_space<semaphore_mem>>)
      } else {
      }
      %dma_wait3A_341 = arith.constant 0 : i32
      %dma_wait3A_342 = arith.constant 0 : i32
      %dma_wait3A_343 = tpu.memref_slice %arg7[%dma_wait3A_341, %dma_wait3A_342] : memref<8x128xi32, #tpu.memory_space<vmem>> -> memref<1x128xi32, #tpu.memory_space<vmem>>
      %dma_wait3A_344 = tpu.memref_squeeze %dma_wait3A_343 : memref<1x128xi32, #tpu.memory_space<vmem>> -> memref<128xi32, #tpu.memory_space<vmem>>
      %dma_wait3A_345 = arith.constant 0 : i32
      %dma_wait3A_346 = arith.constant 0 : i32
      %dma_wait3A_347 = tpu.memref_slice %arg2[%arg0, %dma_wait3A_345, %dma_wait3A_346] : memref<2x10000x128xf32, #tpu.memory_space<hbm>> -> memref<1x10000x128xf32, #tpu.memory_space<hbm>>
      %dma_wait3A_348 = tpu.memref_squeeze %dma_wait3A_347 : memref<1x10000x128xf32, #tpu.memory_space<hbm>> -> memref<10000x128xf32, #tpu.memory_space<hbm>>
      %dma_wait3A_349 = arith.constant 0 : i32
      %dma_wait3A_350 = arith.constant 0 : i32
      %dma_wait3A_351 = tpu.memref_slice %dma_wait3A_348[%dma_wait3A_349, %dma_wait3A_350] : memref<10000x128xf32, #tpu.memory_space<hbm>> -> memref<10000x128xf32, #tpu.memory_space<hbm>>
      tpu.wait_indirect_dma semaphore(%arg13 : memref<!tpu.dma_semaphore, #tpu.memory_space<semaphore_mem>>) src(%dma_wait3A_351 : memref<10000x128xf32, #tpu.memory_space<hbm>>) dst(%arg10 : memref<128x128xf32, #tpu.memory_space<vmem>>)
      %dma_start3A_352 = arith.constant 0 : i32
      %dma_start3A_353 = arith.constant 0 : i32
      %dma_start3A_354 = tpu.memref_slice %arg9[%dma_start3A_352, %dma_start3A_353] : memref<8x128xi32, #tpu.memory_space<vmem>> -> memref<1x128xi32, #tpu.memory_space<vmem>>
      %dma_start3A_355 = tpu.memref_squeeze %dma_start3A_354 : memref<1x128xi32, #tpu.memory_space<vmem>> -> memref<128xi32, #tpu.memory_space<vmem>>
      %dma_start3A_356 = arith.constant 0 : i32
      %dma_start3A_357 = arith.constant 0 : i32
      %dma_start3A_358 = tpu.memref_slice %arg12[%dma_start3A_356, %dma_start3A_357] : memref<10008x128xf32, #tpu.memory_space<vmem_shared>> -> memref<10008x128xf32, #tpu.memory_space<vmem_shared>>
      tpu.enqueue_indirect_dma source(%arg10 : memref<128x128xf32, #tpu.memory_space<vmem>>) target(%dma_start3A_358 : memref<10008x128xf32, #tpu.memory_space<vmem_shared>>) offsets(%dma_start3A_355 : memref<128xi32, #tpu.memory_space<vmem>>) semaphore(%arg15 : memref<!tpu.dma_semaphore, #tpu.memory_space<semaphore_mem>>) {add = true}
      %gt3A_359 = arith.constant 0 : i32
      %gt3A_360 = arith.cmpi sgt, %add3A_335, %gt3A_359 : i32
      %convert_element_type3A_361 = arith.extui %gt3A_360 : i1 to i32
      %cond3A_362 = arith.constant 0 : i32
      %cond3A_363 = arith.cmpi ne, %convert_element_type3A_361, %cond3A_362 : i32
      scf.if %cond3A_363 {
        %dma_wait3A_621 = arith.constant 0 : i32
        %dma_wait3A_622 = arith.constant 0 : i32
        %dma_wait3A_623 = tpu.memref_slice %arg9[%dma_wait3A_621, %dma_wait3A_622] : memref<8x128xi32, #tpu.memory_space<vmem>> -> memref<1x128xi32, #tpu.memory_space<vmem>>
        %dma_wait3A_624 = tpu.memref_squeeze %dma_wait3A_623 : memref<1x128xi32, #tpu.memory_space<vmem>> -> memref<128xi32, #tpu.memory_space<vmem>>
        %dma_wait3A_625 = arith.constant 0 : i32
        %dma_wait3A_626 = arith.constant 0 : i32
        %dma_wait3A_627 = tpu.memref_slice %arg12[%dma_wait3A_625, %dma_wait3A_626] : memref<10008x128xf32, #tpu.memory_space<vmem_shared>> -> memref<10008x128xf32, #tpu.memory_space<vmem_shared>>
        tpu.wait_indirect_dma semaphore(%arg16 : memref<!tpu.dma_semaphore, #tpu.memory_space<semaphore_mem>>) src(%arg11 : memref<128x128xf32, #tpu.memory_space<vmem>>) dst(%dma_wait3A_627 : memref<10008x128xf32, #tpu.memory_space<vmem_shared>>)
      } else {
      }
      %dma_start3A_364 = arith.constant 1 : i32
      %dma_start3A_365 = arith.constant 0 : i32
      %dma_start3A_366 = tpu.memref_slice %arg7[%dma_start3A_364, %dma_start3A_365] : memref<8x128xi32, #tpu.memory_space<vmem>> -> memref<1x128xi32, #tpu.memory_space<vmem>>
      %dma_start3A_367 = tpu.memref_squeeze %dma_start3A_366 : memref<1x128xi32, #tpu.memory_space<vmem>> -> memref<128xi32, #tpu.memory_space<vmem>>
      %dma_start3A_368 = arith.constant 0 : i32
      %dma_start3A_369 = arith.constant 0 : i32
      %dma_start3A_370 = tpu.memref_slice %arg2[%arg0, %dma_start3A_368, %dma_start3A_369] : memref<2x10000x128xf32, #tpu.memory_space<hbm>> -> memref<1x10000x128xf32, #tpu.memory_space<hbm>>
      %dma_start3A_371 = tpu.memref_squeeze %dma_start3A_370 : memref<1x10000x128xf32, #tpu.memory_space<hbm>> -> memref<10000x128xf32, #tpu.memory_space<hbm>>
      %dma_start3A_372 = arith.constant 0 : i32
      %dma_start3A_373 = arith.constant 0 : i32
      %dma_start3A_374 = tpu.memref_slice %dma_start3A_371[%dma_start3A_372, %dma_start3A_373] : memref<10000x128xf32, #tpu.memory_space<hbm>> -> memref<10000x128xf32, #tpu.memory_space<hbm>>
      tpu.enqueue_indirect_dma source(%dma_start3A_374 : memref<10000x128xf32, #tpu.memory_space<hbm>>) target(%arg11 : memref<128x128xf32, #tpu.memory_space<vmem>>) offsets(%dma_start3A_367 : memref<128xi32, #tpu.memory_space<vmem>>) semaphore(%arg14 : memref<!tpu.dma_semaphore, #tpu.memory_space<semaphore_mem>>)
      %dma_wait3A_375 = arith.constant 1 : i32
      %dma_wait3A_376 = arith.constant 0 : i32
      %dma_wait3A_377 = tpu.memref_slice %arg7[%dma_wait3A_375, %dma_wait3A_376] : memref<8x128xi32, #tpu.memory_space<vmem>> -> memref<1x128xi32, #tpu.memory_space<vmem>>
      %dma_wait3A_378 = tpu.memref_squeeze %dma_wait3A_377 : memref<1x128xi32, #tpu.memory_space<vmem>> -> memref<128xi32, #tpu.memory_space<vmem>>
      %dma_wait3A_379 = arith.constant 0 : i32
      %dma_wait3A_380 = arith.constant 0 : i32
      %dma_wait3A_381 = tpu.memref_slice %arg2[%arg0, %dma_wait3A_379, %dma_wait3A_380] : memref<2x10000x128xf32, #tpu.memory_space<hbm>> -> memref<1x10000x128xf32, #tpu.memory_space<hbm>>
      %dma_wait3A_382 = tpu.memref_squeeze %dma_wait3A_381 : memref<1x10000x128xf32, #tpu.memory_space<hbm>> -> memref<10000x128xf32, #tpu.memory_space<hbm>>
      %dma_wait3A_383 = arith.constant 0 : i32
      %dma_wait3A_384 = arith.constant 0 : i32
      %dma_wait3A_385 = tpu.memref_slice %dma_wait3A_382[%dma_wait3A_383, %dma_wait3A_384] : memref<10000x128xf32, #tpu.memory_space<hbm>> -> memref<10000x128xf32, #tpu.memory_space<hbm>>
      tpu.wait_indirect_dma semaphore(%arg14 : memref<!tpu.dma_semaphore, #tpu.memory_space<semaphore_mem>>) src(%dma_wait3A_385 : memref<10000x128xf32, #tpu.memory_space<hbm>>) dst(%arg11 : memref<128x128xf32, #tpu.memory_space<vmem>>)
      %dma_start3A_386 = arith.constant 1 : i32
      %dma_start3A_387 = arith.constant 0 : i32
      %dma_start3A_388 = tpu.memref_slice %arg9[%dma_start3A_386, %dma_start3A_387] : memref<8x128xi32, #tpu.memory_space<vmem>> -> memref<1x128xi32, #tpu.memory_space<vmem>>
      %dma_start3A_389 = tpu.memref_squeeze %dma_start3A_388 : memref<1x128xi32, #tpu.memory_space<vmem>> -> memref<128xi32, #tpu.memory_space<vmem>>
      %dma_start3A_390 = arith.constant 0 : i32
      %dma_start3A_391 = arith.constant 0 : i32
      %dma_start3A_392 = tpu.memref_slice %arg12[%dma_start3A_390, %dma_start3A_391] : memref<10008x128xf32, #tpu.memory_space<vmem_shared>> -> memref<10008x128xf32, #tpu.memory_space<vmem_shared>>
      tpu.enqueue_indirect_dma source(%arg11 : memref<128x128xf32, #tpu.memory_space<vmem>>) target(%dma_start3A_392 : memref<10008x128xf32, #tpu.memory_space<vmem_shared>>) offsets(%dma_start3A_389 : memref<128xi32, #tpu.memory_space<vmem>>) semaphore(%arg16 : memref<!tpu.dma_semaphore, #tpu.memory_space<semaphore_mem>>) {add = true}
      %dma_wait3A_393 = arith.constant 1 : i32
      %dma_wait3A_394 = arith.constant 0 : i32
      %dma_wait3A_395 = tpu.memref_slice %arg9[%dma_wait3A_393, %dma_wait3A_394] : memref<8x128xi32, #tpu.memory_space<vmem>> -> memref<1x128xi32, #tpu.memory_space<vmem>>
      %dma_wait3A_396 = tpu.memref_squeeze %dma_wait3A_395 : memref<1x128xi32, #tpu.memory_space<vmem>> -> memref<128xi32, #tpu.memory_space<vmem>>
      %dma_wait3A_397 = arith.constant 0 : i32
      %dma_wait3A_398 = arith.constant 0 : i32
      %dma_wait3A_399 = tpu.memref_slice %arg12[%dma_wait3A_397, %dma_wait3A_398] : memref<10008x128xf32, #tpu.memory_space<vmem_shared>> -> memref<10008x128xf32, #tpu.memory_space<vmem_shared>>
      tpu.wait_indirect_dma semaphore(%arg15 : memref<!tpu.dma_semaphore, #tpu.memory_space<semaphore_mem>>) src(%arg10 : memref<128x128xf32, #tpu.memory_space<vmem>>) dst(%dma_wait3A_399 : memref<10008x128xf32, #tpu.memory_space<vmem_shared>>)
      %dma_start3A_400 = arith.constant 2 : i32
      %dma_start3A_401 = arith.constant 0 : i32
      %dma_start3A_402 = tpu.memref_slice %arg7[%dma_start3A_400, %dma_start3A_401] : memref<8x128xi32, #tpu.memory_space<vmem>> -> memref<1x128xi32, #tpu.memory_space<vmem>>
      %dma_start3A_403 = tpu.memref_squeeze %dma_start3A_402 : memref<1x128xi32, #tpu.memory_space<vmem>> -> memref<128xi32, #tpu.memory_space<vmem>>
      %dma_start3A_404 = arith.constant 0 : i32
      %dma_start3A_405 = arith.constant 0 : i32
      %dma_start3A_406 = tpu.memref_slice %arg2[%arg0, %dma_start3A_404, %dma_start3A_405] : memref<2x10000x128xf32, #tpu.memory_space<hbm>> -> memref<1x10000x128xf32, #tpu.memory_space<hbm>>
      %dma_start3A_407 = tpu.memref_squeeze %dma_start3A_406 : memref<1x10000x128xf32, #tpu.memory_space<hbm>> -> memref<10000x128xf32, #tpu.memory_space<hbm>>
      %dma_start3A_408 = arith.constant 0 : i32
      %dma_start3A_409 = arith.constant 0 : i32
      %dma_start3A_410 = tpu.memref_slice %dma_start3A_407[%dma_start3A_408, %dma_start3A_409] : memref<10000x128xf32, #tpu.memory_space<hbm>> -> memref<10000x128xf32, #tpu.memory_space<hbm>>
      tpu.enqueue_indirect_dma source(%dma_start3A_410 : memref<10000x128xf32, #tpu.memory_space<hbm>>) target(%arg10 : memref<128x128xf32, #tpu.memory_space<vmem>>) offsets(%dma_start3A_403 : memref<128xi32, #tpu.memory_space<vmem>>) semaphore(%arg13 : memref<!tpu.dma_semaphore, #tpu.memory_space<semaphore_mem>>)
      %dma_wait3A_411 = arith.constant 2 : i32
      %dma_wait3A_412 = arith.constant 0 : i32
      %dma_wait3A_413 = tpu.memref_slice %arg7[%dma_wait3A_411, %dma_wait3A_412] : memref<8x128xi32, #tpu.memory_space<vmem>> -> memref<1x128xi32, #tpu.memory_space<vmem>>
      %dma_wait3A_414 = tpu.memref_squeeze %dma_wait3A_413 : memref<1x128xi32, #tpu.memory_space<vmem>> -> memref<128xi32, #tpu.memory_space<vmem>>
      %dma_wait3A_415 = arith.constant 0 : i32
      %dma_wait3A_416 = arith.constant 0 : i32
      %dma_wait3A_417 = tpu.memref_slice %arg2[%arg0, %dma_wait3A_415, %dma_wait3A_416] : memref<2x10000x128xf32, #tpu.memory_space<hbm>> -> memref<1x10000x128xf32, #tpu.memory_space<hbm>>
      %dma_wait3A_418 = tpu.memref_squeeze %dma_wait3A_417 : memref<1x10000x128xf32, #tpu.memory_space<hbm>> -> memref<10000x128xf32, #tpu.memory_space<hbm>>
      %dma_wait3A_419 = arith.constant 0 : i32
      %dma_wait3A_420 = arith.constant 0 : i32
      %dma_wait3A_421 = tpu.memref_slice %dma_wait3A_418[%dma_wait3A_419, %dma_wait3A_420] : memref<10000x128xf32, #tpu.memory_space<hbm>> -> memref<10000x128xf32, #tpu.memory_space<hbm>>
      tpu.wait_indirect_dma semaphore(%arg13 : memref<!tpu.dma_semaphore, #tpu.memory_space<semaphore_mem>>) src(%dma_wait3A_421 : memref<10000x128xf32, #tpu.memory_space<hbm>>) dst(%arg10 : memref<128x128xf32, #tpu.memory_space<vmem>>)
      %dma_start3A_422 = arith.constant 2 : i32
      %dma_start3A_423 = arith.constant 0 : i32
      %dma_start3A_424 = tpu.memref_slice %arg9[%dma_start3A_422, %dma_start3A_423] : memref<8x128xi32, #tpu.memory_space<vmem>> -> memref<1x128xi32, #tpu.memory_space<vmem>>
      %dma_start3A_425 = tpu.memref_squeeze %dma_start3A_424 : memref<1x128xi32, #tpu.memory_space<vmem>> -> memref<128xi32, #tpu.memory_space<vmem>>
      %dma_start3A_426 = arith.constant 0 : i32
      %dma_start3A_427 = arith.constant 0 : i32
      %dma_start3A_428 = tpu.memref_slice %arg12[%dma_start3A_426, %dma_start3A_427] : memref<10008x128xf32, #tpu.memory_space<vmem_shared>> -> memref<10008x128xf32, #tpu.memory_space<vmem_shared>>
      tpu.enqueue_indirect_dma source(%arg10 : memref<128x128xf32, #tpu.memory_space<vmem>>) target(%dma_start3A_428 : memref<10008x128xf32, #tpu.memory_space<vmem_shared>>) offsets(%dma_start3A_425 : memref<128xi32, #tpu.memory_space<vmem>>) semaphore(%arg15 : memref<!tpu.dma_semaphore, #tpu.memory_space<semaphore_mem>>) {add = true}
      %dma_wait3A_429 = arith.constant 2 : i32
      %dma_wait3A_430 = arith.constant 0 : i32
      %dma_wait3A_431 = tpu.memref_slice %arg9[%dma_wait3A_429, %dma_wait3A_430] : memref<8x128xi32, #tpu.memory_space<vmem>> -> memref<1x128xi32, #tpu.memory_space<vmem>>
      %dma_wait3A_432 = tpu.memref_squeeze %dma_wait3A_431 : memref<1x128xi32, #tpu.memory_space<vmem>> -> memref<128xi32, #tpu.memory_space<vmem>>
      %dma_wait3A_433 = arith.constant 0 : i32
      %dma_wait3A_434 = arith.constant 0 : i32
      %dma_wait3A_435 = tpu.memref_slice %arg12[%dma_wait3A_433, %dma_wait3A_434] : memref<10008x128xf32, #tpu.memory_space<vmem_shared>> -> memref<10008x128xf32, #tpu.memory_space<vmem_shared>>
      tpu.wait_indirect_dma semaphore(%arg16 : memref<!tpu.dma_semaphore, #tpu.memory_space<semaphore_mem>>) src(%arg11 : memref<128x128xf32, #tpu.memory_space<vmem>>) dst(%dma_wait3A_435 : memref<10008x128xf32, #tpu.memory_space<vmem_shared>>)
      %dma_start3A_436 = arith.constant 3 : i32
      %dma_start3A_437 = arith.constant 0 : i32
      %dma_start3A_438 = tpu.memref_slice %arg7[%dma_start3A_436, %dma_start3A_437] : memref<8x128xi32, #tpu.memory_space<vmem>> -> memref<1x128xi32, #tpu.memory_space<vmem>>
      %dma_start3A_439 = tpu.memref_squeeze %dma_start3A_438 : memref<1x128xi32, #tpu.memory_space<vmem>> -> memref<128xi32, #tpu.memory_space<vmem>>
      %dma_start3A_440 = arith.constant 0 : i32
      %dma_start3A_441 = arith.constant 0 : i32
      %dma_start3A_442 = tpu.memref_slice %arg2[%arg0, %dma_start3A_440, %dma_start3A_441] : memref<2x10000x128xf32, #tpu.memory_space<hbm>> -> memref<1x10000x128xf32, #tpu.memory_space<hbm>>
      %dma_start3A_443 = tpu.memref_squeeze %dma_start3A_442 : memref<1x10000x128xf32, #tpu.memory_space<hbm>> -> memref<10000x128xf32, #tpu.memory_space<hbm>>
      %dma_start3A_444 = arith.constant 0 : i32
      %dma_start3A_445 = arith.constant 0 : i32
      %dma_start3A_446 = tpu.memref_slice %dma_start3A_443[%dma_start3A_444, %dma_start3A_445] : memref<10000x128xf32, #tpu.memory_space<hbm>> -> memref<10000x128xf32, #tpu.memory_space<hbm>>
      tpu.enqueue_indirect_dma source(%dma_start3A_446 : memref<10000x128xf32, #tpu.memory_space<hbm>>) target(%arg11 : memref<128x128xf32, #tpu.memory_space<vmem>>) offsets(%dma_start3A_439 : memref<128xi32, #tpu.memory_space<vmem>>) semaphore(%arg14 : memref<!tpu.dma_semaphore, #tpu.memory_space<semaphore_mem>>)
      %dma_wait3A_447 = arith.constant 3 : i32
      %dma_wait3A_448 = arith.constant 0 : i32
      %dma_wait3A_449 = tpu.memref_slice %arg7[%dma_wait3A_447, %dma_wait3A_448] : memref<8x128xi32, #tpu.memory_space<vmem>> -> memref<1x128xi32, #tpu.memory_space<vmem>>
      %dma_wait3A_450 = tpu.memref_squeeze %dma_wait3A_449 : memref<1x128xi32, #tpu.memory_space<vmem>> -> memref<128xi32, #tpu.memory_space<vmem>>
      %dma_wait3A_451 = arith.constant 0 : i32
      %dma_wait3A_452 = arith.constant 0 : i32
      %dma_wait3A_453 = tpu.memref_slice %arg2[%arg0, %dma_wait3A_451, %dma_wait3A_452] : memref<2x10000x128xf32, #tpu.memory_space<hbm>> -> memref<1x10000x128xf32, #tpu.memory_space<hbm>>
      %dma_wait3A_454 = tpu.memref_squeeze %dma_wait3A_453 : memref<1x10000x128xf32, #tpu.memory_space<hbm>> -> memref<10000x128xf32, #tpu.memory_space<hbm>>
      %dma_wait3A_455 = arith.constant 0 : i32
      %dma_wait3A_456 = arith.constant 0 : i32
      %dma_wait3A_457 = tpu.memref_slice %dma_wait3A_454[%dma_wait3A_455, %dma_wait3A_456] : memref<10000x128xf32, #tpu.memory_space<hbm>> -> memref<10000x128xf32, #tpu.memory_space<hbm>>
      tpu.wait_indirect_dma semaphore(%arg14 : memref<!tpu.dma_semaphore, #tpu.memory_space<semaphore_mem>>) src(%dma_wait3A_457 : memref<10000x128xf32, #tpu.memory_space<hbm>>) dst(%arg11 : memref<128x128xf32, #tpu.memory_space<vmem>>)
      %dma_start3A_458 = arith.constant 3 : i32
      %dma_start3A_459 = arith.constant 0 : i32
      %dma_start3A_460 = tpu.memref_slice %arg9[%dma_start3A_458, %dma_start3A_459] : memref<8x128xi32, #tpu.memory_space<vmem>> -> memref<1x128xi32, #tpu.memory_space<vmem>>
      %dma_start3A_461 = tpu.memref_squeeze %dma_start3A_460 : memref<1x128xi32, #tpu.memory_space<vmem>> -> memref<128xi32, #tpu.memory_space<vmem>>
      %dma_start3A_462 = arith.constant 0 : i32
      %dma_start3A_463 = arith.constant 0 : i32
      %dma_start3A_464 = tpu.memref_slice %arg12[%dma_start3A_462, %dma_start3A_463] : memref<10008x128xf32, #tpu.memory_space<vmem_shared>> -> memref<10008x128xf32, #tpu.memory_space<vmem_shared>>
      tpu.enqueue_indirect_dma source(%arg11 : memref<128x128xf32, #tpu.memory_space<vmem>>) target(%dma_start3A_464 : memref<10008x128xf32, #tpu.memory_space<vmem_shared>>) offsets(%dma_start3A_461 : memref<128xi32, #tpu.memory_space<vmem>>) semaphore(%arg16 : memref<!tpu.dma_semaphore, #tpu.memory_space<semaphore_mem>>) {add = true}
      %dma_wait3A_465 = arith.constant 3 : i32
      %dma_wait3A_466 = arith.constant 0 : i32
      %dma_wait3A_467 = tpu.memref_slice %arg9[%dma_wait3A_465, %dma_wait3A_466] : memref<8x128xi32, #tpu.memory_space<vmem>> -> memref<1x128xi32, #tpu.memory_space<vmem>>
      %dma_wait3A_468 = tpu.memref_squeeze %dma_wait3A_467 : memref<1x128xi32, #tpu.memory_space<vmem>> -> memref<128xi32, #tpu.memory_space<vmem>>
      %dma_wait3A_469 = arith.constant 0 : i32
      %dma_wait3A_470 = arith.constant 0 : i32
      %dma_wait3A_471 = tpu.memref_slice %arg12[%dma_wait3A_469, %dma_wait3A_470] : memref<10008x128xf32, #tpu.memory_space<vmem_shared>> -> memref<10008x128xf32, #tpu.memory_space<vmem_shared>>
      tpu.wait_indirect_dma semaphore(%arg15 : memref<!tpu.dma_semaphore, #tpu.memory_space<semaphore_mem>>) src(%arg10 : memref<128x128xf32, #tpu.memory_space<vmem>>) dst(%dma_wait3A_471 : memref<10008x128xf32, #tpu.memory_space<vmem_shared>>)
      %dma_start3A_472 = arith.constant 4 : i32
      %dma_start3A_473 = arith.constant 0 : i32
      %dma_start3A_474 = tpu.memref_slice %arg7[%dma_start3A_472, %dma_start3A_473] : memref<8x128xi32, #tpu.memory_space<vmem>> -> memref<1x128xi32, #tpu.memory_space<vmem>>
      %dma_start3A_475 = tpu.memref_squeeze %dma_start3A_474 : memref<1x128xi32, #tpu.memory_space<vmem>> -> memref<128xi32, #tpu.memory_space<vmem>>
      %dma_start3A_476 = arith.constant 0 : i32
      %dma_start3A_477 = arith.constant 0 : i32
      %dma_start3A_478 = tpu.memref_slice %arg2[%arg0, %dma_start3A_476, %dma_start3A_477] : memref<2x10000x128xf32, #tpu.memory_space<hbm>> -> memref<1x10000x128xf32, #tpu.memory_space<hbm>>
      %dma_start3A_479 = tpu.memref_squeeze %dma_start3A_478 : memref<1x10000x128xf32, #tpu.memory_space<hbm>> -> memref<10000x128xf32, #tpu.memory_space<hbm>>
      %dma_start3A_480 = arith.constant 0 : i32
      %dma_start3A_481 = arith.constant 0 : i32
      %dma_start3A_482 = tpu.memref_slice %dma_start3A_479[%dma_start3A_480, %dma_start3A_481] : memref<10000x128xf32, #tpu.memory_space<hbm>> -> memref<10000x128xf32, #tpu.memory_space<hbm>>
      tpu.enqueue_indirect_dma source(%dma_start3A_482 : memref<10000x128xf32, #tpu.memory_space<hbm>>) target(%arg10 : memref<128x128xf32, #tpu.memory_space<vmem>>) offsets(%dma_start3A_475 : memref<128xi32, #tpu.memory_space<vmem>>) semaphore(%arg13 : memref<!tpu.dma_semaphore, #tpu.memory_space<semaphore_mem>>)
      %dma_wait3A_483 = arith.constant 4 : i32
      %dma_wait3A_484 = arith.constant 0 : i32
      %dma_wait3A_485 = tpu.memref_slice %arg7[%dma_wait3A_483, %dma_wait3A_484] : memref<8x128xi32, #tpu.memory_space<vmem>> -> memref<1x128xi32, #tpu.memory_space<vmem>>
      %dma_wait3A_486 = tpu.memref_squeeze %dma_wait3A_485 : memref<1x128xi32, #tpu.memory_space<vmem>> -> memref<128xi32, #tpu.memory_space<vmem>>
      %dma_wait3A_487 = arith.constant 0 : i32
      %dma_wait3A_488 = arith.constant 0 : i32
      %dma_wait3A_489 = tpu.memref_slice %arg2[%arg0, %dma_wait3A_487, %dma_wait3A_488] : memref<2x10000x128xf32, #tpu.memory_space<hbm>> -> memref<1x10000x128xf32, #tpu.memory_space<hbm>>
      %dma_wait3A_490 = tpu.memref_squeeze %dma_wait3A_489 : memref<1x10000x128xf32, #tpu.memory_space<hbm>> -> memref<10000x128xf32, #tpu.memory_space<hbm>>
      %dma_wait3A_491 = arith.constant 0 : i32
      %dma_wait3A_492 = arith.constant 0 : i32
      %dma_wait3A_493 = tpu.memref_slice %dma_wait3A_490[%dma_wait3A_491, %dma_wait3A_492] : memref<10000x128xf32, #tpu.memory_space<hbm>> -> memref<10000x128xf32, #tpu.memory_space<hbm>>
      tpu.wait_indirect_dma semaphore(%arg13 : memref<!tpu.dma_semaphore, #tpu.memory_space<semaphore_mem>>) src(%dma_wait3A_493 : memref<10000x128xf32, #tpu.memory_space<hbm>>) dst(%arg10 : memref<128x128xf32, #tpu.memory_space<vmem>>)
      %dma_start3A_494 = arith.constant 4 : i32
      %dma_start3A_495 = arith.constant 0 : i32
      %dma_start3A_496 = tpu.memref_slice %arg9[%dma_start3A_494, %dma_start3A_495] : memref<8x128xi32, #tpu.memory_space<vmem>> -> memref<1x128xi32, #tpu.memory_space<vmem>>
      %dma_start3A_497 = tpu.memref_squeeze %dma_start3A_496 : memref<1x128xi32, #tpu.memory_space<vmem>> -> memref<128xi32, #tpu.memory_space<vmem>>
      %dma_start3A_498 = arith.constant 0 : i32
      %dma_start3A_499 = arith.constant 0 : i32
      %dma_start3A_500 = tpu.memref_slice %arg12[%dma_start3A_498, %dma_start3A_499] : memref<10008x128xf32, #tpu.memory_space<vmem_shared>> -> memref<10008x128xf32, #tpu.memory_space<vmem_shared>>
      tpu.enqueue_indirect_dma source(%arg10 : memref<128x128xf32, #tpu.memory_space<vmem>>) target(%dma_start3A_500 : memref<10008x128xf32, #tpu.memory_space<vmem_shared>>) offsets(%dma_start3A_497 : memref<128xi32, #tpu.memory_space<vmem>>) semaphore(%arg15 : memref<!tpu.dma_semaphore, #tpu.memory_space<semaphore_mem>>) {add = true}
      %dma_wait3A_501 = arith.constant 4 : i32
      %dma_wait3A_502 = arith.constant 0 : i32
      %dma_wait3A_503 = tpu.memref_slice %arg9[%dma_wait3A_501, %dma_wait3A_502] : memref<8x128xi32, #tpu.memory_space<vmem>> -> memref<1x128xi32, #tpu.memory_space<vmem>>
      %dma_wait3A_504 = tpu.memref_squeeze %dma_wait3A_503 : memref<1x128xi32, #tpu.memory_space<vmem>> -> memref<128xi32, #tpu.memory_space<vmem>>
      %dma_wait3A_505 = arith.constant 0 : i32
      %dma_wait3A_506 = arith.constant 0 : i32
      %dma_wait3A_507 = tpu.memref_slice %arg12[%dma_wait3A_505, %dma_wait3A_506] : memref<10008x128xf32, #tpu.memory_space<vmem_shared>> -> memref<10008x128xf32, #tpu.memory_space<vmem_shared>>
      tpu.wait_indirect_dma semaphore(%arg16 : memref<!tpu.dma_semaphore, #tpu.memory_space<semaphore_mem>>) src(%arg11 : memref<128x128xf32, #tpu.memory_space<vmem>>) dst(%dma_wait3A_507 : memref<10008x128xf32, #tpu.memory_space<vmem_shared>>)
      %dma_start3A_508 = arith.constant 5 : i32
      %dma_start3A_509 = arith.constant 0 : i32
      %dma_start3A_510 = tpu.memref_slice %arg7[%dma_start3A_508, %dma_start3A_509] : memref<8x128xi32, #tpu.memory_space<vmem>> -> memref<1x128xi32, #tpu.memory_space<vmem>>
      %dma_start3A_511 = tpu.memref_squeeze %dma_start3A_510 : memref<1x128xi32, #tpu.memory_space<vmem>> -> memref<128xi32, #tpu.memory_space<vmem>>
      %dma_start3A_512 = arith.constant 0 : i32
      %dma_start3A_513 = arith.constant 0 : i32
      %dma_start3A_514 = tpu.memref_slice %arg2[%arg0, %dma_start3A_512, %dma_start3A_513] : memref<2x10000x128xf32, #tpu.memory_space<hbm>> -> memref<1x10000x128xf32, #tpu.memory_space<hbm>>
      %dma_start3A_515 = tpu.memref_squeeze %dma_start3A_514 : memref<1x10000x128xf32, #tpu.memory_space<hbm>> -> memref<10000x128xf32, #tpu.memory_space<hbm>>
      %dma_start3A_516 = arith.constant 0 : i32
      %dma_start3A_517 = arith.constant 0 : i32
      %dma_start3A_518 = tpu.memref_slice %dma_start3A_515[%dma_start3A_516, %dma_start3A_517] : memref<10000x128xf32, #tpu.memory_space<hbm>> -> memref<10000x128xf32, #tpu.memory_space<hbm>>
      tpu.enqueue_indirect_dma source(%dma_start3A_518 : memref<10000x128xf32, #tpu.memory_space<hbm>>) target(%arg11 : memref<128x128xf32, #tpu.memory_space<vmem>>) offsets(%dma_start3A_511 : memref<128xi32, #tpu.memory_space<vmem>>) semaphore(%arg14 : memref<!tpu.dma_semaphore, #tpu.memory_space<semaphore_mem>>)
      %dma_wait3A_519 = arith.constant 5 : i32
      %dma_wait3A_520 = arith.constant 0 : i32
      %dma_wait3A_521 = tpu.memref_slice %arg7[%dma_wait3A_519, %dma_wait3A_520] : memref<8x128xi32, #tpu.memory_space<vmem>> -> memref<1x128xi32, #tpu.memory_space<vmem>>
      %dma_wait3A_522 = tpu.memref_squeeze %dma_wait3A_521 : memref<1x128xi32, #tpu.memory_space<vmem>> -> memref<128xi32, #tpu.memory_space<vmem>>
      %dma_wait3A_523 = arith.constant 0 : i32
      %dma_wait3A_524 = arith.constant 0 : i32
      %dma_wait3A_525 = tpu.memref_slice %arg2[%arg0, %dma_wait3A_523, %dma_wait3A_524] : memref<2x10000x128xf32, #tpu.memory_space<hbm>> -> memref<1x10000x128xf32, #tpu.memory_space<hbm>>
      %dma_wait3A_526 = tpu.memref_squeeze %dma_wait3A_525 : memref<1x10000x128xf32, #tpu.memory_space<hbm>> -> memref<10000x128xf32, #tpu.memory_space<hbm>>
      %dma_wait3A_527 = arith.constant 0 : i32
      %dma_wait3A_528 = arith.constant 0 : i32
      %dma_wait3A_529 = tpu.memref_slice %dma_wait3A_526[%dma_wait3A_527, %dma_wait3A_528] : memref<10000x128xf32, #tpu.memory_space<hbm>> -> memref<10000x128xf32, #tpu.memory_space<hbm>>
      tpu.wait_indirect_dma semaphore(%arg14 : memref<!tpu.dma_semaphore, #tpu.memory_space<semaphore_mem>>) src(%dma_wait3A_529 : memref<10000x128xf32, #tpu.memory_space<hbm>>) dst(%arg11 : memref<128x128xf32, #tpu.memory_space<vmem>>)
      %dma_start3A_530 = arith.constant 5 : i32
      %dma_start3A_531 = arith.constant 0 : i32
      %dma_start3A_532 = tpu.memref_slice %arg9[%dma_start3A_530, %dma_start3A_531] : memref<8x128xi32, #tpu.memory_space<vmem>> -> memref<1x128xi32, #tpu.memory_space<vmem>>
      %dma_start3A_533 = tpu.memref_squeeze %dma_start3A_532 : memref<1x128xi32, #tpu.memory_space<vmem>> -> memref<128xi32, #tpu.memory_space<vmem>>
      %dma_start3A_534 = arith.constant 0 : i32
      %dma_start3A_535 = arith.constant 0 : i32
      %dma_start3A_536 = tpu.memref_slice %arg12[%dma_start3A_534, %dma_start3A_535] : memref<10008x128xf32, #tpu.memory_space<vmem_shared>> -> memref<10008x128xf32, #tpu.memory_space<vmem_shared>>
      tpu.enqueue_indirect_dma source(%arg11 : memref<128x128xf32, #tpu.memory_space<vmem>>) target(%dma_start3A_536 : memref<10008x128xf32, #tpu.memory_space<vmem_shared>>) offsets(%dma_start3A_533 : memref<128xi32, #tpu.memory_space<vmem>>) semaphore(%arg16 : memref<!tpu.dma_semaphore, #tpu.memory_space<semaphore_mem>>) {add = true}
      %dma_wait3A_537 = arith.constant 5 : i32
      %dma_wait3A_538 = arith.constant 0 : i32
      %dma_wait3A_539 = tpu.memref_slice %arg9[%dma_wait3A_537, %dma_wait3A_538] : memref<8x128xi32, #tpu.memory_space<vmem>> -> memref<1x128xi32, #tpu.memory_space<vmem>>
      %dma_wait3A_540 = tpu.memref_squeeze %dma_wait3A_539 : memref<1x128xi32, #tpu.memory_space<vmem>> -> memref<128xi32, #tpu.memory_space<vmem>>
      %dma_wait3A_541 = arith.constant 0 : i32
      %dma_wait3A_542 = arith.constant 0 : i32
      %dma_wait3A_543 = tpu.memref_slice %arg12[%dma_wait3A_541, %dma_wait3A_542] : memref<10008x128xf32, #tpu.memory_space<vmem_shared>> -> memref<10008x128xf32, #tpu.memory_space<vmem_shared>>
      tpu.wait_indirect_dma semaphore(%arg15 : memref<!tpu.dma_semaphore, #tpu.memory_space<semaphore_mem>>) src(%arg10 : memref<128x128xf32, #tpu.memory_space<vmem>>) dst(%dma_wait3A_543 : memref<10008x128xf32, #tpu.memory_space<vmem_shared>>)
      %dma_start3A_544 = arith.constant 6 : i32
      %dma_start3A_545 = arith.constant 0 : i32
      %dma_start3A_546 = tpu.memref_slice %arg7[%dma_start3A_544, %dma_start3A_545] : memref<8x128xi32, #tpu.memory_space<vmem>> -> memref<1x128xi32, #tpu.memory_space<vmem>>
      %dma_start3A_547 = tpu.memref_squeeze %dma_start3A_546 : memref<1x128xi32, #tpu.memory_space<vmem>> -> memref<128xi32, #tpu.memory_space<vmem>>
      %dma_start3A_548 = arith.constant 0 : i32
      %dma_start3A_549 = arith.constant 0 : i32
      %dma_start3A_550 = tpu.memref_slice %arg2[%arg0, %dma_start3A_548, %dma_start3A_549] : memref<2x10000x128xf32, #tpu.memory_space<hbm>> -> memref<1x10000x128xf32, #tpu.memory_space<hbm>>
      %dma_start3A_551 = tpu.memref_squeeze %dma_start3A_550 : memref<1x10000x128xf32, #tpu.memory_space<hbm>> -> memref<10000x128xf32, #tpu.memory_space<hbm>>
      %dma_start3A_552 = arith.constant 0 : i32
      %dma_start3A_553 = arith.constant 0 : i32
      %dma_start3A_554 = tpu.memref_slice %dma_start3A_551[%dma_start3A_552, %dma_start3A_553] : memref<10000x128xf32, #tpu.memory_space<hbm>> -> memref<10000x128xf32, #tpu.memory_space<hbm>>
      tpu.enqueue_indirect_dma source(%dma_start3A_554 : memref<10000x128xf32, #tpu.memory_space<hbm>>) target(%arg10 : memref<128x128xf32, #tpu.memory_space<vmem>>) offsets(%dma_start3A_547 : memref<128xi32, #tpu.memory_space<vmem>>) semaphore(%arg13 : memref<!tpu.dma_semaphore, #tpu.memory_space<semaphore_mem>>)
      %dma_wait3A_555 = arith.constant 6 : i32
      %dma_wait3A_556 = arith.constant 0 : i32
      %dma_wait3A_557 = tpu.memref_slice %arg7[%dma_wait3A_555, %dma_wait3A_556] : memref<8x128xi32, #tpu.memory_space<vmem>> -> memref<1x128xi32, #tpu.memory_space<vmem>>
      %dma_wait3A_558 = tpu.memref_squeeze %dma_wait3A_557 : memref<1x128xi32, #tpu.memory_space<vmem>> -> memref<128xi32, #tpu.memory_space<vmem>>
      %dma_wait3A_559 = arith.constant 0 : i32
      %dma_wait3A_560 = arith.constant 0 : i32
      %dma_wait3A_561 = tpu.memref_slice %arg2[%arg0, %dma_wait3A_559, %dma_wait3A_560] : memref<2x10000x128xf32, #tpu.memory_space<hbm>> -> memref<1x10000x128xf32, #tpu.memory_space<hbm>>
      %dma_wait3A_562 = tpu.memref_squeeze %dma_wait3A_561 : memref<1x10000x128xf32, #tpu.memory_space<hbm>> -> memref<10000x128xf32, #tpu.memory_space<hbm>>
      %dma_wait3A_563 = arith.constant 0 : i32
      %dma_wait3A_564 = arith.constant 0 : i32
      %dma_wait3A_565 = tpu.memref_slice %dma_wait3A_562[%dma_wait3A_563, %dma_wait3A_564] : memref<10000x128xf32, #tpu.memory_space<hbm>> -> memref<10000x128xf32, #tpu.memory_space<hbm>>
      tpu.wait_indirect_dma semaphore(%arg13 : memref<!tpu.dma_semaphore, #tpu.memory_space<semaphore_mem>>) src(%dma_wait3A_565 : memref<10000x128xf32, #tpu.memory_space<hbm>>) dst(%arg10 : memref<128x128xf32, #tpu.memory_space<vmem>>)
      %dma_start3A_566 = arith.constant 6 : i32
      %dma_start3A_567 = arith.constant 0 : i32
      %dma_start3A_568 = tpu.memref_slice %arg9[%dma_start3A_566, %dma_start3A_567] : memref<8x128xi32, #tpu.memory_space<vmem>> -> memref<1x128xi32, #tpu.memory_space<vmem>>
      %dma_start3A_569 = tpu.memref_squeeze %dma_start3A_568 : memref<1x128xi32, #tpu.memory_space<vmem>> -> memref<128xi32, #tpu.memory_space<vmem>>
      %dma_start3A_570 = arith.constant 0 : i32
      %dma_start3A_571 = arith.constant 0 : i32
      %dma_start3A_572 = tpu.memref_slice %arg12[%dma_start3A_570, %dma_start3A_571] : memref<10008x128xf32, #tpu.memory_space<vmem_shared>> -> memref<10008x128xf32, #tpu.memory_space<vmem_shared>>
      tpu.enqueue_indirect_dma source(%arg10 : memref<128x128xf32, #tpu.memory_space<vmem>>) target(%dma_start3A_572 : memref<10008x128xf32, #tpu.memory_space<vmem_shared>>) offsets(%dma_start3A_569 : memref<128xi32, #tpu.memory_space<vmem>>) semaphore(%arg15 : memref<!tpu.dma_semaphore, #tpu.memory_space<semaphore_mem>>) {add = true}
      %dma_wait3A_573 = arith.constant 6 : i32
      %dma_wait3A_574 = arith.constant 0 : i32
      %dma_wait3A_575 = tpu.memref_slice %arg9[%dma_wait3A_573, %dma_wait3A_574] : memref<8x128xi32, #tpu.memory_space<vmem>> -> memref<1x128xi32, #tpu.memory_space<vmem>>
      %dma_wait3A_576 = tpu.memref_squeeze %dma_wait3A_575 : memref<1x128xi32, #tpu.memory_space<vmem>> -> memref<128xi32, #tpu.memory_space<vmem>>
      %dma_wait3A_577 = arith.constant 0 : i32
      %dma_wait3A_578 = arith.constant 0 : i32
      %dma_wait3A_579 = tpu.memref_slice %arg12[%dma_wait3A_577, %dma_wait3A_578] : memref<10008x128xf32, #tpu.memory_space<vmem_shared>> -> memref<10008x128xf32, #tpu.memory_space<vmem_shared>>
      tpu.wait_indirect_dma semaphore(%arg16 : memref<!tpu.dma_semaphore, #tpu.memory_space<semaphore_mem>>) src(%arg11 : memref<128x128xf32, #tpu.memory_space<vmem>>) dst(%dma_wait3A_579 : memref<10008x128xf32, #tpu.memory_space<vmem_shared>>)
      %dma_start3A_580 = arith.constant 7 : i32
      %dma_start3A_581 = arith.constant 0 : i32
      %dma_start3A_582 = tpu.memref_slice %arg7[%dma_start3A_580, %dma_start3A_581] : memref<8x128xi32, #tpu.memory_space<vmem>> -> memref<1x128xi32, #tpu.memory_space<vmem>>
      %dma_start3A_583 = tpu.memref_squeeze %dma_start3A_582 : memref<1x128xi32, #tpu.memory_space<vmem>> -> memref<128xi32, #tpu.memory_space<vmem>>
      %dma_start3A_584 = arith.constant 0 : i32
      %dma_start3A_585 = arith.constant 0 : i32
      %dma_start3A_586 = tpu.memref_slice %arg2[%arg0, %dma_start3A_584, %dma_start3A_585] : memref<2x10000x128xf32, #tpu.memory_space<hbm>> -> memref<1x10000x128xf32, #tpu.memory_space<hbm>>
      %dma_start3A_587 = tpu.memref_squeeze %dma_start3A_586 : memref<1x10000x128xf32, #tpu.memory_space<hbm>> -> memref<10000x128xf32, #tpu.memory_space<hbm>>
      %dma_start3A_588 = arith.constant 0 : i32
      %dma_start3A_589 = arith.constant 0 : i32
      %dma_start3A_590 = tpu.memref_slice %dma_start3A_587[%dma_start3A_588, %dma_start3A_589] : memref<10000x128xf32, #tpu.memory_space<hbm>> -> memref<10000x128xf32, #tpu.memory_space<hbm>>
      tpu.enqueue_indirect_dma source(%dma_start3A_590 : memref<10000x128xf32, #tpu.memory_space<hbm>>) target(%arg11 : memref<128x128xf32, #tpu.memory_space<vmem>>) offsets(%dma_start3A_583 : memref<128xi32, #tpu.memory_space<vmem>>) semaphore(%arg14 : memref<!tpu.dma_semaphore, #tpu.memory_space<semaphore_mem>>)
      %dma_wait3A_591 = arith.constant 7 : i32
      %dma_wait3A_592 = arith.constant 0 : i32
      %dma_wait3A_593 = tpu.memref_slice %arg7[%dma_wait3A_591, %dma_wait3A_592] : memref<8x128xi32, #tpu.memory_space<vmem>> -> memref<1x128xi32, #tpu.memory_space<vmem>>
      %dma_wait3A_594 = tpu.memref_squeeze %dma_wait3A_593 : memref<1x128xi32, #tpu.memory_space<vmem>> -> memref<128xi32, #tpu.memory_space<vmem>>
      %dma_wait3A_595 = arith.constant 0 : i32
      %dma_wait3A_596 = arith.constant 0 : i32
      %dma_wait3A_597 = tpu.memref_slice %arg2[%arg0, %dma_wait3A_595, %dma_wait3A_596] : memref<2x10000x128xf32, #tpu.memory_space<hbm>> -> memref<1x10000x128xf32, #tpu.memory_space<hbm>>
      %dma_wait3A_598 = tpu.memref_squeeze %dma_wait3A_597 : memref<1x10000x128xf32, #tpu.memory_space<hbm>> -> memref<10000x128xf32, #tpu.memory_space<hbm>>
      %dma_wait3A_599 = arith.constant 0 : i32
      %dma_wait3A_600 = arith.constant 0 : i32
      %dma_wait3A_601 = tpu.memref_slice %dma_wait3A_598[%dma_wait3A_599, %dma_wait3A_600] : memref<10000x128xf32, #tpu.memory_space<hbm>> -> memref<10000x128xf32, #tpu.memory_space<hbm>>
      tpu.wait_indirect_dma semaphore(%arg14 : memref<!tpu.dma_semaphore, #tpu.memory_space<semaphore_mem>>) src(%dma_wait3A_601 : memref<10000x128xf32, #tpu.memory_space<hbm>>) dst(%arg11 : memref<128x128xf32, #tpu.memory_space<vmem>>)
      %dma_start3A_602 = arith.constant 7 : i32
      %dma_start3A_603 = arith.constant 0 : i32
      %dma_start3A_604 = tpu.memref_slice %arg9[%dma_start3A_602, %dma_start3A_603] : memref<8x128xi32, #tpu.memory_space<vmem>> -> memref<1x128xi32, #tpu.memory_space<vmem>>
      %dma_start3A_605 = tpu.memref_squeeze %dma_start3A_604 : memref<1x128xi32, #tpu.memory_space<vmem>> -> memref<128xi32, #tpu.memory_space<vmem>>
      %dma_start3A_606 = arith.constant 0 : i32
      %dma_start3A_607 = arith.constant 0 : i32
      %dma_start3A_608 = tpu.memref_slice %arg12[%dma_start3A_606, %dma_start3A_607] : memref<10008x128xf32, #tpu.memory_space<vmem_shared>> -> memref<10008x128xf32, #tpu.memory_space<vmem_shared>>
      tpu.enqueue_indirect_dma source(%arg11 : memref<128x128xf32, #tpu.memory_space<vmem>>) target(%dma_start3A_608 : memref<10008x128xf32, #tpu.memory_space<vmem_shared>>) offsets(%dma_start3A_605 : memref<128xi32, #tpu.memory_space<vmem>>) semaphore(%arg16 : memref<!tpu.dma_semaphore, #tpu.memory_space<semaphore_mem>>) {add = true}
      %dma_wait3A_609 = arith.constant 7 : i32
      %dma_wait3A_610 = arith.constant 0 : i32
      %dma_wait3A_611 = tpu.memref_slice %arg9[%dma_wait3A_609, %dma_wait3A_610] : memref<8x128xi32, #tpu.memory_space<vmem>> -> memref<1x128xi32, #tpu.memory_space<vmem>>
      %dma_wait3A_612 = tpu.memref_squeeze %dma_wait3A_611 : memref<1x128xi32, #tpu.memory_space<vmem>> -> memref<128xi32, #tpu.memory_space<vmem>>
      %dma_wait3A_613 = arith.constant 0 : i32
      %dma_wait3A_614 = arith.constant 0 : i32
      %dma_wait3A_615 = tpu.memref_slice %arg12[%dma_wait3A_613, %dma_wait3A_614] : memref<10008x128xf32, #tpu.memory_space<vmem_shared>> -> memref<10008x128xf32, #tpu.memory_space<vmem_shared>>
      tpu.wait_indirect_dma semaphore(%arg15 : memref<!tpu.dma_semaphore, #tpu.memory_space<semaphore_mem>>) src(%arg10 : memref<128x128xf32, #tpu.memory_space<vmem>>) dst(%dma_wait3A_615 : memref<10008x128xf32, #tpu.memory_space<vmem_shared>>)
      %lt3A_616 = arith.constant 19 : i32
      %lt3A_617 = arith.cmpi slt, %add3A_335, %lt3A_616 : i32
      %convert_element_type3A_618 = arith.extui %lt3A_617 : i1 to i32
      %cond3A_619 = arith.constant 0 : i32
      %cond3A_620 = arith.cmpi ne, %convert_element_type3A_618, %cond3A_619 : i32
      scf.if %cond3A_620 {
        %add3A_621 = arith.constant 1 : i32
        %add3A_622 = arith.addi %add3A_335, %add3A_621 : i32
        %mul3A_623 = arith.constant 8 : i32
        %mul3A_624 = arith.muli %add3A_622, %mul3A_623 : i32
        %dma_wait3A_625 = arith.constant 0 : i32
        %dma_wait3A_626 = tpu.memref_slice %arg3[%arg0, %arg1, %mul3A_624, %dma_wait3A_625] : memref<2x16x160x128xi32, #tpu.memory_space<hbm>> -> memref<1x1x8x128xi32, #tpu.memory_space<hbm>>
        %dma_wait3A_627 = tpu.memref_squeeze %dma_wait3A_626 : memref<1x1x8x128xi32, #tpu.memory_space<hbm>> -> memref<8x128xi32, #tpu.memory_space<hbm>>
        %dma_wait3A_628 = arith.constant 0 : i32
        %dma_wait3A_629 = tpu.memref_slice %arg3[%arg0, %arg1, %mul3A_624, %dma_wait3A_628] : memref<2x16x160x128xi32, #tpu.memory_space<hbm>> -> memref<1x1x8x128xi32, #tpu.memory_space<hbm>>
        %dma_wait3A_630 = tpu.memref_squeeze %dma_wait3A_629 : memref<1x1x8x128xi32, #tpu.memory_space<hbm>> -> memref<8x128xi32, #tpu.memory_space<hbm>>
        tpu.wait_dma2 semaphore(%arg17 : memref<!tpu.dma_semaphore, #tpu.memory_space<semaphore_mem>>) src(%dma_wait3A_630 : memref<8x128xi32, #tpu.memory_space<hbm>>) dst(%arg6 : memref<8x128xi32, #tpu.memory_space<vmem>>)
        %dma_wait3A_631 = arith.constant 0 : i32
        %dma_wait3A_632 = tpu.memref_slice %arg4[%arg0, %arg1, %mul3A_624, %dma_wait3A_631] : memref<2x16x160x128xi32, #tpu.memory_space<hbm>> -> memref<1x1x8x128xi32, #tpu.memory_space<hbm>>
        %dma_wait3A_633 = tpu.memref_squeeze %dma_wait3A_632 : memref<1x1x8x128xi32, #tpu.memory_space<hbm>> -> memref<8x128xi32, #tpu.memory_space<hbm>>
        %dma_wait3A_634 = arith.constant 0 : i32
        %dma_wait3A_635 = tpu.memref_slice %arg4[%arg0, %arg1, %mul3A_624, %dma_wait3A_634] : memref<2x16x160x128xi32, #tpu.memory_space<hbm>> -> memref<1x1x8x128xi32, #tpu.memory_space<hbm>>
        %dma_wait3A_636 = tpu.memref_squeeze %dma_wait3A_635 : memref<1x1x8x128xi32, #tpu.memory_space<hbm>> -> memref<8x128xi32, #tpu.memory_space<hbm>>
        tpu.wait_dma2 semaphore(%arg17 : memref<!tpu.dma_semaphore, #tpu.memory_space<semaphore_mem>>) src(%dma_wait3A_636 : memref<8x128xi32, #tpu.memory_space<hbm>>) dst(%arg8 : memref<8x128xi32, #tpu.memory_space<vmem>>)
        %dma_start3A_637 = arith.constant 0 : i32
        %dma_start3A_638 = arith.constant 0 : i32
        %dma_start3A_639 = tpu.memref_slice %arg6[%dma_start3A_637, %dma_start3A_638] : memref<8x128xi32, #tpu.memory_space<vmem>> -> memref<1x128xi32, #tpu.memory_space<vmem>>
        %dma_start3A_640 = tpu.memref_squeeze %dma_start3A_639 : memref<1x128xi32, #tpu.memory_space<vmem>> -> memref<128xi32, #tpu.memory_space<vmem>>
        %dma_start3A_641 = arith.constant 0 : i32
        %dma_start3A_642 = arith.constant 0 : i32
        %dma_start3A_643 = tpu.memref_slice %arg2[%arg0, %dma_start3A_641, %dma_start3A_642] : memref<2x10000x128xf32, #tpu.memory_space<hbm>> -> memref<1x10000x128xf32, #tpu.memory_space<hbm>>
        %dma_start3A_644 = tpu.memref_squeeze %dma_start3A_643 : memref<1x10000x128xf32, #tpu.memory_space<hbm>> -> memref<10000x128xf32, #tpu.memory_space<hbm>>
        %dma_start3A_645 = arith.constant 0 : i32
        %dma_start3A_646 = arith.constant 0 : i32
        %dma_start3A_647 = tpu.memref_slice %dma_start3A_644[%dma_start3A_645, %dma_start3A_646] : memref<10000x128xf32, #tpu.memory_space<hbm>> -> memref<10000x128xf32, #tpu.memory_space<hbm>>
        tpu.enqueue_indirect_dma source(%dma_start3A_647 : memref<10000x128xf32, #tpu.memory_space<hbm>>) target(%arg10 : memref<128x128xf32, #tpu.memory_space<vmem>>) offsets(%dma_start3A_640 : memref<128xi32, #tpu.memory_space<vmem>>) semaphore(%arg13 : memref<!tpu.dma_semaphore, #tpu.memory_space<semaphore_mem>>)
      } else {
      }
    }
    %scan3A_27 = arith.constant 10 : i32
    %dma_wait3A = arith.constant 7 : i32
    %dma_wait3A_28 = arith.constant 0 : i32
    %dma_wait3A_29 = tpu.memref_slice %arg9[%dma_wait3A, %dma_wait3A_28] : memref<8x128xi32, #tpu.memory_space<vmem>> -> memref<1x128xi32, #tpu.memory_space<vmem>>
    %dma_wait3A_30 = tpu.memref_squeeze %dma_wait3A_29 : memref<1x128xi32, #tpu.memory_space<vmem>> -> memref<128xi32, #tpu.memory_space<vmem>>
    %dma_wait3A_31 = arith.constant 0 : i32
    %dma_wait3A_32 = arith.constant 0 : i32
    %dma_wait3A_33 = tpu.memref_slice %arg12[%dma_wait3A_31, %dma_wait3A_32] : memref<10008x128xf32, #tpu.memory_space<vmem_shared>> -> memref<10008x128xf32, #tpu.memory_space<vmem_shared>>
    tpu.wait_indirect_dma semaphore(%arg16 : memref<!tpu.dma_semaphore, #tpu.memory_space<semaphore_mem>>) src(%arg11 : memref<128x128xf32, #tpu.memory_space<vmem>>) dst(%dma_wait3A_33 : memref<10008x128xf32, #tpu.memory_space<vmem_shared>>)
    %barrier3A_34 = arith.constant 0 : index
    tpu.barrier barrier_id(%barrier3A_34)
    %mul3A_35 = arith.constant 624 : i32
    %mul3A_36 = arith.muli %arg1, %mul3A_35 : i32
    %multiple_of3A_37 = tpu.assume_multiple %mul3A_36, 8 : i32
    "tpu.region"() ({
      %run_scoped3A = tpu.sem_alloc : memref<!tpu.dma_semaphore, #tpu.memory_space<semaphore_mem>>
      %dma_start3A_43 = arith.constant 0 : i32
      %dma_start3A_44 = tpu.memref_slice %arg5[%arg0, %multiple_of3A_37, %dma_start3A_43] : memref<2x10000x128xf32, #tpu.memory_space<hbm>> -> memref<1x624x128xf32, #tpu.memory_space<hbm>>
      %dma_start3A_45 = tpu.memref_squeeze %dma_start3A_44 : memref<1x624x128xf32, #tpu.memory_space<hbm>> -> memref<624x128xf32, #tpu.memory_space<hbm>>
      %dma_start3A_46 = arith.constant 0 : i32
      %dma_start3A_47 = tpu.memref_slice %arg12[%multiple_of3A_37, %dma_start3A_46] : memref<10008x128xf32, #tpu.memory_space<vmem_shared>> -> memref<624x128xf32, #tpu.memory_space<vmem_shared>>
      tpu.enqueue_dma source(%dma_start3A_47 : memref<624x128xf32, #tpu.memory_space<vmem_shared>>) target(%dma_start3A_45 : memref<624x128xf32, #tpu.memory_space<hbm>>) target_semaphore(%run_scoped3A : memref<!tpu.dma_semaphore, #tpu.memory_space<semaphore_mem>>)
      %dma_wait3A_48 = arith.constant 0 : i32
      %dma_wait3A_49 = tpu.memref_slice %arg5[%arg0, %multiple_of3A_37, %dma_wait3A_48] : memref<2x10000x128xf32, #tpu.memory_space<hbm>> -> memref<1x624x128xf32, #tpu.memory_space<hbm>>
      %dma_wait3A_50 = tpu.memref_squeeze %dma_wait3A_49 : memref<1x624x128xf32, #tpu.memory_space<hbm>> -> memref<624x128xf32, #tpu.memory_space<hbm>>
      %dma_wait3A_51 = arith.constant 0 : i32
      %dma_wait3A_52 = tpu.memref_slice %arg12[%multiple_of3A_37, %dma_wait3A_51] : memref<10008x128xf32, #tpu.memory_space<vmem_shared>> -> memref<624x128xf32, #tpu.memory_space<vmem_shared>>
      tpu.wait_dma2 semaphore(%run_scoped3A : memref<!tpu.dma_semaphore, #tpu.memory_space<semaphore_mem>>) src(%dma_wait3A_52 : memref<624x128xf32, #tpu.memory_space<vmem_shared>>) dst(%dma_wait3A_50 : memref<624x128xf32, #tpu.memory_space<hbm>>)
      tpu.yield
    }) : () -> ()
    %eq3A_38 = arith.constant 15 : i32
    %eq3A_39 = arith.cmpi eq, %arg1, %eq3A_38 : i32
    %convert_element_type3A_40 = arith.extui %eq3A_39 : i1 to i32
    %cond3A_41 = arith.constant 0 : i32
    %cond3A_42 = arith.cmpi ne, %convert_element_type3A_40, %cond3A_41 : i32
    scf.if %cond3A_42 {
      "tpu.region"() ({
        %run_scoped3A = tpu.sem_alloc : memref<!tpu.dma_semaphore, #tpu.memory_space<semaphore_mem>>
        %dma_start3A_43 = arith.constant 9984 : i32
        %dma_start3A_44 = arith.constant 0 : i32
        %dma_start3A_45 = tpu.memref_slice %arg5[%arg0, %dma_start3A_43, %dma_start3A_44] : memref<2x10000x128xf32, #tpu.memory_space<hbm>> -> memref<1x16x128xf32, #tpu.memory_space<hbm>>
        %dma_start3A_46 = tpu.memref_squeeze %dma_start3A_45 : memref<1x16x128xf32, #tpu.memory_space<hbm>> -> memref<16x128xf32, #tpu.memory_space<hbm>>
        %dma_start3A_47 = arith.constant 9984 : i32
        %dma_start3A_48 = arith.constant 0 : i32
        %dma_start3A_49 = tpu.memref_slice %arg12[%dma_start3A_47, %dma_start3A_48] : memref<10008x128xf32, #tpu.memory_space<vmem_shared>> -> memref<16x128xf32, #tpu.memory_space<vmem_shared>>
        tpu.enqueue_dma source(%dma_start3A_49 : memref<16x128xf32, #tpu.memory_space<vmem_shared>>) target(%dma_start3A_46 : memref<16x128xf32, #tpu.memory_space<hbm>>) target_semaphore(%run_scoped3A : memref<!tpu.dma_semaphore, #tpu.memory_space<semaphore_mem>>)
        %dma_wait3A_50 = arith.constant 9984 : i32
        %dma_wait3A_51 = arith.constant 0 : i32
        %dma_wait3A_52 = tpu.memref_slice %arg5[%arg0, %dma_wait3A_50, %dma_wait3A_51] : memref<2x10000x128xf32, #tpu.memory_space<hbm>> -> memref<1x16x128xf32, #tpu.memory_space<hbm>>
        %dma_wait3A_53 = tpu.memref_squeeze %dma_wait3A_52 : memref<1x16x128xf32, #tpu.memory_space<hbm>> -> memref<16x128xf32, #tpu.memory_space<hbm>>
        %dma_wait3A_54 = arith.constant 9984 : i32
        %dma_wait3A_55 = arith.constant 0 : i32
        %dma_wait3A_56 = tpu.memref_slice %arg12[%dma_wait3A_54, %dma_wait3A_55] : memref<10008x128xf32, #tpu.memory_space<vmem_shared>> -> memref<16x128xf32, #tpu.memory_space<vmem_shared>>
        tpu.wait_dma2 semaphore(%run_scoped3A : memref<!tpu.dma_semaphore, #tpu.memory_space<semaphore_mem>>) src(%dma_wait3A_56 : memref<16x128xf32, #tpu.memory_space<vmem_shared>>) dst(%dma_wait3A_53 : memref<16x128xf32, #tpu.memory_space<hbm>>)
        tpu.yield
      }) : () -> ()
    } else {
    }
    return
  }
}

module attributes {stable_mosaic.version = 14 : i64} {
  func.func @_tc1_body(%arg0: i32, %arg1: memref<2000x128xf32, #tpu.memory_space<vmem>>, %arg2: memref<2000x32xf32, #tpu.memory_space<vmem>>, %arg3: memref<2000x128xf32, #tpu.memory_space<vmem>>, %arg4: memref<2000x1xf32, #tpu.memory_space<vmem>>) attributes {dimension_semantics = [#tpu.dimension_semantics<arbitrary>], iteration_bounds = array<i64: 5>, scalar_prefetch = 0 : i64, scratch_operands = 0 : i64, tpu.core_type = #tpu.core_type<tc>, window_params = [{transform_indices = @transform_0, window_bounds = array<i64: 2000, 128>}, {transform_indices = @transform_1, window_bounds = array<i64: 2000, 32>}, {transform_indices = @transform_2, window_bounds = array<i64: 2000, 128>}, {transform_indices = @transform_3, window_bounds = array<i64: 2000, 1>}]} {
    %get3A = arith.constant 0 : index
    %get3A_0 = arith.constant 0 : index
    %get3A_1 = vector.load %arg2[%get3A, %get3A_0] : memref<2000x32xf32, #tpu.memory_space<vmem>>, vector<2000x32xf32>
    %reduce_sum3A = arith.constant dense<0.000000e+00> : vector<2000xf32>
    %reduce_sum3A_2 = vector.multi_reduction <add>, %get3A_1, %reduce_sum3A [1] : vector<2000x32xf32> to vector<2000xf32>
    %broadcast_in_dim3A = vector.shape_cast %reduce_sum3A_2 : vector<2000xf32> to vector<2000x1xf32>
    %add3A = arith.constant 1.000000e+00 : f32
    %add3A_3 = vector.broadcast %add3A : f32 to vector<2000x1xf32>
    %add3A_4 = arith.addf %broadcast_in_dim3A, %add3A_3 : vector<2000x1xf32>
    %rsqrt3A = math.rsqrt %add3A_4 : vector<2000x1xf32>
    %get3A_5 = arith.constant 0 : index
    %get3A_6 = arith.constant 0 : index
    %get3A_7 = vector.load %arg1[%get3A_5, %get3A_6] : memref<2000x128xf32, #tpu.memory_space<vmem>>, vector<2000x128xf32>
    %mul3A = vector.broadcast %rsqrt3A : vector<2000x1xf32> to vector<2000x128xf32>
    %mul3A_8 = arith.mulf %get3A_7, %mul3A : vector<2000x128xf32>
    %swap3A = arith.constant 0 : index
    %swap3A_9 = arith.constant 0 : index
    %swap3A_10 = vector.load %arg3[%swap3A, %swap3A_9] : memref<2000x128xf32, #tpu.memory_space<vmem>>, vector<2000x128xf32>
    tpu.vector_store %arg3[%swap3A, %swap3A_9], %mul3A_8 {strides = array<i32>} : memref<2000x128xf32, #tpu.memory_space<vmem>>, vector<2000x128xf32>,
    %swap3A_11 = arith.constant 0 : index
    %swap3A_12 = arith.constant 0 : index
    %swap3A_13 = vector.load %arg4[%swap3A_11, %swap3A_12] : memref<2000x1xf32, #tpu.memory_space<vmem>>, vector<2000x1xf32>
    tpu.vector_store %arg4[%swap3A_11, %swap3A_12], %rsqrt3A {strides = array<i32>} : memref<2000x1xf32, #tpu.memory_space<vmem>>, vector<2000x1xf32>,
    return
  }
  func.func @transform_0(%arg0: i32) -> (i32, i32) {
    %c0_i32 = arith.constant 0 : i32
    %c0_i32_0 = arith.constant 0 : i32
    return %arg0, %c0_i32 : i32, i32
  }
  func.func @transform_1(%arg0: i32) -> (i32, i32) {
    %c0_i32 = arith.constant 0 : i32
    %c0_i32_0 = arith.constant 0 : i32
    return %arg0, %c0_i32 : i32, i32
  }
  func.func @transform_2(%arg0: i32) -> (i32, i32) {
    %c0_i32 = arith.constant 0 : i32
    %c0_i32_0 = arith.constant 0 : i32
    return %arg0, %c0_i32 : i32, i32
  }
  func.func @transform_3(%arg0: i32) -> (i32, i32) {
    %c0_i32 = arith.constant 0 : i32
    %c0_i32_0 = arith.constant 0 : i32
    return %arg0, %c0_i32 : i32, i32
  }
}

module attributes {stable_mosaic.version = 14 : i64} {
  func.func @_tc2_body(%arg0: i32, %arg1: memref<2x2000x128xf32, #tpu.memory_space<vmem>>, %arg2: memref<2000x128xf32, #tpu.memory_space<vmem>>, %arg3: memref<2000x1xf32, #tpu.memory_space<vmem>>, %arg4: memref<1x256xf32, #tpu.memory_space<vmem>>, %arg5: memref<128x256xf32, #tpu.memory_space<vmem>>, %arg6: memref<2x2000x128xf32, #tpu.memory_space<vmem>>) attributes {dimension_semantics = [#tpu.dimension_semantics<arbitrary>], iteration_bounds = array<i64: 5>, scalar_prefetch = 0 : i64, scratch_operands = 0 : i64, tpu.core_type = #tpu.core_type<tc>, window_params = [{transform_indices = @transform_0, window_bounds = array<i64: 2, 2000, 128>}, {transform_indices = @transform_1, window_bounds = array<i64: 2000, 128>}, {transform_indices = @transform_2, window_bounds = array<i64: 2000, 1>}, {pipeline_mode = #tpu.pipeline_mode<synchronous>, transform_indices = @transform_3, window_bounds = array<i64: 1, 256>}, {pipeline_mode = #tpu.pipeline_mode<synchronous>, transform_indices = @transform_4, window_bounds = array<i64: 128, 256>}, {transform_indices = @transform_5, window_bounds = array<i64: 2, 2000, 128>}]} {
    %get3A = arith.constant 0 : index
    %get3A_0 = arith.constant 0 : index
    %get3A_1 = vector.load %arg3[%get3A, %get3A_0] : memref<2000x1xf32, #tpu.memory_space<vmem>>, vector<2000x1xf32>
    %get3A_2 = arith.constant 0 : index
    %get3A_3 = arith.constant 0 : index
    %get3A_4 = arith.constant 0 : index
    %get3A_5 = vector.load %arg1[%get3A_2, %get3A_3, %get3A_4] : memref<2x2000x128xf32, #tpu.memory_space<vmem>>, vector<1x2000x128xf32>
    %get3A_6 = vector.shape_cast %get3A_5 : vector<1x2000x128xf32> to vector<2000x128xf32>
    %get3A_7 = arith.constant 1 : index
    %get3A_8 = arith.constant 0 : index
    %get3A_9 = arith.constant 0 : index
    %get3A_10 = vector.load %arg1[%get3A_7, %get3A_8, %get3A_9] : memref<2x2000x128xf32, #tpu.memory_space<vmem>>, vector<1x2000x128xf32>
    %get3A_11 = vector.shape_cast %get3A_10 : vector<1x2000x128xf32> to vector<2000x128xf32>
    %add3A = arith.addf %get3A_6, %get3A_11 : vector<2000x128xf32>
    %get3A_12 = arith.constant 0 : index
    %get3A_13 = arith.constant 0 : index
    %get3A_14 = vector.load %arg2[%get3A_12, %get3A_13] : memref<2000x128xf32, #tpu.memory_space<vmem>>, vector<2000x128xf32>
    %add3A_15 = arith.addf %add3A, %get3A_14 : vector<2000x128xf32>
    %get3A_16 = arith.constant 0 : index
    %get3A_17 = arith.constant 0 : index
    %get3A_18 = vector.load %arg5[%get3A_16, %get3A_17] : memref<128x256xf32, #tpu.memory_space<vmem>>, vector<128x256xf32>
    %dot_general3A = arith.constant dense<0.000000e+00> : vector<2000x256xf32>
    %dot_general3A_19 = tpu.matmul %add3A_15, %get3A_18, %dot_general3A {dimension_numbers = #tpu.dot_dimension_numbers<[1], [0], [0], [1], [0, 0, 1, 1], [], []>, transpose_lhs_hint = false} : vector<2000x128xf32>, vector<128x256xf32>, vector<2000x256xf32> -> vector<2000x256xf32>
    %mul3A = vector.broadcast %get3A_1 : vector<2000x1xf32> to vector<2000x256xf32>
    %mul3A_20 = arith.mulf %mul3A, %dot_general3A_19 : vector<2000x256xf32>
    %get3A_21 = arith.constant 0 : index
    %get3A_22 = arith.constant 0 : index
    %get3A_23 = vector.load %arg4[%get3A_21, %get3A_22] : memref<1x256xf32, #tpu.memory_space<vmem>>, vector<1x256xf32>
    %add3A_24 = vector.broadcast %get3A_23 : vector<1x256xf32> to vector<2000x256xf32>
    %add3A_25 = arith.addf %mul3A_20, %add3A_24 : vector<2000x256xf32>
    %max3A = arith.constant 0.000000e+00 : f32
    %max3A_26 = vector.broadcast %max3A : f32 to vector<2000x256xf32>
    %max3A_27 = arith.maximumf %add3A_25, %max3A_26 : vector<2000x256xf32>
    %mul3A_28 = vector.broadcast %get3A_1 : vector<2000x1xf32> to vector<2000x256xf32>
    %mul3A_29 = arith.mulf %max3A_27, %mul3A_28 : vector<2000x256xf32>
    %slice3A = vector.extract_strided_slice %mul3A_29 {offsets = [0, 0], sizes = [2000, 128], strides = [1, 1]} : vector<2000x256xf32> to vector<2000x128xf32>
    %swap3A = arith.constant 0 : index
    %swap3A_30 = arith.constant 0 : index
    %swap3A_31 = arith.constant 0 : index
    %swap3A_32 = vector.load %arg6[%swap3A, %swap3A_30, %swap3A_31] : memref<2x2000x128xf32, #tpu.memory_space<vmem>>, vector<1x2000x128xf32>
    %swap3A_33 = vector.shape_cast %swap3A_32 : vector<1x2000x128xf32> to vector<2000x128xf32>
    %swap3A_34 = vector.shape_cast %slice3A : vector<2000x128xf32> to vector<1x2000x128xf32>
    tpu.vector_store %arg6[%swap3A, %swap3A_30, %swap3A_31], %swap3A_34 {strides = array<i32>} : memref<2x2000x128xf32, #tpu.memory_space<vmem>>, vector<1x2000x128xf32>,
    %slice3A_35 = vector.extract_strided_slice %mul3A_29 {offsets = [0, 128], sizes = [2000, 128], strides = [1, 1]} : vector<2000x256xf32> to vector<2000x128xf32>
    %swap3A_36 = arith.constant 1 : index
    %swap3A_37 = arith.constant 0 : index
    %swap3A_38 = arith.constant 0 : index
    %swap3A_39 = vector.load %arg6[%swap3A_36, %swap3A_37, %swap3A_38] : memref<2x2000x128xf32, #tpu.memory_space<vmem>>, vector<1x2000x128xf32>
    %swap3A_40 = vector.shape_cast %swap3A_39 : vector<1x2000x128xf32> to vector<2000x128xf32>
    %swap3A_41 = vector.shape_cast %slice3A_35 : vector<2000x128xf32> to vector<1x2000x128xf32>
    tpu.vector_store %arg6[%swap3A_36, %swap3A_37, %swap3A_38], %swap3A_41 {strides = array<i32>} : memref<2x2000x128xf32, #tpu.memory_space<vmem>>, vector<1x2000x128xf32>,
    return
  }
  func.func @transform_0(%arg0: i32) -> (i32, i32, i32) {
    %c0_i32 = arith.constant 0 : i32
    %c0_i32_0 = arith.constant 0 : i32
    %c0_i32_1 = arith.constant 0 : i32
    return %c0_i32, %arg0, %c0_i32_0 : i32, i32, i32
  }
  func.func @transform_1(%arg0: i32) -> (i32, i32) {
    %c0_i32 = arith.constant 0 : i32
    %c0_i32_0 = arith.constant 0 : i32
    return %arg0, %c0_i32 : i32, i32
  }
  func.func @transform_2(%arg0: i32) -> (i32, i32) {
    %c0_i32 = arith.constant 0 : i32
    %c0_i32_0 = arith.constant 0 : i32
    return %arg0, %c0_i32 : i32, i32
  }
  func.func @transform_3(%arg0: i32) -> (i32, i32) {
    %c0_i32 = arith.constant 0 : i32
    %c0_i32_0 = arith.constant 0 : i32
    %c0_i32_1 = arith.constant 0 : i32
    return %c0_i32, %c0_i32_0 : i32, i32
  }
  func.func @transform_4(%arg0: i32) -> (i32, i32) {
    %c0_i32 = arith.constant 0 : i32
    %c0_i32_0 = arith.constant 0 : i32
    %c0_i32_1 = arith.constant 0 : i32
    return %c0_i32, %c0_i32_0 : i32, i32
  }
  func.func @transform_5(%arg0: i32) -> (i32, i32, i32) {
    %c0_i32 = arith.constant 0 : i32
    %c0_i32_0 = arith.constant 0 : i32
    %c0_i32_1 = arith.constant 0 : i32
    return %c0_i32, %arg0, %c0_i32_0 : i32, i32, i32
  }
}

module attributes {stable_mosaic.version = 14 : i64} {
  func.func @_tc3_body(%arg0: i32, %arg1: memref<2x2000x128xf32, #tpu.memory_space<vmem>>, %arg2: memref<2x2000x128xf32, #tpu.memory_space<vmem>>, %arg3: memref<2000x1xf32, #tpu.memory_space<vmem>>, %arg4: memref<1x256xf32, #tpu.memory_space<vmem>>, %arg5: memref<256x256xf32, #tpu.memory_space<vmem>>, %arg6: memref<256x40xf32, #tpu.memory_space<vmem>>, %arg7: memref<1x40xf32, #tpu.memory_space<vmem>>, %arg8: memref<2000x40xf32, #tpu.memory_space<vmem>>) attributes {dimension_semantics = [#tpu.dimension_semantics<arbitrary>], iteration_bounds = array<i64: 5>, scalar_prefetch = 0 : i64, scratch_operands = 0 : i64, tpu.core_type = #tpu.core_type<tc>, window_params = [{transform_indices = @transform_0, window_bounds = array<i64: 2, 2000, 128>}, {transform_indices = @transform_1, window_bounds = array<i64: 2, 2000, 128>}, {transform_indices = @transform_2, window_bounds = array<i64: 2000, 1>}, {pipeline_mode = #tpu.pipeline_mode<synchronous>, transform_indices = @transform_3, window_bounds = array<i64: 1, 256>}, {pipeline_mode = #tpu.pipeline_mode<synchronous>, transform_indices = @transform_4, window_bounds = array<i64: 256, 256>}, {pipeline_mode = #tpu.pipeline_mode<synchronous>, transform_indices = @transform_5, window_bounds = array<i64: 256, 40>}, {pipeline_mode = #tpu.pipeline_mode<synchronous>, transform_indices = @transform_6, window_bounds = array<i64: 1, 40>}, {transform_indices = @transform_7, window_bounds = array<i64: 2000, 40>}]} {
    %get3A = arith.constant 0 : index
    %get3A_0 = arith.constant 0 : index
    %get3A_1 = vector.load %arg3[%get3A, %get3A_0] : memref<2000x1xf32, #tpu.memory_space<vmem>>, vector<2000x1xf32>
    %get3A_2 = arith.constant 0 : index
    %get3A_3 = arith.constant 0 : index
    %get3A_4 = vector.load %arg5[%get3A_2, %get3A_3] : memref<256x256xf32, #tpu.memory_space<vmem>>, vector<256x256xf32>
    %get3A_5 = arith.constant 0 : index
    %get3A_6 = arith.constant 0 : index
    %get3A_7 = arith.constant 0 : index
    %get3A_8 = vector.load %arg1[%get3A_5, %get3A_6, %get3A_7] : memref<2x2000x128xf32, #tpu.memory_space<vmem>>, vector<1x2000x128xf32>
    %get3A_9 = vector.shape_cast %get3A_8 : vector<1x2000x128xf32> to vector<2000x128xf32>
    %get3A_10 = arith.constant 0 : index
    %get3A_11 = arith.constant 0 : index
    %get3A_12 = arith.constant 0 : index
    %get3A_13 = vector.load %arg2[%get3A_10, %get3A_11, %get3A_12] : memref<2x2000x128xf32, #tpu.memory_space<vmem>>, vector<1x2000x128xf32>
    %get3A_14 = vector.shape_cast %get3A_13 : vector<1x2000x128xf32> to vector<2000x128xf32>
    %add3A = arith.addf %get3A_9, %get3A_14 : vector<2000x128xf32>
    %get3A_15 = arith.constant 1 : index
    %get3A_16 = arith.constant 0 : index
    %get3A_17 = arith.constant 0 : index
    %get3A_18 = vector.load %arg1[%get3A_15, %get3A_16, %get3A_17] : memref<2x2000x128xf32, #tpu.memory_space<vmem>>, vector<1x2000x128xf32>
    %get3A_19 = vector.shape_cast %get3A_18 : vector<1x2000x128xf32> to vector<2000x128xf32>
    %get3A_20 = arith.constant 1 : index
    %get3A_21 = arith.constant 0 : index
    %get3A_22 = arith.constant 0 : index
    %get3A_23 = vector.load %arg2[%get3A_20, %get3A_21, %get3A_22] : memref<2x2000x128xf32, #tpu.memory_space<vmem>>, vector<1x2000x128xf32>
    %get3A_24 = vector.shape_cast %get3A_23 : vector<1x2000x128xf32> to vector<2000x128xf32>
    %add3A_25 = arith.addf %get3A_19, %get3A_24 : vector<2000x128xf32>
    %slice3A = vector.extract_strided_slice %get3A_4 {offsets = [0, 0], sizes = [128, 256], strides = [1, 1]} : vector<256x256xf32> to vector<128x256xf32>
    %dot_general3A = arith.constant dense<0.000000e+00> : vector<2000x256xf32>
    %dot_general3A_26 = tpu.matmul %add3A, %slice3A, %dot_general3A {dimension_numbers = #tpu.dot_dimension_numbers<[1], [0], [0], [1], [0, 0, 1, 1], [], []>, transpose_lhs_hint = false} : vector<2000x128xf32>, vector<128x256xf32>, vector<2000x256xf32> -> vector<2000x256xf32>
    %slice3A_27 = vector.extract_strided_slice %get3A_4 {offsets = [128, 0], sizes = [128, 256], strides = [1, 1]} : vector<256x256xf32> to vector<128x256xf32>
    %dot_general3A_28 = arith.constant dense<0.000000e+00> : vector<2000x256xf32>
    %dot_general3A_29 = tpu.matmul %add3A_25, %slice3A_27, %dot_general3A_28 {dimension_numbers = #tpu.dot_dimension_numbers<[1], [0], [0], [1], [0, 0, 1, 1], [], []>, transpose_lhs_hint = false} : vector<2000x128xf32>, vector<128x256xf32>, vector<2000x256xf32> -> vector<2000x256xf32>
    %add3A_30 = arith.addf %dot_general3A_26, %dot_general3A_29 : vector<2000x256xf32>
    %mul3A = vector.broadcast %get3A_1 : vector<2000x1xf32> to vector<2000x256xf32>
    %mul3A_31 = arith.mulf %mul3A, %add3A_30 : vector<2000x256xf32>
    %get3A_32 = arith.constant 0 : index
    %get3A_33 = arith.constant 0 : index
    %get3A_34 = vector.load %arg4[%get3A_32, %get3A_33] : memref<1x256xf32, #tpu.memory_space<vmem>>, vector<1x256xf32>
    %add3A_35 = vector.broadcast %get3A_34 : vector<1x256xf32> to vector<2000x256xf32>
    %add3A_36 = arith.addf %mul3A_31, %add3A_35 : vector<2000x256xf32>
    %max3A = arith.constant 0.000000e+00 : f32
    %max3A_37 = vector.broadcast %max3A : f32 to vector<2000x256xf32>
    %max3A_38 = arith.maximumf %add3A_36, %max3A_37 : vector<2000x256xf32>
    %get3A_39 = arith.constant 0 : index
    %get3A_40 = arith.constant 0 : index
    %get3A_41 = vector.load %arg6[%get3A_39, %get3A_40] : memref<256x40xf32, #tpu.memory_space<vmem>>, vector<256x40xf32>
    %dot_general3A_42 = arith.constant dense<0.000000e+00> : vector<2000x40xf32>
    %dot_general3A_43 = tpu.matmul %max3A_38, %get3A_41, %dot_general3A_42 {dimension_numbers = #tpu.dot_dimension_numbers<[1], [0], [0], [1], [0, 0, 1, 1], [], []>, transpose_lhs_hint = false} : vector<2000x256xf32>, vector<256x40xf32>, vector<2000x40xf32> -> vector<2000x40xf32>
    %get3A_44 = arith.constant 0 : index
    %get3A_45 = arith.constant 0 : index
    %get3A_46 = vector.load %arg7[%get3A_44, %get3A_45] : memref<1x40xf32, #tpu.memory_space<vmem>>, vector<1x40xf32>
    %add3A_47 = vector.broadcast %get3A_46 : vector<1x40xf32> to vector<2000x40xf32>
    %add3A_48 = arith.addf %dot_general3A_43, %add3A_47 : vector<2000x40xf32>
    %reduce_max3A = arith.constant dense<0xFF800000> : vector<2000xf32>
    %reduce_max3A_49 = vector.multi_reduction <maximumf>, %add3A_48, %reduce_max3A [1] : vector<2000x40xf32> to vector<2000xf32>
    %broadcast_in_dim3A = vector.shape_cast %reduce_max3A_49 : vector<2000xf32> to vector<2000x1xf32>
    %sub3A = vector.broadcast %broadcast_in_dim3A : vector<2000x1xf32> to vector<2000x40xf32>
    %sub3A_50 = arith.subf %add3A_48, %sub3A : vector<2000x40xf32>
    %exp3A = math.exp %sub3A_50 : vector<2000x40xf32>
    %reduce_sum3A = arith.constant dense<0.000000e+00> : vector<2000xf32>
    %reduce_sum3A_51 = vector.multi_reduction <add>, %exp3A, %reduce_sum3A [1] : vector<2000x40xf32> to vector<2000xf32>
    %broadcast_in_dim3A_52 = vector.shape_cast %reduce_sum3A_51 : vector<2000xf32> to vector<2000x1xf32>
    %div3A = vector.broadcast %broadcast_in_dim3A_52 : vector<2000x1xf32> to vector<2000x40xf32>
    %div3A_53 = arith.divf %exp3A, %div3A : vector<2000x40xf32>
    %swap3A = arith.constant 0 : index
    %swap3A_54 = arith.constant 0 : index
    %swap3A_55 = vector.load %arg8[%swap3A, %swap3A_54] : memref<2000x40xf32, #tpu.memory_space<vmem>>, vector<2000x40xf32>
    tpu.vector_store %arg8[%swap3A, %swap3A_54], %div3A_53 {strides = array<i32>} : memref<2000x40xf32, #tpu.memory_space<vmem>>, vector<2000x40xf32>,
    return
  }
  func.func @transform_0(%arg0: i32) -> (i32, i32, i32) {
    %c0_i32 = arith.constant 0 : i32
    %c0_i32_0 = arith.constant 0 : i32
    %c0_i32_1 = arith.constant 0 : i32
    return %c0_i32, %arg0, %c0_i32_0 : i32, i32, i32
  }
  func.func @transform_1(%arg0: i32) -> (i32, i32, i32) {
    %c0_i32 = arith.constant 0 : i32
    %c0_i32_0 = arith.constant 0 : i32
    %c0_i32_1 = arith.constant 0 : i32
    return %c0_i32, %arg0, %c0_i32_0 : i32, i32, i32
  }
  func.func @transform_2(%arg0: i32) -> (i32, i32) {
    %c0_i32 = arith.constant 0 : i32
    %c0_i32_0 = arith.constant 0 : i32
    return %arg0, %c0_i32 : i32, i32
  }
  func.func @transform_3(%arg0: i32) -> (i32, i32) {
    %c0_i32 = arith.constant 0 : i32
    %c0_i32_0 = arith.constant 0 : i32
    %c0_i32_1 = arith.constant 0 : i32
    return %c0_i32, %c0_i32_0 : i32, i32
  }
  func.func @transform_4(%arg0: i32) -> (i32, i32) {
    %c0_i32 = arith.constant 0 : i32
    %c0_i32_0 = arith.constant 0 : i32
    %c0_i32_1 = arith.constant 0 : i32
    return %c0_i32, %c0_i32_0 : i32, i32
  }
  func.func @transform_5(%arg0: i32) -> (i32, i32) {
    %c0_i32 = arith.constant 0 : i32
    %c0_i32_0 = arith.constant 0 : i32
    %c0_i32_1 = arith.constant 0 : i32
    return %c0_i32, %c0_i32_0 : i32, i32
  }
  func.func @transform_6(%arg0: i32) -> (i32, i32) {
    %c0_i32 = arith.constant 0 : i32
    %c0_i32_0 = arith.constant 0 : i32
    %c0_i32_1 = arith.constant 0 : i32
    return %c0_i32, %c0_i32_0 : i32, i32
  }
  func.func @transform_7(%arg0: i32) -> (i32, i32) {
    %c0_i32 = arith.constant 0 : i32
    %c0_i32_0 = arith.constant 0 : i32
    return %arg0, %c0_i32 : i32, i32
  }
}

</mosaic_0001>

<sc_bundles>
// kernel: kernel.11.cloned.1.call-start
scs
__scs_entry_jumppad:
0x0: {  	(pc) =	sbr.rel $0x88, $3  }
0x1: {  	(tag) =	ssettag $0x0;
	lr =	simm.s32 $0x1  }
0x2: {  	[smem:$0x3F99] =	sst lr;
	_ =	strace $0xD0000000  }
0x3: {  	_ = 	snop  }
0x4: {  	_ = 	snop  }
0x5: {  	_ = 	snop  }
0x6: {  	_ = 	snop  }
0x7: {  	_ = 	snop  }
__scs_overlays_trampoline_lowered:
0x8: {  	[smem:$0x3FA8] =	sst s0  }
0x9: {  	[smem:$0x3FA9] =	sst s1  }
0xa: {  	[smem:$0x3FAA] =	sst s2  }
0xb: {  	[smem:$0x3FAB] =	sst s3  }
0xc: {  	[smem:$0x3FAC] =	sst s4  }
0xd: {  	[smem:$0x3FAD] =	sst s5  }
0xe: {  	[smem:$0x3FAE] =	sst s6  }
0xf: {  	[smem:$0x3FAF] =	sst s7  }
0x10: {  	[smem:$0x3FB0] =	sst s8  }
0x11: {  	[smem:$0x3FB1] =	sst s9;
	s0 =	simm.s32 @!p0 $0x0  }
0x12: {  	s1 =	sld [smem:$0x3F97];
	s0 =	simm.s32 @p0 $0x1  }
0x13: {  	[smem:$0x3FB2] =	sst s0;
	s0 =	simm.s32 @!p1 $0x0  }
0x14: {  	s2 =	sld [smem:$0x3F96];
	s0 =	simm.s32 @p1 $0x1  }
0x15: {  	[smem:$0x3FB3] =	sst s0;
	s0 =	simm.s32 @!p2 $0x0  }
0x16: {  	s3 =	sld [smem:$0x3FDB];
	s0 =	simm.s32 @p2 $0x1  }
0x17: {  	s4 =	simm.s32 $0x1BF5;
	[smem:$0x3FB5] =	sst s0  }
0x18: {  	s0 =	sld [smem:$0x3F98];
	_ =	swait.ge [sflag:s4], $0x0  }
0x19: {  	s7 =	sld [smem:$0x3F99]  }
0x1a: {  	s8 =	sadd.s32 $0xFFFFE003, lr  }
0x1b: {  	s9 =	sadd.s32 $0xFFFFFEF7, lr;
	s5 =	simm.s32 $0xFFFFFFFF;
	p2 =	slt.u32 s8, $0xFFFFF086  }
0x1c: {  	p1 =	slt.u32 s9, $0xF7A;
	s5 =	simm.s32 @!p2 $0x0  }
0x1d: {  	s5 =	simm.s32 @p1 $0x1;
	p0 =	seq.s32 s7, s2  }
0x1e: {  	s7 =	smul.u32 @!p0 $0xF7A, s2;
	p2 =	seq.s32 @!p0 s5, $0x0  }
0x1f: {  	s9 =	smul.u32 $0xF7A, s1;
	s8 =	simm.s32 @!p0 $0x1BF5;
	p2 =	por !p2, p0  }
0x20: {  	[sflag:s8] =	ssyncset.s32 @!p0 $0xFFFFF086;
	s6 =	sadd.s32 @!p0 s3, s7;
	s7 =	simm.s32 @!p0 $0x108  }
0x21: {  	s3 =	sadd.s32 s3, s9;
	s6 =	sadd.s32 @!p0 $0x88, s6;
	s7 =	simm.s32 @p2 $0x1082  }
0x22: {  	[simem:s7], [sflag:s8] =	dma.local @!p0 [hbm:s6], $0xF7A  }
0x23: {  	s9 =	sor.u32 $0xD0000000, s2;
	s6 =	simm.s32 $0x108;
	_ =	swait.ge @!p0 [sflag:s8], $0x0  }
0x24: {  	s3 =	sadd.s32 $0x88, s3;
	s6 =	simm.s32 @!p1 $0x1082;
	[sflag:s4] =	ssyncset.s32 $0xFFFFF086  }
0x25: {  	[simem:s6], [sflag:s4] =	dma.local [hbm:s3], $0xF7A  }
0x26: {  	[smem:$0x3F99] =	sst s1;
	(tag) =	ssettag s2;
	_ =	strace s9  }
0x27: {  	s1 =	sld [smem:$0x3FA9]  }
0x28: {  	s2 =	sld [smem:$0x3FAA]  }
0x29: {  	s4 =	sld [smem:$0x3FAC]  }
0x2a: {  	p0 =	seq.s32 s5, $0x0;
	s5 =	sld [smem:$0x3FAD]  }
0x2b: {  	s6 =	sld [smem:$0x3FAE]  }
0x2c: {  	s7 =	sld [smem:$0x3FAF]  }
0x2d: {  	s3 =	simm.s32 $0x108;
	s8 =	sld [smem:$0x3FB0]  }
0x2e: {  	s3 =	simm.s32 @!p0 $0x1082;
	s9 =	sld [smem:$0x3FB1]  }
0x2f: {  	lr =	sadd.s32 s0, s3;
	s0 =	sld [smem:$0x3FA8]  }
0x30: {  	s3 =	sld [smem:$0x3FAB]  }
0x31: {  	[smem:$0x3FB4] =	sst s10  }
0x32: {  	s10 =	sld [smem:$0x3FB2];
	_ =	sdelay $0x3  }
0x33: {  	p0 =	seq.s32 s10, $0x1;
	s10 =	sld [smem:$0x3FB4];
	_ =	sdelay $0x3  }
0x34: {  	[smem:$0x3FB4] =	sst s10  }
0x35: {  	s10 =	sld [smem:$0x3FB3];
	_ =	sdelay $0x3  }
0x36: {  	p1 =	seq.s32 s10, $0x1;
	s10 =	sld [smem:$0x3FB4];
	_ =	sdelay $0x3  }
0x37: {  	[smem:$0x3FB4] =	sst s10  }
0x38: {  	s10 =	sld [smem:$0x3FB5]  }
0x39: {  	_ = 	snop;
	(pc) =	sbr.ind lr, $3  }
0x3a: {  	_ = 	snop  }
0x3b: {  	_ = 	snop  }
0x3c: {  	p2 =	seq.s32 s10, $0x1;
	s10 =	sld [smem:$0x3FB4]  }
0x3d: {  	_ =	shalt  }
0x3e: {  	_ =	shalt  }
0x3f: {  	_ =	shalt  }
0x40: {  	_ =	shalt  }
0x41: {  	_ =	shalt  }
0x42: {  	_ =	shalt  }
0x43: {  	_ =	shalt  }
0x44: {  	_ =	shalt  }
0x45: {  	_ =	shalt  }
0x46: {  	_ =	shalt  }
0x47: {  	_ =	shalt  }
0x48: {  	_ =	shalt  }
0x49: {  	_ =	shalt  }
0x4a: {  	_ =	shalt  }
0x4b: {  	_ =	shalt  }
0x4c: {  	_ =	shalt  }
0x4d: {  	_ =	shalt  }
0x4e: {  	_ =	shalt  }
0x4f: {  	_ =	shalt  }
0x50: {  	_ =	shalt  }
0x51: {  	_ =	shalt  }
0x52: {  	_ =	shalt  }
0x53: {  	_ =	shalt  }
0x54: {  	_ =	shalt  }
0x55: {  	_ =	shalt  }
0x56: {  	_ =	shalt  }
0x57: {  	_ =	shalt  }
0x58: {  	_ =	shalt  }
0x59: {  	_ =	shalt  }
0x5a: {  	_ =	shalt  }
0x5b: {  	_ =	shalt  }
0x5c: {  	_ =	shalt  }
0x5d: {  	_ =	shalt  }
0x5e: {  	_ =	shalt  }
0x5f: {  	_ =	shalt  }
0x60: {  	_ =	shalt  }
0x61: {  	_ =	shalt  }
0x62: {  	_ =	shalt  }
0x63: {  	_ =	shalt  }
0x64: {  	_ =	shalt  }
0x65: {  	_ =	shalt  }
0x66: {  	_ =	shalt  }
0x67: {  	_ =	shalt  }
0x68: {  	_ =	shalt  }
0x69: {  	_ =	shalt  }
0x6a: {  	_ =	shalt  }
0x6b: {  	_ =	shalt  }
0x6c: {  	_ =	shalt  }
0x6d: {  	_ =	shalt  }
0x6e: {  	_ =	shalt  }
0x6f: {  	_ =	shalt  }
0x70: {  	_ =	shalt  }
0x71: {  	_ =	shalt  }
0x72: {  	_ =	shalt  }
0x73: {  	_ =	shalt  }
0x74: {  	_ =	shalt  }
0x75: {  	_ =	shalt  }
0x76: {  	_ =	shalt  }
0x77: {  	_ =	shalt  }
0x78: {  	_ =	shalt  }
0x79: {  	_ =	shalt  }
0x7a: {  	_ =	shalt  }
0x7b: {  	_ =	shalt  }
0x7c: {  	_ =	shalt  }
0x7d: {  	_ =	shalt  }
0x7e: {  	_ =	shalt  }
0x7f: {  	_ =	shalt  }
0x80: {  	_ =	shalt  }
0x81: {  	_ =	shalt  }
0x82: {  	_ =	shalt  }
0x83: {  	_ =	shalt  }
0x84: {  	_ =	shalt  }
0x85: {  	_ =	shalt  }
0x86: {  	_ =	shalt  }
0x87: {  	_ =	shalt  }
.Lfunc_end0:
.L_simem_size_0:
called_computation.1_lowered:
.L_overlay_start_0:
0x88: {  	s2 =	sld [smem:$0x3FD9]  }
0x89: {  	s3 =	sld [smem:$0x3FFE];
	_ =	sdelay $0x1  }
0x8a: {  	s1 =	srdreg.scid  }
0x8b: {  	s0 =	sand.u32 $0x1, s1  }
0x8c: {  	s17 =	sshll.u32 s0, $0xA;
	s2 =	sadd.s32 s3, s2  }
0x8d: {  	s2 =	sadd.s32 s2, s17  }
0x8e: {  	[smem:$0x3FC0] =	sst s2  }
0x8f: {  	_ = 	snop  }
0x90: {  	s2 =	sld [smem:$0x3FD0];
	(tm) =	ssettm $0x1  }
0x91: {  	s18 =	sld [smem:$0x3FFB];
	_ =	sdelay $0x3  }
0x92: {  	_ =	strace s18  }
0x93: {  	s3 =	sld [smem:$0x3FFC];
	_ =	sdelay $0x3  }
0x94: {  	_ =	strace s3  }
0x95: {  	s3 =	sld [smem:$0x3FFD];
	_ =	sdelay $0x3  }
0x96: {  	_ =	strace s3  }
0x97: {  	_ =	strace $0x8FFFFFFF  }
0x98: {  	s19 =	sld [smem:$0x3FDB];
	_ =	sdelay $0x1  }
0x99: {  	s4 =	simm.s32 $_scs_section_size  }
0x9a: {  	s5 =	simm.s32 $_size__tile_overlayer_lowered;
	s6 =	simm.s32 $_tile_overlayer_lowered  }
0x9b: {  	s22 =	simm.s32 $0x1BFF;
	s21 =	sshll.u32 s6, $0x1;
	s3 =	sadd.s32 s4, s19  }
0x9c: {  	s7 =	simm.s32 $0x0;
	s20 =	sshll.u32 s5, $0x1;
	s5 =	sadd.s32 s21, s3  }
0x9d: {  	[timem:s7], [sflag:s22] =	dma.local [hbm:s5], s20  }
0x9e: {  	_ =	swait.ge [sflag:s22], s20  }
0x9f: {  	s4 =	ssub.s32 $0x0, s20;
	[sflag:s22] =	ssyncset.done $0x0  }
0xa0: {  	[sflag:s22] =	ssyncadd.s32 s4;
	_ =	sdelay $0x1  }
0xa1: {  	s23 =	simm.s32 $0x1B8B  }
0xa2: {  	_ =	swait.ge [sflag:s23], $0x1  }
0xa3: {  	[sflag:s23] =	ssyncset.done $0x0  }
0xa4: {  	s25 =	simm.s32 $0x1B8E;
	s24 =	sld [smem:$0x3FFE];
	[sflag:s23] =	ssyncadd.s32 $0xFFFFFFFF  }
0xa5: {  	s26 =	simm.s32 $execute0_lowered;
	[smem:$0x3FD2] =	sst s25  }
0xa6: {  	s5 =	sshll.u32 s26, $0x1;
	_ =	strace $0x80000049;
	[dreg:$0x1] =	wrdreg $0xFFFFFFFF  }
0xa7: {  	s28 =	simm.s32 $_size_execute0_lowered;
	s3 =	sadd.s32 s3, s5;
	[dreg:$0x0] =	wrdreg $0x0  }
0xa8: {  	s5 =	sshll.u32 s28, $0x1;
	[dreg:$0x2] =	wrdreg s3  }
0xa9: {  	[dreg:$0x3] =	wrdreg s5  }
0xaa: {  	[dreg:$0x4] =	wrdreg $0xC0  }
0xab: {  	_ =	task [dreg:s7], $0x5FFFF  }
0xac: {  	[dreg:$0x1] =	wrdreg $0xFFFFFFFF  }
0xad: {  	[dreg:$0x0] =	wrdreg $0x60  }
0xae: {  	[dreg:$0x2] =	wrdreg s24  }
0xaf: {  	[dreg:$0x3] =	wrdreg s2  }
0xb0: {  	[dreg:$0x4] =	wrdreg $0x90000  }
0xb1: {  	[dreg:$0x5] =	wrdreg $0x9  }
0xb2: {  	_ =	task.clear_ibuf [dreg:s7], $0x6FFFF;
	_ =	strace $0x90000049  }
0xb3: {  	s29 =	simm.s32 $0x9;
	_ =	strace $0x8000004B  }
0xb4: {  	_ =	swait.ge [sflag:s29], $0x1  }
0xb5: {  	[sflag:s29] =	ssyncadd.s32 $0xFFFFFFFF  }
0xb6: {  	_ =	strace $0x9000004B  }
0xb7: {  	_ =	sfence  }
0xb8: {  	s30 =	sld [smem:$0x0];
	_ =	sdelay $0x2  }
0xb9: {  	s31 =	sshll.u32 s1, $0xD;
	s1 =	sshrl.u32 s1, $0x2  }
0xba: {  	s3 =	sand.u32 $0x4000, s31;
	s1 =	sadd.s32 s1, s30  }
0xbb: {  	s0 =	sor.u32 s3, s0;
	s1 =	sshll.u32 s1, $0x11  }
0xbc: {  	s0 =	sor.u32 s1, s0  }
0xbd: {  	s0 =	sadd.s32 $0x8F2B, s0  }
0xbe: {  	[sflag:s0] =	ssyncadd.remote.s32 $0x1  }
0xbf: {  	_ =	sfence.sel $0xFFFF  }
0xc0: {  	[dreg:$0x0] =	wrdreg $0xFFFFFFFF;
	(pc) =	sbr.abs _section_cstart, $3  }
0xc1: {  	[dreg:$0x1] =	wrdreg $0xFFFFFFFF  }
0xc2: {  	_ =	task.clear_ibuf [dreg:s7], $0x2FFFF;
	_ =	strace $0x9FFFFFFF  }
0xc3: {  	(tm) =	ssettm $0x7FFFFFFF  }
tec
execute0_lowered:
.L_overlay_start_1:
0x0: {  	(tag) =	ssettag $0x1  }
0x1: {  	s3 =	rddreg [dreg:$0x0]  }
0x2: {  	s1 =	rddreg [dreg:$0x1];
	s0 =	srdreg.scid  }
0x3: {  	s2 =	rddreg [dreg:$0x2];
	s4 =	simm.s32 $0x0;
	s13 =	stileid.u32  }
0x4: {  	s22 =	simm.s32 $0x880;
	s23 =	simm.s32 $0x100;
	[smem:$0x7FF] =	sst s4  }
0x5: {  	s24 =	simm.s32 $0x900;
	_ =	strace $0x8000004A;
	[dreg:$0x4] =	wrdreg s22  }
0x6: {  	s25 =	simm.s32 $0x180;
	s26 =	simm.s32 $0x980;
	[dreg:$0x5] =	wrdreg s23  }
0x7: {  	s14 =	simm.s32 $0xA00;
	s16 =	simm.s32 $0x280;
	[dreg:$0x6] =	wrdreg s24  }
0x8: {  	s17 =	simm.s32 $0xA80;
	s19 =	simm.s32 $0x300;
	[dreg:$0x7] =	wrdreg s25  }
0x9: {  	s28 =	simm.s32 $0xC00;
	s29 =	simm.s32 $0x1;
	[dreg:$0x8] =	wrdreg s26  }
0xa: {  	s30 =	simm.s32 $0x5000;
	s31 =	simm.s32 $0x2;
	[dreg:$0xa] =	wrdreg s14  }
0xb: {  	s0 =	sand.u32 $0x1, s0;
	s8 =	smul.u32 $0x2800, s13;
	[dreg:$0xb] =	wrdreg s16  }
0xc: {  	s5 =	sadd.s32 $0x15C00, s3;
	s12 =	smul.u32 $0x13800, s13;
	[dreg:$0xc] =	wrdreg s17  }
0xd: {  	s15 =	smul.u32 $0x4E000, s13;
	[dreg:$0xd] =	wrdreg s19;
	s22 =	simm.s32 $0xB80  }
0xe: {  	p0 =	sne.s32 s13, $0xF;
	s24 =	simm.s32 $0x480;
	[dreg:$0x10] =	wrdreg s22  }
0xf: {  	s6 =	smul.u32 $0x138800, s0;
	s26 =	simm.s32 $0xC80;
	[dreg:$0x11] =	wrdreg s24  }
0x10: {  	s7 =	smul.u32 $0x28000, s0;
	s14 =	simm.s32 $0xD00;
	[dreg:$0x12] =	wrdreg s26  }
0x11: {  	s11 =	ssub.s32 $0x2, s0;
	s16 =	simm.s32 $0x580;
	[dreg:$0x14] =	wrdreg s14  }
0x12: {  	s19 =	simm.s32 $0x600;
	s20 =	sshrl.u32 s11, $0x1;
	[dreg:$0x15] =	wrdreg s16  }
0x13: {  	s18 =	sshrl.u32 s15, $0x2;
	[dreg:$0x17] =	wrdreg s19;
	s22 =	simm.s32 $0xE80  }
0x14: {  	s24 =	simm.s32 $0xF00;
	s26 =	simm.s32 $0xF80;
	s10 =	sshrl.u32 s6, $0x3  }
0x15: {  	s0 =	sadd.s32 s8, s7;
	s7 =	ssub.s32 s11, s20;
	[dreg:$0x1a] =	wrdreg s22  }
0x16: {  	s6 =	sadd.s32 s12, s6;
	s12 =	simm.s32 $0x200;
	[dreg:$0x1c] =	wrdreg s24  }
0x17: {  	s11 =	sadd.s32 s18, s2;
	s20 =	simm.s32 $0xB00;
	[dreg:$0x1e] =	wrdreg s26  }
0x18: {  	s18 =	simm.s32 $0xD80;
	s22 =	simm.s32 $0x6;
	[dreg:$0x9] =	wrdreg s12  }
0x19: {  	s24 =	simm.s32 $0x1000;
	s26 =	simm.s32 $0x400;
	[dreg:$0xe] =	wrdreg s20  }
0x1a: {  	s9 =	sadd.s32 s10, s3;
	s23 =	smax.u32 s7, $0x1;
	[dreg:$0x16] =	wrdreg s18  }
0x1b: {  	s3 =	sadd.s32 $0x6DE00, s3;
	s25 =	sadd.s32 $0x3400, s11;
	[smem:$0x7F8] =	sst s23  }
0x1c: {  	s8 =	sshrl.u32 s0, $0x3;
	s7 =	sadd.s32 $0x6800, s11;
	[smem:$0x7F9] =	sst s25  }
0x1d: {  	s6 =	sshrl.u32 s6, $0x3;
	s12 =	sadd.s32 $0x9C00, s11;
	[smem:$0x7FA] =	sst s7  }
0x1e: {  	s15 =	sadd.s32 $0xD000, s11;
	s17 =	sadd.s32 $0x10400, s11;
	[smem:$0x7FB] =	sst s12  }
0x1f: {  	s14 =	sadd.s32 $0x800, s0;
	s0 =	sor.u32 $0x400, s0;
	[smem:$0x7FC] =	sst s15  }
0x20: {  	s20 =	simm.s32 $0xE00;
	s21 =	sadd.s32 s1, s8;
	[smem:$0x7FD] =	sst s17  }
0x21: {  	s8 =	sadd.s32 s5, s8;
	s9 =	sadd.s32 $0x1FC00, s9;
	[dreg:$0x18] =	wrdreg s20  }
0x22: {  	s6 =	sadd.s32 s3, s6;
	s3 =	sadd.s32 s3, s10;
	[dreg:$0x1f] =	wrdreg s21  }
0x23: {  	s10 =	simm.s32 $0x500;
	s0 =	sshrl.u32 s0, $0x3;
	[smem:$0x7F5] =	sst s8  }
0x24: {  	s23 =	simm.s32 $0x700;
	s25 =	simm.s32 $0x780;
	[smem:$0x7F6] =	sst s6  }
0x25: {  	s7 =	simm.s32 $0x0;
	s8 =	sadd.s32 $0x138000, s2;
	[dreg:$0x13] =	wrdreg s10  }
0x26: {  	s21 =	simm.s32 $0x380;
	s3 =	sadd.s32 $0x27000, s3;
	[dreg:$0x1b] =	wrdreg s23  }
0x27: {  	s20 =	sadd.s32 s0, s5;
	s23 =	simm.s32 $0x800;
	[dreg:$0x1d] =	wrdreg s25  }
0x28: {  	s25 =	simm.s32 $0x80;
	s6 =	simm.s32 $0x5;
	[smem:$0x7F7] =	sst s3  }
0x29: {  	[dreg:$0xf] =	wrdreg s21;
	s21 =	simm.s32 $0x680;
	s3 =	simm.s32 $0x4  }
0x2a: {  	v0 =	vimm.f32 $0.0e+00;
	[dreg:$0x19] =	wrdreg s21;
	s21 =	sadd.s32 s0, s1;
	s0 =	simm.s32 $0x3  }
.LBB2_1:
0x2b: {  	s10 =	rddreg [dreg:$0x1f]  }
0x2c: {  	[tilespmem:s4], [sflag:$0x6] =	stream.linear.gather [hbm4b:s10+s4], $0x400, $0x38;
	[tilespmem:$0x1C8C0] =	vst v63  }
0x2d: {  	_ =	swait.ge [sflag:s22], $0x400  }
0x2e: {  	s19 =	sld [smem:$0x7F5]  }
0x2f: {  	[sflag:s22] =	ssyncset.done $0x0  }
0x30: {  	[sflag:s22] =	ssyncadd.s32 $0xFFFFFC00  }
0x31: {  	[tilespmem:s23], [sflag:$0x6] =	stream.linear.gather [hbm4b:s19+s4], $0x400, $0x38;
	[tilespmem:$0x1C8C0] =	vst v63  }
0x32: {  	_ =	swait.ge [sflag:s22], $0x400  }
0x33: {  	[sflag:s22] =	ssyncset.done $0x0  }
0x34: {  	s12 =	simm.s32 $0x200;
	s10 =	simm.s32 $0x0;
	[sflag:s22] =	ssyncadd.s32 $0xFFFFFC00  }
.LBB2_2:
0x35: {  	p1 =	sne.s32 s12, $0xFE00;
	[tilespmem:s10+$0x1070] =	vst v0  }
0x36: {  	[tilespmem:s10+$0x1000] =	vst v0  }
0x37: {  	[tilespmem:s10+$0x1010] =	vst v0  }
.Ltmp0:
0x38: {  	[tilespmem:s10+$0x1020] =	vst v0;
	(pc) =	sbr.rel @p1 .LBB2_2-.Ltmp0, $4  }
0x39: {  	[tilespmem:s10+$0x1030] =	vst v0  }
0x3a: {  	[tilespmem:s10+$0x1040] =	vst v0  }
0x3b: {  	[tilespmem:s10+$0x1050] =	vst v0  }
0x3c: {  	[tilespmem:s10+$0x1060] =	vst v0;
	s10 =	sshra.s32 s12, $0x2;
	s12 =	sadd.s32 $0x200, s12  }
0x3d: {  	[tilespmem:s10+$0x1070] =	vst v0  }
0x3e: {  	[tilespmem:s10+$0x1000] =	vst v0  }
0x3f: {  	[tilespmem:s10+$0x1010] =	vst v0  }
0x40: {  	[tilespmem:s10+$0x1020] =	vst v0  }
0x41: {  	[tilespmem:s10+$0x1030] =	vst v0  }
0x42: {  	[tilespmem:s10+$0x1040] =	vst v0  }
0x43: {  	[tilespmem:s10+$0x1050] =	vst v0  }
0x44: {  	[tilespmem:s10+$0x1060] =	vst v0  }
0x45: {  	[spmem:s11] =	stream.linear.scatter [tilespmem:s24], [sflag:$0x6], $0x3400, $0x38;
	[tilespmem:$0x1C8C0] =	vst v63  }
0x46: {  	_ =	swait.ge [sflag:s22], $0x3400  }
0x47: {  	s12 =	sld [smem:$0x7F9]  }
0x48: {  	[sflag:s22] =	ssyncset.done $0x0  }
0x49: {  	[sflag:s22] =	ssyncadd.s32 $0xFFFFCC00  }
0x4a: {  	[spmem:s12] =	stream.linear.scatter [tilespmem:s24], [sflag:$0x6], $0x3400, $0x38;
	[tilespmem:$0x1C8C0] =	vst v63  }
0x4b: {  	_ =	swait.ge [sflag:s22], $0x3400  }
0x4c: {  	s13 =	sld [smem:$0x7FA]  }
0x4d: {  	[sflag:s22] =	ssyncset.done $0x0  }
0x4e: {  	[sflag:s22] =	ssyncadd.s32 $0xFFFFCC00  }
0x4f: {  	[spmem:s13] =	stream.linear.scatter [tilespmem:s24], [sflag:$0x6], $0x3400, $0x38;
	[tilespmem:$0x1C8C0] =	vst v63  }
0x50: {  	_ =	swait.ge [sflag:s22], $0x3400  }
0x51: {  	s15 =	sld [smem:$0x7FB]  }
0x52: {  	[sflag:s22] =	ssyncset.done $0x0  }
0x53: {  	[sflag:s22] =	ssyncadd.s32 $0xFFFFCC00  }
0x54: {  	[spmem:s15] =	stream.linear.scatter [tilespmem:s24], [sflag:$0x6], $0x3400, $0x38;
	[tilespmem:$0x1C8C0] =	vst v63  }
0x55: {  	_ =	swait.ge [sflag:s22], $0x3400  }
0x56: {  	s16 =	sld [smem:$0x7FC]  }
0x57: {  	[sflag:s22] =	ssyncset.done $0x0  }
0x58: {  	[sflag:s22] =	ssyncadd.s32 $0xFFFFCC00  }
0x59: {  	[spmem:s16] =	stream.linear.scatter [tilespmem:s24], [sflag:$0x6], $0x3400, $0x38;
	[tilespmem:$0x1C8C0] =	vst v63  }
0x5a: {  	_ =	swait.ge [sflag:s22], $0x3400  }
0x5b: {  	s17 =	sld [smem:$0x7FD]  }
0x5c: {  	[sflag:s22] =	ssyncset.done $0x0  }
0x5d: {  	[sflag:s22] =	ssyncadd.s32 $0xFFFFCC00  }
0x5e: {  	[spmem:s17] =	stream.linear.scatter [tilespmem:s24], [sflag:$0x6], $0x3400, $0x38;
	[tilespmem:$0x1C8C0] =	vst v63  }
0x5f: {  	_ =	swait.ge [sflag:s22], $0x3400  }
0x60: {  	[sflag:s22] =	ssyncset.done $0x0  }
0x61: {  	s10 =	simm.s32 @!p0 $0x1000;
	[sflag:s22] =	ssyncadd.s32 $0xFFFFCC00  }
0x62: {  	[spmem:s8] =	stream.linear.scatter @!p0 [tilespmem:s10], [sflag:$0x6], $0x800, $0x38;
	[tilespmem:$0x1C8C0] =	vst v63  }
0x63: {  	s10 =	simm.s32 @!p0 $0x6  }
0x64: {  	_ =	swait.ge @!p0 [sflag:s10], $0x800  }
0x65: {  	[sflag:s10] =	ssyncset.done @!p0 $0x0  }
0x66: {  	[sflag:s10] =	ssyncadd.s32 @!p0 $0xFFFFF800  }
0x67: {  	s18 =	simm.s32 $0x0;
	[bflag:$0x0] =	sbarrier.arrive $0xFFFF  }
0x68: {  	[tilespmem:s24], [sflag:$0x1] =	stream.indirect.gather [hbm4b:s9+s25], $0x80, s18, s25, $0xb8;
	[tilespmem:$0x1C8C0] =	vst v63  }
0x69: {  	_ = 	snop  }
0x6a: {  	[tilespmem:s26], [sflag:$0x5] =	stream.linear.gather [hbm4b:s21+s4], $0x400, $0x38;
	[tilespmem:$0x1C8C0] =	vst v63  }
0x6b: {  	_ = 	snop  }
0x6c: {  	[tilespmem:s28], [sflag:$0x5] =	stream.linear.gather [hbm4b:s20+s4], $0x400, $0x38;
	[tilespmem:$0x1C8C0] =	vst v63  }
0x6d: {  	_ =	swait.ge [sflag:s29], $0x4000  }
0x6e: {  	p1 =	por $0x1, $0x1;
	[sflag:s29] =	ssyncset.done $0x0  }
0x6f: {  	s10 =	simm.s32 @!p1 $0x4;
	[sflag:s29] =	ssyncadd.s32 $0xFFFFC000  }
0x70: {  	[spmem:s2] =	stream.indirect.scatter.add.f32 [tilespmem:s24], [sflag:$0x3], $0x80, s23, s25, $0xb8;
	[tilespmem:$0x1C8C0] =	vst v63  }
0x71: {  	_ =	swait.ge @!p1 [sflag:s10], $0x4000  }
0x72: {  	[sflag:s10] =	ssyncset.done @!p1 $0x0  }
0x73: {  	[sflag:s10] =	ssyncadd.s32 @!p1 $0xFFFFC000  }
0x74: {  	[tilespmem:s30], [sflag:$0x2] =	stream.indirect.gather [hbm4b:s9+s25], $0x80, s25, s25, $0xb8;
	[tilespmem:$0x1C8C0] =	vst v63  }
0x75: {  	_ =	swait.ge [sflag:s31], $0x4000  }
0x76: {  	[sflag:s31] =	ssyncset.done $0x0  }
0x77: {  	s19 =	rddreg [dreg:$0x4];
	[sflag:s31] =	ssyncadd.s32 $0xFFFFC000  }
0x78: {  	[spmem:s2] =	stream.indirect.scatter.add.f32 [tilespmem:s30], [sflag:$0x4], $0x80, s19, s25, $0xb8;
	[tilespmem:$0x1C8C0] =	vst v63  }
0x79: {  	_ =	swait.ge [sflag:s0], $0x4000  }
0x7a: {  	[sflag:s0] =	ssyncset.done $0x0  }
0x7b: {  	s12 =	rddreg [dreg:$0x5];
	[sflag:s0] =	ssyncadd.s32 $0xFFFFC000  }
0x7c: {  	[tilespmem:s24], [sflag:$0x1] =	stream.indirect.gather [hbm4b:s9+s25], $0x80, s12, s25, $0xb8;
	[tilespmem:$0x1C8C0] =	vst v63  }
0x7d: {  	_ =	swait.ge [sflag:s29], $0x4000  }
0x7e: {  	[sflag:s29] =	ssyncset.done $0x0  }
0x7f: {  	s13 =	rddreg [dreg:$0x6];
	[sflag:s29] =	ssyncadd.s32 $0xFFFFC000  }
0x80: {  	[spmem:s2] =	stream.indirect.scatter.add.f32 [tilespmem:s24], [sflag:$0x3], $0x80, s13, s25, $0xb8;
	[tilespmem:$0x1C8C0] =	vst v63  }
0x81: {  	_ =	swait.ge [sflag:s3], $0x4000  }
0x82: {  	[sflag:s3] =	ssyncset.done $0x0  }
0x83: {  	s15 =	rddreg [dreg:$0x7];
	[sflag:s3] =	ssyncadd.s32 $0xFFFFC000  }
0x84: {  	[tilespmem:s30], [sflag:$0x2] =	stream.indirect.gather [hbm4b:s9+s25], $0x80, s15, s25, $0xb8;
	[tilespmem:$0x1C8C0] =	vst v63  }
0x85: {  	_ =	swait.ge [sflag:s31], $0x4000  }
0x86: {  	[sflag:s31] =	ssyncset.done $0x0  }
0x87: {  	s16 =	rddreg [dreg:$0x8];
	[sflag:s31] =	ssyncadd.s32 $0xFFFFC000  }
0x88: {  	[spmem:s2] =	stream.indirect.scatter.add.f32 [tilespmem:s30], [sflag:$0x4], $0x80, s16, s25, $0xb8;
	[tilespmem:$0x1C8C0] =	vst v63  }
0x89: {  	_ =	swait.ge [sflag:s0], $0x4000  }
0x8a: {  	[sflag:s0] =	ssyncset.done $0x0  }
0x8b: {  	s17 =	rddreg [dreg:$0x9];
	[sflag:s0] =	ssyncadd.s32 $0xFFFFC000  }
0x8c: {  	[tilespmem:s24], [sflag:$0x1] =	stream.indirect.gather [hbm4b:s9+s25], $0x80, s17, s25, $0xb8;
	[tilespmem:$0x1C8C0] =	vst v63  }
0x8d: {  	_ =	swait.ge [sflag:s29], $0x4000  }
0x8e: {  	[sflag:s29] =	ssyncset.done $0x0  }
0x8f: {  	s18 =	rddreg [dreg:$0xa];
	[sflag:s29] =	ssyncadd.s32 $0xFFFFC000  }
0x90: {  	[spmem:s2] =	stream.indirect.scatter.add.f32 [tilespmem:s24], [sflag:$0x3], $0x80, s18, s25, $0xb8;
	[tilespmem:$0x1C8C0] =	vst v63  }
0x91: {  	_ =	swait.ge [sflag:s3], $0x4000  }
0x92: {  	[sflag:s3] =	ssyncset.done $0x0  }
0x93: {  	s19 =	rddreg [dreg:$0xb];
	[sflag:s3] =	ssyncadd.s32 $0xFFFFC000  }
0x94: {  	[tilespmem:s30], [sflag:$0x2] =	stream.indirect.gather [hbm4b:s9+s25], $0x80, s19, s25, $0xb8;
	[tilespmem:$0x1C8C0] =	vst v63  }
0x95: {  	_ =	swait.ge [sflag:s31], $0x4000  }
0x96: {  	[sflag:s31] =	ssyncset.done $0x0  }
0x97: {  	s12 =	rddreg [dreg:$0xc];
	[sflag:s31] =	ssyncadd.s32 $0xFFFFC000  }
0x98: {  	[spmem:s2] =	stream.indirect.scatter.add.f32 [tilespmem:s30], [sflag:$0x4], $0x80, s12, s25, $0xb8;
	[tilespmem:$0x1C8C0] =	vst v63  }
0x99: {  	_ =	swait.ge [sflag:s0], $0x4000  }
0x9a: {  	[sflag:s0] =	ssyncset.done $0x0  }
0x9b: {  	s13 =	rddreg [dreg:$0xd];
	[sflag:s0] =	ssyncadd.s32 $0xFFFFC000  }
0x9c: {  	[tilespmem:s24], [sflag:$0x1] =	stream.indirect.gather [hbm4b:s9+s25], $0x80, s13, s25, $0xb8;
	[tilespmem:$0x1C8C0] =	vst v63  }
0x9d: {  	_ =	swait.ge [sflag:s29], $0x4000  }
0x9e: {  	[sflag:s29] =	ssyncset.done $0x0  }
0x9f: {  	s15 =	rddreg [dreg:$0xe];
	[sflag:s29] =	ssyncadd.s32 $0xFFFFC000  }
0xa0: {  	[spmem:s2] =	stream.indirect.scatter.add.f32 [tilespmem:s24], [sflag:$0x3], $0x80, s15, s25, $0xb8;
	[tilespmem:$0x1C8C0] =	vst v63  }
0xa1: {  	_ =	swait.ge [sflag:s3], $0x4000  }
0xa2: {  	[sflag:s3] =	ssyncset.done $0x0  }
0xa3: {  	s16 =	rddreg [dreg:$0xf];
	[sflag:s3] =	ssyncadd.s32 $0xFFFFC000  }
0xa4: {  	[tilespmem:s30], [sflag:$0x2] =	stream.indirect.gather [hbm4b:s9+s25], $0x80, s16, s25, $0xb8;
	[tilespmem:$0x1C8C0] =	vst v63  }
0xa5: {  	_ =	swait.ge [sflag:s31], $0x4000  }
0xa6: {  	[sflag:s31] =	ssyncset.done $0x0  }
0xa7: {  	s17 =	rddreg [dreg:$0x10];
	[sflag:s31] =	ssyncadd.s32 $0xFFFFC000  }
0xa8: {  	[spmem:s2] =	stream.indirect.scatter.add.f32 [tilespmem:s30], [sflag:$0x4], $0x80, s17, s25, $0xb8;
	[tilespmem:$0x1C8C0] =	vst v63  }
0xa9: {  	_ =	swait.ge [sflag:s0], $0x4000  }
0xaa: {  	[sflag:s0] =	ssyncset.done $0x0  }
0xab: {  	[sflag:s0] =	ssyncadd.s32 $0xFFFFC000  }
0xac: {  	_ =	swait.ge [sflag:s6], $0x400  }
0xad: {  	[sflag:s6] =	ssyncset.done $0x0  }
0xae: {  	[sflag:s6] =	ssyncadd.s32 $0xFFFFFC00  }
0xaf: {  	_ =	swait.ge [sflag:s6], $0x400  }
0xb0: {  	p2 =	por $0x0, $0x0;
	[sflag:s6] =	ssyncset.done $0x0  }
0xb1: {  	s10 =	sshrl.u32 @!p2 s14, $0x3;
	[sflag:s6] =	ssyncadd.s32 $0xFFFFFC00  }
0xb2: {  	[tilespmem:s24], [sflag:$0x1] =	stream.indirect.gather [hbm4b:s9+s25], $0x80, s26, s25, $0xb8;
	[tilespmem:$0x1C8C0] =	vst v63  }
0xb3: {  	s12 =	sadd.s32 @!p2 s1, s10;
	s15 =	simm.s32 @!p2 $0x0  }
0xb4: {  	[tilespmem:s15], [sflag:$0x5] =	stream.linear.gather @!p2 [hbm4b:s12+s15], $0x400, $0x38;
	[tilespmem:$0x1C8C0] =	vst v63  }
0xb5: {  	s10 =	sadd.s32 @!p2 s5, s10;
	s12 =	simm.s32 @!p2 $0x800  }
0xb6: {  	[tilespmem:s12], [sflag:$0x5] =	stream.linear.gather @!p2 [hbm4b:s10+s15], $0x400, $0x38;
	[tilespmem:$0x1C8C0] =	vst v63  }
0xb7: {  	_ =	swait.ge [sflag:s29], $0x4000  }
0xb8: {  	[sflag:s29] =	ssyncset.done $0x0  }
0xb9: {  	[sflag:s29] =	ssyncadd.s32 $0xFFFFC000  }
0xba: {  	[spmem:s2] =	stream.indirect.scatter.add.f32 [tilespmem:s24], [sflag:$0x3], $0x80, s28, s25, $0xb8;
	[tilespmem:$0x1C8C0] =	vst v63  }
0xbb: {  	_ =	swait.ge [sflag:s3], $0x4000  }
0xbc: {  	[sflag:s3] =	ssyncset.done $0x0  }
0xbd: {  	s18 =	rddreg [dreg:$0x11];
	[sflag:s3] =	ssyncadd.s32 $0xFFFFC000  }
0xbe: {  	[tilespmem:s30], [sflag:$0x2] =	stream.indirect.gather [hbm4b:s9+s25], $0x80, s18, s25, $0xb8;
	[tilespmem:$0x1C8C0] =	vst v63  }
0xbf: {  	_ =	swait.ge [sflag:s31], $0x4000  }
0xc0: {  	[sflag:s31] =	ssyncset.done $0x0  }
0xc1: {  	s19 =	rddreg [dreg:$0x12];
	[sflag:s31] =	ssyncadd.s32 $0xFFFFC000  }
0xc2: {  	[spmem:s2] =	stream.indirect.scatter.add.f32 [tilespmem:s30], [sflag:$0x4], $0x80, s19, s25, $0xb8;
	[tilespmem:$0x1C8C0] =	vst v63  }
0xc3: {  	_ =	swait.ge [sflag:s0], $0x4000  }
0xc4: {  	[sflag:s0] =	ssyncset.done $0x0  }
0xc5: {  	s12 =	rddreg [dreg:$0x13];
	[sflag:s0] =	ssyncadd.s32 $0xFFFFC000  }
0xc6: {  	[tilespmem:s24], [sflag:$0x1] =	stream.indirect.gather [hbm4b:s9+s25], $0x80, s12, s25, $0xb8;
	[tilespmem:$0x1C8C0] =	vst v63  }
0xc7: {  	_ =	swait.ge [sflag:s29], $0x4000  }
0xc8: {  	[sflag:s29] =	ssyncset.done $0x0  }
0xc9: {  	s13 =	rddreg [dreg:$0x14];
	[sflag:s29] =	ssyncadd.s32 $0xFFFFC000  }
0xca: {  	[spmem:s2] =	stream.indirect.scatter.add.f32 [tilespmem:s24], [sflag:$0x3], $0x80, s13, s25, $0xb8;
	[tilespmem:$0x1C8C0] =	vst v63  }
0xcb: {  	_ =	swait.ge [sflag:s3], $0x4000  }
0xcc: {  	[sflag:s3] =	ssyncset.done $0x0  }
0xcd: {  	s16 =	rddreg [dreg:$0x15];
	[sflag:s3] =	ssyncadd.s32 $0xFFFFC000  }
0xce: {  	[tilespmem:s30], [sflag:$0x2] =	stream.indirect.gather [hbm4b:s9+s25], $0x80, s16, s25, $0xb8;
	[tilespmem:$0x1C8C0] =	vst v63  }
0xcf: {  	_ =	swait.ge [sflag:s31], $0x4000  }
0xd0: {  	[sflag:s31] =	ssyncset.done $0x0  }
0xd1: {  	s17 =	rddreg [dreg:$0x16];
	[sflag:s31] =	ssyncadd.s32 $0xFFFFC000  }
0xd2: {  	[spmem:s2] =	stream.indirect.scatter.add.f32 [tilespmem:s30], [sflag:$0x4], $0x80, s17, s25, $0xb8;
	[tilespmem:$0x1C8C0] =	vst v63  }
0xd3: {  	_ =	swait.ge [sflag:s0], $0x4000  }
0xd4: {  	[sflag:s0] =	ssyncset.done $0x0  }
0xd5: {  	s18 =	rddreg [dreg:$0x17];
	[sflag:s0] =	ssyncadd.s32 $0xFFFFC000  }
0xd6: {  	[tilespmem:s24], [sflag:$0x1] =	stream.indirect.gather [hbm4b:s9+s25], $0x80, s18, s25, $0xb8;
	[tilespmem:$0x1C8C0] =	vst v63  }
0xd7: {  	_ =	swait.ge [sflag:s29], $0x4000  }
0xd8: {  	[sflag:s29] =	ssyncset.done $0x0  }
0xd9: {  	s19 =	rddreg [dreg:$0x18];
	[sflag:s29] =	ssyncadd.s32 $0xFFFFC000  }
0xda: {  	[spmem:s2] =	stream.indirect.scatter.add.f32 [tilespmem:s24], [sflag:$0x3], $0x80, s19, s25, $0xb8;
	[tilespmem:$0x1C8C0] =	vst v63  }
0xdb: {  	_ =	swait.ge [sflag:s3], $0x4000  }
0xdc: {  	[sflag:s3] =	ssyncset.done $0x0  }
0xdd: {  	s12 =	rddreg [dreg:$0x19];
	[sflag:s3] =	ssyncadd.s32 $0xFFFFC000  }
0xde: {  	[tilespmem:s30], [sflag:$0x2] =	stream.indirect.gather [hbm4b:s9+s25], $0x80, s12, s25, $0xb8;
	[tilespmem:$0x1C8C0] =	vst v63  }
0xdf: {  	_ =	swait.ge [sflag:s31], $0x4000  }
0xe0: {  	[sflag:s31] =	ssyncset.done $0x0  }
0xe1: {  	s13 =	rddreg [dreg:$0x1a];
	[sflag:s31] =	ssyncadd.s32 $0xFFFFC000  }
0xe2: {  	[spmem:s2] =	stream.indirect.scatter.add.f32 [tilespmem:s30], [sflag:$0x4], $0x80, s13, s25, $0xb8;
	[tilespmem:$0x1C8C0] =	vst v63  }
0xe3: {  	_ =	swait.ge [sflag:s0], $0x4000  }
0xe4: {  	[sflag:s0] =	ssyncset.done $0x0  }
0xe5: {  	s16 =	rddreg [dreg:$0x1b];
	[sflag:s0] =	ssyncadd.s32 $0xFFFFC000  }
0xe6: {  	[tilespmem:s24], [sflag:$0x1] =	stream.indirect.gather [hbm4b:s9+s25], $0x80, s16, s25, $0xb8;
	[tilespmem:$0x1C8C0] =	vst v63  }
0xe7: {  	_ =	swait.ge [sflag:s29], $0x4000  }
0xe8: {  	[sflag:s29] =	ssyncset.done $0x0  }
0xe9: {  	s17 =	rddreg [dreg:$0x1c];
	[sflag:s29] =	ssyncadd.s32 $0xFFFFC000  }
0xea: {  	[spmem:s2] =	stream.indirect.scatter.add.f32 [tilespmem:s24], [sflag:$0x3], $0x80, s17, s25, $0xb8;
	[tilespmem:$0x1C8C0] =	vst v63  }
0xeb: {  	_ =	swait.ge [sflag:s3], $0x4000  }
0xec: {  	[sflag:s3] =	ssyncset.done $0x0  }
0xed: {  	s18 =	rddreg [dreg:$0x1d];
	[sflag:s3] =	ssyncadd.s32 $0xFFFFC000  }
0xee: {  	[tilespmem:s30], [sflag:$0x2] =	stream.indirect.gather [hbm4b:s9+s25], $0x80, s18, s25, $0xb8;
	[tilespmem:$0x1C8C0] =	vst v63  }
0xef: {  	_ =	swait.ge [sflag:s31], $0x4000  }
0xf0: {  	[sflag:s31] =	ssyncset.done $0x0  }
0xf1: {  	s19 =	rddreg [dreg:$0x1e];
	[sflag:s31] =	ssyncadd.s32 $0xFFFFC000  }
0xf2: {  	[spmem:s2] =	stream.indirect.scatter.add.f32 [tilespmem:s30], [sflag:$0x4], $0x80, s19, s25, $0xb8;
	[tilespmem:$0x1C8C0] =	vst v63  }
0xf3: {  	_ =	swait.ge [sflag:s0], $0x4000  }
0xf4: {  	[sflag:s0] =	ssyncset.done $0x0  }
0xf5: {  	s16 =	simm.s32 @!p2 $0x5;
	[sflag:s0] =	ssyncadd.s32 $0xFFFFC000  }
0xf6: {  	_ =	swait.ge @!p2 [sflag:s16], $0x400  }
0xf7: {  	[sflag:s16] =	ssyncset.done @!p2 $0x0  }
0xf8: {  	s10 =	simm.s32 $0x1;
	s12 =	sadd.s32 $0x100, s20;
	[sflag:s16] =	ssyncadd.s32 @!p2 $0xFFFFFC00  }
0xf9: {  	s13 =	sadd.s32 $0x100, s21;
	s17 =	simm.s32 @!p2 $0x80;
	_ =	swait.ge @!p2 [sflag:s16], $0x400  }
0xfa: {  	s18 =	simm.s32 @!p2 $0x1000;
	s19 =	smov.u32 s14;
	[sflag:s16] =	ssyncset.done @!p2 $0x0  }
.LBB2_4:
0xfb: {  	[sflag:s16] =	ssyncadd.s32 @!p2 $0xFFFFFC00  }
0xfc: {  	[tilespmem:s18], [sflag:$0x1] =	stream.indirect.gather @!p2 [hbm4b:s9+s17], $0x80, s15, s17, $0xb8;
	[tilespmem:$0x1C8C0] =	vst v63  }
0xfd: {  	_ = 	snop  }
0xfe: {  	[tilespmem:s26], [sflag:$0x5] =	stream.linear.gather [hbm4b:s13+s4], $0x400, $0x38;
	[tilespmem:$0x1C8C0] =	vst v63  }
0xff: {  	_ = 	snop  }
0x100: {  	[tilespmem:s28], [sflag:$0x5] =	stream.linear.gather [hbm4b:s12+s4], $0x400, $0x38;
	[tilespmem:$0x1C8C0] =	vst v63  }
0x101: {  	s16 =	smov.u32 s10;
	_ =	swait.ge [sflag:s29], $0x4000  }
0x102: {  	p2 =	seq.s32 s16, $0x0;
	[sflag:s29] =	ssyncset.done $0x0  }
0x103: {  	s15 =	simm.s32 @!p2 $0x4;
	[sflag:s29] =	ssyncadd.s32 $0xFFFFC000  }
0x104: {  	[spmem:s2] =	stream.indirect.scatter.add.f32 [tilespmem:s24], [sflag:$0x3], $0x80, s23, s25, $0xb8;
	[tilespmem:$0x1C8C0] =	vst v63  }
0x105: {  	_ =	swait.ge @!p2 [sflag:s15], $0x4000  }
0x106: {  	[sflag:s15] =	ssyncset.done @!p2 $0x0  }
0x107: {  	[sflag:s15] =	ssyncadd.s32 @!p2 $0xFFFFC000  }
0x108: {  	[tilespmem:s30], [sflag:$0x2] =	stream.indirect.gather [hbm4b:s9+s25], $0x80, s25, s25, $0xb8;
	[tilespmem:$0x1C8C0] =	vst v63  }
0x109: {  	_ =	swait.ge [sflag:s31], $0x4000  }
0x10a: {  	[sflag:s31] =	ssyncset.done $0x0  }
0x10b: {  	s18 =	rddreg [dreg:$0x4];
	[sflag:s31] =	ssyncadd.s32 $0xFFFFC000  }
0x10c: {  	[spmem:s2] =	stream.indirect.scatter.add.f32 [tilespmem:s30], [sflag:$0x4], $0x80, s18, s25, $0xb8;
	[tilespmem:$0x1C8C0] =	vst v63  }
0x10d: {  	_ =	swait.ge [sflag:s0], $0x4000  }
0x10e: {  	[sflag:s0] =	ssyncset.done $0x0  }
0x10f: {  	s17 =	rddreg [dreg:$0x5];
	[sflag:s0] =	ssyncadd.s32 $0xFFFFC000  }
0x110: {  	[tilespmem:s24], [sflag:$0x1] =	stream.indirect.gather [hbm4b:s9+s25], $0x80, s17, s25, $0xb8;
	[tilespmem:$0x1C8C0] =	vst v63  }
0x111: {  	_ =	swait.ge [sflag:s29], $0x4000  }
0x112: {  	[sflag:s29] =	ssyncset.done $0x0  }
0x113: {  	s18 =	rddreg [dreg:$0x6];
	[sflag:s29] =	ssyncadd.s32 $0xFFFFC000  }
0x114: {  	[spmem:s2] =	stream.indirect.scatter.add.f32 [tilespmem:s24], [sflag:$0x3], $0x80, s18, s25, $0xb8;
	[tilespmem:$0x1C8C0] =	vst v63  }
0x115: {  	_ =	swait.ge [sflag:s3], $0x4000  }
0x116: {  	[sflag:s3] =	ssyncset.done $0x0  }
0x117: {  	s17 =	rddreg [dreg:$0x7];
	[sflag:s3] =	ssyncadd.s32 $0xFFFFC000  }
0x118: {  	[tilespmem:s30], [sflag:$0x2] =	stream.indirect.gather [hbm4b:s9+s25], $0x80, s17, s25, $0xb8;
	[tilespmem:$0x1C8C0] =	vst v63  }
0x119: {  	_ =	swait.ge [sflag:s31], $0x4000  }
0x11a: {  	[sflag:s31] =	ssyncset.done $0x0  }
0x11b: {  	s18 =	rddreg [dreg:$0x8];
	[sflag:s31] =	ssyncadd.s32 $0xFFFFC000  }
0x11c: {  	[spmem:s2] =	stream.indirect.scatter.add.f32 [tilespmem:s30], [sflag:$0x4], $0x80, s18, s25, $0xb8;
	[tilespmem:$0x1C8C0] =	vst v63  }
0x11d: {  	_ =	swait.ge [sflag:s0], $0x4000  }
0x11e: {  	[sflag:s0] =	ssyncset.done $0x0  }
0x11f: {  	s17 =	rddreg [dreg:$0x9];
	[sflag:s0] =	ssyncadd.s32 $0xFFFFC000  }
0x120: {  	[tilespmem:s24], [sflag:$0x1] =	stream.indirect.gather [hbm4b:s9+s25], $0x80, s17, s25, $0xb8;
	[tilespmem:$0x1C8C0] =	vst v63  }
0x121: {  	_ =	swait.ge [sflag:s29], $0x4000  }
0x122: {  	[sflag:s29] =	ssyncset.done $0x0  }
0x123: {  	s18 =	rddreg [dreg:$0xa];
	[sflag:s29] =	ssyncadd.s32 $0xFFFFC000  }
0x124: {  	[spmem:s2] =	stream.indirect.scatter.add.f32 [tilespmem:s24], [sflag:$0x3], $0x80, s18, s25, $0xb8;
	[tilespmem:$0x1C8C0] =	vst v63  }
0x125: {  	_ =	swait.ge [sflag:s3], $0x4000  }
0x126: {  	[sflag:s3] =	ssyncset.done $0x0  }
0x127: {  	s17 =	rddreg [dreg:$0xb];
	[sflag:s3] =	ssyncadd.s32 $0xFFFFC000  }
0x128: {  	[tilespmem:s30], [sflag:$0x2] =	stream.indirect.gather [hbm4b:s9+s25], $0x80, s17, s25, $0xb8;
	[tilespmem:$0x1C8C0] =	vst v63  }
0x129: {  	_ =	swait.ge [sflag:s31], $0x4000  }
0x12a: {  	[sflag:s31] =	ssyncset.done $0x0  }
0x12b: {  	s18 =	rddreg [dreg:$0xc];
	[sflag:s31] =	ssyncadd.s32 $0xFFFFC000  }
0x12c: {  	[spmem:s2] =	stream.indirect.scatter.add.f32 [tilespmem:s30], [sflag:$0x4], $0x80, s18, s25, $0xb8;
	[tilespmem:$0x1C8C0] =	vst v63  }
0x12d: {  	_ =	swait.ge [sflag:s0], $0x4000  }
0x12e: {  	[sflag:s0] =	ssyncset.done $0x0  }
0x12f: {  	s17 =	rddreg [dreg:$0xd];
	[sflag:s0] =	ssyncadd.s32 $0xFFFFC000  }
0x130: {  	[tilespmem:s24], [sflag:$0x1] =	stream.indirect.gather [hbm4b:s9+s25], $0x80, s17, s25, $0xb8;
	[tilespmem:$0x1C8C0] =	vst v63  }
0x131: {  	_ =	swait.ge [sflag:s29], $0x4000  }
0x132: {  	[sflag:s29] =	ssyncset.done $0x0  }
0x133: {  	s18 =	rddreg [dreg:$0xe];
	[sflag:s29] =	ssyncadd.s32 $0xFFFFC000  }
0x134: {  	[spmem:s2] =	stream.indirect.scatter.add.f32 [tilespmem:s24], [sflag:$0x3], $0x80, s18, s25, $0xb8;
	[tilespmem:$0x1C8C0] =	vst v63  }
0x135: {  	_ =	swait.ge [sflag:s3], $0x4000  }
0x136: {  	[sflag:s3] =	ssyncset.done $0x0  }
0x137: {  	s17 =	rddreg [dreg:$0xf];
	[sflag:s3] =	ssyncadd.s32 $0xFFFFC000  }
0x138: {  	[tilespmem:s30], [sflag:$0x2] =	stream.indirect.gather [hbm4b:s9+s25], $0x80, s17, s25, $0xb8;
	[tilespmem:$0x1C8C0] =	vst v63  }
0x139: {  	_ =	swait.ge [sflag:s31], $0x4000  }
0x13a: {  	[sflag:s31] =	ssyncset.done $0x0  }
0x13b: {  	s18 =	rddreg [dreg:$0x10];
	[sflag:s31] =	ssyncadd.s32 $0xFFFFC000  }
0x13c: {  	[spmem:s2] =	stream.indirect.scatter.add.f32 [tilespmem:s30], [sflag:$0x4], $0x80, s18, s25, $0xb8;
	[tilespmem:$0x1C8C0] =	vst v63  }
0x13d: {  	_ =	swait.ge [sflag:s0], $0x4000  }
0x13e: {  	[sflag:s0] =	ssyncset.done $0x0  }
0x13f: {  	[sflag:s0] =	ssyncadd.s32 $0xFFFFC000  }
0x140: {  	_ =	swait.ge [sflag:s6], $0x400  }
0x141: {  	[sflag:s6] =	ssyncset.done $0x0  }
0x142: {  	[sflag:s6] =	ssyncadd.s32 $0xFFFFFC00  }
0x143: {  	_ =	swait.ge [sflag:s6], $0x400  }
0x144: {  	s19 =	sadd.s32 $0x800, s19;
	p2 =	sgt.u32 s16, $0x3;
	[sflag:s6] =	ssyncset.done $0x0  }
0x145: {  	s16 =	sshrl.u32 @!p2 s19, $0x3;
	[sflag:s6] =	ssyncadd.s32 $0xFFFFFC00  }
0x146: {  	[tilespmem:s24], [sflag:$0x1] =	stream.indirect.gather [hbm4b:s9+s25], $0x80, s26, s25, $0xb8;
	[tilespmem:$0x1C8C0] =	vst v63  }
0x147: {  	s15 =	simm.s32 @!p2 $0x0;
	s17 =	sadd.s32 @!p2 s1, s16  }
0x148: {  	[tilespmem:s15], [sflag:$0x5] =	stream.linear.gather @!p2 [hbm4b:s17+s15], $0x400, $0x38;
	[tilespmem:$0x1C8C0] =	vst v63  }
0x149: {  	s16 =	sadd.s32 @!p2 s5, s16;
	s18 =	simm.s32 @!p2 $0x800  }
0x14a: {  	[tilespmem:s18], [sflag:$0x5] =	stream.linear.gather @!p2 [hbm4b:s16+s15], $0x400, $0x38;
	[tilespmem:$0x1C8C0] =	vst v63  }
0x14b: {  	_ =	swait.ge [sflag:s29], $0x4000  }
0x14c: {  	[sflag:s29] =	ssyncset.done $0x0  }
0x14d: {  	[sflag:s29] =	ssyncadd.s32 $0xFFFFC000  }
0x14e: {  	[spmem:s2] =	stream.indirect.scatter.add.f32 [tilespmem:s24], [sflag:$0x3], $0x80, s28, s25, $0xb8;
	[tilespmem:$0x1C8C0] =	vst v63  }
0x14f: {  	_ =	swait.ge [sflag:s3], $0x4000  }
0x150: {  	[sflag:s3] =	ssyncset.done $0x0  }
0x151: {  	s17 =	rddreg [dreg:$0x11];
	[sflag:s3] =	ssyncadd.s32 $0xFFFFC000  }
0x152: {  	[tilespmem:s30], [sflag:$0x2] =	stream.indirect.gather [hbm4b:s9+s25], $0x80, s17, s25, $0xb8;
	[tilespmem:$0x1C8C0] =	vst v63  }
0x153: {  	_ =	swait.ge [sflag:s31], $0x4000  }
0x154: {  	[sflag:s31] =	ssyncset.done $0x0  }
0x155: {  	s18 =	rddreg [dreg:$0x12];
	[sflag:s31] =	ssyncadd.s32 $0xFFFFC000  }
0x156: {  	[spmem:s2] =	stream.indirect.scatter.add.f32 [tilespmem:s30], [sflag:$0x4], $0x80, s18, s25, $0xb8;
	[tilespmem:$0x1C8C0] =	vst v63  }
0x157: {  	_ =	swait.ge [sflag:s0], $0x4000  }
0x158: {  	[sflag:s0] =	ssyncset.done $0x0  }
0x159: {  	s17 =	rddreg [dreg:$0x13];
	[sflag:s0] =	ssyncadd.s32 $0xFFFFC000  }
0x15a: {  	[tilespmem:s24], [sflag:$0x1] =	stream.indirect.gather [hbm4b:s9+s25], $0x80, s17, s25, $0xb8;
	[tilespmem:$0x1C8C0] =	vst v63  }
0x15b: {  	_ =	swait.ge [sflag:s29], $0x4000  }
0x15c: {  	[sflag:s29] =	ssyncset.done $0x0  }
0x15d: {  	s18 =	rddreg [dreg:$0x14];
	[sflag:s29] =	ssyncadd.s32 $0xFFFFC000  }
0x15e: {  	[spmem:s2] =	stream.indirect.scatter.add.f32 [tilespmem:s24], [sflag:$0x3], $0x80, s18, s25, $0xb8;
	[tilespmem:$0x1C8C0] =	vst v63  }
0x15f: {  	_ =	swait.ge [sflag:s3], $0x4000  }
0x160: {  	[sflag:s3] =	ssyncset.done $0x0  }
0x161: {  	s17 =	rddreg [dreg:$0x15];
	[sflag:s3] =	ssyncadd.s32 $0xFFFFC000  }
0x162: {  	[tilespmem:s30], [sflag:$0x2] =	stream.indirect.gather [hbm4b:s9+s25], $0x80, s17, s25, $0xb8;
	[tilespmem:$0x1C8C0] =	vst v63  }
0x163: {  	_ =	swait.ge [sflag:s31], $0x4000  }
0x164: {  	[sflag:s31] =	ssyncset.done $0x0  }
0x165: {  	s18 =	rddreg [dreg:$0x16];
	[sflag:s31] =	ssyncadd.s32 $0xFFFFC000  }
0x166: {  	[spmem:s2] =	stream.indirect.scatter.add.f32 [tilespmem:s30], [sflag:$0x4], $0x80, s18, s25, $0xb8;
	[tilespmem:$0x1C8C0] =	vst v63  }
0x167: {  	_ =	swait.ge [sflag:s0], $0x4000  }
0x168: {  	[sflag:s0] =	ssyncset.done $0x0  }
0x169: {  	s17 =	rddreg [dreg:$0x17];
	[sflag:s0] =	ssyncadd.s32 $0xFFFFC000  }
0x16a: {  	[tilespmem:s24], [sflag:$0x1] =	stream.indirect.gather [hbm4b:s9+s25], $0x80, s17, s25, $0xb8;
	[tilespmem:$0x1C8C0] =	vst v63  }
0x16b: {  	_ =	swait.ge [sflag:s29], $0x4000  }
0x16c: {  	[sflag:s29] =	ssyncset.done $0x0  }
0x16d: {  	s18 =	rddreg [dreg:$0x18];
	[sflag:s29] =	ssyncadd.s32 $0xFFFFC000  }
0x16e: {  	[spmem:s2] =	stream.indirect.scatter.add.f32 [tilespmem:s24], [sflag:$0x3], $0x80, s18, s25, $0xb8;
	[tilespmem:$0x1C8C0] =	vst v63  }
0x16f: {  	_ =	swait.ge [sflag:s3], $0x4000  }
0x170: {  	[sflag:s3] =	ssyncset.done $0x0  }
0x171: {  	s17 =	rddreg [dreg:$0x19];
	[sflag:s3] =	ssyncadd.s32 $0xFFFFC000  }
0x172: {  	[tilespmem:s30], [sflag:$0x2] =	stream.indirect.gather [hbm4b:s9+s25], $0x80, s17, s25, $0xb8;
	[tilespmem:$0x1C8C0] =	vst v63  }
0x173: {  	_ =	swait.ge [sflag:s31], $0x4000  }
0x174: {  	[sflag:s31] =	ssyncset.done $0x0  }
0x175: {  	s18 =	rddreg [dreg:$0x1a];
	[sflag:s31] =	ssyncadd.s32 $0xFFFFC000  }
0x176: {  	[spmem:s2] =	stream.indirect.scatter.add.f32 [tilespmem:s30], [sflag:$0x4], $0x80, s18, s25, $0xb8;
	[tilespmem:$0x1C8C0] =	vst v63  }
0x177: {  	_ =	swait.ge [sflag:s0], $0x4000  }
0x178: {  	[sflag:s0] =	ssyncset.done $0x0  }
0x179: {  	s17 =	rddreg [dreg:$0x1b];
	[sflag:s0] =	ssyncadd.s32 $0xFFFFC000  }
0x17a: {  	[tilespmem:s24], [sflag:$0x1] =	stream.indirect.gather [hbm4b:s9+s25], $0x80, s17, s25, $0xb8;
	[tilespmem:$0x1C8C0] =	vst v63  }
0x17b: {  	_ =	swait.ge [sflag:s29], $0x4000  }
0x17c: {  	[sflag:s29] =	ssyncset.done $0x0  }
0x17d: {  	s18 =	rddreg [dreg:$0x1c];
	[sflag:s29] =	ssyncadd.s32 $0xFFFFC000  }
0x17e: {  	[spmem:s2] =	stream.indirect.scatter.add.f32 [tilespmem:s24], [sflag:$0x3], $0x80, s18, s25, $0xb8;
	[tilespmem:$0x1C8C0] =	vst v63  }
0x17f: {  	_ =	swait.ge [sflag:s3], $0x4000  }
0x180: {  	[sflag:s3] =	ssyncset.done $0x0  }
0x181: {  	s17 =	rddreg [dreg:$0x1d];
	[sflag:s3] =	ssyncadd.s32 $0xFFFFC000  }
0x182: {  	[tilespmem:s30], [sflag:$0x2] =	stream.indirect.gather [hbm4b:s9+s25], $0x80, s17, s25, $0xb8;
	[tilespmem:$0x1C8C0] =	vst v63  }
0x183: {  	_ =	swait.ge [sflag:s31], $0x4000  }
0x184: {  	[sflag:s31] =	ssyncset.done $0x0  }
0x185: {  	s18 =	rddreg [dreg:$0x1e];
	[sflag:s31] =	ssyncadd.s32 $0xFFFFC000  }
0x186: {  	[spmem:s2] =	stream.indirect.scatter.add.f32 [tilespmem:s30], [sflag:$0x4], $0x80, s18, s25, $0xb8;
	[tilespmem:$0x1C8C0] =	vst v63  }
0x187: {  	_ =	swait.ge [sflag:s0], $0x4000  }
0x188: {  	s10 =	sadd.s32 $0x1, s10;
	[sflag:s0] =	ssyncset.done $0x0  }
0x189: {  	p1 =	sne.s32 s10, $0x5;
	s16 =	simm.s32 @!p2 $0x5;
	[sflag:s0] =	ssyncadd.s32 $0xFFFFC000  }
.Ltmp1:
0x18a: {  	_ =	swait.ge @!p2 [sflag:s16], $0x400;
	(pc) =	sbr.rel @p1 .LBB2_4-.Ltmp1, $4  }
0x18b: {  	[sflag:s16] =	ssyncset.done @!p2 $0x0  }
0x18c: {  	[sflag:s16] =	ssyncadd.s32 @!p2 $0xFFFFFC00  }
0x18d: {  	s13 =	sadd.s32 $0x100, s13;
	s12 =	sadd.s32 $0x100, s12;
	_ =	swait.ge @!p2 [sflag:s16], $0x400  }
0x18e: {  	s17 =	simm.s32 @!p2 $0x80;
	s18 =	simm.s32 @!p2 $0x1000;
	[sflag:s16] =	ssyncset.done @!p2 $0x0  }
0x18f: {  	[sflag:s16] =	ssyncadd.s32 @!p2 $0xFFFFFC00  }
0x190: {  	[tilespmem:s18], [sflag:$0x1] =	stream.indirect.gather @!p2 [hbm4b:s9+s17], $0x80, s15, s17, $0xb8;
	[tilespmem:$0x1C8C0] =	vst v63  }
0x191: {  	_ =	swait.ge [sflag:s3], $0x4000  }
0x192: {  	[sflag:s3] =	ssyncset.done $0x0  }
0x193: {  	[sflag:s3] =	ssyncadd.s32 $0xFFFFC000  }
0x194: {  	[bflag:$0x0] =	sbarrier.arrive $0xFFFF  }
0x195: {  	s10 =	stileid.u32;
	s13 =	sld [smem:$0x7F6]  }
0x196: {  	s10 =	sshll.u32 s10, $0x6  }
0x197: {  	s12 =	sshrl.u32 s11, $0x3;
	s10 =	sor.u32 $0x1C06, s10  }
0x198: {  	[hbm:s13], [sflag:s10] =	dma.local [spmem:s12], $0x2700  }
0x199: {  	_ =	swait.ge [sflag:s22], $0x2700  }
0x19a: {  	s13 =	sld [smem:$0x7F7]  }
0x19b: {  	[sflag:s22] =	ssyncset.done $0x0  }
0x19c: {  	s12 =	sshrl.u32 @!p0 s8, $0x3;
	[sflag:s22] =	ssyncadd.s32 $0xFFFFD900  }
0x19d: {  	[hbm:s13], [sflag:s10] =	dma.local @!p0 [spmem:s12], $0x100  }
0x19e: {  	s10 =	simm.s32 @!p0 $0x6  }
0x19f: {  	_ =	swait.ge @!p0 [sflag:s10], $0x100  }
0x1a0: {  	s19 =	sld [smem:$0x7F8];
	_ =	sdelay $0x1  }
0x1a1: {  	s7 =	sadd.s32 $0x1, s7  }
0x1a2: {  	p1 =	sne.s32 s7, s19  }
.Ltmp2:
0x1a3: {  	_ = 	snop;
	(pc) =	sbr.rel @p1 .LBB2_1-.Ltmp2, $3  }
0x1a4: {  	_ =	sdelay $0x1  }
0x1a5: {  	[sflag:s10] =	ssyncset.done @!p0 $0x0  }
0x1a6: {  	[sflag:s10] =	ssyncadd.s32 @!p0 $0xFFFFFF00  }
0x1a7: {  	_ =	sfence.sel $0x180000  }
0x1a8: {  	[bflag:$0x0] =	sbarrier.arrive $0xFFFF  }
0x1a9: {  	_ =	strace $0x9000004A  }
0x1aa: {  	s0 =	stileid.u32;
	[bflag:$0x2] =	sbarrier.arrive $0xFFFF  }
0x1ab: {  	p0 =	sne.s32 s0, $0x0;
	s0 =	rddreg [dreg:$0x3]  }
0x1ac: {  	s0 =	sadd.s32 @!p0 $0x100000, s0  }
0x1ad: {  	[sflag:s0] =	ssyncadd.tile.s32 @!p0 $0x1;
	_ =	shalt  }
.Lfunc_end2:
_tile_overlayer_lowered:
.L_overlay_start_2:
0x1ae: {  	(tag) =	ssettag $0x2  }
0x1af: {  	s0 =	rddreg [dreg:$0x0];
	s2 =	stileid.u32  }
0x1b0: {  	s1 =	rddreg [dreg:$0x1];
	p0 =	sne.s32 s2, $0x0  }
0x1b1: {  	s3 =	rddreg [dreg:$0x2];
	[bflag:$0x3] =	sbarrier.arrive $0xFFFF;
	s2 =	simm.s32 @!p0 $0x1C06  }
0x1b2: {  	[timem:s3], [sflag:s2] =	dma.local @!p0 [hbm:s0], s1  }
0x1b3: {  	s0 =	simm.s32 @!p0 $0x6  }
0x1b4: {  	_ =	swait.ge @!p0 [sflag:s0], s1  }
0x1b5: {  	s1 =	ssub.s32 @!p0 $0x0, s1;
	[sflag:s0] =	ssyncset.done @!p0 $0x0  }
0x1b6: {  	[sflag:s0] =	ssyncadd.s32 @!p0 s1  }
0x1b7: {  	[bflag:$0x3] =	sbarrier.arrive $0xFFFF  }
0x1b8: {  	_ =	shalt  }

// kernel: kernel.14.cloned.1.call-start
scs
__scs_entry_jumppad:
0x0: {  	(pc) =	sbr.rel $0x88, $3  }
0x1: {  	(tag) =	ssettag $0x0;
	lr =	simm.s32 $0x1  }
0x2: {  	[smem:$0x3F99] =	sst lr;
	_ =	strace $0xD0000000  }
0x3: {  	_ = 	snop  }
0x4: {  	_ = 	snop  }
0x5: {  	_ = 	snop  }
0x6: {  	_ = 	snop  }
0x7: {  	_ = 	snop  }
__scs_overlays_trampoline_lowered:
0x8: {  	[smem:$0x3FA8] =	sst s0  }
0x9: {  	[smem:$0x3FA9] =	sst s1  }
0xa: {  	[smem:$0x3FAA] =	sst s2  }
0xb: {  	[smem:$0x3FAB] =	sst s3  }
0xc: {  	[smem:$0x3FAC] =	sst s4  }
0xd: {  	[smem:$0x3FAD] =	sst s5  }
0xe: {  	[smem:$0x3FAE] =	sst s6  }
0xf: {  	[smem:$0x3FAF] =	sst s7  }
0x10: {  	[smem:$0x3FB0] =	sst s8  }
0x11: {  	[smem:$0x3FB1] =	sst s9;
	s0 =	simm.s32 @!p0 $0x0  }
0x12: {  	s1 =	sld [smem:$0x3F97];
	s0 =	simm.s32 @p0 $0x1  }
0x13: {  	[smem:$0x3FB2] =	sst s0;
	s0 =	simm.s32 @!p1 $0x0  }
0x14: {  	s2 =	sld [smem:$0x3F96];
	s0 =	simm.s32 @p1 $0x1  }
0x15: {  	[smem:$0x3FB3] =	sst s0;
	s0 =	simm.s32 @!p2 $0x0  }
0x16: {  	s3 =	sld [smem:$0x3FDB];
	s0 =	simm.s32 @p2 $0x1  }
0x17: {  	s4 =	simm.s32 $0x1BF5;
	[smem:$0x3FB5] =	sst s0  }
0x18: {  	s0 =	sld [smem:$0x3F98];
	_ =	swait.ge [sflag:s4], $0x0  }
0x19: {  	s7 =	sld [smem:$0x3F99]  }
0x1a: {  	s8 =	sadd.s32 $0xFFFFE003, lr  }
0x1b: {  	s9 =	sadd.s32 $0xFFFFFEF7, lr;
	s5 =	simm.s32 $0xFFFFFFFF;
	p2 =	slt.u32 s8, $0xFFFFF086  }
0x1c: {  	p1 =	slt.u32 s9, $0xF7A;
	s5 =	simm.s32 @!p2 $0x0  }
0x1d: {  	s5 =	simm.s32 @p1 $0x1;
	p0 =	seq.s32 s7, s2  }
0x1e: {  	s7 =	smul.u32 @!p0 $0xF7A, s2;
	p2 =	seq.s32 @!p0 s5, $0x0  }
0x1f: {  	s9 =	smul.u32 $0xF7A, s1;
	s8 =	simm.s32 @!p0 $0x1BF5;
	p2 =	por !p2, p0  }
0x20: {  	[sflag:s8] =	ssyncset.s32 @!p0 $0xFFFFF086;
	s6 =	sadd.s32 @!p0 s3, s7;
	s7 =	simm.s32 @!p0 $0x108  }
0x21: {  	s3 =	sadd.s32 s3, s9;
	s6 =	sadd.s32 @!p0 $0x88, s6;
	s7 =	simm.s32 @p2 $0x1082  }
0x22: {  	[simem:s7], [sflag:s8] =	dma.local @!p0 [hbm:s6], $0xF7A  }
0x23: {  	s9 =	sor.u32 $0xD0000000, s2;
	s6 =	simm.s32 $0x108;
	_ =	swait.ge @!p0 [sflag:s8], $0x0  }
0x24: {  	s3 =	sadd.s32 $0x88, s3;
	s6 =	simm.s32 @!p1 $0x1082;
	[sflag:s4] =	ssyncset.s32 $0xFFFFF086  }
0x25: {  	[simem:s6], [sflag:s4] =	dma.local [hbm:s3], $0xF7A  }
0x26: {  	[smem:$0x3F99] =	sst s1;
	(tag) =	ssettag s2;
	_ =	strace s9  }
0x27: {  	s1 =	sld [smem:$0x3FA9]  }
0x28: {  	s2 =	sld [smem:$0x3FAA]  }
0x29: {  	s4 =	sld [smem:$0x3FAC]  }
0x2a: {  	p0 =	seq.s32 s5, $0x0;
	s5 =	sld [smem:$0x3FAD]  }
0x2b: {  	s6 =	sld [smem:$0x3FAE]  }
0x2c: {  	s7 =	sld [smem:$0x3FAF]  }
0x2d: {  	s3 =	simm.s32 $0x108;
	s8 =	sld [smem:$0x3FB0]  }
0x2e: {  	s3 =	simm.s32 @!p0 $0x1082;
	s9 =	sld [smem:$0x3FB1]  }
0x2f: {  	lr =	sadd.s32 s0, s3;
	s0 =	sld [smem:$0x3FA8]  }
0x30: {  	s3 =	sld [smem:$0x3FAB]  }
0x31: {  	[smem:$0x3FB4] =	sst s10  }
0x32: {  	s10 =	sld [smem:$0x3FB2];
	_ =	sdelay $0x3  }
0x33: {  	p0 =	seq.s32 s10, $0x1;
	s10 =	sld [smem:$0x3FB4];
	_ =	sdelay $0x3  }
0x34: {  	[smem:$0x3FB4] =	sst s10  }
0x35: {  	s10 =	sld [smem:$0x3FB3];
	_ =	sdelay $0x3  }
0x36: {  	p1 =	seq.s32 s10, $0x1;
	s10 =	sld [smem:$0x3FB4];
	_ =	sdelay $0x3  }
0x37: {  	[smem:$0x3FB4] =	sst s10  }
0x38: {  	s10 =	sld [smem:$0x3FB5]  }
0x39: {  	_ = 	snop;
	(pc) =	sbr.ind lr, $3  }
0x3a: {  	_ = 	snop  }
0x3b: {  	_ = 	snop  }
0x3c: {  	p2 =	seq.s32 s10, $0x1;
	s10 =	sld [smem:$0x3FB4]  }
0x3d: {  	_ =	shalt  }
0x3e: {  	_ =	shalt  }
0x3f: {  	_ =	shalt  }
0x40: {  	_ =	shalt  }
0x41: {  	_ =	shalt  }
0x42: {  	_ =	shalt  }
0x43: {  	_ =	shalt  }
0x44: {  	_ =	shalt  }
0x45: {  	_ =	shalt  }
0x46: {  	_ =	shalt  }
0x47: {  	_ =	shalt  }
0x48: {  	_ =	shalt  }
0x49: {  	_ =	shalt  }
0x4a: {  	_ =	shalt  }
0x4b: {  	_ =	shalt  }
0x4c: {  	_ =	shalt  }
0x4d: {  	_ =	shalt  }
0x4e: {  	_ =	shalt  }
0x4f: {  	_ =	shalt  }
0x50: {  	_ =	shalt  }
0x51: {  	_ =	shalt  }
0x52: {  	_ =	shalt  }
0x53: {  	_ =	shalt  }
0x54: {  	_ =	shalt  }
0x55: {  	_ =	shalt  }
0x56: {  	_ =	shalt  }
0x57: {  	_ =	shalt  }
0x58: {  	_ =	shalt  }
0x59: {  	_ =	shalt  }
0x5a: {  	_ =	shalt  }
0x5b: {  	_ =	shalt  }
0x5c: {  	_ =	shalt  }
0x5d: {  	_ =	shalt  }
0x5e: {  	_ =	shalt  }
0x5f: {  	_ =	shalt  }
0x60: {  	_ =	shalt  }
0x61: {  	_ =	shalt  }
0x62: {  	_ =	shalt  }
0x63: {  	_ =	shalt  }
0x64: {  	_ =	shalt  }
0x65: {  	_ =	shalt  }
0x66: {  	_ =	shalt  }
0x67: {  	_ =	shalt  }
0x68: {  	_ =	shalt  }
0x69: {  	_ =	shalt  }
0x6a: {  	_ =	shalt  }
0x6b: {  	_ =	shalt  }
0x6c: {  	_ =	shalt  }
0x6d: {  	_ =	shalt  }
0x6e: {  	_ =	shalt  }
0x6f: {  	_ =	shalt  }
0x70: {  	_ =	shalt  }
0x71: {  	_ =	shalt  }
0x72: {  	_ =	shalt  }
0x73: {  	_ =	shalt  }
0x74: {  	_ =	shalt  }
0x75: {  	_ =	shalt  }
0x76: {  	_ =	shalt  }
0x77: {  	_ =	shalt  }
0x78: {  	_ =	shalt  }
0x79: {  	_ =	shalt  }
0x7a: {  	_ =	shalt  }
0x7b: {  	_ =	shalt  }
0x7c: {  	_ =	shalt  }
0x7d: {  	_ =	shalt  }
0x7e: {  	_ =	shalt  }
0x7f: {  	_ =	shalt  }
0x80: {  	_ =	shalt  }
0x81: {  	_ =	shalt  }
0x82: {  	_ =	shalt  }
0x83: {  	_ =	shalt  }
0x84: {  	_ =	shalt  }
0x85: {  	_ =	shalt  }
0x86: {  	_ =	shalt  }
0x87: {  	_ =	shalt  }
.Lfunc_end0:
.L_simem_size_0:
called_computation.2_lowered:
.L_overlay_start_0:
0x88: {  	s2 =	sld [smem:$0x3FD9]  }
0x89: {  	s3 =	sld [smem:$0x3FFE];
	_ =	sdelay $0x1  }
0x8a: {  	s1 =	srdreg.scid  }
0x8b: {  	s0 =	sand.u32 $0x1, s1  }
0x8c: {  	s16 =	sshll.u32 s0, $0xA;
	s2 =	sadd.s32 s3, s2  }
0x8d: {  	s2 =	sadd.s32 s2, s16  }
0x8e: {  	[smem:$0x3FC0] =	sst s2  }
0x8f: {  	_ = 	snop  }
0x90: {  	(tm) =	ssettm $0x1  }
0x91: {  	s17 =	sld [smem:$0x3FFB];
	_ =	sdelay $0x3  }
0x92: {  	_ =	strace s17  }
0x93: {  	s2 =	sld [smem:$0x3FFC];
	_ =	sdelay $0x3  }
0x94: {  	_ =	strace s2  }
0x95: {  	s2 =	sld [smem:$0x3FFD];
	_ =	sdelay $0x3  }
0x96: {  	_ =	strace s2  }
0x97: {  	_ =	strace $0x8FFFFFFF  }
0x98: {  	s18 =	sld [smem:$0x3FDB];
	_ =	sdelay $0x1  }
0x99: {  	s19 =	simm.s32 $_scs_section_size  }
0x9a: {  	s4 =	simm.s32 $_size__tile_overlayer_lowered;
	s5 =	simm.s32 $_tile_overlayer_lowered  }
0x9b: {  	s22 =	simm.s32 $0x1BFF;
	s21 =	sshll.u32 s5, $0x1;
	s2 =	sadd.s32 s19, s18  }
0x9c: {  	s6 =	simm.s32 $0x0;
	s20 =	sshll.u32 s4, $0x1;
	s4 =	sadd.s32 s21, s2  }
0x9d: {  	[timem:s6], [sflag:s22] =	dma.local [hbm:s4], s20  }
0x9e: {  	_ =	swait.ge [sflag:s22], s20  }
0x9f: {  	s3 =	ssub.s32 $0x0, s20;
	[sflag:s22] =	ssyncset.done $0x0  }
0xa0: {  	[sflag:s22] =	ssyncadd.s32 s3;
	_ =	sdelay $0x1  }
0xa1: {  	s23 =	simm.s32 $0x1B8B  }
0xa2: {  	_ =	swait.ge [sflag:s23], $0x1  }
0xa3: {  	[sflag:s23] =	ssyncset.done $0x0  }
0xa4: {  	s25 =	simm.s32 $0x1B8E;
	s24 =	sld [smem:$0x3FFE];
	[sflag:s23] =	ssyncadd.s32 $0xFFFFFFFF  }
0xa5: {  	s26 =	simm.s32 $execute0_lowered;
	[smem:$0x3FD2] =	sst s25  }
0xa6: {  	s4 =	sshll.u32 s26, $0x1;
	_ =	strace $0x8000004C;
	[dreg:$0x1] =	wrdreg $0xFFFFFFFF  }
0xa7: {  	s28 =	simm.s32 $_size_execute0_lowered;
	s2 =	sadd.s32 s2, s4;
	[dreg:$0x0] =	wrdreg $0x0  }
0xa8: {  	s4 =	sshll.u32 s28, $0x1;
	[dreg:$0x2] =	wrdreg s2  }
0xa9: {  	[dreg:$0x3] =	wrdreg s4  }
0xaa: {  	[dreg:$0x4] =	wrdreg $0xC0  }
0xab: {  	_ =	task [dreg:s6], $0x5FFFF  }
0xac: {  	[dreg:$0x1] =	wrdreg $0xFFFFFFFF  }
0xad: {  	[dreg:$0x0] =	wrdreg $0x60  }
0xae: {  	[dreg:$0x2] =	wrdreg s24  }
0xaf: {  	[dreg:$0x3] =	wrdreg $0x90000  }
0xb0: {  	[dreg:$0x4] =	wrdreg $0x9  }
0xb1: {  	_ =	task.clear_ibuf [dreg:s6], $0x5FFFF;
	_ =	strace $0x9000004C  }
0xb2: {  	s29 =	simm.s32 $0x9;
	_ =	strace $0x8000004E  }
0xb3: {  	_ =	swait.ge [sflag:s29], $0x1  }
0xb4: {  	[sflag:s29] =	ssyncadd.s32 $0xFFFFFFFF  }
0xb5: {  	_ =	strace $0x9000004E  }
0xb6: {  	_ =	sfence  }
0xb7: {  	s30 =	sld [smem:$0x0];
	_ =	sdelay $0x2  }
0xb8: {  	s31 =	sshll.u32 s1, $0xD;
	s1 =	sshrl.u32 s1, $0x2  }
0xb9: {  	s3 =	sand.u32 $0x4000, s31;
	s1 =	sadd.s32 s1, s30  }
0xba: {  	s0 =	sor.u32 s3, s0;
	s1 =	sshll.u32 s1, $0x11  }
0xbb: {  	s0 =	sor.u32 s1, s0  }
0xbc: {  	s0 =	sadd.s32 $0x8F2B, s0  }
0xbd: {  	[sflag:s0] =	ssyncadd.remote.s32 $0x1  }
0xbe: {  	_ =	sfence.sel $0xFFFF  }
0xbf: {  	[dreg:$0x0] =	wrdreg $0xFFFFFFFF;
	(pc) =	sbr.abs _section_cstart, $3  }
0xc0: {  	[dreg:$0x1] =	wrdreg $0xFFFFFFFF  }
0xc1: {  	_ =	task.clear_ibuf [dreg:s6], $0x2FFFF;
	_ =	strace $0x9FFFFFFF  }
0xc2: {  	(tm) =	ssettm $0x7FFFFFFF  }
0xc3: {  	_ =	shalt  }
tec
execute0_lowered:
.L_overlay_start_1:
0x0: {  	(tag) =	ssettag $0x1  }
0x1: {  	s0 =	rddreg [dreg:$0x0]  }
0x2: {  	s2 =	srdreg.scid;
	s1 =	rddreg [dreg:$0x1]  }
0x3: {  	s3 =	simm.s32 $0x0;
	s13 =	stileid.u32;
	s17 =	simm.s32 $0x880  }
0x4: {  	s18 =	simm.s32 $0x100;
	s20 =	simm.s32 $0x900;
	s21 =	simm.s32 $0x180  }
0x5: {  	s23 =	simm.s32 $0x980;
	s24 =	simm.s32 $0x200;
	[smem:$0x7FF] =	sst s3  }
0x6: {  	s25 =	simm.s32 $0xA00;
	_ =	strace $0x8000004D;
	[dreg:$0x7] =	wrdreg s17  }
0x7: {  	s26 =	simm.s32 $0x280;
	s28 =	simm.s32 $0x4;
	[dreg:$0x8] =	wrdreg s18  }
0x8: {  	s29 =	simm.s32 $0x5;
	s30 =	simm.s32 $0xE80;
	[dreg:$0x9] =	wrdreg s20  }
0x9: {  	s31 =	simm.s32 $0x700;
	s2 =	sand.u32 $0x1, s2;
	[dreg:$0xa] =	wrdreg s21  }
0xa: {  	s8 =	smul.u32 $0x5000, s13;
	s9 =	sadd.s32 $0x64200, s0;
	[dreg:$0xb] =	wrdreg s23  }
0xb: {  	s10 =	sadd.s32 $0x50200, s0;
	s16 =	smul.u32 $0x13800, s13;
	[dreg:$0xc] =	wrdreg s24  }
0xc: {  	s19 =	smul.u32 $0x4E000, s13;
	p0 =	sne.s32 s13, $0xF;
	[dreg:$0xd] =	wrdreg s25  }
0xd: {  	s4 =	smul.u32 $0x138800, s2;
	[dreg:$0xe] =	wrdreg s26;
	s18 =	simm.s32 $0x480  }
0xe: {  	s6 =	smul.u32 $0x50000, s2;
	s20 =	simm.s32 $0x500;
	[dreg:$0x14] =	wrdreg s18  }
0xf: {  	s2 =	ssub.s32 $0x2, s2;
	s21 =	simm.s32 $0xD00;
	[dreg:$0x16] =	wrdreg s20  }
0x10: {  	s23 =	simm.s32 $0xD80;
	s24 =	simm.s32 $0x600;
	[dreg:$0x17] =	wrdreg s21  }
0x11: {  	s25 =	simm.s32 $0xE00;
	s26 =	simm.s32 $0x680;
	[dreg:$0x19] =	wrdreg s23  }
0x12: {  	s11 =	sshrl.u32 s2, $0x1;
	s22 =	sshrl.u32 s19, $0x2;
	[dreg:$0x1a] =	wrdreg s24  }
0x13: {  	s19 =	simm.s32 $0xC80;
	s18 =	simm.s32 $0x800;
	[dreg:$0x1b] =	wrdreg s25  }
0x14: {  	[dreg:$0x1c] =	wrdreg s26;
	s5 =	sshrl.u32 s4, $0x3;
	s8 =	sadd.s32 s8, s6  }
0x15: {  	s2 =	ssub.s32 s2, s11;
	s4 =	sadd.s32 s16, s4;
	s16 =	simm.s32 $0xB80  }
0x16: {  	[dreg:$0x15] =	wrdreg s19;
	s7 =	sadd.s32 s5, s0;
	s0 =	sadd.s32 $0x78200, s0  }
0x17: {  	s6 =	sshrl.u32 s8, $0x3;
	s2 =	smax.u32 s2, $0x1;
	[dreg:$0x13] =	wrdreg s16  }
0x18: {  	s14 =	sor.u32 $0x800, s8;
	s12 =	sadd.s32 s9, s6;
	[smem:$0x7F7] =	sst s2  }
0x19: {  	s4 =	sshrl.u32 s4, $0x3;
	s6 =	sadd.s32 s10, s6;
	[dreg:$0x1d] =	wrdreg s12  }
0x1a: {  	s11 =	sshrl.u32 s14, $0x3;
	s4 =	sadd.s32 s0, s4;
	[dreg:$0x1e] =	wrdreg s6  }
0x1b: {  	s8 =	sor.u32 $0x400, s8;
	s15 =	sadd.s32 s11, s10;
	[dreg:$0x1f] =	wrdreg s4  }
0x1c: {  	s8 =	sshrl.u32 s8, $0x3;
	s11 =	sadd.s32 s11, s9;
	[dreg:$0x3] =	wrdreg s15  }
0x1d: {  	s20 =	simm.s32 $0x80;
	s10 =	sadd.s32 s8, s10;
	[dreg:$0x4] =	wrdreg s11  }
0x1e: {  	s0 =	sadd.s32 s0, s5;
	s8 =	sadd.s32 s8, s9;
	[dreg:$0x5] =	wrdreg s10  }
0x1f: {  	s21 =	simm.s32 $0x400;
	s0 =	sadd.s32 $0x27000, s0;
	[dreg:$0x6] =	wrdreg s8  }
0x20: {  	s23 =	simm.s32 $0x1;
	s4 =	simm.s32 $0xA80;
	[smem:$0x7F6] =	sst s0  }
0x21: {  	s24 =	simm.s32 $0x5000;
	s6 =	simm.s32 $0x300;
	[dreg:$0xf] =	wrdreg s4  }
0x22: {  	s25 =	simm.s32 $0x2;
	s9 =	simm.s32 $0xB00;
	[dreg:$0x10] =	wrdreg s6  }
0x23: {  	s26 =	simm.s32 $0x3;
	s12 =	simm.s32 $0x380;
	[dreg:$0x11] =	wrdreg s9  }
0x24: {  	s11 =	sadd.s32 s22, s1;
	[dreg:$0x12] =	wrdreg s12;
	s22 =	simm.s32 $0x580  }
0x25: {  	s19 =	simm.s32 $0x1000;
	s14 =	sadd.s32 $0x138000, s1;
	[dreg:$0x18] =	wrdreg s22  }
0x26: {  	s7 =	sadd.s32 $0x2000, s7;
	s5 =	sadd.s32 $0x3400, s11;
	[smem:$0x7FD] =	sst s11  }
0x27: {  	s2 =	simm.s32 $0x780;
	s8 =	sadd.s32 $0x6800, s11;
	[smem:$0x7F8] =	sst s5  }
0x28: {  	s0 =	simm.s32 $0xF00;
	s10 =	sadd.s32 $0x9C00, s11;
	[smem:$0x7F9] =	sst s8  }
0x29: {  	s4 =	simm.s32 $0xF80;
	s15 =	sadd.s32 $0xD000, s11;
	[smem:$0x7FA] =	sst s10  }
0x2a: {  	s17 =	sadd.s32 $0x10400, s11;
	s22 =	simm.s32 $0xC00;
	[smem:$0x7FB] =	sst s15  }
0x2b: {  	v0 =	vimm.f32 $0.0e+00;
	[smem:$0x7FC] =	sst s17;
	s17 =	simm.s32 $0x6;
	s5 =	simm.s32 $0x0  }
.LBB2_1:
0x2c: {  	s6 =	rddreg [dreg:$0x1d]  }
0x2d: {  	[tilespmem:s3], [sflag:$0x6] =	stream.linear.gather [hbm4b:s6+s3], $0x400, $0x38;
	[tilespmem:$0x1C8C0] =	vst v63  }
0x2e: {  	_ =	swait.ge [sflag:s17], $0x400  }
0x2f: {  	[sflag:s17] =	ssyncset.done $0x0  }
0x30: {  	s16 =	rddreg [dreg:$0x1e];
	[sflag:s17] =	ssyncadd.s32 $0xFFFFFC00  }
0x31: {  	[tilespmem:s18], [sflag:$0x6] =	stream.linear.gather [hbm4b:s16+s3], $0x400, $0x38;
	[tilespmem:$0x1C8C0] =	vst v63  }
0x32: {  	_ =	swait.ge [sflag:s17], $0x400  }
0x33: {  	[sflag:s17] =	ssyncset.done $0x0  }
0x34: {  	s8 =	simm.s32 $0x0;
	s10 =	simm.s32 $0x200;
	[sflag:s17] =	ssyncadd.s32 $0xFFFFFC00  }
.LBB2_2:
0x35: {  	p1 =	sne.s32 s10, $0xFE00;
	[tilespmem:s8+$0x1070] =	vst v0  }
0x36: {  	[tilespmem:s8+$0x1000] =	vst v0  }
0x37: {  	[tilespmem:s8+$0x1010] =	vst v0  }
.Ltmp0:
0x38: {  	[tilespmem:s8+$0x1020] =	vst v0;
	(pc) =	sbr.rel @p1 .LBB2_2-.Ltmp0, $4  }
0x39: {  	[tilespmem:s8+$0x1030] =	vst v0  }
0x3a: {  	[tilespmem:s8+$0x1040] =	vst v0  }
0x3b: {  	[tilespmem:s8+$0x1050] =	vst v0  }
0x3c: {  	[tilespmem:s8+$0x1060] =	vst v0;
	s8 =	sshra.s32 s10, $0x2;
	s10 =	sadd.s32 $0x200, s10  }
0x3d: {  	[tilespmem:s8+$0x1070] =	vst v0  }
0x3e: {  	[tilespmem:s8+$0x1000] =	vst v0  }
0x3f: {  	[tilespmem:s8+$0x1010] =	vst v0  }
0x40: {  	[tilespmem:s8+$0x1020] =	vst v0  }
0x41: {  	[tilespmem:s8+$0x1030] =	vst v0  }
0x42: {  	[tilespmem:s8+$0x1040] =	vst v0  }
0x43: {  	[tilespmem:s8+$0x1050] =	vst v0  }
0x44: {  	[tilespmem:s8+$0x1060] =	vst v0  }
0x45: {  	[spmem:s11] =	stream.linear.scatter [tilespmem:s19], [sflag:$0x6], $0x3400, $0x38;
	[tilespmem:$0x1C8C0] =	vst v63  }
0x46: {  	_ =	swait.ge [sflag:s17], $0x3400  }
0x47: {  	s6 =	sld [smem:$0x7F8]  }
0x48: {  	[sflag:s17] =	ssyncset.done $0x0  }
0x49: {  	[sflag:s17] =	ssyncadd.s32 $0xFFFFCC00  }
0x4a: {  	[spmem:s6] =	stream.linear.scatter [tilespmem:s19], [sflag:$0x6], $0x3400, $0x38;
	[tilespmem:$0x1C8C0] =	vst v63  }
0x4b: {  	_ =	swait.ge [sflag:s17], $0x3400  }
0x4c: {  	s11 =	sld [smem:$0x7F9]  }
0x4d: {  	[sflag:s17] =	ssyncset.done $0x0  }
0x4e: {  	[sflag:s17] =	ssyncadd.s32 $0xFFFFCC00  }
0x4f: {  	[spmem:s11] =	stream.linear.scatter [tilespmem:s19], [sflag:$0x6], $0x3400, $0x38;
	[tilespmem:$0x1C8C0] =	vst v63  }
0x50: {  	_ =	swait.ge [sflag:s17], $0x3400  }
0x51: {  	s12 =	sld [smem:$0x7FA]  }
0x52: {  	[sflag:s17] =	ssyncset.done $0x0  }
0x53: {  	[sflag:s17] =	ssyncadd.s32 $0xFFFFCC00  }
0x54: {  	[spmem:s12] =	stream.linear.scatter [tilespmem:s19], [sflag:$0x6], $0x3400, $0x38;
	[tilespmem:$0x1C8C0] =	vst v63  }
0x55: {  	_ =	swait.ge [sflag:s17], $0x3400  }
0x56: {  	s13 =	sld [smem:$0x7FB]  }
0x57: {  	[sflag:s17] =	ssyncset.done $0x0  }
0x58: {  	[sflag:s17] =	ssyncadd.s32 $0xFFFFCC00  }
0x59: {  	[spmem:s13] =	stream.linear.scatter [tilespmem:s19], [sflag:$0x6], $0x3400, $0x38;
	[tilespmem:$0x1C8C0] =	vst v63  }
0x5a: {  	_ =	swait.ge [sflag:s17], $0x3400  }
0x5b: {  	s15 =	sld [smem:$0x7FC]  }
0x5c: {  	[sflag:s17] =	ssyncset.done $0x0  }
0x5d: {  	[sflag:s17] =	ssyncadd.s32 $0xFFFFCC00  }
0x5e: {  	[spmem:s15] =	stream.linear.scatter [tilespmem:s19], [sflag:$0x6], $0x3400, $0x38;
	[tilespmem:$0x1C8C0] =	vst v63  }
0x5f: {  	_ =	swait.ge [sflag:s17], $0x3400  }
0x60: {  	[sflag:s17] =	ssyncset.done $0x0  }
0x61: {  	s8 =	simm.s32 @!p0 $0x1000;
	[sflag:s17] =	ssyncadd.s32 $0xFFFFCC00  }
0x62: {  	[spmem:s14] =	stream.linear.scatter @!p0 [tilespmem:s8], [sflag:$0x6], $0x800, $0x38;
	[tilespmem:$0x1C8C0] =	vst v63  }
0x63: {  	s8 =	simm.s32 @!p0 $0x6  }
0x64: {  	_ =	swait.ge @!p0 [sflag:s8], $0x800  }
0x65: {  	[sflag:s8] =	ssyncset.done @!p0 $0x0  }
0x66: {  	[sflag:s8] =	ssyncadd.s32 @!p0 $0xFFFFF800  }
0x67: {  	[bflag:$0x0] =	sbarrier.arrive $0xFFFF  }
0x68: {  	s16 =	simm.s32 $0x0;
	s10 =	rddreg [dreg:$0x6]  }
0x69: {  	[tilespmem:s19], [sflag:$0x1] =	stream.indirect.gather [hbm4b:s7+s20], $0x80, s16, s20, $0xb8;
	[tilespmem:$0x1C8C0] =	vst v63  }
0x6a: {  	s6 =	rddreg [dreg:$0x5];
	s10 =	sadd.s32 $0x0, s10  }
0x6b: {  	[tilespmem:s21], [sflag:$0x5] =	stream.linear.gather [hbm4b:s10+s3], $0x400, $0x38;
	[tilespmem:$0x1C8C0] =	vst v63  }
0x6c: {  	s8 =	sadd.s32 $0x0, s6  }
0x6d: {  	[tilespmem:s22], [sflag:$0x5] =	stream.linear.gather [hbm4b:s8+s3], $0x400, $0x38;
	[tilespmem:$0x1C8C0] =	vst v63  }
0x6e: {  	_ =	swait.ge [sflag:s23], $0x4000  }
0x6f: {  	p1 =	por $0x1, $0x1;
	[sflag:s23] =	ssyncset.done $0x0  }
0x70: {  	s8 =	simm.s32 @!p1 $0x4;
	[sflag:s23] =	ssyncadd.s32 $0xFFFFC000  }
0x71: {  	[spmem:s1] =	stream.indirect.scatter.add.f32 [tilespmem:s19], [sflag:$0x3], $0x80, s18, s20, $0xb8;
	[tilespmem:$0x1C8C0] =	vst v63  }
0x72: {  	_ =	swait.ge @!p1 [sflag:s8], $0x4000  }
0x73: {  	[sflag:s8] =	ssyncset.done @!p1 $0x0  }
0x74: {  	[sflag:s8] =	ssyncadd.s32 @!p1 $0xFFFFC000  }
0x75: {  	[tilespmem:s24], [sflag:$0x2] =	stream.indirect.gather [hbm4b:s7+s20], $0x80, s20, s20, $0xb8;
	[tilespmem:$0x1C8C0] =	vst v63  }
0x76: {  	_ =	swait.ge [sflag:s25], $0x4000  }
0x77: {  	[sflag:s25] =	ssyncset.done $0x0  }
0x78: {  	s10 =	rddreg [dreg:$0x7];
	[sflag:s25] =	ssyncadd.s32 $0xFFFFC000  }
0x79: {  	[spmem:s1] =	stream.indirect.scatter.add.f32 [tilespmem:s24], [sflag:$0x4], $0x80, s10, s20, $0xb8;
	[tilespmem:$0x1C8C0] =	vst v63  }
0x7a: {  	_ =	swait.ge [sflag:s26], $0x4000  }
0x7b: {  	[sflag:s26] =	ssyncset.done $0x0  }
0x7c: {  	s11 =	rddreg [dreg:$0x8];
	[sflag:s26] =	ssyncadd.s32 $0xFFFFC000  }
0x7d: {  	[tilespmem:s19], [sflag:$0x1] =	stream.indirect.gather [hbm4b:s7+s20], $0x80, s11, s20, $0xb8;
	[tilespmem:$0x1C8C0] =	vst v63  }
0x7e: {  	_ =	swait.ge [sflag:s23], $0x4000  }
0x7f: {  	[sflag:s23] =	ssyncset.done $0x0  }
0x80: {  	s12 =	rddreg [dreg:$0x9];
	[sflag:s23] =	ssyncadd.s32 $0xFFFFC000  }
0x81: {  	[spmem:s1] =	stream.indirect.scatter.add.f32 [tilespmem:s19], [sflag:$0x3], $0x80, s12, s20, $0xb8;
	[tilespmem:$0x1C8C0] =	vst v63  }
0x82: {  	_ =	swait.ge [sflag:s28], $0x4000  }
0x83: {  	[sflag:s28] =	ssyncset.done $0x0  }
0x84: {  	s13 =	rddreg [dreg:$0xa];
	[sflag:s28] =	ssyncadd.s32 $0xFFFFC000  }
0x85: {  	[tilespmem:s24], [sflag:$0x2] =	stream.indirect.gather [hbm4b:s7+s20], $0x80, s13, s20, $0xb8;
	[tilespmem:$0x1C8C0] =	vst v63  }
0x86: {  	_ =	swait.ge [sflag:s25], $0x4000  }
0x87: {  	[sflag:s25] =	ssyncset.done $0x0  }
0x88: {  	s9 =	smov.u32 s14;
	s14 =	rddreg [dreg:$0xb];
	[sflag:s25] =	ssyncadd.s32 $0xFFFFC000  }
0x89: {  	[spmem:s1] =	stream.indirect.scatter.add.f32 [tilespmem:s24], [sflag:$0x4], $0x80, s14, s20, $0xb8;
	[tilespmem:$0x1C8C0] =	vst v63  }
0x8a: {  	_ =	swait.ge [sflag:s26], $0x4000  }
0x8b: {  	[sflag:s26] =	ssyncset.done $0x0  }
0x8c: {  	s15 =	rddreg [dreg:$0xc];
	[sflag:s26] =	ssyncadd.s32 $0xFFFFC000  }
0x8d: {  	[tilespmem:s19], [sflag:$0x1] =	stream.indirect.gather [hbm4b:s7+s20], $0x80, s15, s20, $0xb8;
	[tilespmem:$0x1C8C0] =	vst v63  }
0x8e: {  	_ =	swait.ge [sflag:s23], $0x4000  }
0x8f: {  	[sflag:s23] =	ssyncset.done $0x0  }
0x90: {  	s16 =	rddreg [dreg:$0xd];
	[sflag:s23] =	ssyncadd.s32 $0xFFFFC000  }
0x91: {  	[spmem:s1] =	stream.indirect.scatter.add.f32 [tilespmem:s19], [sflag:$0x3], $0x80, s16, s20, $0xb8;
	[tilespmem:$0x1C8C0] =	vst v63  }
0x92: {  	_ =	swait.ge [sflag:s28], $0x4000  }
0x93: {  	[sflag:s28] =	ssyncset.done $0x0  }
0x94: {  	s6 =	rddreg [dreg:$0xe];
	[sflag:s28] =	ssyncadd.s32 $0xFFFFC000  }
0x95: {  	[tilespmem:s24], [sflag:$0x2] =	stream.indirect.gather [hbm4b:s7+s20], $0x80, s6, s20, $0xb8;
	[tilespmem:$0x1C8C0] =	vst v63  }
0x96: {  	_ =	swait.ge [sflag:s25], $0x4000  }
0x97: {  	[sflag:s25] =	ssyncset.done $0x0  }
0x98: {  	s10 =	rddreg [dreg:$0xf];
	[sflag:s25] =	ssyncadd.s32 $0xFFFFC000  }
0x99: {  	[spmem:s1] =	stream.indirect.scatter.add.f32 [tilespmem:s24], [sflag:$0x4], $0x80, s10, s20, $0xb8;
	[tilespmem:$0x1C8C0] =	vst v63  }
0x9a: {  	_ =	swait.ge [sflag:s26], $0x4000  }
0x9b: {  	[sflag:s26] =	ssyncset.done $0x0  }
0x9c: {  	s11 =	rddreg [dreg:$0x10];
	[sflag:s26] =	ssyncadd.s32 $0xFFFFC000  }
0x9d: {  	[tilespmem:s19], [sflag:$0x1] =	stream.indirect.gather [hbm4b:s7+s20], $0x80, s11, s20, $0xb8;
	[tilespmem:$0x1C8C0] =	vst v63  }
0x9e: {  	_ =	swait.ge [sflag:s23], $0x4000  }
0x9f: {  	[sflag:s23] =	ssyncset.done $0x0  }
0xa0: {  	s12 =	rddreg [dreg:$0x11];
	[sflag:s23] =	ssyncadd.s32 $0xFFFFC000  }
0xa1: {  	[spmem:s1] =	stream.indirect.scatter.add.f32 [tilespmem:s19], [sflag:$0x3], $0x80, s12, s20, $0xb8;
	[tilespmem:$0x1C8C0] =	vst v63  }
0xa2: {  	_ =	swait.ge [sflag:s28], $0x4000  }
0xa3: {  	[sflag:s28] =	ssyncset.done $0x0  }
0xa4: {  	s13 =	rddreg [dreg:$0x12];
	[sflag:s28] =	ssyncadd.s32 $0xFFFFC000  }
0xa5: {  	[tilespmem:s24], [sflag:$0x2] =	stream.indirect.gather [hbm4b:s7+s20], $0x80, s13, s20, $0xb8;
	[tilespmem:$0x1C8C0] =	vst v63  }
0xa6: {  	_ =	swait.ge [sflag:s25], $0x4000  }
0xa7: {  	[sflag:s25] =	ssyncset.done $0x0  }
0xa8: {  	s14 =	rddreg [dreg:$0x13];
	[sflag:s25] =	ssyncadd.s32 $0xFFFFC000  }
0xa9: {  	[spmem:s1] =	stream.indirect.scatter.add.f32 [tilespmem:s24], [sflag:$0x4], $0x80, s14, s20, $0xb8;
	[tilespmem:$0x1C8C0] =	vst v63  }
0xaa: {  	_ =	swait.ge [sflag:s26], $0x4000  }
0xab: {  	[sflag:s26] =	ssyncset.done $0x0  }
0xac: {  	[sflag:s26] =	ssyncadd.s32 $0xFFFFC000  }
0xad: {  	_ =	swait.ge [sflag:s29], $0x400  }
0xae: {  	[sflag:s29] =	ssyncset.done $0x0  }
0xaf: {  	[sflag:s29] =	ssyncadd.s32 $0xFFFFFC00  }
0xb0: {  	_ =	swait.ge [sflag:s29], $0x400  }
0xb1: {  	[sflag:s29] =	ssyncset.done $0x0  }
0xb2: {  	p2 =	por $0x0, $0x0;
	s8 =	rddreg [dreg:$0x4];
	[sflag:s29] =	ssyncadd.s32 $0xFFFFFC00  }
0xb3: {  	[tilespmem:s19], [sflag:$0x1] =	stream.indirect.gather [hbm4b:s7+s20], $0x80, s21, s20, $0xb8;
	[tilespmem:$0x1C8C0] =	vst v63  }
0xb4: {  	s12 =	simm.s32 @!p2 $0x0;
	s10 =	rddreg [dreg:$0x3];
	s8 =	sadd.s32 @!p2 $0x0, s8  }
0xb5: {  	[tilespmem:s12], [sflag:$0x5] =	stream.linear.gather @!p2 [hbm4b:s8+s12], $0x400, $0x38;
	[tilespmem:$0x1C8C0] =	vst v63  }
0xb6: {  	s10 =	sadd.s32 @!p2 $0x0, s10;
	s8 =	simm.s32 @!p2 $0x800  }
0xb7: {  	[tilespmem:s8], [sflag:$0x5] =	stream.linear.gather @!p2 [hbm4b:s10+s12], $0x400, $0x38;
	[tilespmem:$0x1C8C0] =	vst v63  }
0xb8: {  	_ =	swait.ge [sflag:s23], $0x4000  }
0xb9: {  	[sflag:s23] =	ssyncset.done $0x0  }
0xba: {  	[sflag:s23] =	ssyncadd.s32 $0xFFFFC000  }
0xbb: {  	[spmem:s1] =	stream.indirect.scatter.add.f32 [tilespmem:s19], [sflag:$0x3], $0x80, s22, s20, $0xb8;
	[tilespmem:$0x1C8C0] =	vst v63  }
0xbc: {  	_ =	swait.ge [sflag:s28], $0x4000  }
0xbd: {  	[sflag:s28] =	ssyncset.done $0x0  }
0xbe: {  	s15 =	rddreg [dreg:$0x14];
	[sflag:s28] =	ssyncadd.s32 $0xFFFFC000  }
0xbf: {  	[tilespmem:s24], [sflag:$0x2] =	stream.indirect.gather [hbm4b:s7+s20], $0x80, s15, s20, $0xb8;
	[tilespmem:$0x1C8C0] =	vst v63  }
0xc0: {  	_ =	swait.ge [sflag:s25], $0x4000  }
0xc1: {  	[sflag:s25] =	ssyncset.done $0x0  }
0xc2: {  	s16 =	rddreg [dreg:$0x15];
	[sflag:s25] =	ssyncadd.s32 $0xFFFFC000  }
0xc3: {  	[spmem:s1] =	stream.indirect.scatter.add.f32 [tilespmem:s24], [sflag:$0x4], $0x80, s16, s20, $0xb8;
	[tilespmem:$0x1C8C0] =	vst v63  }
0xc4: {  	_ =	swait.ge [sflag:s26], $0x4000  }
0xc5: {  	[sflag:s26] =	ssyncset.done $0x0  }
0xc6: {  	s6 =	rddreg [dreg:$0x16];
	[sflag:s26] =	ssyncadd.s32 $0xFFFFC000  }
0xc7: {  	[tilespmem:s19], [sflag:$0x1] =	stream.indirect.gather [hbm4b:s7+s20], $0x80, s6, s20, $0xb8;
	[tilespmem:$0x1C8C0] =	vst v63  }
0xc8: {  	_ =	swait.ge [sflag:s23], $0x4000  }
0xc9: {  	[sflag:s23] =	ssyncset.done $0x0  }
0xca: {  	s10 =	rddreg [dreg:$0x17];
	[sflag:s23] =	ssyncadd.s32 $0xFFFFC000  }
0xcb: {  	[spmem:s1] =	stream.indirect.scatter.add.f32 [tilespmem:s19], [sflag:$0x3], $0x80, s10, s20, $0xb8;
	[tilespmem:$0x1C8C0] =	vst v63  }
0xcc: {  	_ =	swait.ge [sflag:s28], $0x4000  }
0xcd: {  	[sflag:s28] =	ssyncset.done $0x0  }
0xce: {  	s11 =	rddreg [dreg:$0x18];
	[sflag:s28] =	ssyncadd.s32 $0xFFFFC000  }
0xcf: {  	[tilespmem:s24], [sflag:$0x2] =	stream.indirect.gather [hbm4b:s7+s20], $0x80, s11, s20, $0xb8;
	[tilespmem:$0x1C8C0] =	vst v63  }
0xd0: {  	_ =	swait.ge [sflag:s25], $0x4000  }
0xd1: {  	[sflag:s25] =	ssyncset.done $0x0  }
0xd2: {  	s13 =	rddreg [dreg:$0x19];
	[sflag:s25] =	ssyncadd.s32 $0xFFFFC000  }
0xd3: {  	[spmem:s1] =	stream.indirect.scatter.add.f32 [tilespmem:s24], [sflag:$0x4], $0x80, s13, s20, $0xb8;
	[tilespmem:$0x1C8C0] =	vst v63  }
0xd4: {  	_ =	swait.ge [sflag:s26], $0x4000  }
0xd5: {  	[sflag:s26] =	ssyncset.done $0x0  }
0xd6: {  	s14 =	rddreg [dreg:$0x1a];
	[sflag:s26] =	ssyncadd.s32 $0xFFFFC000  }
0xd7: {  	[tilespmem:s19], [sflag:$0x1] =	stream.indirect.gather [hbm4b:s7+s20], $0x80, s14, s20, $0xb8;
	[tilespmem:$0x1C8C0] =	vst v63  }
0xd8: {  	_ =	swait.ge [sflag:s23], $0x4000  }
0xd9: {  	[sflag:s23] =	ssyncset.done $0x0  }
0xda: {  	s15 =	rddreg [dreg:$0x1b];
	[sflag:s23] =	ssyncadd.s32 $0xFFFFC000  }
0xdb: {  	[spmem:s1] =	stream.indirect.scatter.add.f32 [tilespmem:s19], [sflag:$0x3], $0x80, s15, s20, $0xb8;
	[tilespmem:$0x1C8C0] =	vst v63  }
0xdc: {  	_ =	swait.ge [sflag:s28], $0x4000  }
0xdd: {  	[sflag:s28] =	ssyncset.done $0x0  }
0xde: {  	s16 =	rddreg [dreg:$0x1c];
	[sflag:s28] =	ssyncadd.s32 $0xFFFFC000  }
0xdf: {  	[tilespmem:s24], [sflag:$0x2] =	stream.indirect.gather [hbm4b:s7+s20], $0x80, s16, s20, $0xb8;
	[tilespmem:$0x1C8C0] =	vst v63  }
0xe0: {  	_ =	swait.ge [sflag:s25], $0x4000  }
0xe1: {  	[sflag:s25] =	ssyncset.done $0x0  }
0xe2: {  	[sflag:s25] =	ssyncadd.s32 $0xFFFFC000  }
0xe3: {  	[spmem:s1] =	stream.indirect.scatter.add.f32 [tilespmem:s24], [sflag:$0x4], $0x80, s30, s20, $0xb8;
	[tilespmem:$0x1C8C0] =	vst v63  }
0xe4: {  	_ =	swait.ge [sflag:s26], $0x4000  }
0xe5: {  	[sflag:s26] =	ssyncset.done $0x0  }
0xe6: {  	[sflag:s26] =	ssyncadd.s32 $0xFFFFC000  }
0xe7: {  	[tilespmem:s19], [sflag:$0x1] =	stream.indirect.gather [hbm4b:s7+s20], $0x80, s31, s20, $0xb8;
	[tilespmem:$0x1C8C0] =	vst v63  }
0xe8: {  	_ =	swait.ge [sflag:s23], $0x4000  }
0xe9: {  	[sflag:s23] =	ssyncset.done $0x0  }
0xea: {  	[sflag:s23] =	ssyncadd.s32 $0xFFFFC000  }
0xeb: {  	[spmem:s1] =	stream.indirect.scatter.add.f32 [tilespmem:s19], [sflag:$0x3], $0x80, s0, s20, $0xb8;
	[tilespmem:$0x1C8C0] =	vst v63  }
0xec: {  	_ =	swait.ge [sflag:s28], $0x4000  }
0xed: {  	[sflag:s28] =	ssyncset.done $0x0  }
0xee: {  	[sflag:s28] =	ssyncadd.s32 $0xFFFFC000  }
0xef: {  	[tilespmem:s24], [sflag:$0x2] =	stream.indirect.gather [hbm4b:s7+s20], $0x80, s2, s20, $0xb8;
	[tilespmem:$0x1C8C0] =	vst v63  }
0xf0: {  	_ =	swait.ge [sflag:s25], $0x4000  }
0xf1: {  	[sflag:s25] =	ssyncset.done $0x0  }
0xf2: {  	[sflag:s25] =	ssyncadd.s32 $0xFFFFC000  }
0xf3: {  	[spmem:s1] =	stream.indirect.scatter.add.f32 [tilespmem:s24], [sflag:$0x4], $0x80, s4, s20, $0xb8;
	[tilespmem:$0x1C8C0] =	vst v63  }
0xf4: {  	_ =	swait.ge [sflag:s26], $0x4000  }
0xf5: {  	[sflag:s26] =	ssyncset.done $0x0  }
0xf6: {  	s13 =	simm.s32 @!p2 $0x5;
	[sflag:s26] =	ssyncadd.s32 $0xFFFFC000  }
0xf7: {  	_ =	swait.ge @!p2 [sflag:s13], $0x400  }
0xf8: {  	[sflag:s13] =	ssyncset.done @!p2 $0x0  }
0xf9: {  	s8 =	simm.s32 $0x100;
	s10 =	simm.s32 $0x1;
	[sflag:s13] =	ssyncadd.s32 @!p2 $0xFFFFFC00  }
0xfa: {  	s11 =	simm.s32 $0x200;
	s14 =	simm.s32 @!p2 $0x1000;
	_ =	swait.ge @!p2 [sflag:s13], $0x400  }
0xfb: {  	s16 =	simm.s32 @!p2 $0x80;
	s15 =	rddreg [dreg:$0x6];
	[sflag:s13] =	ssyncset.done @!p2 $0x0  }
.LBB2_4:
0xfc: {  	[sflag:s13] =	ssyncadd.s32 @!p2 $0xFFFFFC00  }
0xfd: {  	[tilespmem:s14], [sflag:$0x1] =	stream.indirect.gather @!p2 [hbm4b:s7+s16], $0x80, s12, s16, $0xb8;
	[tilespmem:$0x1C8C0] =	vst v63  }
0xfe: {  	s6 =	rddreg [dreg:$0x5];
	s14 =	sadd.s32 s8, s15  }
0xff: {  	[tilespmem:s21], [sflag:$0x5] =	stream.linear.gather [hbm4b:s14+s3], $0x400, $0x38;
	[tilespmem:$0x1C8C0] =	vst v63  }
0x100: {  	s6 =	sadd.s32 s8, s6  }
0x101: {  	[tilespmem:s22], [sflag:$0x5] =	stream.linear.gather [hbm4b:s6+s3], $0x400, $0x38;
	[tilespmem:$0x1C8C0] =	vst v63  }
0x102: {  	_ =	swait.ge [sflag:s23], $0x4000  }
0x103: {  	p2 =	seq.s32 s8, $0x0;
	[sflag:s23] =	ssyncset.done $0x0  }
0x104: {  	s6 =	simm.s32 @!p2 $0x4;
	[sflag:s23] =	ssyncadd.s32 $0xFFFFC000  }
0x105: {  	[spmem:s1] =	stream.indirect.scatter.add.f32 [tilespmem:s19], [sflag:$0x3], $0x80, s18, s20, $0xb8;
	[tilespmem:$0x1C8C0] =	vst v63  }
0x106: {  	_ =	swait.ge @!p2 [sflag:s6], $0x4000  }
0x107: {  	[sflag:s6] =	ssyncset.done @!p2 $0x0  }
0x108: {  	[sflag:s6] =	ssyncadd.s32 @!p2 $0xFFFFC000  }
0x109: {  	[tilespmem:s24], [sflag:$0x2] =	stream.indirect.gather [hbm4b:s7+s20], $0x80, s20, s20, $0xb8;
	[tilespmem:$0x1C8C0] =	vst v63  }
0x10a: {  	_ =	swait.ge [sflag:s25], $0x4000  }
0x10b: {  	[sflag:s25] =	ssyncset.done $0x0  }
0x10c: {  	s15 =	rddreg [dreg:$0x7];
	[sflag:s25] =	ssyncadd.s32 $0xFFFFC000  }
0x10d: {  	[spmem:s1] =	stream.indirect.scatter.add.f32 [tilespmem:s24], [sflag:$0x4], $0x80, s15, s20, $0xb8;
	[tilespmem:$0x1C8C0] =	vst v63  }
0x10e: {  	_ =	swait.ge [sflag:s26], $0x4000  }
0x10f: {  	[sflag:s26] =	ssyncset.done $0x0  }
0x110: {  	s16 =	rddreg [dreg:$0x8];
	[sflag:s26] =	ssyncadd.s32 $0xFFFFC000  }
0x111: {  	[tilespmem:s19], [sflag:$0x1] =	stream.indirect.gather [hbm4b:s7+s20], $0x80, s16, s20, $0xb8;
	[tilespmem:$0x1C8C0] =	vst v63  }
0x112: {  	_ =	swait.ge [sflag:s23], $0x4000  }
0x113: {  	[sflag:s23] =	ssyncset.done $0x0  }
0x114: {  	s12 =	rddreg [dreg:$0x9];
	[sflag:s23] =	ssyncadd.s32 $0xFFFFC000  }
0x115: {  	[spmem:s1] =	stream.indirect.scatter.add.f32 [tilespmem:s19], [sflag:$0x3], $0x80, s12, s20, $0xb8;
	[tilespmem:$0x1C8C0] =	vst v63  }
0x116: {  	_ =	swait.ge [sflag:s28], $0x4000  }
0x117: {  	[sflag:s28] =	ssyncset.done $0x0  }
0x118: {  	s14 =	rddreg [dreg:$0xa];
	[sflag:s28] =	ssyncadd.s32 $0xFFFFC000  }
0x119: {  	[tilespmem:s24], [sflag:$0x2] =	stream.indirect.gather [hbm4b:s7+s20], $0x80, s14, s20, $0xb8;
	[tilespmem:$0x1C8C0] =	vst v63  }
0x11a: {  	_ =	swait.ge [sflag:s25], $0x4000  }
0x11b: {  	[sflag:s25] =	ssyncset.done $0x0  }
0x11c: {  	s15 =	rddreg [dreg:$0xb];
	[sflag:s25] =	ssyncadd.s32 $0xFFFFC000  }
0x11d: {  	[spmem:s1] =	stream.indirect.scatter.add.f32 [tilespmem:s24], [sflag:$0x4], $0x80, s15, s20, $0xb8;
	[tilespmem:$0x1C8C0] =	vst v63  }
0x11e: {  	_ =	swait.ge [sflag:s26], $0x4000  }
0x11f: {  	[sflag:s26] =	ssyncset.done $0x0  }
0x120: {  	s16 =	rddreg [dreg:$0xc];
	[sflag:s26] =	ssyncadd.s32 $0xFFFFC000  }
0x121: {  	[tilespmem:s19], [sflag:$0x1] =	stream.indirect.gather [hbm4b:s7+s20], $0x80, s16, s20, $0xb8;
	[tilespmem:$0x1C8C0] =	vst v63  }
0x122: {  	_ =	swait.ge [sflag:s23], $0x4000  }
0x123: {  	[sflag:s23] =	ssyncset.done $0x0  }
0x124: {  	s12 =	rddreg [dreg:$0xd];
	[sflag:s23] =	ssyncadd.s32 $0xFFFFC000  }
0x125: {  	[spmem:s1] =	stream.indirect.scatter.add.f32 [tilespmem:s19], [sflag:$0x3], $0x80, s12, s20, $0xb8;
	[tilespmem:$0x1C8C0] =	vst v63  }
0x126: {  	_ =	swait.ge [sflag:s28], $0x4000  }
0x127: {  	[sflag:s28] =	ssyncset.done $0x0  }
0x128: {  	s14 =	rddreg [dreg:$0xe];
	[sflag:s28] =	ssyncadd.s32 $0xFFFFC000  }
0x129: {  	[tilespmem:s24], [sflag:$0x2] =	stream.indirect.gather [hbm4b:s7+s20], $0x80, s14, s20, $0xb8;
	[tilespmem:$0x1C8C0] =	vst v63  }
0x12a: {  	_ =	swait.ge [sflag:s25], $0x4000  }
0x12b: {  	[sflag:s25] =	ssyncset.done $0x0  }
0x12c: {  	s15 =	rddreg [dreg:$0xf];
	[sflag:s25] =	ssyncadd.s32 $0xFFFFC000  }
0x12d: {  	[spmem:s1] =	stream.indirect.scatter.add.f32 [tilespmem:s24], [sflag:$0x4], $0x80, s15, s20, $0xb8;
	[tilespmem:$0x1C8C0] =	vst v63  }
0x12e: {  	_ =	swait.ge [sflag:s26], $0x4000  }
0x12f: {  	[sflag:s26] =	ssyncset.done $0x0  }
0x130: {  	s16 =	rddreg [dreg:$0x10];
	[sflag:s26] =	ssyncadd.s32 $0xFFFFC000  }
0x131: {  	[tilespmem:s19], [sflag:$0x1] =	stream.indirect.gather [hbm4b:s7+s20], $0x80, s16, s20, $0xb8;
	[tilespmem:$0x1C8C0] =	vst v63  }
0x132: {  	_ =	swait.ge [sflag:s23], $0x4000  }
0x133: {  	[sflag:s23] =	ssyncset.done $0x0  }
0x134: {  	s12 =	rddreg [dreg:$0x11];
	[sflag:s23] =	ssyncadd.s32 $0xFFFFC000  }
0x135: {  	[spmem:s1] =	stream.indirect.scatter.add.f32 [tilespmem:s19], [sflag:$0x3], $0x80, s12, s20, $0xb8;
	[tilespmem:$0x1C8C0] =	vst v63  }
0x136: {  	_ =	swait.ge [sflag:s28], $0x4000  }
0x137: {  	[sflag:s28] =	ssyncset.done $0x0  }
0x138: {  	s14 =	rddreg [dreg:$0x12];
	[sflag:s28] =	ssyncadd.s32 $0xFFFFC000  }
0x139: {  	[tilespmem:s24], [sflag:$0x2] =	stream.indirect.gather [hbm4b:s7+s20], $0x80, s14, s20, $0xb8;
	[tilespmem:$0x1C8C0] =	vst v63  }
0x13a: {  	_ =	swait.ge [sflag:s25], $0x4000  }
0x13b: {  	[sflag:s25] =	ssyncset.done $0x0  }
0x13c: {  	s15 =	rddreg [dreg:$0x13];
	[sflag:s25] =	ssyncadd.s32 $0xFFFFC000  }
0x13d: {  	[spmem:s1] =	stream.indirect.scatter.add.f32 [tilespmem:s24], [sflag:$0x4], $0x80, s15, s20, $0xb8;
	[tilespmem:$0x1C8C0] =	vst v63  }
0x13e: {  	_ =	swait.ge [sflag:s26], $0x4000  }
0x13f: {  	[sflag:s26] =	ssyncset.done $0x0  }
0x140: {  	[sflag:s26] =	ssyncadd.s32 $0xFFFFC000  }
0x141: {  	_ =	swait.ge [sflag:s29], $0x400  }
0x142: {  	[sflag:s29] =	ssyncset.done $0x0  }
0x143: {  	[sflag:s29] =	ssyncadd.s32 $0xFFFFFC00  }
0x144: {  	_ =	swait.ge [sflag:s29], $0x400  }
0x145: {  	[sflag:s29] =	ssyncset.done $0x0  }
0x146: {  	p2 =	sgt.u32 s10, $0x8;
	s6 =	rddreg [dreg:$0x4];
	[sflag:s29] =	ssyncadd.s32 $0xFFFFFC00  }
0x147: {  	[tilespmem:s19], [sflag:$0x1] =	stream.indirect.gather [hbm4b:s7+s20], $0x80, s21, s20, $0xb8;
	[tilespmem:$0x1C8C0] =	vst v63  }
0x148: {  	s12 =	simm.s32 @!p2 $0x0;
	s14 =	rddreg [dreg:$0x3];
	s6 =	sadd.s32 @!p2 s8, s6  }
0x149: {  	[tilespmem:s12], [sflag:$0x5] =	stream.linear.gather @!p2 [hbm4b:s6+s12], $0x400, $0x38;
	[tilespmem:$0x1C8C0] =	vst v63  }
0x14a: {  	s15 =	simm.s32 @!p2 $0x800;
	s6 =	sadd.s32 @!p2 s8, s14  }
0x14b: {  	[tilespmem:s15], [sflag:$0x5] =	stream.linear.gather @!p2 [hbm4b:s6+s12], $0x400, $0x38;
	[tilespmem:$0x1C8C0] =	vst v63  }
0x14c: {  	_ =	swait.ge [sflag:s23], $0x4000  }
0x14d: {  	[sflag:s23] =	ssyncset.done $0x0  }
0x14e: {  	[sflag:s23] =	ssyncadd.s32 $0xFFFFC000  }
0x14f: {  	[spmem:s1] =	stream.indirect.scatter.add.f32 [tilespmem:s19], [sflag:$0x3], $0x80, s22, s20, $0xb8;
	[tilespmem:$0x1C8C0] =	vst v63  }
0x150: {  	_ =	swait.ge [sflag:s28], $0x4000  }
0x151: {  	[sflag:s28] =	ssyncset.done $0x0  }
0x152: {  	s16 =	rddreg [dreg:$0x14];
	[sflag:s28] =	ssyncadd.s32 $0xFFFFC000  }
0x153: {  	[tilespmem:s24], [sflag:$0x2] =	stream.indirect.gather [hbm4b:s7+s20], $0x80, s16, s20, $0xb8;
	[tilespmem:$0x1C8C0] =	vst v63  }
0x154: {  	_ =	swait.ge [sflag:s25], $0x4000  }
0x155: {  	s13 =	smov.u32 s11;
	[sflag:s25] =	ssyncset.done $0x0  }
0x156: {  	s8 =	smov.u32 s13;
	s13 =	rddreg [dreg:$0x15];
	[sflag:s25] =	ssyncadd.s32 $0xFFFFC000  }
0x157: {  	[spmem:s1] =	stream.indirect.scatter.add.f32 [tilespmem:s24], [sflag:$0x4], $0x80, s13, s20, $0xb8;
	[tilespmem:$0x1C8C0] =	vst v63  }
0x158: {  	_ =	swait.ge [sflag:s26], $0x4000  }
0x159: {  	[sflag:s26] =	ssyncset.done $0x0  }
0x15a: {  	s14 =	rddreg [dreg:$0x16];
	[sflag:s26] =	ssyncadd.s32 $0xFFFFC000  }
0x15b: {  	[tilespmem:s19], [sflag:$0x1] =	stream.indirect.gather [hbm4b:s7+s20], $0x80, s14, s20, $0xb8;
	[tilespmem:$0x1C8C0] =	vst v63  }
0x15c: {  	_ =	swait.ge [sflag:s23], $0x4000  }
0x15d: {  	[sflag:s23] =	ssyncset.done $0x0  }
0x15e: {  	s15 =	rddreg [dreg:$0x17];
	[sflag:s23] =	ssyncadd.s32 $0xFFFFC000  }
0x15f: {  	[spmem:s1] =	stream.indirect.scatter.add.f32 [tilespmem:s19], [sflag:$0x3], $0x80, s15, s20, $0xb8;
	[tilespmem:$0x1C8C0] =	vst v63  }
0x160: {  	_ =	swait.ge [sflag:s28], $0x4000  }
0x161: {  	[sflag:s28] =	ssyncset.done $0x0  }
0x162: {  	s16 =	rddreg [dreg:$0x18];
	[sflag:s28] =	ssyncadd.s32 $0xFFFFC000  }
0x163: {  	[tilespmem:s24], [sflag:$0x2] =	stream.indirect.gather [hbm4b:s7+s20], $0x80, s16, s20, $0xb8;
	[tilespmem:$0x1C8C0] =	vst v63  }
0x164: {  	_ =	swait.ge [sflag:s25], $0x4000  }
0x165: {  	[sflag:s25] =	ssyncset.done $0x0  }
0x166: {  	s13 =	rddreg [dreg:$0x19];
	[sflag:s25] =	ssyncadd.s32 $0xFFFFC000  }
0x167: {  	[spmem:s1] =	stream.indirect.scatter.add.f32 [tilespmem:s24], [sflag:$0x4], $0x80, s13, s20, $0xb8;
	[tilespmem:$0x1C8C0] =	vst v63  }
0x168: {  	_ =	swait.ge [sflag:s26], $0x4000  }
0x169: {  	[sflag:s26] =	ssyncset.done $0x0  }
0x16a: {  	s14 =	rddreg [dreg:$0x1a];
	[sflag:s26] =	ssyncadd.s32 $0xFFFFC000  }
0x16b: {  	[tilespmem:s19], [sflag:$0x1] =	stream.indirect.gather [hbm4b:s7+s20], $0x80, s14, s20, $0xb8;
	[tilespmem:$0x1C8C0] =	vst v63  }
0x16c: {  	_ =	swait.ge [sflag:s23], $0x4000  }
0x16d: {  	[sflag:s23] =	ssyncset.done $0x0  }
0x16e: {  	s15 =	rddreg [dreg:$0x1b];
	[sflag:s23] =	ssyncadd.s32 $0xFFFFC000  }
0x16f: {  	[spmem:s1] =	stream.indirect.scatter.add.f32 [tilespmem:s19], [sflag:$0x3], $0x80, s15, s20, $0xb8;
	[tilespmem:$0x1C8C0] =	vst v63  }
0x170: {  	_ =	swait.ge [sflag:s28], $0x4000  }
0x171: {  	[sflag:s28] =	ssyncset.done $0x0  }
0x172: {  	s16 =	rddreg [dreg:$0x1c];
	[sflag:s28] =	ssyncadd.s32 $0xFFFFC000  }
0x173: {  	[tilespmem:s24], [sflag:$0x2] =	stream.indirect.gather [hbm4b:s7+s20], $0x80, s16, s20, $0xb8;
	[tilespmem:$0x1C8C0] =	vst v63  }
0x174: {  	_ =	swait.ge [sflag:s25], $0x4000  }
0x175: {  	[sflag:s25] =	ssyncset.done $0x0  }
0x176: {  	[sflag:s25] =	ssyncadd.s32 $0xFFFFC000  }
0x177: {  	[spmem:s1] =	stream.indirect.scatter.add.f32 [tilespmem:s24], [sflag:$0x4], $0x80, s30, s20, $0xb8;
	[tilespmem:$0x1C8C0] =	vst v63  }
0x178: {  	_ =	swait.ge [sflag:s26], $0x4000  }
0x179: {  	[sflag:s26] =	ssyncset.done $0x0  }
0x17a: {  	[sflag:s26] =	ssyncadd.s32 $0xFFFFC000  }
0x17b: {  	[tilespmem:s19], [sflag:$0x1] =	stream.indirect.gather [hbm4b:s7+s20], $0x80, s31, s20, $0xb8;
	[tilespmem:$0x1C8C0] =	vst v63  }
0x17c: {  	_ =	swait.ge [sflag:s23], $0x4000  }
0x17d: {  	[sflag:s23] =	ssyncset.done $0x0  }
0x17e: {  	[sflag:s23] =	ssyncadd.s32 $0xFFFFC000  }
0x17f: {  	[spmem:s1] =	stream.indirect.scatter.add.f32 [tilespmem:s19], [sflag:$0x3], $0x80, s0, s20, $0xb8;
	[tilespmem:$0x1C8C0] =	vst v63  }
0x180: {  	_ =	swait.ge [sflag:s28], $0x4000  }
0x181: {  	[sflag:s28] =	ssyncset.done $0x0  }
0x182: {  	[sflag:s28] =	ssyncadd.s32 $0xFFFFC000  }
0x183: {  	[tilespmem:s24], [sflag:$0x2] =	stream.indirect.gather [hbm4b:s7+s20], $0x80, s2, s20, $0xb8;
	[tilespmem:$0x1C8C0] =	vst v63  }
0x184: {  	_ =	swait.ge [sflag:s25], $0x4000  }
0x185: {  	[sflag:s25] =	ssyncset.done $0x0  }
0x186: {  	[sflag:s25] =	ssyncadd.s32 $0xFFFFC000  }
0x187: {  	[spmem:s1] =	stream.indirect.scatter.add.f32 [tilespmem:s24], [sflag:$0x4], $0x80, s4, s20, $0xb8;
	[tilespmem:$0x1C8C0] =	vst v63  }
0x188: {  	_ =	swait.ge [sflag:s26], $0x4000  }
0x189: {  	s11 =	sadd.s32 $0x100, s11;
	[sflag:s26] =	ssyncset.done $0x0  }
0x18a: {  	p1 =	sne.s32 s11, $0xA00;
	s13 =	simm.s32 @!p2 $0x5;
	[sflag:s26] =	ssyncadd.s32 $0xFFFFC000  }
.Ltmp1:
0x18b: {  	_ =	swait.ge @!p2 [sflag:s13], $0x400;
	(pc) =	sbr.rel @p1 .LBB2_4-.Ltmp1, $4  }
0x18c: {  	[sflag:s13] =	ssyncset.done @!p2 $0x0  }
0x18d: {  	[sflag:s13] =	ssyncadd.s32 @!p2 $0xFFFFFC00  }
0x18e: {  	s10 =	sadd.s32 $0x1, s10;
	s14 =	simm.s32 @!p2 $0x1000;
	_ =	swait.ge @!p2 [sflag:s13], $0x400  }
0x18f: {  	s16 =	simm.s32 @!p2 $0x80;
	s15 =	rddreg [dreg:$0x6];
	[sflag:s13] =	ssyncset.done @!p2 $0x0  }
0x190: {  	[sflag:s13] =	ssyncadd.s32 @!p2 $0xFFFFFC00  }
0x191: {  	[tilespmem:s14], [sflag:$0x1] =	stream.indirect.gather @!p2 [hbm4b:s7+s16], $0x80, s12, s16, $0xb8;
	[tilespmem:$0x1C8C0] =	vst v63  }
0x192: {  	s6 =	rddreg [dreg:$0x5];
	s11 =	sadd.s32 s8, s15  }
0x193: {  	[tilespmem:s21], [sflag:$0x5] =	stream.linear.gather [hbm4b:s11+s3], $0x400, $0x38;
	[tilespmem:$0x1C8C0] =	vst v63  }
0x194: {  	s6 =	sadd.s32 s8, s6  }
0x195: {  	[tilespmem:s22], [sflag:$0x5] =	stream.linear.gather [hbm4b:s6+s3], $0x400, $0x38;
	[tilespmem:$0x1C8C0] =	vst v63  }
0x196: {  	_ =	swait.ge [sflag:s23], $0x4000  }
0x197: {  	p1 =	seq.s32 s8, $0x0;
	[sflag:s23] =	ssyncset.done $0x0  }
0x198: {  	s6 =	simm.s32 @!p1 $0x4;
	[sflag:s23] =	ssyncadd.s32 $0xFFFFC000  }
0x199: {  	[spmem:s1] =	stream.indirect.scatter.add.f32 [tilespmem:s19], [sflag:$0x3], $0x80, s18, s20, $0xb8;
	[tilespmem:$0x1C8C0] =	vst v63  }
0x19a: {  	_ =	swait.ge @!p1 [sflag:s6], $0x4000  }
0x19b: {  	[sflag:s6] =	ssyncset.done @!p1 $0x0  }
0x19c: {  	[sflag:s6] =	ssyncadd.s32 @!p1 $0xFFFFC000  }
0x19d: {  	[tilespmem:s24], [sflag:$0x2] =	stream.indirect.gather [hbm4b:s7+s20], $0x80, s20, s20, $0xb8;
	[tilespmem:$0x1C8C0] =	vst v63  }
0x19e: {  	_ =	swait.ge [sflag:s25], $0x4000  }
0x19f: {  	[sflag:s25] =	ssyncset.done $0x0  }
0x1a0: {  	s16 =	rddreg [dreg:$0x7];
	[sflag:s25] =	ssyncadd.s32 $0xFFFFC000  }
0x1a1: {  	[spmem:s1] =	stream.indirect.scatter.add.f32 [tilespmem:s24], [sflag:$0x4], $0x80, s16, s20, $0xb8;
	[tilespmem:$0x1C8C0] =	vst v63  }
0x1a2: {  	_ =	swait.ge [sflag:s26], $0x4000  }
0x1a3: {  	[sflag:s26] =	ssyncset.done $0x0  }
0x1a4: {  	s11 =	rddreg [dreg:$0x8];
	[sflag:s26] =	ssyncadd.s32 $0xFFFFC000  }
0x1a5: {  	[tilespmem:s19], [sflag:$0x1] =	stream.indirect.gather [hbm4b:s7+s20], $0x80, s11, s20, $0xb8;
	[tilespmem:$0x1C8C0] =	vst v63  }
0x1a6: {  	_ =	swait.ge [sflag:s23], $0x4000  }
0x1a7: {  	[sflag:s23] =	ssyncset.done $0x0  }
0x1a8: {  	s12 =	rddreg [dreg:$0x9];
	[sflag:s23] =	ssyncadd.s32 $0xFFFFC000  }
0x1a9: {  	[spmem:s1] =	stream.indirect.scatter.add.f32 [tilespmem:s19], [sflag:$0x3], $0x80, s12, s20, $0xb8;
	[tilespmem:$0x1C8C0] =	vst v63  }
0x1aa: {  	_ =	swait.ge [sflag:s28], $0x4000  }
0x1ab: {  	[sflag:s28] =	ssyncset.done $0x0  }
0x1ac: {  	s13 =	rddreg [dreg:$0xa];
	[sflag:s28] =	ssyncadd.s32 $0xFFFFC000  }
0x1ad: {  	[tilespmem:s24], [sflag:$0x2] =	stream.indirect.gather [hbm4b:s7+s20], $0x80, s13, s20, $0xb8;
	[tilespmem:$0x1C8C0] =	vst v63  }
0x1ae: {  	_ =	swait.ge [sflag:s25], $0x4000  }
0x1af: {  	[sflag:s25] =	ssyncset.done $0x0  }
0x1b0: {  	s14 =	rddreg [dreg:$0xb];
	[sflag:s25] =	ssyncadd.s32 $0xFFFFC000  }
0x1b1: {  	[spmem:s1] =	stream.indirect.scatter.add.f32 [tilespmem:s24], [sflag:$0x4], $0x80, s14, s20, $0xb8;
	[tilespmem:$0x1C8C0] =	vst v63  }
0x1b2: {  	_ =	swait.ge [sflag:s26], $0x4000  }
0x1b3: {  	[sflag:s26] =	ssyncset.done $0x0  }
0x1b4: {  	s15 =	rddreg [dreg:$0xc];
	[sflag:s26] =	ssyncadd.s32 $0xFFFFC000  }
0x1b5: {  	[tilespmem:s19], [sflag:$0x1] =	stream.indirect.gather [hbm4b:s7+s20], $0x80, s15, s20, $0xb8;
	[tilespmem:$0x1C8C0] =	vst v63  }
0x1b6: {  	_ =	swait.ge [sflag:s23], $0x4000  }
0x1b7: {  	[sflag:s23] =	ssyncset.done $0x0  }
0x1b8: {  	s16 =	rddreg [dreg:$0xd];
	[sflag:s23] =	ssyncadd.s32 $0xFFFFC000  }
0x1b9: {  	[spmem:s1] =	stream.indirect.scatter.add.f32 [tilespmem:s19], [sflag:$0x3], $0x80, s16, s20, $0xb8;
	[tilespmem:$0x1C8C0] =	vst v63  }
0x1ba: {  	_ =	swait.ge [sflag:s28], $0x4000  }
0x1bb: {  	[sflag:s28] =	ssyncset.done $0x0  }
0x1bc: {  	s11 =	rddreg [dreg:$0xe];
	[sflag:s28] =	ssyncadd.s32 $0xFFFFC000  }
0x1bd: {  	[tilespmem:s24], [sflag:$0x2] =	stream.indirect.gather [hbm4b:s7+s20], $0x80, s11, s20, $0xb8;
	[tilespmem:$0x1C8C0] =	vst v63  }
0x1be: {  	_ =	swait.ge [sflag:s25], $0x4000  }
0x1bf: {  	[sflag:s25] =	ssyncset.done $0x0  }
0x1c0: {  	s12 =	rddreg [dreg:$0xf];
	[sflag:s25] =	ssyncadd.s32 $0xFFFFC000  }
0x1c1: {  	[spmem:s1] =	stream.indirect.scatter.add.f32 [tilespmem:s24], [sflag:$0x4], $0x80, s12, s20, $0xb8;
	[tilespmem:$0x1C8C0] =	vst v63  }
0x1c2: {  	_ =	swait.ge [sflag:s26], $0x4000  }
0x1c3: {  	[sflag:s26] =	ssyncset.done $0x0  }
0x1c4: {  	s13 =	rddreg [dreg:$0x10];
	[sflag:s26] =	ssyncadd.s32 $0xFFFFC000  }
0x1c5: {  	[tilespmem:s19], [sflag:$0x1] =	stream.indirect.gather [hbm4b:s7+s20], $0x80, s13, s20, $0xb8;
	[tilespmem:$0x1C8C0] =	vst v63  }
0x1c6: {  	_ =	swait.ge [sflag:s23], $0x4000  }
0x1c7: {  	[sflag:s23] =	ssyncset.done $0x0  }
0x1c8: {  	s14 =	rddreg [dreg:$0x11];
	[sflag:s23] =	ssyncadd.s32 $0xFFFFC000  }
0x1c9: {  	[spmem:s1] =	stream.indirect.scatter.add.f32 [tilespmem:s19], [sflag:$0x3], $0x80, s14, s20, $0xb8;
	[tilespmem:$0x1C8C0] =	vst v63  }
0x1ca: {  	_ =	swait.ge [sflag:s28], $0x4000  }
0x1cb: {  	[sflag:s28] =	ssyncset.done $0x0  }
0x1cc: {  	s15 =	rddreg [dreg:$0x12];
	[sflag:s28] =	ssyncadd.s32 $0xFFFFC000  }
0x1cd: {  	[tilespmem:s24], [sflag:$0x2] =	stream.indirect.gather [hbm4b:s7+s20], $0x80, s15, s20, $0xb8;
	[tilespmem:$0x1C8C0] =	vst v63  }
0x1ce: {  	_ =	swait.ge [sflag:s25], $0x4000  }
0x1cf: {  	[sflag:s25] =	ssyncset.done $0x0  }
0x1d0: {  	s16 =	rddreg [dreg:$0x13];
	[sflag:s25] =	ssyncadd.s32 $0xFFFFC000  }
0x1d1: {  	[spmem:s1] =	stream.indirect.scatter.add.f32 [tilespmem:s24], [sflag:$0x4], $0x80, s16, s20, $0xb8;
	[tilespmem:$0x1C8C0] =	vst v63  }
0x1d2: {  	_ =	swait.ge [sflag:s26], $0x4000  }
0x1d3: {  	[sflag:s26] =	ssyncset.done $0x0  }
0x1d4: {  	[sflag:s26] =	ssyncadd.s32 $0xFFFFC000  }
0x1d5: {  	_ =	swait.ge [sflag:s29], $0x400  }
0x1d6: {  	[sflag:s29] =	ssyncset.done $0x0  }
0x1d7: {  	[sflag:s29] =	ssyncadd.s32 $0xFFFFFC00  }
0x1d8: {  	_ =	swait.ge [sflag:s29], $0x400  }
0x1d9: {  	[sflag:s29] =	ssyncset.done $0x0  }
0x1da: {  	p1 =	sgt.u32 s10, $0x8;
	s6 =	rddreg [dreg:$0x4];
	[sflag:s29] =	ssyncadd.s32 $0xFFFFFC00  }
0x1db: {  	[tilespmem:s19], [sflag:$0x1] =	stream.indirect.gather [hbm4b:s7+s20], $0x80, s21, s20, $0xb8;
	[tilespmem:$0x1C8C0] =	vst v63  }
0x1dc: {  	s10 =	simm.s32 @!p1 $0x0;
	s11 =	rddreg [dreg:$0x3];
	s6 =	sadd.s32 @!p1 s8, s6  }
0x1dd: {  	[tilespmem:s10], [sflag:$0x5] =	stream.linear.gather @!p1 [hbm4b:s6+s10], $0x400, $0x38;
	[tilespmem:$0x1C8C0] =	vst v63  }
0x1de: {  	s6 =	sadd.s32 @!p1 s8, s11;
	s8 =	simm.s32 @!p1 $0x800  }
0x1df: {  	[tilespmem:s8], [sflag:$0x5] =	stream.linear.gather @!p1 [hbm4b:s6+s10], $0x400, $0x38;
	[tilespmem:$0x1C8C0] =	vst v63  }
0x1e0: {  	_ =	swait.ge [sflag:s23], $0x4000  }
0x1e1: {  	[sflag:s23] =	ssyncset.done $0x0  }
0x1e2: {  	[sflag:s23] =	ssyncadd.s32 $0xFFFFC000  }
0x1e3: {  	[spmem:s1] =	stream.indirect.scatter.add.f32 [tilespmem:s19], [sflag:$0x3], $0x80, s22, s20, $0xb8;
	[tilespmem:$0x1C8C0] =	vst v63  }
0x1e4: {  	_ =	swait.ge [sflag:s28], $0x4000  }
0x1e5: {  	[sflag:s28] =	ssyncset.done $0x0  }
0x1e6: {  	s11 =	rddreg [dreg:$0x14];
	[sflag:s28] =	ssyncadd.s32 $0xFFFFC000  }
0x1e7: {  	[tilespmem:s24], [sflag:$0x2] =	stream.indirect.gather [hbm4b:s7+s20], $0x80, s11, s20, $0xb8;
	[tilespmem:$0x1C8C0] =	vst v63  }
0x1e8: {  	_ =	swait.ge [sflag:s25], $0x4000  }
0x1e9: {  	[sflag:s25] =	ssyncset.done $0x0  }
0x1ea: {  	s12 =	rddreg [dreg:$0x15];
	[sflag:s25] =	ssyncadd.s32 $0xFFFFC000  }
0x1eb: {  	[spmem:s1] =	stream.indirect.scatter.add.f32 [tilespmem:s24], [sflag:$0x4], $0x80, s12, s20, $0xb8;
	[tilespmem:$0x1C8C0] =	vst v63  }
0x1ec: {  	_ =	swait.ge [sflag:s26], $0x4000  }
0x1ed: {  	[sflag:s26] =	ssyncset.done $0x0  }
0x1ee: {  	s13 =	rddreg [dreg:$0x16];
	[sflag:s26] =	ssyncadd.s32 $0xFFFFC000  }
0x1ef: {  	[tilespmem:s19], [sflag:$0x1] =	stream.indirect.gather [hbm4b:s7+s20], $0x80, s13, s20, $0xb8;
	[tilespmem:$0x1C8C0] =	vst v63  }
0x1f0: {  	_ =	swait.ge [sflag:s23], $0x4000  }
0x1f1: {  	[sflag:s23] =	ssyncset.done $0x0  }
0x1f2: {  	s14 =	rddreg [dreg:$0x17];
	[sflag:s23] =	ssyncadd.s32 $0xFFFFC000  }
0x1f3: {  	[spmem:s1] =	stream.indirect.scatter.add.f32 [tilespmem:s19], [sflag:$0x3], $0x80, s14, s20, $0xb8;
	[tilespmem:$0x1C8C0] =	vst v63  }
0x1f4: {  	_ =	swait.ge [sflag:s28], $0x4000  }
0x1f5: {  	[sflag:s28] =	ssyncset.done $0x0  }
0x1f6: {  	s15 =	rddreg [dreg:$0x18];
	[sflag:s28] =	ssyncadd.s32 $0xFFFFC000  }
0x1f7: {  	[tilespmem:s24], [sflag:$0x2] =	stream.indirect.gather [hbm4b:s7+s20], $0x80, s15, s20, $0xb8;
	[tilespmem:$0x1C8C0] =	vst v63  }
0x1f8: {  	_ =	swait.ge [sflag:s25], $0x4000  }
0x1f9: {  	[sflag:s25] =	ssyncset.done $0x0  }
0x1fa: {  	s16 =	rddreg [dreg:$0x19];
	[sflag:s25] =	ssyncadd.s32 $0xFFFFC000  }
0x1fb: {  	[spmem:s1] =	stream.indirect.scatter.add.f32 [tilespmem:s24], [sflag:$0x4], $0x80, s16, s20, $0xb8;
	[tilespmem:$0x1C8C0] =	vst v63  }
0x1fc: {  	_ =	swait.ge [sflag:s26], $0x4000  }
0x1fd: {  	[sflag:s26] =	ssyncset.done $0x0  }
0x1fe: {  	s8 =	rddreg [dreg:$0x1a];
	[sflag:s26] =	ssyncadd.s32 $0xFFFFC000  }
0x1ff: {  	[tilespmem:s19], [sflag:$0x1] =	stream.indirect.gather [hbm4b:s7+s20], $0x80, s8, s20, $0xb8;
	[tilespmem:$0x1C8C0] =	vst v63  }
0x200: {  	_ =	swait.ge [sflag:s23], $0x4000  }
0x201: {  	[sflag:s23] =	ssyncset.done $0x0  }
0x202: {  	s11 =	rddreg [dreg:$0x1b];
	[sflag:s23] =	ssyncadd.s32 $0xFFFFC000  }
0x203: {  	[spmem:s1] =	stream.indirect.scatter.add.f32 [tilespmem:s19], [sflag:$0x3], $0x80, s11, s20, $0xb8;
	[tilespmem:$0x1C8C0] =	vst v63  }
0x204: {  	_ =	swait.ge [sflag:s28], $0x4000  }
0x205: {  	[sflag:s28] =	ssyncset.done $0x0  }
0x206: {  	s12 =	rddreg [dreg:$0x1c];
	[sflag:s28] =	ssyncadd.s32 $0xFFFFC000  }
0x207: {  	[tilespmem:s24], [sflag:$0x2] =	stream.indirect.gather [hbm4b:s7+s20], $0x80, s12, s20, $0xb8;
	[tilespmem:$0x1C8C0] =	vst v63  }
0x208: {  	_ =	swait.ge [sflag:s25], $0x4000  }
0x209: {  	[sflag:s25] =	ssyncset.done $0x0  }
0x20a: {  	[sflag:s25] =	ssyncadd.s32 $0xFFFFC000  }
0x20b: {  	[spmem:s1] =	stream.indirect.scatter.add.f32 [tilespmem:s24], [sflag:$0x4], $0x80, s30, s20, $0xb8;
	[tilespmem:$0x1C8C0] =	vst v63  }
0x20c: {  	_ =	swait.ge [sflag:s26], $0x4000  }
0x20d: {  	[sflag:s26] =	ssyncset.done $0x0  }
0x20e: {  	[sflag:s26] =	ssyncadd.s32 $0xFFFFC000  }
0x20f: {  	[tilespmem:s19], [sflag:$0x1] =	stream.indirect.gather [hbm4b:s7+s20], $0x80, s31, s20, $0xb8;
	[tilespmem:$0x1C8C0] =	vst v63  }
0x210: {  	_ =	swait.ge [sflag:s23], $0x4000  }
0x211: {  	[sflag:s23] =	ssyncset.done $0x0  }
0x212: {  	[sflag:s23] =	ssyncadd.s32 $0xFFFFC000  }
0x213: {  	[spmem:s1] =	stream.indirect.scatter.add.f32 [tilespmem:s19], [sflag:$0x3], $0x80, s0, s20, $0xb8;
	[tilespmem:$0x1C8C0] =	vst v63  }
0x214: {  	_ =	swait.ge [sflag:s28], $0x4000  }
0x215: {  	[sflag:s28] =	ssyncset.done $0x0  }
0x216: {  	[sflag:s28] =	ssyncadd.s32 $0xFFFFC000  }
0x217: {  	[tilespmem:s24], [sflag:$0x2] =	stream.indirect.gather [hbm4b:s7+s20], $0x80, s2, s20, $0xb8;
	[tilespmem:$0x1C8C0] =	vst v63  }
0x218: {  	_ =	swait.ge [sflag:s25], $0x4000  }
0x219: {  	[sflag:s25] =	ssyncset.done $0x0  }
0x21a: {  	[sflag:s25] =	ssyncadd.s32 $0xFFFFC000  }
0x21b: {  	[spmem:s1] =	stream.indirect.scatter.add.f32 [tilespmem:s24], [sflag:$0x4], $0x80, s4, s20, $0xb8;
	[tilespmem:$0x1C8C0] =	vst v63  }
0x21c: {  	_ =	swait.ge [sflag:s26], $0x4000  }
0x21d: {  	[sflag:s26] =	ssyncset.done $0x0  }
0x21e: {  	s6 =	simm.s32 @!p1 $0x5;
	[sflag:s26] =	ssyncadd.s32 $0xFFFFC000  }
0x21f: {  	_ =	swait.ge @!p1 [sflag:s6], $0x400  }
0x220: {  	[sflag:s6] =	ssyncset.done @!p1 $0x0  }
0x221: {  	[sflag:s6] =	ssyncadd.s32 @!p1 $0xFFFFFC00  }
0x222: {  	_ =	swait.ge @!p1 [sflag:s6], $0x400  }
0x223: {  	[sflag:s6] =	ssyncset.done @!p1 $0x0  }
0x224: {  	s8 =	simm.s32 @!p1 $0x1000;
	[sflag:s6] =	ssyncadd.s32 @!p1 $0xFFFFFC00;
	s6 =	simm.s32 @!p1 $0x80  }
0x225: {  	[tilespmem:s8], [sflag:$0x1] =	stream.indirect.gather @!p1 [hbm4b:s7+s6], $0x80, s10, s6, $0xb8;
	[tilespmem:$0x1C8C0] =	vst v63  }
0x226: {  	_ =	swait.ge [sflag:s28], $0x4000  }
0x227: {  	[sflag:s28] =	ssyncset.done $0x0  }
0x228: {  	[sflag:s28] =	ssyncadd.s32 $0xFFFFC000  }
0x229: {  	[bflag:$0x0] =	sbarrier.arrive $0xFFFF  }
0x22a: {  	s11 =	sld [smem:$0x7FD]  }
0x22b: {  	s13 =	stileid.u32  }
0x22c: {  	s6 =	sshll.u32 s13, $0x6  }
0x22d: {  	s6 =	sor.u32 $0x1C06, s6;
	s15 =	rddreg [dreg:$0x1f];
	s14 =	sshrl.u32 s11, $0x3  }
0x22e: {  	[hbm:s15], [sflag:s6] =	dma.local [spmem:s14], $0x2700  }
0x22f: {  	_ =	swait.ge [sflag:s17], $0x2700  }
0x230: {  	s8 =	sshrl.u32 @!p0 s9, $0x3;
	s14 =	smov.u32 s9;
	s9 =	sld [smem:$0x7F6]  }
0x231: {  	[sflag:s17] =	ssyncset.done $0x0  }
0x232: {  	[sflag:s17] =	ssyncadd.s32 $0xFFFFD900  }
0x233: {  	[hbm:s9], [sflag:s6] =	dma.local @!p0 [spmem:s8], $0x100  }
0x234: {  	s6 =	simm.s32 @!p0 $0x6  }
0x235: {  	_ =	swait.ge @!p0 [sflag:s6], $0x100  }
0x236: {  	s16 =	sld [smem:$0x7F7];
	_ =	sdelay $0x1  }
0x237: {  	s5 =	sadd.s32 $0x1, s5  }
0x238: {  	p1 =	sne.s32 s5, s16  }
.Ltmp2:
0x239: {  	_ = 	snop;
	(pc) =	sbr.rel @p1 .LBB2_1-.Ltmp2, $3  }
0x23a: {  	_ =	sdelay $0x1  }
0x23b: {  	[sflag:s6] =	ssyncset.done @!p0 $0x0  }
0x23c: {  	[sflag:s6] =	ssyncadd.s32 @!p0 $0xFFFFFF00  }
0x23d: {  	_ =	sfence.sel $0x180000  }
0x23e: {  	[bflag:$0x0] =	sbarrier.arrive $0xFFFF  }
0x23f: {  	_ =	strace $0x9000004D  }
0x240: {  	s0 =	stileid.u32;
	[bflag:$0x2] =	sbarrier.arrive $0xFFFF  }
0x241: {  	p0 =	sne.s32 s0, $0x0;
	s0 =	rddreg [dreg:$0x2]  }
0x242: {  	s0 =	sadd.s32 @!p0 $0x100000, s0  }
0x243: {  	[sflag:s0] =	ssyncadd.tile.s32 @!p0 $0x1;
	_ =	shalt  }
.Lfunc_end2:
_tile_overlayer_lowered:
.L_overlay_start_2:
0x244: {  	(tag) =	ssettag $0x2  }
0x245: {  	s0 =	rddreg [dreg:$0x0];
	s2 =	stileid.u32  }
0x246: {  	s1 =	rddreg [dreg:$0x1];
	p0 =	sne.s32 s2, $0x0  }
0x247: {  	s3 =	rddreg [dreg:$0x2];
	[bflag:$0x3] =	sbarrier.arrive $0xFFFF;
	s2 =	simm.s32 @!p0 $0x1C06  }
0x248: {  	[timem:s3], [sflag:s2] =	dma.local @!p0 [hbm:s0], s1  }
0x249: {  	s0 =	simm.s32 @!p0 $0x6  }
0x24a: {  	_ =	swait.ge @!p0 [sflag:s0], s1  }
0x24b: {  	s1 =	ssub.s32 @!p0 $0x0, s1;
	[sflag:s0] =	ssyncset.done @!p0 $0x0  }
0x24c: {  	[sflag:s0] =	ssyncadd.s32 @!p0 s1  }
0x24d: {  	[bflag:$0x3] =	sbarrier.arrive $0xFFFF  }
0x24e: {  	_ =	shalt  }

// kernel: kernel.8.cloned.1.call-start
scs
__scs_entry_jumppad:
0x0: {  	(pc) =	sbr.rel $0x88, $3  }
0x1: {  	(tag) =	ssettag $0x0;
	lr =	simm.s32 $0x1  }
0x2: {  	[smem:$0x3F99] =	sst lr;
	_ =	strace $0xD0000000  }
0x3: {  	_ = 	snop  }
0x4: {  	_ = 	snop  }
0x5: {  	_ = 	snop  }
0x6: {  	_ = 	snop  }
0x7: {  	_ = 	snop  }
__scs_overlays_trampoline_lowered:
0x8: {  	[smem:$0x3FA8] =	sst s0  }
0x9: {  	[smem:$0x3FA9] =	sst s1  }
0xa: {  	[smem:$0x3FAA] =	sst s2  }
0xb: {  	[smem:$0x3FAB] =	sst s3  }
0xc: {  	[smem:$0x3FAC] =	sst s4  }
0xd: {  	[smem:$0x3FAD] =	sst s5  }
0xe: {  	[smem:$0x3FAE] =	sst s6  }
0xf: {  	[smem:$0x3FAF] =	sst s7  }
0x10: {  	[smem:$0x3FB0] =	sst s8  }
0x11: {  	[smem:$0x3FB1] =	sst s9;
	s0 =	simm.s32 @!p0 $0x0  }
0x12: {  	s1 =	sld [smem:$0x3F97];
	s0 =	simm.s32 @p0 $0x1  }
0x13: {  	[smem:$0x3FB2] =	sst s0;
	s0 =	simm.s32 @!p1 $0x0  }
0x14: {  	s2 =	sld [smem:$0x3F96];
	s0 =	simm.s32 @p1 $0x1  }
0x15: {  	[smem:$0x3FB3] =	sst s0;
	s0 =	simm.s32 @!p2 $0x0  }
0x16: {  	s3 =	sld [smem:$0x3FDB];
	s0 =	simm.s32 @p2 $0x1  }
0x17: {  	s4 =	simm.s32 $0x1BF5;
	[smem:$0x3FB5] =	sst s0  }
0x18: {  	s0 =	sld [smem:$0x3F98];
	_ =	swait.ge [sflag:s4], $0x0  }
0x19: {  	s7 =	sld [smem:$0x3F99]  }
0x1a: {  	s8 =	sadd.s32 $0xFFFFE003, lr  }
0x1b: {  	s9 =	sadd.s32 $0xFFFFFEF7, lr;
	s5 =	simm.s32 $0xFFFFFFFF;
	p2 =	slt.u32 s8, $0xFFFFF086  }
0x1c: {  	p1 =	slt.u32 s9, $0xF7A;
	s5 =	simm.s32 @!p2 $0x0  }
0x1d: {  	s5 =	simm.s32 @p1 $0x1;
	p0 =	seq.s32 s7, s2  }
0x1e: {  	s7 =	smul.u32 @!p0 $0xF7A, s2;
	p2 =	seq.s32 @!p0 s5, $0x0  }
0x1f: {  	s9 =	smul.u32 $0xF7A, s1;
	s8 =	simm.s32 @!p0 $0x1BF5;
	p2 =	por !p2, p0  }
0x20: {  	[sflag:s8] =	ssyncset.s32 @!p0 $0xFFFFF086;
	s6 =	sadd.s32 @!p0 s3, s7;
	s7 =	simm.s32 @!p0 $0x108  }
0x21: {  	s3 =	sadd.s32 s3, s9;
	s6 =	sadd.s32 @!p0 $0x88, s6;
	s7 =	simm.s32 @p2 $0x1082  }
0x22: {  	[simem:s7], [sflag:s8] =	dma.local @!p0 [hbm:s6], $0xF7A  }
0x23: {  	s9 =	sor.u32 $0xD0000000, s2;
	s6 =	simm.s32 $0x108;
	_ =	swait.ge @!p0 [sflag:s8], $0x0  }
0x24: {  	s3 =	sadd.s32 $0x88, s3;
	s6 =	simm.s32 @!p1 $0x1082;
	[sflag:s4] =	ssyncset.s32 $0xFFFFF086  }
0x25: {  	[simem:s6], [sflag:s4] =	dma.local [hbm:s3], $0xF7A  }
0x26: {  	[smem:$0x3F99] =	sst s1;
	(tag) =	ssettag s2;
	_ =	strace s9  }
0x27: {  	s1 =	sld [smem:$0x3FA9]  }
0x28: {  	s2 =	sld [smem:$0x3FAA]  }
0x29: {  	s4 =	sld [smem:$0x3FAC]  }
0x2a: {  	p0 =	seq.s32 s5, $0x0;
	s5 =	sld [smem:$0x3FAD]  }
0x2b: {  	s6 =	sld [smem:$0x3FAE]  }
0x2c: {  	s7 =	sld [smem:$0x3FAF]  }
0x2d: {  	s3 =	simm.s32 $0x108;
	s8 =	sld [smem:$0x3FB0]  }
0x2e: {  	s3 =	simm.s32 @!p0 $0x1082;
	s9 =	sld [smem:$0x3FB1]  }
0x2f: {  	lr =	sadd.s32 s0, s3;
	s0 =	sld [smem:$0x3FA8]  }
0x30: {  	s3 =	sld [smem:$0x3FAB]  }
0x31: {  	[smem:$0x3FB4] =	sst s10  }
0x32: {  	s10 =	sld [smem:$0x3FB2];
	_ =	sdelay $0x3  }
0x33: {  	p0 =	seq.s32 s10, $0x1;
	s10 =	sld [smem:$0x3FB4];
	_ =	sdelay $0x3  }
0x34: {  	[smem:$0x3FB4] =	sst s10  }
0x35: {  	s10 =	sld [smem:$0x3FB3];
	_ =	sdelay $0x3  }
0x36: {  	p1 =	seq.s32 s10, $0x1;
	s10 =	sld [smem:$0x3FB4];
	_ =	sdelay $0x3  }
0x37: {  	[smem:$0x3FB4] =	sst s10  }
0x38: {  	s10 =	sld [smem:$0x3FB5]  }
0x39: {  	_ = 	snop;
	(pc) =	sbr.ind lr, $3  }
0x3a: {  	_ = 	snop  }
0x3b: {  	_ = 	snop  }
0x3c: {  	p2 =	seq.s32 s10, $0x1;
	s10 =	sld [smem:$0x3FB4]  }
0x3d: {  	_ =	shalt  }
0x3e: {  	_ =	shalt  }
0x3f: {  	_ =	shalt  }
0x40: {  	_ =	shalt  }
0x41: {  	_ =	shalt  }
0x42: {  	_ =	shalt  }
0x43: {  	_ =	shalt  }
0x44: {  	_ =	shalt  }
0x45: {  	_ =	shalt  }
0x46: {  	_ =	shalt  }
0x47: {  	_ =	shalt  }
0x48: {  	_ =	shalt  }
0x49: {  	_ =	shalt  }
0x4a: {  	_ =	shalt  }
0x4b: {  	_ =	shalt  }
0x4c: {  	_ =	shalt  }
0x4d: {  	_ =	shalt  }
0x4e: {  	_ =	shalt  }
0x4f: {  	_ =	shalt  }
0x50: {  	_ =	shalt  }
0x51: {  	_ =	shalt  }
0x52: {  	_ =	shalt  }
0x53: {  	_ =	shalt  }
0x54: {  	_ =	shalt  }
0x55: {  	_ =	shalt  }
0x56: {  	_ =	shalt  }
0x57: {  	_ =	shalt  }
0x58: {  	_ =	shalt  }
0x59: {  	_ =	shalt  }
0x5a: {  	_ =	shalt  }
0x5b: {  	_ =	shalt  }
0x5c: {  	_ =	shalt  }
0x5d: {  	_ =	shalt  }
0x5e: {  	_ =	shalt  }
0x5f: {  	_ =	shalt  }
0x60: {  	_ =	shalt  }
0x61: {  	_ =	shalt  }
0x62: {  	_ =	shalt  }
0x63: {  	_ =	shalt  }
0x64: {  	_ =	shalt  }
0x65: {  	_ =	shalt  }
0x66: {  	_ =	shalt  }
0x67: {  	_ =	shalt  }
0x68: {  	_ =	shalt  }
0x69: {  	_ =	shalt  }
0x6a: {  	_ =	shalt  }
0x6b: {  	_ =	shalt  }
0x6c: {  	_ =	shalt  }
0x6d: {  	_ =	shalt  }
0x6e: {  	_ =	shalt  }
0x6f: {  	_ =	shalt  }
0x70: {  	_ =	shalt  }
0x71: {  	_ =	shalt  }
0x72: {  	_ =	shalt  }
0x73: {  	_ =	shalt  }
0x74: {  	_ =	shalt  }
0x75: {  	_ =	shalt  }
0x76: {  	_ =	shalt  }
0x77: {  	_ =	shalt  }
0x78: {  	_ =	shalt  }
0x79: {  	_ =	shalt  }
0x7a: {  	_ =	shalt  }
0x7b: {  	_ =	shalt  }
0x7c: {  	_ =	shalt  }
0x7d: {  	_ =	shalt  }
0x7e: {  	_ =	shalt  }
0x7f: {  	_ =	shalt  }
0x80: {  	_ =	shalt  }
0x81: {  	_ =	shalt  }
0x82: {  	_ =	shalt  }
0x83: {  	_ =	shalt  }
0x84: {  	_ =	shalt  }
0x85: {  	_ =	shalt  }
0x86: {  	_ =	shalt  }
0x87: {  	_ =	shalt  }
.Lfunc_end0:
.L_simem_size_0:
called_computation_lowered:
.L_overlay_start_0:
0x88: {  	s2 =	sld [smem:$0x3FD9]  }
0x89: {  	s3 =	sld [smem:$0x3FFE];
	_ =	sdelay $0x1  }
0x8a: {  	s1 =	srdreg.scid  }
0x8b: {  	s0 =	sand.u32 $0x1, s1  }
0x8c: {  	s16 =	sshll.u32 s0, $0xA;
	s2 =	sadd.s32 s3, s2  }
0x8d: {  	s2 =	sadd.s32 s2, s16  }
0x8e: {  	[smem:$0x3FC0] =	sst s2  }
0x8f: {  	_ = 	snop  }
0x90: {  	(tm) =	ssettm $0x1  }
0x91: {  	s17 =	sld [smem:$0x3FFB];
	_ =	sdelay $0x3  }
0x92: {  	_ =	strace s17  }
0x93: {  	s2 =	sld [smem:$0x3FFC];
	_ =	sdelay $0x3  }
0x94: {  	_ =	strace s2  }
0x95: {  	s2 =	sld [smem:$0x3FFD];
	_ =	sdelay $0x3  }
0x96: {  	_ =	strace s2  }
0x97: {  	_ =	strace $0x8FFFFFFF  }
0x98: {  	s18 =	sld [smem:$0x3FDB];
	_ =	sdelay $0x1  }
0x99: {  	s19 =	simm.s32 $_scs_section_size  }
0x9a: {  	s4 =	simm.s32 $_size__tile_overlayer_lowered;
	s5 =	simm.s32 $_tile_overlayer_lowered  }
0x9b: {  	s22 =	simm.s32 $0x1BFF;
	s21 =	sshll.u32 s5, $0x1;
	s2 =	sadd.s32 s19, s18  }
0x9c: {  	s6 =	simm.s32 $0x0;
	s20 =	sshll.u32 s4, $0x1;
	s4 =	sadd.s32 s21, s2  }
0x9d: {  	[timem:s6], [sflag:s22] =	dma.local [hbm:s4], s20  }
0x9e: {  	_ =	swait.ge [sflag:s22], s20  }
0x9f: {  	s3 =	ssub.s32 $0x0, s20;
	[sflag:s22] =	ssyncset.done $0x0  }
0xa0: {  	[sflag:s22] =	ssyncadd.s32 s3;
	_ =	sdelay $0x1  }
0xa1: {  	s23 =	simm.s32 $0x1B8B  }
0xa2: {  	_ =	swait.ge [sflag:s23], $0x1  }
0xa3: {  	[sflag:s23] =	ssyncset.done $0x0  }
0xa4: {  	s25 =	simm.s32 $0x1B8E;
	s24 =	sld [smem:$0x3FFE];
	[sflag:s23] =	ssyncadd.s32 $0xFFFFFFFF  }
0xa5: {  	s26 =	simm.s32 $execute0_lowered;
	[smem:$0x3FD2] =	sst s25  }
0xa6: {  	s4 =	sshll.u32 s26, $0x1;
	_ =	strace $0x80000046;
	[dreg:$0x1] =	wrdreg $0xFFFFFFFF  }
0xa7: {  	s28 =	simm.s32 $_size_execute0_lowered;
	s2 =	sadd.s32 s2, s4;
	[dreg:$0x0] =	wrdreg $0x0  }
0xa8: {  	s4 =	sshll.u32 s28, $0x1;
	[dreg:$0x2] =	wrdreg s2  }
0xa9: {  	[dreg:$0x3] =	wrdreg s4  }
0xaa: {  	[dreg:$0x4] =	wrdreg $0xC0  }
0xab: {  	_ =	task [dreg:s6], $0x5FFFF  }
0xac: {  	[dreg:$0x1] =	wrdreg $0xFFFFFFFF  }
0xad: {  	[dreg:$0x0] =	wrdreg $0x60  }
0xae: {  	[dreg:$0x2] =	wrdreg s24  }
0xaf: {  	[dreg:$0x3] =	wrdreg $0x9  }
0xb0: {  	_ =	task.clear_ibuf [dreg:s6], $0x4FFFF;
	_ =	strace $0x90000046  }
0xb1: {  	s29 =	simm.s32 $0x9;
	_ =	strace $0x80000048  }
0xb2: {  	_ =	swait.ge [sflag:s29], $0x1  }
0xb3: {  	[sflag:s29] =	ssyncadd.s32 $0xFFFFFFFF  }
0xb4: {  	_ =	strace $0x90000048  }
0xb5: {  	_ =	sfence  }
0xb6: {  	s30 =	sld [smem:$0x0];
	_ =	sdelay $0x2  }
0xb7: {  	s31 =	sshll.u32 s1, $0xD;
	s1 =	sshrl.u32 s1, $0x2  }
0xb8: {  	s3 =	sand.u32 $0x4000, s31;
	s1 =	sadd.s32 s1, s30  }
0xb9: {  	s0 =	sor.u32 s3, s0;
	s1 =	sshll.u32 s1, $0x11  }
0xba: {  	s0 =	sor.u32 s1, s0  }
0xbb: {  	s0 =	sadd.s32 $0x8F2B, s0  }
0xbc: {  	[sflag:s0] =	ssyncadd.remote.s32 $0x1  }
0xbd: {  	_ =	sfence.sel $0xFFFF  }
0xbe: {  	[dreg:$0x0] =	wrdreg $0xFFFFFFFF;
	(pc) =	sbr.abs _section_cstart, $3  }
0xbf: {  	[dreg:$0x1] =	wrdreg $0xFFFFFFFF  }
0xc0: {  	_ =	task.clear_ibuf [dreg:s6], $0x2FFFF;
	_ =	strace $0x9FFFFFFF  }
0xc1: {  	(tm) =	ssettm $0x7FFFFFFF  }
tec
execute0_lowered:
.L_overlay_start_1:
0x0: {  	(tag) =	ssettag $0x1  }
0x1: {  	s1 =	srdreg.scid  }
0x2: {  	s0 =	stileid.u32;
	s5 =	rddreg [dreg:$0x0]  }
0x3: {  	s2 =	simm.s32 $0x0;
	s8 =	simm.s32 $0x80;
	s9 =	simm.s32 $0x400  }
0x4: {  	s10 =	simm.s32 $0x0;
	s3 =	sand.u32 $0x1, s1;
	s29 =	sshll.u32 s0, $0x1  }
0x5: {  	s30 =	sshrl.u32 s0, $0x2;
	s1 =	rddreg [dreg:$0x1];
	s4 =	sor.u32 s3, s29  }
0x6: {  	[smem:$0x7FF] =	sst s2;
	s6 =	smul.u32 $0x13C00, s30;
	s7 =	sshll.u32 s4, $0x7  }
0x7: {  	s3 =	ssub.s32 $0x2, s3;
	s4 =	smul.u32 $0x4E2, s4;
	s7 =	sand.u32 $0x380, s7  }
0x8: {  	_ =	strace $0x80000047;
	s31 =	sshrl.u32 s3, $0x1;
	s6 =	sor.u32 s6, s7  }
0x9: {  	s4 =	sadd.s32 s4, s5;
	s7 =	simm.s32 $0x2780;
	s6 =	sshrl.u32 s6, $0x3  }
0xa: {  	s5 =	sadd.s32 s6, s5;
	s6 =	ssub.s32 s3, s31;
	s3 =	sadd.s32 $0x2000, s4  }
0xb: {  	v0 =	vimm.f32 $0.0e+00;
	v1 =	vimm.f32 $1.000000000e+00;
	s4 =	sadd.s32 $0xBE00, s5;
	s5 =	smax.u32 s6, $0x1;
	s6 =	simm.s32 $0x1  }
.LBB2_1:
0xc: {  	[tilespmem:s2], [sflag:$0x1] =	stream.linear.gather [hbm4b:s3+s2], $0x2710, $0x38;
	[tilespmem:$0x4F00] =	vst v63  }
0xd: {  	_ =	swait.ge [sflag:s6], $0x2710  }
0xe: {  	[sflag:s6] =	ssyncset.done $0x0  }
0xf: {  	s11 =	simm.s32 $0x0;
	[sflag:s6] =	ssyncadd.s32 $0xFFFFD8F0  }
.LBB2_2:
0x10: {  	p0 =	sne.s32 s11, $0x9C00  }
.Ltmp0:
0x11: {  	_ = 	snop;
	(pc) =	sbr.rel @p0 .LBB2_2-.Ltmp0, $3  }
0x12: {  	_ =	sdelay $0x1  }
0x13: {  	s12 =	sshra.s32 s11, $0x2  }
0x14: {  	s11 =	sadd.s32 $0x40, s11;
	[tilespmem:s12+$0x2780] =	vst v0  }
0x15: {  	s12 =	simm.s32 $0x0;
	s11 =	simm.s32 $0x40  }
.LBB2_4:
0x16: {  	p0 =	sne.s32 s11, $0x9C00;
	v2 =	vld [tilespmem:s12+$0x0];
	_ =	sdelay $0x3  }
.Ltmp1:
0x17: {  	(pc) =	sbr.rel @p0 .LBB2_4-.Ltmp1, $2  }
0x18: {  	_ =	sdelay $0x2  }
0x19: {  	s12 =	sshra.s32 s11, $0x2;
	s11 =	sadd.s32 $0x40, s11;
	[tilespmem:v2+s7+$0x0] =	vst.idx.add.f32.msk $0xffff, v1  }
0x1a: {  	v2 =	vld [tilespmem:s12+$0x0];
	_ =	sdelay $0x5  }
0x1b: {  	s10 =	sadd.s32 $0x1, s10  }
0x1c: {  	p0 =	sne.s32 s10, s5  }
.Ltmp2:
0x1d: {  	[tilespmem:v2+s7+$0x0] =	vst.idx.add.f32.msk $0xffff, v1;
	(pc) =	sbr.rel @p0 .LBB2_1-.Ltmp2, $4  }
0x1e: {  	[hbm4b:s4+s8] =	stream.strided.scatter [tilespmem:s7], [sflag:$0x1], $0x2780, s9, s8, $0x38;
	[tilespmem:$0x4F00] =	vst v63  }
0x1f: {  	_ =	swait.ge [sflag:s6], $0x2780  }
0x20: {  	[sflag:s6] =	ssyncset.done $0x0  }
0x21: {  	[sflag:s6] =	ssyncadd.s32 $0xFFFFD880  }
0x22: {  	_ =	sfence.sel $0x180000  }
0x23: {  	[bflag:$0x0] =	sbarrier.arrive $0xFFFF  }
0x24: {  	p0 =	sne.s32 s0, $0x0;
	_ =	strace $0x90000047  }
0x25: {  	s0 =	sadd.s32 @!p0 $0x100000, s1;
	[bflag:$0x2] =	sbarrier.arrive $0xFFFF  }
0x26: {  	[sflag:s0] =	ssyncadd.tile.s32 @!p0 $0x1;
	_ =	shalt  }
.Lfunc_end2:
_tile_overlayer_lowered:
.L_overlay_start_2:
0x27: {  	(tag) =	ssettag $0x2  }
0x28: {  	s0 =	rddreg [dreg:$0x0];
	s2 =	stileid.u32  }
0x29: {  	s1 =	rddreg [dreg:$0x1];
	p0 =	sne.s32 s2, $0x0  }
0x2a: {  	s3 =	rddreg [dreg:$0x2];
	[bflag:$0x3] =	sbarrier.arrive $0xFFFF;
	s2 =	simm.s32 @!p0 $0x1C01  }
0x2b: {  	[timem:s3], [sflag:s2] =	dma.local @!p0 [hbm:s0], s1  }
0x2c: {  	s0 =	simm.s32 @!p0 $0x1  }
0x2d: {  	_ =	swait.ge @!p0 [sflag:s0], s1  }
0x2e: {  	s1 =	ssub.s32 @!p0 $0x0, s1;
	[sflag:s0] =	ssyncset.done @!p0 $0x0  }
0x2f: {  	[sflag:s0] =	ssyncadd.s32 @!p0 s1  }
0x30: {  	[bflag:$0x3] =	sbarrier.arrive $0xFFFF  }
0x31: {  	_ =	shalt  }

</sc_bundles>
